<compile_context>
chip_gen: v7x
topology: tpu7x:2x2x1
jax: 0.10.2.dev20260603
libtpu: 0.0.44.dev20260713+nightly
codegen_flags: <defaults>
</compile_context>

<pallas_src>
import jax
import jax.numpy as jnp
from jax import lax
from jax.experimental import pallas as pl
from jax.experimental.pallas import tpu as pltpu
from jax.experimental.pallas import tpu_sc as plsc

N = 10000
NP = 10240
NACC = 10240
E_RAW = 320000
NW = 32
K = 80
EPT = E_RAW // NW
NCHUNK = EPT // K
ROWS_PER_SUB = NACC // 16

BLK = 512
GRID = NP // BLK


def _dyn_gather(v, idx):
    return lax.gather(
        v, idx[:, None],
        lax.GatherDimensionNumbers(
            offset_dims=(), collapsed_slice_dims=(0,), start_index_map=(0,)),
        slice_sizes=(1,),
        mode=lax.GatherScatterMode.PROMISE_IN_BOUNDS)



def _dot(a, b, prec):
    return lax.dot_general(a, b, (((1,), (0,)), ((), ())),
                           preferred_element_type=jnp.float32,
                           precision=prec)


_DEF = lax.Precision.DEFAULT
_HI = lax.Precision.HIGHEST


def _node1_body(x_ref, w1_ref, as_ref, ad_ref, tab_ref, adout_ref):
    h = _dot(x_ref[...], w1_ref[...], _DEF)
    a_s = _dot(h, as_ref[...], _HI)
    a_d = _dot(h, ad_ref[...], _HI)
    z = jnp.zeros((h.shape[0], 8), jnp.float32)
    tab_ref[...] = jnp.concatenate([h, a_s, z], axis=1)
    adout_ref[...] = jnp.concatenate([a_d, z], axis=1)


def _norm1_body(a0_ref, a1_ref, tab_ref, ad_ref, e8_ref, b1_ref, w2_ref,
                p2_ref, tab2_ref):
    s = a0_ref[...] + a1_ref[...]
    tab = tab_ref[...]
    h = tab[:, 0:64]
    t = tab[:, 64:72] + ad_ref[:, 0:8]
    t = jnp.where(t >= 0, t, 0.2 * t)
    wself = jnp.exp(t)
    den = s[:, 64:72] + wself
    wself_b = _dot(wself, e8_ref[...], _HI)
    num = s[:, 0:64] + wself_b * h
    den_b = _dot(den, e8_ref[...], _HI)
    h1 = num / den_b + b1_ref[0:1, :]
    h1 = jnp.where(h1 > 0, h1, jnp.exp(h1) - 1.0)
    h2 = _dot(h1, w2_ref[...], _DEF)
    tab2_ref[...] = _dot(h2, p2_ref[...], _HI)


def _final_body(a0_ref, a1_ref, tab2_ref, sel3_ref, sel03_ref, b2e_ref,
                wl16_ref, c0_ref, out_ref):
    s = a0_ref[...] + a1_ref[...]
    tab2 = tab2_ref[...]
    t = tab2[:, 3:4] + tab2[:, 4:5]
    t = jnp.where(t >= 0, t, 0.2 * t)
    wself = jnp.exp(t)
    den = s[:, 0:1] + wself
    num_sel = _dot(s, sel3_ref[...], _HI)
    self_sel = _dot(tab2, sel03_ref[...], _HI)
    h2e = (num_sel + wself * self_sel) / den + b2e_ref[0:1, :]
    out_ref[...] = _dot(h2e, wl16_ref[...], _DEF) + c0_ref[0:1, :]



_MESH = plsc.VectorSubcoreMesh(core_axis_name="c", subcore_axis_name="s")


def _edge1_body(src_hbm, dst_hbm, tab_hbm, ad_hbm, out0_hbm, out1_hbm,
                sidx_all, didx_all, gbuf0, adbuf0, obuf0,
                gbuf1, adbuf1, obuf1, acc, gsem0, gsem1, ssem0, ssem1):
    c = lax.axis_index("c")
    s = lax.axis_index("s")
    wid = s * 2 + c

    pltpu.sync_copy(src_hbm.at[wid], sidx_all)
    pltpu.sync_copy(dst_hbm.at[wid], didx_all)

    def _zrow(r, _):
        for j in range(5):
            obuf0[r, pl.ds(16 * j, 16)] = jnp.zeros((16,), jnp.float32)
            obuf1[r, pl.ds(16 * j, 16)] = jnp.zeros((16,), jnp.float32)
        return 0
    lax.fori_loop(0, K, _zrow, 0)
    for t in range(ROWS_PER_SUB // K):
        pltpu.sync_copy(obuf0, acc.at[pl.ds(s * ROWS_PER_SUB + t * K, K)])
    plsc.subcore_barrier()

    pltpu.async_copy(obuf0, acc.at[didx_all.at[0]], ssem0, add=True)
    pltpu.async_copy(obuf1, acc.at[didx_all.at[0]], ssem1, add=True)

    lane = lax.iota(jnp.int32, 16)
    hi = jnp.where(lane >= 8, 1, 0)

    def _issue(j, gb, ab, sem):
        pltpu.async_copy(tab_hbm.at[sidx_all.at[j]], gb, sem)
        pltpu.async_copy(ad_hbm.at[didx_all.at[j]], ab, sem)

    def _wait_g(gb, ab, sem):
        pltpu.make_async_copy(tab_hbm.at[sidx_all.at[0]], gb, sem).wait()
        pltpu.make_async_copy(ad_hbm.at[didx_all.at[0]], ab, sem).wait()

    def _wait_s(ob, sem):
        pltpu.make_async_copy(ob, acc.at[didx_all.at[0]], sem).wait()

    def _compute(gb, ab, ob):
        @plsc.parallel_loop(0, K, unroll=4)
        def _edge(e):
            va = gb[e, pl.ds(64, 16)]
            vd = ab[e, :]
            t = va + vd
            t = jnp.where(t >= 0, t, 0.2 * t)
            w = jnp.exp(t)
            for j in range(4):
                wp = _dyn_gather(w, hi + 2 * j)
                ob[e, pl.ds(16 * j, 16)] = gb[e, pl.ds(16 * j, 16)] * wp
            ob[e, pl.ds(64, 16)] = w

    _issue(0, gbuf0, adbuf0, gsem0)

    def _outer(g, _):
        k0 = 2 * g
        _issue(k0 + 1, gbuf1, adbuf1, gsem1)
        _wait_g(gbuf0, adbuf0, gsem0)
        _wait_s(obuf0, ssem0)
        _compute(gbuf0, adbuf0, obuf0)
        pltpu.async_copy(obuf0, acc.at[didx_all.at[k0]], ssem0, add=True)
        _issue(k0 + 2, gbuf0, adbuf0, gsem0)
        _wait_g(gbuf1, adbuf1, gsem1)
        _wait_s(obuf1, ssem1)
        _compute(gbuf1, adbuf1, obuf1)
        pltpu.async_copy(obuf1, acc.at[didx_all.at[k0 + 1]], ssem1, add=True)
        return 0
    lax.fori_loop(0, NCHUNK // 2, _outer, 0)
    _wait_g(gbuf0, adbuf0, gsem0)
    _wait_s(obuf0, ssem0)
    _compute(gbuf0, adbuf0, obuf0)
    pltpu.async_copy(obuf0, acc.at[didx_all.at[NCHUNK - 1]], ssem0, add=True)
    _wait_s(obuf0, ssem0)
    _wait_s(obuf1, ssem1)

    plsc.subcore_barrier()
    rows = acc.at[pl.ds(s * ROWS_PER_SUB, ROWS_PER_SUB)]

    @pl.when(c == 0)
    def _():
        pltpu.sync_copy(rows, out0_hbm.at[pl.ds(s * ROWS_PER_SUB,
                                                ROWS_PER_SUB)])

    @pl.when(c == 1)
    def _():
        pltpu.sync_copy(rows, out1_hbm.at[pl.ds(s * ROWS_PER_SUB,
                                                ROWS_PER_SUB)])


def _edge2_body(src_hbm, dst_hbm, tab_hbm, out0_hbm, out1_hbm,
                sidx_all, didx_all, sbuf0, dbuf0, obuf0,
                sbuf1, dbuf1, obuf1, acc, gsem0, gsem1, ssem0, ssem1):
    c = lax.axis_index("c")
    s = lax.axis_index("s")
    wid = s * 2 + c

    pltpu.sync_copy(src_hbm.at[wid], sidx_all)
    pltpu.sync_copy(dst_hbm.at[wid], didx_all)

    def _zrow(r, _):
        obuf0[r, :] = jnp.zeros((16,), jnp.float32)
        obuf1[r, :] = jnp.zeros((16,), jnp.float32)
        return 0
    lax.fori_loop(0, K, _zrow, 0)
    for t in range(ROWS_PER_SUB // K):
        pltpu.sync_copy(obuf0, acc.at[pl.ds(s * ROWS_PER_SUB + t * K, K)])
    plsc.subcore_barrier()

    pltpu.async_copy(obuf0, acc.at[didx_all.at[0]], ssem0, add=True)
    pltpu.async_copy(obuf1, acc.at[didx_all.at[0]], ssem1, add=True)

    lane = lax.iota(jnp.int32, 16)
    three = lane * 0 + 3
    four = lane * 0 + 4
    sel_idx = jnp.where(lane <= 3, jnp.maximum(lane - 1, 0), 5)

    def _issue(j, sb, db, sem):
        pltpu.async_copy(tab_hbm.at[sidx_all.at[j]], sb, sem)
        pltpu.async_copy(tab_hbm.at[didx_all.at[j]], db, sem)

    def _wait_g(sb, db, sem):
        pltpu.make_async_copy(tab_hbm.at[sidx_all.at[0]], sb, sem).wait()
        pltpu.make_async_copy(tab_hbm.at[didx_all.at[0]], db, sem).wait()

    def _wait_s(ob, sem):
        pltpu.make_async_copy(ob, acc.at[didx_all.at[0]], sem).wait()

    def _compute(sb, db, ob):
        @plsc.parallel_loop(0, K, unroll=4)
        def _edge(e):
            va = sb[e, :]
            vd = db[e, :]
            t = _dyn_gather(va, three) + _dyn_gather(vd, four)
            t = jnp.where(t >= 0, t, 0.2 * t)
            w = jnp.exp(t)
            shifted = _dyn_gather(va, sel_idx)
            sel = jnp.where(lane == 0, 1.0, shifted)
            ob[e, :] = w * sel

    _issue(0, sbuf0, dbuf0, gsem0)

    def _outer(g, _):
        k0 = 2 * g
        _issue(k0 + 1, sbuf1, dbuf1, gsem1)
        _wait_g(sbuf0, dbuf0, gsem0)
        _wait_s(obuf0, ssem0)
        _compute(sbuf0, dbuf0, obuf0)
        pltpu.async_copy(obuf0, acc.at[didx_all.at[k0]], ssem0, add=True)
        _issue(k0 + 2, sbuf0, dbuf0, gsem0)
        _wait_g(sbuf1, dbuf1, gsem1)
        _wait_s(obuf1, ssem1)
        _compute(sbuf1, dbuf1, obuf1)
        pltpu.async_copy(obuf1, acc.at[didx_all.at[k0 + 1]], ssem1, add=True)
        return 0
    lax.fori_loop(0, NCHUNK // 2, _outer, 0)
    _wait_g(sbuf0, dbuf0, gsem0)
    _wait_s(obuf0, ssem0)
    _compute(sbuf0, dbuf0, obuf0)
    pltpu.async_copy(obuf0, acc.at[didx_all.at[NCHUNK - 1]], ssem0, add=True)
    _wait_s(obuf0, ssem0)
    _wait_s(obuf1, ssem1)

    plsc.subcore_barrier()
    rows = acc.at[pl.ds(s * ROWS_PER_SUB, ROWS_PER_SUB)]

    @pl.when(c == 0)
    def _():
        pltpu.sync_copy(rows, out0_hbm.at[pl.ds(s * ROWS_PER_SUB,
                                                ROWS_PER_SUB)])

    @pl.when(c == 1)
    def _():
        pltpu.sync_copy(rows, out1_hbm.at[pl.ds(s * ROWS_PER_SUB,
                                                ROWS_PER_SUB)])


_SC_PARAMS = pltpu.CompilerParams(use_tc_tiling_on_sc=False)

_edge1 = pl.kernel(
    _edge1_body,
    out_type=(jax.ShapeDtypeStruct((NACC, 80), jnp.float32),
              jax.ShapeDtypeStruct((NACC, 80), jnp.float32)),
    mesh=_MESH,
    compiler_params=_SC_PARAMS,
    scratch_types=[
        pltpu.VMEM((NCHUNK, K), jnp.int32),
        pltpu.VMEM((NCHUNK, K), jnp.int32),
        pltpu.VMEM((K, 80), jnp.float32),
        pltpu.VMEM((K, 16), jnp.float32),
        pltpu.VMEM((K, 80), jnp.float32),
        pltpu.VMEM((K, 80), jnp.float32),
        pltpu.VMEM((K, 16), jnp.float32),
        pltpu.VMEM((K, 80), jnp.float32),
        pltpu.VMEM_SHARED((NACC, 80), jnp.float32),
        pltpu.SemaphoreType.DMA,
        pltpu.SemaphoreType.DMA,
        pltpu.SemaphoreType.DMA,
        pltpu.SemaphoreType.DMA,
    ])

_edge2 = pl.kernel(
    _edge2_body,
    out_type=(jax.ShapeDtypeStruct((NACC, 16), jnp.float32),
              jax.ShapeDtypeStruct((NACC, 16), jnp.float32)),
    mesh=_MESH,
    compiler_params=_SC_PARAMS,
    scratch_types=[
        pltpu.VMEM((NCHUNK, K), jnp.int32),
        pltpu.VMEM((NCHUNK, K), jnp.int32),
        pltpu.VMEM((K, 16), jnp.float32),
        pltpu.VMEM((K, 16), jnp.float32),
        pltpu.VMEM((K, 16), jnp.float32),
        pltpu.VMEM((K, 16), jnp.float32),
        pltpu.VMEM((K, 16), jnp.float32),
        pltpu.VMEM((K, 16), jnp.float32),
        pltpu.VMEM_SHARED((NACC, 16), jnp.float32),
        pltpu.SemaphoreType.DMA,
        pltpu.SemaphoreType.DMA,
        pltpu.SemaphoreType.DMA,
        pltpu.SemaphoreType.DMA,
    ])



@jax.jit
def kernel(x, edge_index, W1, att_src1, att_dst1, b1,
           W2, att_src2, att_dst2, b2, Wl, bl):
    f32 = jnp.float32
    ei = edge_index.astype(jnp.int32)
    src = ei[0].reshape(NW, NCHUNK, K)
    dst = ei[1].reshape(NW, NCHUNK, K)
    x_pad = jnp.pad(x, ((0, NP - N), (0, 0)))

    H1, C1 = att_src1.shape[1], att_src1.shape[2]
    eyeH = jnp.eye(H1, dtype=f32)
    As = (eyeH[:, None, :] * att_src1[0][:, :, None]).reshape(H1 * C1, H1)
    Ad = (eyeH[:, None, :] * att_dst1[0][:, :, None]).reshape(H1 * C1, H1)
    e8 = jnp.kron(jnp.eye(8, dtype=f32), jnp.ones((1, 8), f32))
    b1m = jnp.broadcast_to(b1[None, :], (8, 64))
    w2pad = jnp.pad(W2, ((0, 0), (0, 8 - W2.shape[1])))
    p2 = jnp.zeros((8, 16), f32)
    p2 = p2.at[jnp.arange(3), jnp.arange(3)].set(1.0)
    p2 = p2.at[0:3, 3].set(att_src2[0, 0, :])
    p2 = p2.at[0:3, 4].set(att_dst2[0, 0, :])
    sel3 = jnp.zeros((16, 16), f32).at[jnp.arange(1, 4),
                                       jnp.arange(0, 3)].set(1.0)
    sel03 = jnp.zeros((16, 16), f32).at[jnp.arange(0, 3),
                                        jnp.arange(0, 3)].set(1.0)
    b2e = jnp.zeros((8, 16), f32).at[:, 0:3].set(
        jnp.broadcast_to(b2[None, :], (8, 3)))
    wl16 = jnp.zeros((16, 8), f32).at[0:3, :].set(
        jnp.broadcast_to(Wl, (3, 8)))
    c0 = jnp.broadcast_to(bl.reshape(1, 1), (8, 8))

    tab1, ad1 = pl.pallas_call(
        _node1_body,
        grid=(GRID,),
        in_specs=[
            pl.BlockSpec((BLK, 128), lambda i: (i, 0)),
            pl.BlockSpec((128, 64), lambda i: (0, 0)),
            pl.BlockSpec((64, 8), lambda i: (0, 0)),
            pl.BlockSpec((64, 8), lambda i: (0, 0)),
        ],
        out_specs=[
            pl.BlockSpec((BLK, 80), lambda i: (i, 0)),
            pl.BlockSpec((BLK, 16), lambda i: (i, 0)),
        ],
        out_shape=[
            jax.ShapeDtypeStruct((NP, 80), f32),
            jax.ShapeDtypeStruct((NP, 16), f32),
        ],
    )(x_pad, W1, As, Ad)

    acc1a, acc1b = _edge1(src, dst, tab1, ad1)

    tab2 = pl.pallas_call(
        _norm1_body,
        grid=(GRID,),
        in_specs=[
            pl.BlockSpec((BLK, 80), lambda i: (i, 0)),
            pl.BlockSpec((BLK, 80), lambda i: (i, 0)),
            pl.BlockSpec((BLK, 80), lambda i: (i, 0)),
            pl.BlockSpec((BLK, 16), lambda i: (i, 0)),
            pl.BlockSpec((8, 64), lambda i: (0, 0)),
            pl.BlockSpec((8, 64), lambda i: (0, 0)),
            pl.BlockSpec((64, 8), lambda i: (0, 0)),
            pl.BlockSpec((8, 16), lambda i: (0, 0)),
        ],
        out_specs=pl.BlockSpec((BLK, 16), lambda i: (i, 0)),
        out_shape=jax.ShapeDtypeStruct((NP, 16), f32),
    )(acc1a, acc1b, tab1, ad1, e8, b1m, w2pad, p2)

    acc2a, acc2b = _edge2(src, dst, tab2)

    out = pl.pallas_call(
        _final_body,
        grid=(GRID,),
        in_specs=[
            pl.BlockSpec((BLK, 16), lambda i: (i, 0)),
            pl.BlockSpec((BLK, 16), lambda i: (i, 0)),
            pl.BlockSpec((BLK, 16), lambda i: (i, 0)),
            pl.BlockSpec((16, 16), lambda i: (0, 0)),
            pl.BlockSpec((16, 16), lambda i: (0, 0)),
            pl.BlockSpec((8, 16), lambda i: (0, 0)),
            pl.BlockSpec((16, 8), lambda i: (0, 0)),
            pl.BlockSpec((8, 8), lambda i: (0, 0)),
        ],
        out_specs=pl.BlockSpec((BLK, 8), lambda i: (i, 0)),
        out_shape=jax.ShapeDtypeStruct((NP, 8), f32),
    )(acc2a, acc2b, tab2, sel3, sel03, b2e, wl16, c0)

    return out[:N, 0:1]

# --- scband reference (transcript-rebuilt; emitter-appended) ---
"""Pipeline reference for scband-gat-90452011253966 (READ-ONLY COPY).

The authoritative reference and input builder live on the scoring server;
editing this copy changes nothing except your own understanding.
"""

import jax, jax.numpy as jnp
import numpy as np

N_NODES = 10000
N_EDGES = 320000
D_IN = 128
H1, C1 = 8, 8
H2, C2 = 1, 3


def gat_conv(x, src, dst, W, att_s, att_d, bias, concat):
    N = x.shape[0]
    H, C = att_s.shape[1], att_s.shape[2]
    h = (x @ W).reshape(N, H, C)
    a_s = (h * att_s).sum(-1)  # [N, H]
    a_d = (h * att_d).sum(-1)  # [N, H]
    logits = jax.nn.leaky_relu(a_s[src] + a_d[dst], negative_slope=0.2)  # [E, H]
    m = jax.ops.segment_max(logits, dst, num_segments=N)
    e = jnp.exp(logits - m[dst])
    s = jax.ops.segment_sum(e, dst, num_segments=N)
    alpha = e / s[dst]  # [E, H] softmax over incoming edges per dst node
    msg = h[src] * alpha[..., None]  # [E, H, C]
    out = jax.ops.segment_sum(msg, dst, num_segments=N)  # [N, H, C]
    if concat:
        out = out.reshape(N, H * C)
    else:
        out = out.mean(axis=1)
    return out + bias


def setup_inputs(seed: int = 0) -> dict:
    key = jax.random.key(seed)
    ks = jax.random.split(key, 12)
    x = jax.random.normal(ks[0], (N_NODES, D_IN), dtype=jnp.float32)
    edge_index = jax.random.randint(ks[1], (2, N_EDGES), 0, N_NODES, dtype=jnp.int64) if jax.config.jax_enable_x64 else jax.random.randint(ks[1], (2, N_EDGES), 0, N_NODES).astype(jnp.int32)
    sc1 = 1.0 / np.sqrt(D_IN)
    W1 = jax.random.normal(ks[2], (D_IN, H1 * C1), dtype=jnp.float32) * sc1
    att_src1 = jax.random.normal(ks[3], (1, H1, C1), dtype=jnp.float32) * (1.0 / np.sqrt(C1))
    att_dst1 = jax.random.normal(ks[4], (1, H1, C1), dtype=jnp.float32) * (1.0 / np.sqrt(C1))
    b1 = jnp.zeros((H1 * C1,), dtype=jnp.float32)
    sc2 = 1.0 / np.sqrt(H1 * C1)
    W2 = jax.random.normal(ks[5], (H1 * C1, H2 * C2), dtype=jnp.float32) * sc2
    att_src2 = jax.random.normal(ks[6], (1, H2, C2), dtype=jnp.float32) * (1.0 / np.sqrt(C2))
    att_dst2 = jax.random.normal(ks[7], (1, H2, C2), dtype=jnp.float32) * (1.0 / np.sqrt(C2))
    b2 = jnp.zeros((C2,), dtype=jnp.float32)
    Wl = jax.random.normal(ks[8], (C2, 1), dtype=jnp.float32) * (1.0 / np.sqrt(C2))
    bl = jnp.zeros((1,), dtype=jnp.float32)
    return {"x": x, "edge_index": edge_index, "W1": W1, "att_src1": att_src1, "att_dst1": att_dst1, "b1": b1, "W2": W2, "att_src2": att_src2, "att_dst2": att_dst2, "b2": b2, "Wl": Wl, "bl": bl}


def reference(x, edge_index, W1, att_src1, att_dst1, b1, W2, att_src2, att_dst2, b2, Wl, bl):
    # eval mode: dropout layers (p=0.6) are identity
    N = x.shape[0]
    loop = jnp.arange(N, dtype=edge_index.dtype)
    src = jnp.concatenate([edge_index[0], loop])  # add self-loops (PyG default)
    dst = jnp.concatenate([edge_index[1], loop])
    h1 = jax.nn.elu(gat_conv(x, src, dst, W1, att_src1, att_dst1, b1, concat=True))
    h2 = gat_conv(h1, src, dst, W2, att_src2, att_dst2, b2, concat=False)
    return h2 @ Wl + bl

if __name__ == "__main__":
    import jax
    _d = setup_inputs()
    print(jax.jit(kernel)(*tuple(_d.values())))

</pallas_src>

<mosaic_0001>
#map = affine_map<(d0, d1) -> (0, 0, 0)>
#map1 = affine_map<(d0, d1) -> (0, 0)>
module attributes {stable_mosaic.version = 14 : i64} {
  func.func @_edge1_body(%arg0: i32, %arg1: i32, %arg2: memref<32x125x80xi32, #tpu.memory_space<hbm>>, %arg3: memref<32x125x80xi32, #tpu.memory_space<hbm>>, %arg4: memref<10240x80xf32, #tpu.memory_space<hbm>>, %arg5: memref<10240x16xf32, #tpu.memory_space<hbm>>, %arg6: memref<10240x80xf32, #tpu.memory_space<hbm>>, %arg7: memref<10240x80xf32, #tpu.memory_space<hbm>>, %arg8: memref<125x80xi32, #tpu.memory_space<vmem>>, %arg9: memref<125x80xi32, #tpu.memory_space<vmem>>, %arg10: memref<80x80xf32, #tpu.memory_space<vmem>>, %arg11: memref<80x16xf32, #tpu.memory_space<vmem>>, %arg12: memref<80x80xf32, #tpu.memory_space<vmem>>, %arg13: memref<80x80xf32, #tpu.memory_space<vmem>>, %arg14: memref<80x16xf32, #tpu.memory_space<vmem>>, %arg15: memref<80x80xf32, #tpu.memory_space<vmem>>, %arg16: memref<10240x80xf32, #tpu.memory_space<vmem_shared>>, %arg17: memref<!tpu.dma_semaphore, #tpu.memory_space<semaphore_mem>>, %arg18: memref<!tpu.dma_semaphore, #tpu.memory_space<semaphore_mem>>, %arg19: memref<!tpu.dma_semaphore, #tpu.memory_space<semaphore_mem>>, %arg20: memref<!tpu.dma_semaphore, #tpu.memory_space<semaphore_mem>>) attributes {dimension_semantics = [#tpu.dimension_semantics<core_parallel>, #tpu.dimension_semantics<subcore_parallel>], iteration_bounds = array<i64: 2, 16>, scalar_prefetch = 0 : i64, scratch_operands = 13 : i64, tpu.core_type = #tpu.core_type<sc_vector_subcore>, window_params = [{transform_indices = #map}, {transform_indices = #map}, {transform_indices = #map1}, {transform_indices = #map1}, {transform_indices = #map1}, {transform_indices = #map1}]} {
    %mul3A = arith.constant 2 : i32
    %mul3A_0 = arith.muli %arg1, %mul3A : i32
    %add3A = arith.addi %mul3A_0, %arg0 : i32
    "tpu.region"() ({
      %run_scoped3A = tpu.sem_alloc : memref<!tpu.dma_semaphore, #tpu.memory_space<semaphore_mem>>
      %dma_start3A_130 = arith.constant 0 : i32
      %dma_start3A_131 = arith.constant 0 : i32
      %dma_start3A_132 = tpu.memref_slice %arg2[%add3A, %dma_start3A_130, %dma_start3A_131] : memref<32x125x80xi32, #tpu.memory_space<hbm>> -> memref<1x125x80xi32, #tpu.memory_space<hbm>>
      %dma_start3A_133 = tpu.memref_squeeze %dma_start3A_132 : memref<1x125x80xi32, #tpu.memory_space<hbm>> -> memref<125x80xi32, #tpu.memory_space<hbm>>
      %dma_start3A_134 = arith.constant 0 : i32
      %dma_start3A_135 = arith.constant 0 : i32
      %dma_start3A_136 = tpu.memref_slice %arg2[%add3A, %dma_start3A_134, %dma_start3A_135] : memref<32x125x80xi32, #tpu.memory_space<hbm>> -> memref<1x125x80xi32, #tpu.memory_space<hbm>>
      %dma_start3A_137 = tpu.memref_squeeze %dma_start3A_136 : memref<1x125x80xi32, #tpu.memory_space<hbm>> -> memref<125x80xi32, #tpu.memory_space<hbm>>
      tpu.enqueue_dma source(%dma_start3A_137 : memref<125x80xi32, #tpu.memory_space<hbm>>) target(%arg8 : memref<125x80xi32, #tpu.memory_space<vmem>>) target_semaphore(%run_scoped3A : memref<!tpu.dma_semaphore, #tpu.memory_space<semaphore_mem>>)
      %dma_wait3A_138 = arith.constant 0 : i32
      %dma_wait3A_139 = arith.constant 0 : i32
      %dma_wait3A_140 = tpu.memref_slice %arg2[%add3A, %dma_wait3A_138, %dma_wait3A_139] : memref<32x125x80xi32, #tpu.memory_space<hbm>> -> memref<1x125x80xi32, #tpu.memory_space<hbm>>
      %dma_wait3A_141 = tpu.memref_squeeze %dma_wait3A_140 : memref<1x125x80xi32, #tpu.memory_space<hbm>> -> memref<125x80xi32, #tpu.memory_space<hbm>>
      %dma_wait3A_142 = arith.constant 0 : i32
      %dma_wait3A_143 = arith.constant 0 : i32
      %dma_wait3A_144 = tpu.memref_slice %arg2[%add3A, %dma_wait3A_142, %dma_wait3A_143] : memref<32x125x80xi32, #tpu.memory_space<hbm>> -> memref<1x125x80xi32, #tpu.memory_space<hbm>>
      %dma_wait3A_145 = tpu.memref_squeeze %dma_wait3A_144 : memref<1x125x80xi32, #tpu.memory_space<hbm>> -> memref<125x80xi32, #tpu.memory_space<hbm>>
      tpu.wait_dma2 semaphore(%run_scoped3A : memref<!tpu.dma_semaphore, #tpu.memory_space<semaphore_mem>>) src(%dma_wait3A_145 : memref<125x80xi32, #tpu.memory_space<hbm>>) dst(%arg8 : memref<125x80xi32, #tpu.memory_space<vmem>>)
      tpu.yield
    }) : () -> ()
    "tpu.region"() ({
      %run_scoped3A = tpu.sem_alloc : memref<!tpu.dma_semaphore, #tpu.memory_space<semaphore_mem>>
      %dma_start3A_130 = arith.constant 0 : i32
      %dma_start3A_131 = arith.constant 0 : i32
      %dma_start3A_132 = tpu.memref_slice %arg3[%add3A, %dma_start3A_130, %dma_start3A_131] : memref<32x125x80xi32, #tpu.memory_space<hbm>> -> memref<1x125x80xi32, #tpu.memory_space<hbm>>
      %dma_start3A_133 = tpu.memref_squeeze %dma_start3A_132 : memref<1x125x80xi32, #tpu.memory_space<hbm>> -> memref<125x80xi32, #tpu.memory_space<hbm>>
      %dma_start3A_134 = arith.constant 0 : i32
      %dma_start3A_135 = arith.constant 0 : i32
      %dma_start3A_136 = tpu.memref_slice %arg3[%add3A, %dma_start3A_134, %dma_start3A_135] : memref<32x125x80xi32, #tpu.memory_space<hbm>> -> memref<1x125x80xi32, #tpu.memory_space<hbm>>
      %dma_start3A_137 = tpu.memref_squeeze %dma_start3A_136 : memref<1x125x80xi32, #tpu.memory_space<hbm>> -> memref<125x80xi32, #tpu.memory_space<hbm>>
      tpu.enqueue_dma source(%dma_start3A_137 : memref<125x80xi32, #tpu.memory_space<hbm>>) target(%arg9 : memref<125x80xi32, #tpu.memory_space<vmem>>) target_semaphore(%run_scoped3A : memref<!tpu.dma_semaphore, #tpu.memory_space<semaphore_mem>>)
      %dma_wait3A_138 = arith.constant 0 : i32
      %dma_wait3A_139 = arith.constant 0 : i32
      %dma_wait3A_140 = tpu.memref_slice %arg3[%add3A, %dma_wait3A_138, %dma_wait3A_139] : memref<32x125x80xi32, #tpu.memory_space<hbm>> -> memref<1x125x80xi32, #tpu.memory_space<hbm>>
      %dma_wait3A_141 = tpu.memref_squeeze %dma_wait3A_140 : memref<1x125x80xi32, #tpu.memory_space<hbm>> -> memref<125x80xi32, #tpu.memory_space<hbm>>
      %dma_wait3A_142 = arith.constant 0 : i32
      %dma_wait3A_143 = arith.constant 0 : i32
      %dma_wait3A_144 = tpu.memref_slice %arg3[%add3A, %dma_wait3A_142, %dma_wait3A_143] : memref<32x125x80xi32, #tpu.memory_space<hbm>> -> memref<1x125x80xi32, #tpu.memory_space<hbm>>
      %dma_wait3A_145 = tpu.memref_squeeze %dma_wait3A_144 : memref<1x125x80xi32, #tpu.memory_space<hbm>> -> memref<125x80xi32, #tpu.memory_space<hbm>>
      tpu.wait_dma2 semaphore(%run_scoped3A : memref<!tpu.dma_semaphore, #tpu.memory_space<semaphore_mem>>) src(%dma_wait3A_145 : memref<125x80xi32, #tpu.memory_space<hbm>>) dst(%arg9 : memref<125x80xi32, #tpu.memory_space<vmem>>)
      tpu.yield
    }) : () -> ()
    %scan3A = arith.constant 0 : i32
    %scan3A_1 = arith.constant 0 : i32
    %scan3A_2 = arith.constant 80 : i32
    %scan3A_3 = arith.addi %scan3A_1, %scan3A_2 : i32
    %scan3A_4 = arith.constant 1 : i32
    %scan3A_5 = scf.for %scan3A_130 = %scan3A_1 to %scan3A_3 step %scan3A_4 iter_args(%scan3A_131 = %scan3A) -> (i32)  : i32 {
      %broadcast_in_dim3A_132 = arith.constant 0.000000e+00 : f32
      %broadcast_in_dim3A_133 = vector.broadcast %broadcast_in_dim3A_132 : f32 to vector<16xf32>
      %swap3A = arith.index_cast %scan3A_130 : i32 to index
      %swap3A_134 = arith.constant 0 : index
      %swap3A_135 = tpu.vector_load %arg12[%swap3A, %swap3A_134] {strides = array<i32>} : memref<80x80xf32, #tpu.memory_space<vmem>>, vector<1x16xf32>,
      %swap3A_136 = vector.shape_cast %swap3A_135 : vector<1x16xf32> to vector<16xf32>
      %swap3A_137 = vector.shape_cast %broadcast_in_dim3A_133 : vector<16xf32> to vector<1x16xf32>
      tpu.vector_store %arg12[%swap3A, %swap3A_134], %swap3A_137 {strides = array<i32>} : memref<80x80xf32, #tpu.memory_space<vmem>>, vector<1x16xf32>,
      %broadcast_in_dim3A_138 = arith.constant 0.000000e+00 : f32
      %broadcast_in_dim3A_139 = vector.broadcast %broadcast_in_dim3A_138 : f32 to vector<16xf32>
      %swap3A_140 = arith.index_cast %scan3A_130 : i32 to index
      %swap3A_141 = arith.constant 0 : index
      %swap3A_142 = tpu.vector_load %arg15[%swap3A_140, %swap3A_141] {strides = array<i32>} : memref<80x80xf32, #tpu.memory_space<vmem>>, vector<1x16xf32>,
      %swap3A_143 = vector.shape_cast %swap3A_142 : vector<1x16xf32> to vector<16xf32>
      %swap3A_144 = vector.shape_cast %broadcast_in_dim3A_139 : vector<16xf32> to vector<1x16xf32>
      tpu.vector_store %arg15[%swap3A_140, %swap3A_141], %swap3A_144 {strides = array<i32>} : memref<80x80xf32, #tpu.memory_space<vmem>>, vector<1x16xf32>,
      %broadcast_in_dim3A_145 = arith.constant 0.000000e+00 : f32
      %broadcast_in_dim3A_146 = vector.broadcast %broadcast_in_dim3A_145 : f32 to vector<16xf32>
      %swap3A_147 = arith.index_cast %scan3A_130 : i32 to index
      %swap3A_148 = arith.constant 16 : index
      %swap3A_149 = tpu.vector_load %arg12[%swap3A_147, %swap3A_148] {strides = array<i32>} : memref<80x80xf32, #tpu.memory_space<vmem>>, vector<1x16xf32>,
      %swap3A_150 = vector.shape_cast %swap3A_149 : vector<1x16xf32> to vector<16xf32>
      %swap3A_151 = vector.shape_cast %broadcast_in_dim3A_146 : vector<16xf32> to vector<1x16xf32>
      tpu.vector_store %arg12[%swap3A_147, %swap3A_148], %swap3A_151 {strides = array<i32>} : memref<80x80xf32, #tpu.memory_space<vmem>>, vector<1x16xf32>,
      %broadcast_in_dim3A_152 = arith.constant 0.000000e+00 : f32
      %broadcast_in_dim3A_153 = vector.broadcast %broadcast_in_dim3A_152 : f32 to vector<16xf32>
      %swap3A_154 = arith.index_cast %scan3A_130 : i32 to index
      %swap3A_155 = arith.constant 16 : index
      %swap3A_156 = tpu.vector_load %arg15[%swap3A_154, %swap3A_155] {strides = array<i32>} : memref<80x80xf32, #tpu.memory_space<vmem>>, vector<1x16xf32>,
      %swap3A_157 = vector.shape_cast %swap3A_156 : vector<1x16xf32> to vector<16xf32>
      %swap3A_158 = vector.shape_cast %broadcast_in_dim3A_153 : vector<16xf32> to vector<1x16xf32>
      tpu.vector_store %arg15[%swap3A_154, %swap3A_155], %swap3A_158 {strides = array<i32>} : memref<80x80xf32, #tpu.memory_space<vmem>>, vector<1x16xf32>,
      %broadcast_in_dim3A_159 = arith.constant 0.000000e+00 : f32
      %broadcast_in_dim3A_160 = vector.broadcast %broadcast_in_dim3A_159 : f32 to vector<16xf32>
      %swap3A_161 = arith.index_cast %scan3A_130 : i32 to index
      %swap3A_162 = arith.constant 32 : index
      %swap3A_163 = tpu.vector_load %arg12[%swap3A_161, %swap3A_162] {strides = array<i32>} : memref<80x80xf32, #tpu.memory_space<vmem>>, vector<1x16xf32>,
      %swap3A_164 = vector.shape_cast %swap3A_163 : vector<1x16xf32> to vector<16xf32>
      %swap3A_165 = vector.shape_cast %broadcast_in_dim3A_160 : vector<16xf32> to vector<1x16xf32>
      tpu.vector_store %arg12[%swap3A_161, %swap3A_162], %swap3A_165 {strides = array<i32>} : memref<80x80xf32, #tpu.memory_space<vmem>>, vector<1x16xf32>,
      %broadcast_in_dim3A_166 = arith.constant 0.000000e+00 : f32
      %broadcast_in_dim3A_167 = vector.broadcast %broadcast_in_dim3A_166 : f32 to vector<16xf32>
      %swap3A_168 = arith.index_cast %scan3A_130 : i32 to index
      %swap3A_169 = arith.constant 32 : index
      %swap3A_170 = tpu.vector_load %arg15[%swap3A_168, %swap3A_169] {strides = array<i32>} : memref<80x80xf32, #tpu.memory_space<vmem>>, vector<1x16xf32>,
      %swap3A_171 = vector.shape_cast %swap3A_170 : vector<1x16xf32> to vector<16xf32>
      %swap3A_172 = vector.shape_cast %broadcast_in_dim3A_167 : vector<16xf32> to vector<1x16xf32>
      tpu.vector_store %arg15[%swap3A_168, %swap3A_169], %swap3A_172 {strides = array<i32>} : memref<80x80xf32, #tpu.memory_space<vmem>>, vector<1x16xf32>,
      %broadcast_in_dim3A_173 = arith.constant 0.000000e+00 : f32
      %broadcast_in_dim3A_174 = vector.broadcast %broadcast_in_dim3A_173 : f32 to vector<16xf32>
      %swap3A_175 = arith.index_cast %scan3A_130 : i32 to index
      %swap3A_176 = arith.constant 48 : index
      %swap3A_177 = tpu.vector_load %arg12[%swap3A_175, %swap3A_176] {strides = array<i32>} : memref<80x80xf32, #tpu.memory_space<vmem>>, vector<1x16xf32>,
      %swap3A_178 = vector.shape_cast %swap3A_177 : vector<1x16xf32> to vector<16xf32>
      %swap3A_179 = vector.shape_cast %broadcast_in_dim3A_174 : vector<16xf32> to vector<1x16xf32>
      tpu.vector_store %arg12[%swap3A_175, %swap3A_176], %swap3A_179 {strides = array<i32>} : memref<80x80xf32, #tpu.memory_space<vmem>>, vector<1x16xf32>,
      %broadcast_in_dim3A_180 = arith.constant 0.000000e+00 : f32
      %broadcast_in_dim3A_181 = vector.broadcast %broadcast_in_dim3A_180 : f32 to vector<16xf32>
      %swap3A_182 = arith.index_cast %scan3A_130 : i32 to index
      %swap3A_183 = arith.constant 48 : index
      %swap3A_184 = tpu.vector_load %arg15[%swap3A_182, %swap3A_183] {strides = array<i32>} : memref<80x80xf32, #tpu.memory_space<vmem>>, vector<1x16xf32>,
      %swap3A_185 = vector.shape_cast %swap3A_184 : vector<1x16xf32> to vector<16xf32>
      %swap3A_186 = vector.shape_cast %broadcast_in_dim3A_181 : vector<16xf32> to vector<1x16xf32>
      tpu.vector_store %arg15[%swap3A_182, %swap3A_183], %swap3A_186 {strides = array<i32>} : memref<80x80xf32, #tpu.memory_space<vmem>>, vector<1x16xf32>,
      %broadcast_in_dim3A_187 = arith.constant 0.000000e+00 : f32
      %broadcast_in_dim3A_188 = vector.broadcast %broadcast_in_dim3A_187 : f32 to vector<16xf32>
      %swap3A_189 = arith.index_cast %scan3A_130 : i32 to index
      %swap3A_190 = arith.constant 64 : index
      %swap3A_191 = tpu.vector_load %arg12[%swap3A_189, %swap3A_190] {strides = array<i32>} : memref<80x80xf32, #tpu.memory_space<vmem>>, vector<1x16xf32>,
      %swap3A_192 = vector.shape_cast %swap3A_191 : vector<1x16xf32> to vector<16xf32>
      %swap3A_193 = vector.shape_cast %broadcast_in_dim3A_188 : vector<16xf32> to vector<1x16xf32>
      tpu.vector_store %arg12[%swap3A_189, %swap3A_190], %swap3A_193 {strides = array<i32>} : memref<80x80xf32, #tpu.memory_space<vmem>>, vector<1x16xf32>,
      %broadcast_in_dim3A_194 = arith.constant 0.000000e+00 : f32
      %broadcast_in_dim3A_195 = vector.broadcast %broadcast_in_dim3A_194 : f32 to vector<16xf32>
      %swap3A_196 = arith.index_cast %scan3A_130 : i32 to index
      %swap3A_197 = arith.constant 64 : index
      %swap3A_198 = tpu.vector_load %arg15[%swap3A_196, %swap3A_197] {strides = array<i32>} : memref<80x80xf32, #tpu.memory_space<vmem>>, vector<1x16xf32>,
      %swap3A_199 = vector.shape_cast %swap3A_198 : vector<1x16xf32> to vector<16xf32>
      %swap3A_200 = vector.shape_cast %broadcast_in_dim3A_195 : vector<16xf32> to vector<1x16xf32>
      tpu.vector_store %arg15[%swap3A_196, %swap3A_197], %swap3A_200 {strides = array<i32>} : memref<80x80xf32, #tpu.memory_space<vmem>>, vector<1x16xf32>,
      %scan3A_201 = arith.constant 0 : i32
      scf.yield %scan3A_201 : i32
    }
    %scan3A_6 = arith.constant 80 : i32
    %mul3A_7 = arith.constant 640 : i32
    %mul3A_8 = arith.muli %arg1, %mul3A_7 : i32
    %add3A_9 = arith.constant 0 : i32
    %add3A_10 = arith.addi %mul3A_8, %add3A_9 : i32
    "tpu.region"() ({
      %run_scoped3A = tpu.sem_alloc : memref<!tpu.dma_semaphore, #tpu.memory_space<semaphore_mem>>
      %dma_start3A_130 = arith.constant 0 : i32
      %dma_start3A_131 = tpu.memref_slice %arg16[%add3A_10, %dma_start3A_130] : memref<10240x80xf32, #tpu.memory_space<vmem_shared>> -> memref<80x80xf32, #tpu.memory_space<vmem_shared>>
      %dma_start3A_132 = arith.constant 0 : i32
      %dma_start3A_133 = tpu.memref_slice %arg16[%add3A_10, %dma_start3A_132] : memref<10240x80xf32, #tpu.memory_space<vmem_shared>> -> memref<80x80xf32, #tpu.memory_space<vmem_shared>>
      tpu.enqueue_dma source(%arg12 : memref<80x80xf32, #tpu.memory_space<vmem>>) target(%dma_start3A_133 : memref<80x80xf32, #tpu.memory_space<vmem_shared>>) target_semaphore(%run_scoped3A : memref<!tpu.dma_semaphore, #tpu.memory_space<semaphore_mem>>)
      %dma_wait3A_134 = arith.constant 0 : i32
      %dma_wait3A_135 = tpu.memref_slice %arg16[%add3A_10, %dma_wait3A_134] : memref<10240x80xf32, #tpu.memory_space<vmem_shared>> -> memref<80x80xf32, #tpu.memory_space<vmem_shared>>
      %dma_wait3A_136 = arith.constant 0 : i32
      %dma_wait3A_137 = tpu.memref_slice %arg16[%add3A_10, %dma_wait3A_136] : memref<10240x80xf32, #tpu.memory_space<vmem_shared>> -> memref<80x80xf32, #tpu.memory_space<vmem_shared>>
      tpu.wait_dma2 semaphore(%run_scoped3A : memref<!tpu.dma_semaphore, #tpu.memory_space<semaphore_mem>>) src(%arg12 : memref<80x80xf32, #tpu.memory_space<vmem>>) dst(%dma_wait3A_137 : memref<80x80xf32, #tpu.memory_space<vmem_shared>>)
      tpu.yield
    }) : () -> ()
    %mul3A_11 = arith.constant 640 : i32
    %mul3A_12 = arith.muli %arg1, %mul3A_11 : i32
    %add3A_13 = arith.constant 80 : i32
    %add3A_14 = arith.addi %mul3A_12, %add3A_13 : i32
    "tpu.region"() ({
      %run_scoped3A = tpu.sem_alloc : memref<!tpu.dma_semaphore, #tpu.memory_space<semaphore_mem>>
      %dma_start3A_130 = arith.constant 0 : i32
      %dma_start3A_131 = tpu.memref_slice %arg16[%add3A_14, %dma_start3A_130] : memref<10240x80xf32, #tpu.memory_space<vmem_shared>> -> memref<80x80xf32, #tpu.memory_space<vmem_shared>>
      %dma_start3A_132 = arith.constant 0 : i32
      %dma_start3A_133 = tpu.memref_slice %arg16[%add3A_14, %dma_start3A_132] : memref<10240x80xf32, #tpu.memory_space<vmem_shared>> -> memref<80x80xf32, #tpu.memory_space<vmem_shared>>
      tpu.enqueue_dma source(%arg12 : memref<80x80xf32, #tpu.memory_space<vmem>>) target(%dma_start3A_133 : memref<80x80xf32, #tpu.memory_space<vmem_shared>>) target_semaphore(%run_scoped3A : memref<!tpu.dma_semaphore, #tpu.memory_space<semaphore_mem>>)
      %dma_wait3A_134 = arith.constant 0 : i32
      %dma_wait3A_135 = tpu.memref_slice %arg16[%add3A_14, %dma_wait3A_134] : memref<10240x80xf32, #tpu.memory_space<vmem_shared>> -> memref<80x80xf32, #tpu.memory_space<vmem_shared>>
      %dma_wait3A_136 = arith.constant 0 : i32
      %dma_wait3A_137 = tpu.memref_slice %arg16[%add3A_14, %dma_wait3A_136] : memref<10240x80xf32, #tpu.memory_space<vmem_shared>> -> memref<80x80xf32, #tpu.memory_space<vmem_shared>>
      tpu.wait_dma2 semaphore(%run_scoped3A : memref<!tpu.dma_semaphore, #tpu.memory_space<semaphore_mem>>) src(%arg12 : memref<80x80xf32, #tpu.memory_space<vmem>>) dst(%dma_wait3A_137 : memref<80x80xf32, #tpu.memory_space<vmem_shared>>)
      tpu.yield
    }) : () -> ()
    %mul3A_15 = arith.constant 640 : i32
    %mul3A_16 = arith.muli %arg1, %mul3A_15 : i32
    %add3A_17 = arith.constant 160 : i32
    %add3A_18 = arith.addi %mul3A_16, %add3A_17 : i32
    "tpu.region"() ({
      %run_scoped3A = tpu.sem_alloc : memref<!tpu.dma_semaphore, #tpu.memory_space<semaphore_mem>>
      %dma_start3A_130 = arith.constant 0 : i32
      %dma_start3A_131 = tpu.memref_slice %arg16[%add3A_18, %dma_start3A_130] : memref<10240x80xf32, #tpu.memory_space<vmem_shared>> -> memref<80x80xf32, #tpu.memory_space<vmem_shared>>
      %dma_start3A_132 = arith.constant 0 : i32
      %dma_start3A_133 = tpu.memref_slice %arg16[%add3A_18, %dma_start3A_132] : memref<10240x80xf32, #tpu.memory_space<vmem_shared>> -> memref<80x80xf32, #tpu.memory_space<vmem_shared>>
      tpu.enqueue_dma source(%arg12 : memref<80x80xf32, #tpu.memory_space<vmem>>) target(%dma_start3A_133 : memref<80x80xf32, #tpu.memory_space<vmem_shared>>) target_semaphore(%run_scoped3A : memref<!tpu.dma_semaphore, #tpu.memory_space<semaphore_mem>>)
      %dma_wait3A_134 = arith.constant 0 : i32
      %dma_wait3A_135 = tpu.memref_slice %arg16[%add3A_18, %dma_wait3A_134] : memref<10240x80xf32, #tpu.memory_space<vmem_shared>> -> memref<80x80xf32, #tpu.memory_space<vmem_shared>>
      %dma_wait3A_136 = arith.constant 0 : i32
      %dma_wait3A_137 = tpu.memref_slice %arg16[%add3A_18, %dma_wait3A_136] : memref<10240x80xf32, #tpu.memory_space<vmem_shared>> -> memref<80x80xf32, #tpu.memory_space<vmem_shared>>
      tpu.wait_dma2 semaphore(%run_scoped3A : memref<!tpu.dma_semaphore, #tpu.memory_space<semaphore_mem>>) src(%arg12 : memref<80x80xf32, #tpu.memory_space<vmem>>) dst(%dma_wait3A_137 : memref<80x80xf32, #tpu.memory_space<vmem_shared>>)
      tpu.yield
    }) : () -> ()
    %mul3A_19 = arith.constant 640 : i32
    %mul3A_20 = arith.muli %arg1, %mul3A_19 : i32
    %add3A_21 = arith.constant 240 : i32
    %add3A_22 = arith.addi %mul3A_20, %add3A_21 : i32
    "tpu.region"() ({
      %run_scoped3A = tpu.sem_alloc : memref<!tpu.dma_semaphore, #tpu.memory_space<semaphore_mem>>
      %dma_start3A_130 = arith.constant 0 : i32
      %dma_start3A_131 = tpu.memref_slice %arg16[%add3A_22, %dma_start3A_130] : memref<10240x80xf32, #tpu.memory_space<vmem_shared>> -> memref<80x80xf32, #tpu.memory_space<vmem_shared>>
      %dma_start3A_132 = arith.constant 0 : i32
      %dma_start3A_133 = tpu.memref_slice %arg16[%add3A_22, %dma_start3A_132] : memref<10240x80xf32, #tpu.memory_space<vmem_shared>> -> memref<80x80xf32, #tpu.memory_space<vmem_shared>>
      tpu.enqueue_dma source(%arg12 : memref<80x80xf32, #tpu.memory_space<vmem>>) target(%dma_start3A_133 : memref<80x80xf32, #tpu.memory_space<vmem_shared>>) target_semaphore(%run_scoped3A : memref<!tpu.dma_semaphore, #tpu.memory_space<semaphore_mem>>)
      %dma_wait3A_134 = arith.constant 0 : i32
      %dma_wait3A_135 = tpu.memref_slice %arg16[%add3A_22, %dma_wait3A_134] : memref<10240x80xf32, #tpu.memory_space<vmem_shared>> -> memref<80x80xf32, #tpu.memory_space<vmem_shared>>
      %dma_wait3A_136 = arith.constant 0 : i32
      %dma_wait3A_137 = tpu.memref_slice %arg16[%add3A_22, %dma_wait3A_136] : memref<10240x80xf32, #tpu.memory_space<vmem_shared>> -> memref<80x80xf32, #tpu.memory_space<vmem_shared>>
      tpu.wait_dma2 semaphore(%run_scoped3A : memref<!tpu.dma_semaphore, #tpu.memory_space<semaphore_mem>>) src(%arg12 : memref<80x80xf32, #tpu.memory_space<vmem>>) dst(%dma_wait3A_137 : memref<80x80xf32, #tpu.memory_space<vmem_shared>>)
      tpu.yield
    }) : () -> ()
    %mul3A_23 = arith.constant 640 : i32
    %mul3A_24 = arith.muli %arg1, %mul3A_23 : i32
    %add3A_25 = arith.constant 320 : i32
    %add3A_26 = arith.addi %mul3A_24, %add3A_25 : i32
    "tpu.region"() ({
      %run_scoped3A = tpu.sem_alloc : memref<!tpu.dma_semaphore, #tpu.memory_space<semaphore_mem>>
      %dma_start3A_130 = arith.constant 0 : i32
      %dma_start3A_131 = tpu.memref_slice %arg16[%add3A_26, %dma_start3A_130] : memref<10240x80xf32, #tpu.memory_space<vmem_shared>> -> memref<80x80xf32, #tpu.memory_space<vmem_shared>>
      %dma_start3A_132 = arith.constant 0 : i32
      %dma_start3A_133 = tpu.memref_slice %arg16[%add3A_26, %dma_start3A_132] : memref<10240x80xf32, #tpu.memory_space<vmem_shared>> -> memref<80x80xf32, #tpu.memory_space<vmem_shared>>
      tpu.enqueue_dma source(%arg12 : memref<80x80xf32, #tpu.memory_space<vmem>>) target(%dma_start3A_133 : memref<80x80xf32, #tpu.memory_space<vmem_shared>>) target_semaphore(%run_scoped3A : memref<!tpu.dma_semaphore, #tpu.memory_space<semaphore_mem>>)
      %dma_wait3A_134 = arith.constant 0 : i32
      %dma_wait3A_135 = tpu.memref_slice %arg16[%add3A_26, %dma_wait3A_134] : memref<10240x80xf32, #tpu.memory_space<vmem_shared>> -> memref<80x80xf32, #tpu.memory_space<vmem_shared>>
      %dma_wait3A_136 = arith.constant 0 : i32
      %dma_wait3A_137 = tpu.memref_slice %arg16[%add3A_26, %dma_wait3A_136] : memref<10240x80xf32, #tpu.memory_space<vmem_shared>> -> memref<80x80xf32, #tpu.memory_space<vmem_shared>>
      tpu.wait_dma2 semaphore(%run_scoped3A : memref<!tpu.dma_semaphore, #tpu.memory_space<semaphore_mem>>) src(%arg12 : memref<80x80xf32, #tpu.memory_space<vmem>>) dst(%dma_wait3A_137 : memref<80x80xf32, #tpu.memory_space<vmem_shared>>)
      tpu.yield
    }) : () -> ()
    %mul3A_27 = arith.constant 640 : i32
    %mul3A_28 = arith.muli %arg1, %mul3A_27 : i32
    %add3A_29 = arith.constant 400 : i32
    %add3A_30 = arith.addi %mul3A_28, %add3A_29 : i32
    "tpu.region"() ({
      %run_scoped3A = tpu.sem_alloc : memref<!tpu.dma_semaphore, #tpu.memory_space<semaphore_mem>>
      %dma_start3A_130 = arith.constant 0 : i32
      %dma_start3A_131 = tpu.memref_slice %arg16[%add3A_30, %dma_start3A_130] : memref<10240x80xf32, #tpu.memory_space<vmem_shared>> -> memref<80x80xf32, #tpu.memory_space<vmem_shared>>
      %dma_start3A_132 = arith.constant 0 : i32
      %dma_start3A_133 = tpu.memref_slice %arg16[%add3A_30, %dma_start3A_132] : memref<10240x80xf32, #tpu.memory_space<vmem_shared>> -> memref<80x80xf32, #tpu.memory_space<vmem_shared>>
      tpu.enqueue_dma source(%arg12 : memref<80x80xf32, #tpu.memory_space<vmem>>) target(%dma_start3A_133 : memref<80x80xf32, #tpu.memory_space<vmem_shared>>) target_semaphore(%run_scoped3A : memref<!tpu.dma_semaphore, #tpu.memory_space<semaphore_mem>>)
      %dma_wait3A_134 = arith.constant 0 : i32
      %dma_wait3A_135 = tpu.memref_slice %arg16[%add3A_30, %dma_wait3A_134] : memref<10240x80xf32, #tpu.memory_space<vmem_shared>> -> memref<80x80xf32, #tpu.memory_space<vmem_shared>>
      %dma_wait3A_136 = arith.constant 0 : i32
      %dma_wait3A_137 = tpu.memref_slice %arg16[%add3A_30, %dma_wait3A_136] : memref<10240x80xf32, #tpu.memory_space<vmem_shared>> -> memref<80x80xf32, #tpu.memory_space<vmem_shared>>
      tpu.wait_dma2 semaphore(%run_scoped3A : memref<!tpu.dma_semaphore, #tpu.memory_space<semaphore_mem>>) src(%arg12 : memref<80x80xf32, #tpu.memory_space<vmem>>) dst(%dma_wait3A_137 : memref<80x80xf32, #tpu.memory_space<vmem_shared>>)
      tpu.yield
    }) : () -> ()
    %mul3A_31 = arith.constant 640 : i32
    %mul3A_32 = arith.muli %arg1, %mul3A_31 : i32
    %add3A_33 = arith.constant 480 : i32
    %add3A_34 = arith.addi %mul3A_32, %add3A_33 : i32
    "tpu.region"() ({
      %run_scoped3A = tpu.sem_alloc : memref<!tpu.dma_semaphore, #tpu.memory_space<semaphore_mem>>
      %dma_start3A_130 = arith.constant 0 : i32
      %dma_start3A_131 = tpu.memref_slice %arg16[%add3A_34, %dma_start3A_130] : memref<10240x80xf32, #tpu.memory_space<vmem_shared>> -> memref<80x80xf32, #tpu.memory_space<vmem_shared>>
      %dma_start3A_132 = arith.constant 0 : i32
      %dma_start3A_133 = tpu.memref_slice %arg16[%add3A_34, %dma_start3A_132] : memref<10240x80xf32, #tpu.memory_space<vmem_shared>> -> memref<80x80xf32, #tpu.memory_space<vmem_shared>>
      tpu.enqueue_dma source(%arg12 : memref<80x80xf32, #tpu.memory_space<vmem>>) target(%dma_start3A_133 : memref<80x80xf32, #tpu.memory_space<vmem_shared>>) target_semaphore(%run_scoped3A : memref<!tpu.dma_semaphore, #tpu.memory_space<semaphore_mem>>)
      %dma_wait3A_134 = arith.constant 0 : i32
      %dma_wait3A_135 = tpu.memref_slice %arg16[%add3A_34, %dma_wait3A_134] : memref<10240x80xf32, #tpu.memory_space<vmem_shared>> -> memref<80x80xf32, #tpu.memory_space<vmem_shared>>
      %dma_wait3A_136 = arith.constant 0 : i32
      %dma_wait3A_137 = tpu.memref_slice %arg16[%add3A_34, %dma_wait3A_136] : memref<10240x80xf32, #tpu.memory_space<vmem_shared>> -> memref<80x80xf32, #tpu.memory_space<vmem_shared>>
      tpu.wait_dma2 semaphore(%run_scoped3A : memref<!tpu.dma_semaphore, #tpu.memory_space<semaphore_mem>>) src(%arg12 : memref<80x80xf32, #tpu.memory_space<vmem>>) dst(%dma_wait3A_137 : memref<80x80xf32, #tpu.memory_space<vmem_shared>>)
      tpu.yield
    }) : () -> ()
    %mul3A_35 = arith.constant 640 : i32
    %mul3A_36 = arith.muli %arg1, %mul3A_35 : i32
    %add3A_37 = arith.constant 560 : i32
    %add3A_38 = arith.addi %mul3A_36, %add3A_37 : i32
    "tpu.region"() ({
      %run_scoped3A = tpu.sem_alloc : memref<!tpu.dma_semaphore, #tpu.memory_space<semaphore_mem>>
      %dma_start3A_130 = arith.constant 0 : i32
      %dma_start3A_131 = tpu.memref_slice %arg16[%add3A_38, %dma_start3A_130] : memref<10240x80xf32, #tpu.memory_space<vmem_shared>> -> memref<80x80xf32, #tpu.memory_space<vmem_shared>>
      %dma_start3A_132 = arith.constant 0 : i32
      %dma_start3A_133 = tpu.memref_slice %arg16[%add3A_38, %dma_start3A_132] : memref<10240x80xf32, #tpu.memory_space<vmem_shared>> -> memref<80x80xf32, #tpu.memory_space<vmem_shared>>
      tpu.enqueue_dma source(%arg12 : memref<80x80xf32, #tpu.memory_space<vmem>>) target(%dma_start3A_133 : memref<80x80xf32, #tpu.memory_space<vmem_shared>>) target_semaphore(%run_scoped3A : memref<!tpu.dma_semaphore, #tpu.memory_space<semaphore_mem>>)
      %dma_wait3A_134 = arith.constant 0 : i32
      %dma_wait3A_135 = tpu.memref_slice %arg16[%add3A_38, %dma_wait3A_134] : memref<10240x80xf32, #tpu.memory_space<vmem_shared>> -> memref<80x80xf32, #tpu.memory_space<vmem_shared>>
      %dma_wait3A_136 = arith.constant 0 : i32
      %dma_wait3A_137 = tpu.memref_slice %arg16[%add3A_38, %dma_wait3A_136] : memref<10240x80xf32, #tpu.memory_space<vmem_shared>> -> memref<80x80xf32, #tpu.memory_space<vmem_shared>>
      tpu.wait_dma2 semaphore(%run_scoped3A : memref<!tpu.dma_semaphore, #tpu.memory_space<semaphore_mem>>) src(%arg12 : memref<80x80xf32, #tpu.memory_space<vmem>>) dst(%dma_wait3A_137 : memref<80x80xf32, #tpu.memory_space<vmem_shared>>)
      tpu.yield
    }) : () -> ()
    %barrier3A = arith.constant 0 : index
    tpu.barrier barrier_id(%barrier3A)
    %dma_start3A = arith.constant 0 : i32
    %dma_start3A_39 = arith.constant 0 : i32
    %dma_start3A_40 = tpu.memref_slice %arg9[%dma_start3A, %dma_start3A_39] : memref<125x80xi32, #tpu.memory_space<vmem>> -> memref<1x80xi32, #tpu.memory_space<vmem>>
    %dma_start3A_41 = tpu.memref_squeeze %dma_start3A_40 : memref<1x80xi32, #tpu.memory_space<vmem>> -> memref<80xi32, #tpu.memory_space<vmem>>
    %dma_start3A_42 = arith.constant 0 : i32
    %dma_start3A_43 = arith.constant 0 : i32
    %dma_start3A_44 = tpu.memref_slice %arg16[%dma_start3A_42, %dma_start3A_43] : memref<10240x80xf32, #tpu.memory_space<vmem_shared>> -> memref<10240x80xf32, #tpu.memory_space<vmem_shared>>
    tpu.enqueue_indirect_dma source(%arg12 : memref<80x80xf32, #tpu.memory_space<vmem>>) target(%dma_start3A_44 : memref<10240x80xf32, #tpu.memory_space<vmem_shared>>) offsets(%dma_start3A_41 : memref<80xi32, #tpu.memory_space<vmem>>) semaphore(%arg19 : memref<!tpu.dma_semaphore, #tpu.memory_space<semaphore_mem>>) {add = true}
    %dma_start3A_45 = arith.constant 0 : i32
    %dma_start3A_46 = arith.constant 0 : i32
    %dma_start3A_47 = tpu.memref_slice %arg9[%dma_start3A_45, %dma_start3A_46] : memref<125x80xi32, #tpu.memory_space<vmem>> -> memref<1x80xi32, #tpu.memory_space<vmem>>
    %dma_start3A_48 = tpu.memref_squeeze %dma_start3A_47 : memref<1x80xi32, #tpu.memory_space<vmem>> -> memref<80xi32, #tpu.memory_space<vmem>>
    %dma_start3A_49 = arith.constant 0 : i32
    %dma_start3A_50 = arith.constant 0 : i32
    %dma_start3A_51 = tpu.memref_slice %arg16[%dma_start3A_49, %dma_start3A_50] : memref<10240x80xf32, #tpu.memory_space<vmem_shared>> -> memref<10240x80xf32, #tpu.memory_space<vmem_shared>>
    tpu.enqueue_indirect_dma source(%arg15 : memref<80x80xf32, #tpu.memory_space<vmem>>) target(%dma_start3A_51 : memref<10240x80xf32, #tpu.memory_space<vmem_shared>>) offsets(%dma_start3A_48 : memref<80xi32, #tpu.memory_space<vmem>>) semaphore(%arg20 : memref<!tpu.dma_semaphore, #tpu.memory_space<semaphore_mem>>) {add = true}
    %iota3A = tpu.iota {dimensions = array<i32: 0>} : vector<16xi32>
    %ge3A = arith.constant 8 : i32
    %ge3A_52 = vector.broadcast %ge3A : i32 to vector<16xi32>
    %ge3A_53 = arith.cmpi sge, %iota3A, %ge3A_52 : vector<16xi32>
    %jit3A = arith.constant 1 : i32
    %jit3A_54 = arith.constant 0 : i32
    %broadcast_in_dim3A = vector.broadcast %jit3A : i32 to vector<16xi32>
    %broadcast_in_dim3A_55 = vector.broadcast %jit3A_54 : i32 to vector<16xi32>
    %select_n3A = arith.select %ge3A_53, %broadcast_in_dim3A, %broadcast_in_dim3A_55 : vector<16xi1>, vector<16xi32>
    %dma_start3A_56 = arith.constant 0 : i32
    %dma_start3A_57 = arith.constant 0 : i32
    %dma_start3A_58 = tpu.memref_slice %arg8[%dma_start3A_56, %dma_start3A_57] : memref<125x80xi32, #tpu.memory_space<vmem>> -> memref<1x80xi32, #tpu.memory_space<vmem>>
    %dma_start3A_59 = tpu.memref_squeeze %dma_start3A_58 : memref<1x80xi32, #tpu.memory_space<vmem>> -> memref<80xi32, #tpu.memory_space<vmem>>
    %dma_start3A_60 = arith.constant 0 : i32
    %dma_start3A_61 = arith.constant 0 : i32
    %dma_start3A_62 = tpu.memref_slice %arg4[%dma_start3A_60, %dma_start3A_61] : memref<10240x80xf32, #tpu.memory_space<hbm>> -> memref<10240x80xf32, #tpu.memory_space<hbm>>
    tpu.enqueue_indirect_dma source(%dma_start3A_62 : memref<10240x80xf32, #tpu.memory_space<hbm>>) target(%arg10 : memref<80x80xf32, #tpu.memory_space<vmem>>) offsets(%dma_start3A_59 : memref<80xi32, #tpu.memory_space<vmem>>) semaphore(%arg17 : memref<!tpu.dma_semaphore, #tpu.memory_space<semaphore_mem>>)
    %dma_start3A_63 = arith.constant 0 : i32
    %dma_start3A_64 = arith.constant 0 : i32
    %dma_start3A_65 = tpu.memref_slice %arg9[%dma_start3A_63, %dma_start3A_64] : memref<125x80xi32, #tpu.memory_space<vmem>> -> memref<1x80xi32, #tpu.memory_space<vmem>>
    %dma_start3A_66 = tpu.memref_squeeze %dma_start3A_65 : memref<1x80xi32, #tpu.memory_space<vmem>> -> memref<80xi32, #tpu.memory_space<vmem>>
    %dma_start3A_67 = arith.constant 0 : i32
    %dma_start3A_68 = arith.constant 0 : i32
    %dma_start3A_69 = tpu.memref_slice %arg5[%dma_start3A_67, %dma_start3A_68] : memref<10240x16xf32, #tpu.memory_space<hbm>> -> memref<10240x16xf32, #tpu.memory_space<hbm>>
    tpu.enqueue_indirect_dma source(%dma_start3A_69 : memref<10240x16xf32, #tpu.memory_space<hbm>>) target(%arg11 : memref<80x16xf32, #tpu.memory_space<vmem>>) offsets(%dma_start3A_66 : memref<80xi32, #tpu.memory_space<vmem>>) semaphore(%arg17 : memref<!tpu.dma_semaphore, #tpu.memory_space<semaphore_mem>>)
    %scan3A_70 = arith.constant 0 : i32
    %scan3A_71 = arith.constant 0 : i32
    %scan3A_72 = arith.constant 62 : i32
    %scan3A_73 = arith.addi %scan3A_71, %scan3A_72 : i32
    %scan3A_74 = arith.constant 1 : i32
    %scan3A_75 = scf.for %scan3A_130 = %scan3A_71 to %scan3A_73 step %scan3A_74 iter_args(%scan3A_131 = %scan3A_70) -> (i32)  : i32 {
      %mul3A_132 = arith.constant 2 : i32
      %mul3A_133 = arith.muli %mul3A_132, %scan3A_130 : i32
      %add3A_134 = arith.constant 1 : i32
      %add3A_135 = arith.addi %mul3A_133, %add3A_134 : i32
      %dma_start3A_136 = arith.constant 0 : i32
      %dma_start3A_137 = tpu.memref_slice %arg8[%add3A_135, %dma_start3A_136] : memref<125x80xi32, #tpu.memory_space<vmem>> -> memref<1x80xi32, #tpu.memory_space<vmem>>
      %dma_start3A_138 = tpu.memref_squeeze %dma_start3A_137 : memref<1x80xi32, #tpu.memory_space<vmem>> -> memref<80xi32, #tpu.memory_space<vmem>>
      %dma_start3A_139 = arith.constant 0 : i32
      %dma_start3A_140 = arith.constant 0 : i32
      %dma_start3A_141 = tpu.memref_slice %arg4[%dma_start3A_139, %dma_start3A_140] : memref<10240x80xf32, #tpu.memory_space<hbm>> -> memref<10240x80xf32, #tpu.memory_space<hbm>>
      tpu.enqueue_indirect_dma source(%dma_start3A_141 : memref<10240x80xf32, #tpu.memory_space<hbm>>) target(%arg13 : memref<80x80xf32, #tpu.memory_space<vmem>>) offsets(%dma_start3A_138 : memref<80xi32, #tpu.memory_space<vmem>>) semaphore(%arg18 : memref<!tpu.dma_semaphore, #tpu.memory_space<semaphore_mem>>)
      %dma_start3A_142 = arith.constant 0 : i32
      %dma_start3A_143 = tpu.memref_slice %arg9[%add3A_135, %dma_start3A_142] : memref<125x80xi32, #tpu.memory_space<vmem>> -> memref<1x80xi32, #tpu.memory_space<vmem>>
      %dma_start3A_144 = tpu.memref_squeeze %dma_start3A_143 : memref<1x80xi32, #tpu.memory_space<vmem>> -> memref<80xi32, #tpu.memory_space<vmem>>
      %dma_start3A_145 = arith.constant 0 : i32
      %dma_start3A_146 = arith.constant 0 : i32
      %dma_start3A_147 = tpu.memref_slice %arg5[%dma_start3A_145, %dma_start3A_146] : memref<10240x16xf32, #tpu.memory_space<hbm>> -> memref<10240x16xf32, #tpu.memory_space<hbm>>
      tpu.enqueue_indirect_dma source(%dma_start3A_147 : memref<10240x16xf32, #tpu.memory_space<hbm>>) target(%arg14 : memref<80x16xf32, #tpu.memory_space<vmem>>) offsets(%dma_start3A_144 : memref<80xi32, #tpu.memory_space<vmem>>) semaphore(%arg18 : memref<!tpu.dma_semaphore, #tpu.memory_space<semaphore_mem>>)
      %dma_wait3A_148 = arith.constant 0 : i32
      %dma_wait3A_149 = arith.constant 0 : i32
      %dma_wait3A_150 = tpu.memref_slice %arg8[%dma_wait3A_148, %dma_wait3A_149] : memref<125x80xi32, #tpu.memory_space<vmem>> -> memref<1x80xi32, #tpu.memory_space<vmem>>
      %dma_wait3A_151 = tpu.memref_squeeze %dma_wait3A_150 : memref<1x80xi32, #tpu.memory_space<vmem>> -> memref<80xi32, #tpu.memory_space<vmem>>
      %dma_wait3A_152 = arith.constant 0 : i32
      %dma_wait3A_153 = arith.constant 0 : i32
      %dma_wait3A_154 = tpu.memref_slice %arg4[%dma_wait3A_152, %dma_wait3A_153] : memref<10240x80xf32, #tpu.memory_space<hbm>> -> memref<10240x80xf32, #tpu.memory_space<hbm>>
      tpu.wait_indirect_dma semaphore(%arg17 : memref<!tpu.dma_semaphore, #tpu.memory_space<semaphore_mem>>) src(%dma_wait3A_154 : memref<10240x80xf32, #tpu.memory_space<hbm>>) dst(%arg10 : memref<80x80xf32, #tpu.memory_space<vmem>>)
      %dma_wait3A_155 = arith.constant 0 : i32
      %dma_wait3A_156 = arith.constant 0 : i32
      %dma_wait3A_157 = tpu.memref_slice %arg9[%dma_wait3A_155, %dma_wait3A_156] : memref<125x80xi32, #tpu.memory_space<vmem>> -> memref<1x80xi32, #tpu.memory_space<vmem>>
      %dma_wait3A_158 = tpu.memref_squeeze %dma_wait3A_157 : memref<1x80xi32, #tpu.memory_space<vmem>> -> memref<80xi32, #tpu.memory_space<vmem>>
      %dma_wait3A_159 = arith.constant 0 : i32
      %dma_wait3A_160 = arith.constant 0 : i32
      %dma_wait3A_161 = tpu.memref_slice %arg5[%dma_wait3A_159, %dma_wait3A_160] : memref<10240x16xf32, #tpu.memory_space<hbm>> -> memref<10240x16xf32, #tpu.memory_space<hbm>>
      tpu.wait_indirect_dma semaphore(%arg17 : memref<!tpu.dma_semaphore, #tpu.memory_space<semaphore_mem>>) src(%dma_wait3A_161 : memref<10240x16xf32, #tpu.memory_space<hbm>>) dst(%arg11 : memref<80x16xf32, #tpu.memory_space<vmem>>)
      %dma_wait3A_162 = arith.constant 0 : i32
      %dma_wait3A_163 = arith.constant 0 : i32
      %dma_wait3A_164 = tpu.memref_slice %arg9[%dma_wait3A_162, %dma_wait3A_163] : memref<125x80xi32, #tpu.memory_space<vmem>> -> memref<1x80xi32, #tpu.memory_space<vmem>>
      %dma_wait3A_165 = tpu.memref_squeeze %dma_wait3A_164 : memref<1x80xi32, #tpu.memory_space<vmem>> -> memref<80xi32, #tpu.memory_space<vmem>>
      %dma_wait3A_166 = arith.constant 0 : i32
      %dma_wait3A_167 = arith.constant 0 : i32
      %dma_wait3A_168 = tpu.memref_slice %arg16[%dma_wait3A_166, %dma_wait3A_167] : memref<10240x80xf32, #tpu.memory_space<vmem_shared>> -> memref<10240x80xf32, #tpu.memory_space<vmem_shared>>
      tpu.wait_indirect_dma semaphore(%arg19 : memref<!tpu.dma_semaphore, #tpu.memory_space<semaphore_mem>>) src(%arg12 : memref<80x80xf32, #tpu.memory_space<vmem>>) dst(%dma_wait3A_168 : memref<10240x80xf32, #tpu.memory_space<vmem_shared>>)
      %parallel_loop3A_169 = arith.constant 0 : i32
      %parallel_loop3A_170 = arith.constant 80 : i32
      %parallel_loop3A_171 = arith.constant 1 : i32
      scf.for %parallel_loop3A_225 = %parallel_loop3A_169 to %parallel_loop3A_170 step %parallel_loop3A_171  : i32 {
        %parallel_loop3A_226 = arith.index_cast %parallel_loop3A_225 : i32 to index
        %parallel_loop3A_227 = arith.constant 64 : index
        %parallel_loop3A_228 = tpu.vector_load %arg10[%parallel_loop3A_226, %parallel_loop3A_227] {strides = array<i32>} : memref<80x80xf32, #tpu.memory_space<vmem>>, vector<1x16xf32>,
        %parallel_loop3A_229 = vector.shape_cast %parallel_loop3A_228 : vector<1x16xf32> to vector<16xf32>
        %parallel_loop3A_230 = arith.index_cast %parallel_loop3A_225 : i32 to index
        %parallel_loop3A_231 = arith.constant 0 : index
        %parallel_loop3A_232 = tpu.vector_load %arg11[%parallel_loop3A_230, %parallel_loop3A_231] {strides = array<i32>} : memref<80x16xf32, #tpu.memory_space<vmem>>, vector<1x16xf32>,
        %parallel_loop3A_233 = vector.shape_cast %parallel_loop3A_232 : vector<1x16xf32> to vector<16xf32>
        %parallel_loop3A_234 = arith.addf %parallel_loop3A_229, %parallel_loop3A_233 : vector<16xf32>
        %parallel_loop3A_235 = arith.constant 0.000000e+00 : f32
        %parallel_loop3A_236 = vector.broadcast %parallel_loop3A_235 : f32 to vector<16xf32>
        %parallel_loop3A_237 = arith.cmpf oge, %parallel_loop3A_234, %parallel_loop3A_236 : vector<16xf32>
        %parallel_loop3A_238 = arith.constant 2.000000e-01 : f32
        %parallel_loop3A_239 = vector.broadcast %parallel_loop3A_238 : f32 to vector<16xf32>
        %parallel_loop3A_240 = arith.mulf %parallel_loop3A_239, %parallel_loop3A_234 : vector<16xf32>
        %parallel_loop3A_241 = arith.select %parallel_loop3A_237, %parallel_loop3A_234, %parallel_loop3A_240 : vector<16xi1>, vector<16xf32>
        %parallel_loop3A_242 = math.exp %parallel_loop3A_241 : vector<16xf32>
        %parallel_loop3A_243 = arith.constant 0 : i32
        %parallel_loop3A_244 = vector.broadcast %parallel_loop3A_243 : i32 to vector<16xi32>
        %parallel_loop3A_245 = arith.addi %select_n3A, %parallel_loop3A_244 : vector<16xi32>
        %parallel_loop3A_246 = vector.shape_cast %parallel_loop3A_245 : vector<16xi32> to vector<16x1xi32>
        %parallel_loop3A_247 = vector.shape_cast %parallel_loop3A_246 : vector<16x1xi32> to vector<16xi32>
        %parallel_loop3A_248 = tpu.dynamic_gather %parallel_loop3A_242[%parallel_loop3A_247] in [0] : vector<16xf32>, vector<16xi32> -> vector<16xf32>
        %parallel_loop3A_249 = arith.index_cast %parallel_loop3A_225 : i32 to index
        %parallel_loop3A_250 = arith.constant 0 : index
        %parallel_loop3A_251 = tpu.vector_load %arg10[%parallel_loop3A_249, %parallel_loop3A_250] {strides = array<i32>} : memref<80x80xf32, #tpu.memory_space<vmem>>, vector<1x16xf32>,
        %parallel_loop3A_252 = vector.shape_cast %parallel_loop3A_251 : vector<1x16xf32> to vector<16xf32>
        %parallel_loop3A_253 = arith.mulf %parallel_loop3A_252, %parallel_loop3A_248 : vector<16xf32>
        %parallel_loop3A_254 = arith.index_cast %parallel_loop3A_225 : i32 to index
        %parallel_loop3A_255 = arith.constant 0 : index
        %parallel_loop3A_256 = tpu.vector_load %arg12[%parallel_loop3A_254, %parallel_loop3A_255] {strides = array<i32>} : memref<80x80xf32, #tpu.memory_space<vmem>>, vector<1x16xf32>,
        %parallel_loop3A_257 = vector.shape_cast %parallel_loop3A_256 : vector<1x16xf32> to vector<16xf32>
        %parallel_loop3A_258 = vector.shape_cast %parallel_loop3A_253 : vector<16xf32> to vector<1x16xf32>
        tpu.vector_store %arg12[%parallel_loop3A_254, %parallel_loop3A_255], %parallel_loop3A_258 {strides = array<i32>} : memref<80x80xf32, #tpu.memory_space<vmem>>, vector<1x16xf32>,
        %parallel_loop3A_259 = arith.constant 2 : i32
        %parallel_loop3A_260 = vector.broadcast %parallel_loop3A_259 : i32 to vector<16xi32>
        %parallel_loop3A_261 = arith.addi %select_n3A, %parallel_loop3A_260 : vector<16xi32>
        %parallel_loop3A_262 = vector.shape_cast %parallel_loop3A_261 : vector<16xi32> to vector<16x1xi32>
        %parallel_loop3A_263 = vector.shape_cast %parallel_loop3A_262 : vector<16x1xi32> to vector<16xi32>
        %parallel_loop3A_264 = tpu.dynamic_gather %parallel_loop3A_242[%parallel_loop3A_263] in [0] : vector<16xf32>, vector<16xi32> -> vector<16xf32>
        %parallel_loop3A_265 = arith.index_cast %parallel_loop3A_225 : i32 to index
        %parallel_loop3A_266 = arith.constant 16 : index
        %parallel_loop3A_267 = tpu.vector_load %arg10[%parallel_loop3A_265, %parallel_loop3A_266] {strides = array<i32>} : memref<80x80xf32, #tpu.memory_space<vmem>>, vector<1x16xf32>,
        %parallel_loop3A_268 = vector.shape_cast %parallel_loop3A_267 : vector<1x16xf32> to vector<16xf32>
        %parallel_loop3A_269 = arith.mulf %parallel_loop3A_268, %parallel_loop3A_264 : vector<16xf32>
        %parallel_loop3A_270 = arith.index_cast %parallel_loop3A_225 : i32 to index
        %parallel_loop3A_271 = arith.constant 16 : index
        %parallel_loop3A_272 = tpu.vector_load %arg12[%parallel_loop3A_270, %parallel_loop3A_271] {strides = array<i32>} : memref<80x80xf32, #tpu.memory_space<vmem>>, vector<1x16xf32>,
        %parallel_loop3A_273 = vector.shape_cast %parallel_loop3A_272 : vector<1x16xf32> to vector<16xf32>
        %parallel_loop3A_274 = vector.shape_cast %parallel_loop3A_269 : vector<16xf32> to vector<1x16xf32>
        tpu.vector_store %arg12[%parallel_loop3A_270, %parallel_loop3A_271], %parallel_loop3A_274 {strides = array<i32>} : memref<80x80xf32, #tpu.memory_space<vmem>>, vector<1x16xf32>,
        %parallel_loop3A_275 = arith.constant 4 : i32
        %parallel_loop3A_276 = vector.broadcast %parallel_loop3A_275 : i32 to vector<16xi32>
        %parallel_loop3A_277 = arith.addi %select_n3A, %parallel_loop3A_276 : vector<16xi32>
        %parallel_loop3A_278 = vector.shape_cast %parallel_loop3A_277 : vector<16xi32> to vector<16x1xi32>
        %parallel_loop3A_279 = vector.shape_cast %parallel_loop3A_278 : vector<16x1xi32> to vector<16xi32>
        %parallel_loop3A_280 = tpu.dynamic_gather %parallel_loop3A_242[%parallel_loop3A_279] in [0] : vector<16xf32>, vector<16xi32> -> vector<16xf32>
        %parallel_loop3A_281 = arith.index_cast %parallel_loop3A_225 : i32 to index
        %parallel_loop3A_282 = arith.constant 32 : index
        %parallel_loop3A_283 = tpu.vector_load %arg10[%parallel_loop3A_281, %parallel_loop3A_282] {strides = array<i32>} : memref<80x80xf32, #tpu.memory_space<vmem>>, vector<1x16xf32>,
        %parallel_loop3A_284 = vector.shape_cast %parallel_loop3A_283 : vector<1x16xf32> to vector<16xf32>
        %parallel_loop3A_285 = arith.mulf %parallel_loop3A_284, %parallel_loop3A_280 : vector<16xf32>
        %parallel_loop3A_286 = arith.index_cast %parallel_loop3A_225 : i32 to index
        %parallel_loop3A_287 = arith.constant 32 : index
        %parallel_loop3A_288 = tpu.vector_load %arg12[%parallel_loop3A_286, %parallel_loop3A_287] {strides = array<i32>} : memref<80x80xf32, #tpu.memory_space<vmem>>, vector<1x16xf32>,
        %parallel_loop3A_289 = vector.shape_cast %parallel_loop3A_288 : vector<1x16xf32> to vector<16xf32>
        %parallel_loop3A_290 = vector.shape_cast %parallel_loop3A_285 : vector<16xf32> to vector<1x16xf32>
        tpu.vector_store %arg12[%parallel_loop3A_286, %parallel_loop3A_287], %parallel_loop3A_290 {strides = array<i32>} : memref<80x80xf32, #tpu.memory_space<vmem>>, vector<1x16xf32>,
        %parallel_loop3A_291 = arith.constant 6 : i32
        %parallel_loop3A_292 = vector.broadcast %parallel_loop3A_291 : i32 to vector<16xi32>
        %parallel_loop3A_293 = arith.addi %select_n3A, %parallel_loop3A_292 : vector<16xi32>
        %parallel_loop3A_294 = vector.shape_cast %parallel_loop3A_293 : vector<16xi32> to vector<16x1xi32>
        %parallel_loop3A_295 = vector.shape_cast %parallel_loop3A_294 : vector<16x1xi32> to vector<16xi32>
        %parallel_loop3A_296 = tpu.dynamic_gather %parallel_loop3A_242[%parallel_loop3A_295] in [0] : vector<16xf32>, vector<16xi32> -> vector<16xf32>
        %parallel_loop3A_297 = arith.index_cast %parallel_loop3A_225 : i32 to index
        %parallel_loop3A_298 = arith.constant 48 : index
        %parallel_loop3A_299 = tpu.vector_load %arg10[%parallel_loop3A_297, %parallel_loop3A_298] {strides = array<i32>} : memref<80x80xf32, #tpu.memory_space<vmem>>, vector<1x16xf32>,
        %parallel_loop3A_300 = vector.shape_cast %parallel_loop3A_299 : vector<1x16xf32> to vector<16xf32>
        %parallel_loop3A_301 = arith.mulf %parallel_loop3A_300, %parallel_loop3A_296 : vector<16xf32>
        %parallel_loop3A_302 = arith.index_cast %parallel_loop3A_225 : i32 to index
        %parallel_loop3A_303 = arith.constant 48 : index
        %parallel_loop3A_304 = tpu.vector_load %arg12[%parallel_loop3A_302, %parallel_loop3A_303] {strides = array<i32>} : memref<80x80xf32, #tpu.memory_space<vmem>>, vector<1x16xf32>,
        %parallel_loop3A_305 = vector.shape_cast %parallel_loop3A_304 : vector<1x16xf32> to vector<16xf32>
        %parallel_loop3A_306 = vector.shape_cast %parallel_loop3A_301 : vector<16xf32> to vector<1x16xf32>
        tpu.vector_store %arg12[%parallel_loop3A_302, %parallel_loop3A_303], %parallel_loop3A_306 {strides = array<i32>} : memref<80x80xf32, #tpu.memory_space<vmem>>, vector<1x16xf32>,
        %parallel_loop3A_307 = arith.index_cast %parallel_loop3A_225 : i32 to index
        %parallel_loop3A_308 = arith.constant 64 : index
        %parallel_loop3A_309 = tpu.vector_load %arg12[%parallel_loop3A_307, %parallel_loop3A_308] {strides = array<i32>} : memref<80x80xf32, #tpu.memory_space<vmem>>, vector<1x16xf32>,
        %parallel_loop3A_310 = vector.shape_cast %parallel_loop3A_309 : vector<1x16xf32> to vector<16xf32>
        %parallel_loop3A_311 = vector.shape_cast %parallel_loop3A_242 : vector<16xf32> to vector<1x16xf32>
        tpu.vector_store %arg12[%parallel_loop3A_307, %parallel_loop3A_308], %parallel_loop3A_311 {strides = array<i32>} : memref<80x80xf32, #tpu.memory_space<vmem>>, vector<1x16xf32>,
      } {sc.loop_unroll_factor = 4 : i64, sc.parallel_access}
      %dma_start3A_172 = arith.constant 0 : i32
      %dma_start3A_173 = tpu.memref_slice %arg9[%mul3A_133, %dma_start3A_172] : memref<125x80xi32, #tpu.memory_space<vmem>> -> memref<1x80xi32, #tpu.memory_space<vmem>>
      %dma_start3A_174 = tpu.memref_squeeze %dma_start3A_173 : memref<1x80xi32, #tpu.memory_space<vmem>> -> memref<80xi32, #tpu.memory_space<vmem>>
      %dma_start3A_175 = arith.constant 0 : i32
      %dma_start3A_176 = arith.constant 0 : i32
      %dma_start3A_177 = tpu.memref_slice %arg16[%dma_start3A_175, %dma_start3A_176] : memref<10240x80xf32, #tpu.memory_space<vmem_shared>> -> memref<10240x80xf32, #tpu.memory_space<vmem_shared>>
      tpu.enqueue_indirect_dma source(%arg12 : memref<80x80xf32, #tpu.memory_space<vmem>>) target(%dma_start3A_177 : memref<10240x80xf32, #tpu.memory_space<vmem_shared>>) offsets(%dma_start3A_174 : memref<80xi32, #tpu.memory_space<vmem>>) semaphore(%arg19 : memref<!tpu.dma_semaphore, #tpu.memory_space<semaphore_mem>>) {add = true}
      %add3A_178 = arith.constant 2 : i32
      %add3A_179 = arith.addi %mul3A_133, %add3A_178 : i32
      %dma_start3A_180 = arith.constant 0 : i32
      %dma_start3A_181 = tpu.memref_slice %arg8[%add3A_179, %dma_start3A_180] : memref<125x80xi32, #tpu.memory_space<vmem>> -> memref<1x80xi32, #tpu.memory_space<vmem>>
      %dma_start3A_182 = tpu.memref_squeeze %dma_start3A_181 : memref<1x80xi32, #tpu.memory_space<vmem>> -> memref<80xi32, #tpu.memory_space<vmem>>
      %dma_start3A_183 = arith.constant 0 : i32
      %dma_start3A_184 = arith.constant 0 : i32
      %dma_start3A_185 = tpu.memref_slice %arg4[%dma_start3A_183, %dma_start3A_184] : memref<10240x80xf32, #tpu.memory_space<hbm>> -> memref<10240x80xf32, #tpu.memory_space<hbm>>
      tpu.enqueue_indirect_dma source(%dma_start3A_185 : memref<10240x80xf32, #tpu.memory_space<hbm>>) target(%arg10 : memref<80x80xf32, #tpu.memory_space<vmem>>) offsets(%dma_start3A_182 : memref<80xi32, #tpu.memory_space<vmem>>) semaphore(%arg17 : memref<!tpu.dma_semaphore, #tpu.memory_space<semaphore_mem>>)
      %dma_start3A_186 = arith.constant 0 : i32
      %dma_start3A_187 = tpu.memref_slice %arg9[%add3A_179, %dma_start3A_186] : memref<125x80xi32, #tpu.memory_space<vmem>> -> memref<1x80xi32, #tpu.memory_space<vmem>>
      %dma_start3A_188 = tpu.memref_squeeze %dma_start3A_187 : memref<1x80xi32, #tpu.memory_space<vmem>> -> memref<80xi32, #tpu.memory_space<vmem>>
      %dma_start3A_189 = arith.constant 0 : i32
      %dma_start3A_190 = arith.constant 0 : i32
      %dma_start3A_191 = tpu.memref_slice %arg5[%dma_start3A_189, %dma_start3A_190] : memref<10240x16xf32, #tpu.memory_space<hbm>> -> memref<10240x16xf32, #tpu.memory_space<hbm>>
      tpu.enqueue_indirect_dma source(%dma_start3A_191 : memref<10240x16xf32, #tpu.memory_space<hbm>>) target(%arg11 : memref<80x16xf32, #tpu.memory_space<vmem>>) offsets(%dma_start3A_188 : memref<80xi32, #tpu.memory_space<vmem>>) semaphore(%arg17 : memref<!tpu.dma_semaphore, #tpu.memory_space<semaphore_mem>>)
      %dma_wait3A_192 = arith.constant 0 : i32
      %dma_wait3A_193 = arith.constant 0 : i32
      %dma_wait3A_194 = tpu.memref_slice %arg8[%dma_wait3A_192, %dma_wait3A_193] : memref<125x80xi32, #tpu.memory_space<vmem>> -> memref<1x80xi32, #tpu.memory_space<vmem>>
      %dma_wait3A_195 = tpu.memref_squeeze %dma_wait3A_194 : memref<1x80xi32, #tpu.memory_space<vmem>> -> memref<80xi32, #tpu.memory_space<vmem>>
      %dma_wait3A_196 = arith.constant 0 : i32
      %dma_wait3A_197 = arith.constant 0 : i32
      %dma_wait3A_198 = tpu.memref_slice %arg4[%dma_wait3A_196, %dma_wait3A_197] : memref<10240x80xf32, #tpu.memory_space<hbm>> -> memref<10240x80xf32, #tpu.memory_space<hbm>>
      tpu.wait_indirect_dma semaphore(%arg18 : memref<!tpu.dma_semaphore, #tpu.memory_space<semaphore_mem>>) src(%dma_wait3A_198 : memref<10240x80xf32, #tpu.memory_space<hbm>>) dst(%arg13 : memref<80x80xf32, #tpu.memory_space<vmem>>)
      %dma_wait3A_199 = arith.constant 0 : i32
      %dma_wait3A_200 = arith.constant 0 : i32
      %dma_wait3A_201 = tpu.memref_slice %arg9[%dma_wait3A_199, %dma_wait3A_200] : memref<125x80xi32, #tpu.memory_space<vmem>> -> memref<1x80xi32, #tpu.memory_space<vmem>>
      %dma_wait3A_202 = tpu.memref_squeeze %dma_wait3A_201 : memref<1x80xi32, #tpu.memory_space<vmem>> -> memref<80xi32, #tpu.memory_space<vmem>>
      %dma_wait3A_203 = arith.constant 0 : i32
      %dma_wait3A_204 = arith.constant 0 : i32
      %dma_wait3A_205 = tpu.memref_slice %arg5[%dma_wait3A_203, %dma_wait3A_204] : memref<10240x16xf32, #tpu.memory_space<hbm>> -> memref<10240x16xf32, #tpu.memory_space<hbm>>
      tpu.wait_indirect_dma semaphore(%arg18 : memref<!tpu.dma_semaphore, #tpu.memory_space<semaphore_mem>>) src(%dma_wait3A_205 : memref<10240x16xf32, #tpu.memory_space<hbm>>) dst(%arg14 : memref<80x16xf32, #tpu.memory_space<vmem>>)
      %dma_wait3A_206 = arith.constant 0 : i32
      %dma_wait3A_207 = arith.constant 0 : i32
      %dma_wait3A_208 = tpu.memref_slice %arg9[%dma_wait3A_206, %dma_wait3A_207] : memref<125x80xi32, #tpu.memory_space<vmem>> -> memref<1x80xi32, #tpu.memory_space<vmem>>
      %dma_wait3A_209 = tpu.memref_squeeze %dma_wait3A_208 : memref<1x80xi32, #tpu.memory_space<vmem>> -> memref<80xi32, #tpu.memory_space<vmem>>
      %dma_wait3A_210 = arith.constant 0 : i32
      %dma_wait3A_211 = arith.constant 0 : i32
      %dma_wait3A_212 = tpu.memref_slice %arg16[%dma_wait3A_210, %dma_wait3A_211] : memref<10240x80xf32, #tpu.memory_space<vmem_shared>> -> memref<10240x80xf32, #tpu.memory_space<vmem_shared>>
      tpu.wait_indirect_dma semaphore(%arg20 : memref<!tpu.dma_semaphore, #tpu.memory_space<semaphore_mem>>) src(%arg15 : memref<80x80xf32, #tpu.memory_space<vmem>>) dst(%dma_wait3A_212 : memref<10240x80xf32, #tpu.memory_space<vmem_shared>>)
      %parallel_loop3A_213 = arith.constant 0 : i32
      %parallel_loop3A_214 = arith.constant 80 : i32
      %parallel_loop3A_215 = arith.constant 1 : i32
      scf.for %parallel_loop3A_225 = %parallel_loop3A_213 to %parallel_loop3A_214 step %parallel_loop3A_215  : i32 {
        %parallel_loop3A_226 = arith.index_cast %parallel_loop3A_225 : i32 to index
        %parallel_loop3A_227 = arith.constant 64 : index
        %parallel_loop3A_228 = tpu.vector_load %arg13[%parallel_loop3A_226, %parallel_loop3A_227] {strides = array<i32>} : memref<80x80xf32, #tpu.memory_space<vmem>>, vector<1x16xf32>,
        %parallel_loop3A_229 = vector.shape_cast %parallel_loop3A_228 : vector<1x16xf32> to vector<16xf32>
        %parallel_loop3A_230 = arith.index_cast %parallel_loop3A_225 : i32 to index
        %parallel_loop3A_231 = arith.constant 0 : index
        %parallel_loop3A_232 = tpu.vector_load %arg14[%parallel_loop3A_230, %parallel_loop3A_231] {strides = array<i32>} : memref<80x16xf32, #tpu.memory_space<vmem>>, vector<1x16xf32>,
        %parallel_loop3A_233 = vector.shape_cast %parallel_loop3A_232 : vector<1x16xf32> to vector<16xf32>
        %parallel_loop3A_234 = arith.addf %parallel_loop3A_229, %parallel_loop3A_233 : vector<16xf32>
        %parallel_loop3A_235 = arith.constant 0.000000e+00 : f32
        %parallel_loop3A_236 = vector.broadcast %parallel_loop3A_235 : f32 to vector<16xf32>
        %parallel_loop3A_237 = arith.cmpf oge, %parallel_loop3A_234, %parallel_loop3A_236 : vector<16xf32>
        %parallel_loop3A_238 = arith.constant 2.000000e-01 : f32
        %parallel_loop3A_239 = vector.broadcast %parallel_loop3A_238 : f32 to vector<16xf32>
        %parallel_loop3A_240 = arith.mulf %parallel_loop3A_239, %parallel_loop3A_234 : vector<16xf32>
        %parallel_loop3A_241 = arith.select %parallel_loop3A_237, %parallel_loop3A_234, %parallel_loop3A_240 : vector<16xi1>, vector<16xf32>
        %parallel_loop3A_242 = math.exp %parallel_loop3A_241 : vector<16xf32>
        %parallel_loop3A_243 = arith.constant 0 : i32
        %parallel_loop3A_244 = vector.broadcast %parallel_loop3A_243 : i32 to vector<16xi32>
        %parallel_loop3A_245 = arith.addi %select_n3A, %parallel_loop3A_244 : vector<16xi32>
        %parallel_loop3A_246 = vector.shape_cast %parallel_loop3A_245 : vector<16xi32> to vector<16x1xi32>
        %parallel_loop3A_247 = vector.shape_cast %parallel_loop3A_246 : vector<16x1xi32> to vector<16xi32>
        %parallel_loop3A_248 = tpu.dynamic_gather %parallel_loop3A_242[%parallel_loop3A_247] in [0] : vector<16xf32>, vector<16xi32> -> vector<16xf32>
        %parallel_loop3A_249 = arith.index_cast %parallel_loop3A_225 : i32 to index
        %parallel_loop3A_250 = arith.constant 0 : index
        %parallel_loop3A_251 = tpu.vector_load %arg13[%parallel_loop3A_249, %parallel_loop3A_250] {strides = array<i32>} : memref<80x80xf32, #tpu.memory_space<vmem>>, vector<1x16xf32>,
        %parallel_loop3A_252 = vector.shape_cast %parallel_loop3A_251 : vector<1x16xf32> to vector<16xf32>
        %parallel_loop3A_253 = arith.mulf %parallel_loop3A_252, %parallel_loop3A_248 : vector<16xf32>
        %parallel_loop3A_254 = arith.index_cast %parallel_loop3A_225 : i32 to index
        %parallel_loop3A_255 = arith.constant 0 : index
        %parallel_loop3A_256 = tpu.vector_load %arg15[%parallel_loop3A_254, %parallel_loop3A_255] {strides = array<i32>} : memref<80x80xf32, #tpu.memory_space<vmem>>, vector<1x16xf32>,
        %parallel_loop3A_257 = vector.shape_cast %parallel_loop3A_256 : vector<1x16xf32> to vector<16xf32>
        %parallel_loop3A_258 = vector.shape_cast %parallel_loop3A_253 : vector<16xf32> to vector<1x16xf32>
        tpu.vector_store %arg15[%parallel_loop3A_254, %parallel_loop3A_255], %parallel_loop3A_258 {strides = array<i32>} : memref<80x80xf32, #tpu.memory_space<vmem>>, vector<1x16xf32>,
        %parallel_loop3A_259 = arith.constant 2 : i32
        %parallel_loop3A_260 = vector.broadcast %parallel_loop3A_259 : i32 to vector<16xi32>
        %parallel_loop3A_261 = arith.addi %select_n3A, %parallel_loop3A_260 : vector<16xi32>
        %parallel_loop3A_262 = vector.shape_cast %parallel_loop3A_261 : vector<16xi32> to vector<16x1xi32>
        %parallel_loop3A_263 = vector.shape_cast %parallel_loop3A_262 : vector<16x1xi32> to vector<16xi32>
        %parallel_loop3A_264 = tpu.dynamic_gather %parallel_loop3A_242[%parallel_loop3A_263] in [0] : vector<16xf32>, vector<16xi32> -> vector<16xf32>
        %parallel_loop3A_265 = arith.index_cast %parallel_loop3A_225 : i32 to index
        %parallel_loop3A_266 = arith.constant 16 : index
        %parallel_loop3A_267 = tpu.vector_load %arg13[%parallel_loop3A_265, %parallel_loop3A_266] {strides = array<i32>} : memref<80x80xf32, #tpu.memory_space<vmem>>, vector<1x16xf32>,
        %parallel_loop3A_268 = vector.shape_cast %parallel_loop3A_267 : vector<1x16xf32> to vector<16xf32>
        %parallel_loop3A_269 = arith.mulf %parallel_loop3A_268, %parallel_loop3A_264 : vector<16xf32>
        %parallel_loop3A_270 = arith.index_cast %parallel_loop3A_225 : i32 to index
        %parallel_loop3A_271 = arith.constant 16 : index
        %parallel_loop3A_272 = tpu.vector_load %arg15[%parallel_loop3A_270, %parallel_loop3A_271] {strides = array<i32>} : memref<80x80xf32, #tpu.memory_space<vmem>>, vector<1x16xf32>,
        %parallel_loop3A_273 = vector.shape_cast %parallel_loop3A_272 : vector<1x16xf32> to vector<16xf32>
        %parallel_loop3A_274 = vector.shape_cast %parallel_loop3A_269 : vector<16xf32> to vector<1x16xf32>
        tpu.vector_store %arg15[%parallel_loop3A_270, %parallel_loop3A_271], %parallel_loop3A_274 {strides = array<i32>} : memref<80x80xf32, #tpu.memory_space<vmem>>, vector<1x16xf32>,
        %parallel_loop3A_275 = arith.constant 4 : i32
        %parallel_loop3A_276 = vector.broadcast %parallel_loop3A_275 : i32 to vector<16xi32>
        %parallel_loop3A_277 = arith.addi %select_n3A, %parallel_loop3A_276 : vector<16xi32>
        %parallel_loop3A_278 = vector.shape_cast %parallel_loop3A_277 : vector<16xi32> to vector<16x1xi32>
        %parallel_loop3A_279 = vector.shape_cast %parallel_loop3A_278 : vector<16x1xi32> to vector<16xi32>
        %parallel_loop3A_280 = tpu.dynamic_gather %parallel_loop3A_242[%parallel_loop3A_279] in [0] : vector<16xf32>, vector<16xi32> -> vector<16xf32>
        %parallel_loop3A_281 = arith.index_cast %parallel_loop3A_225 : i32 to index
        %parallel_loop3A_282 = arith.constant 32 : index
        %parallel_loop3A_283 = tpu.vector_load %arg13[%parallel_loop3A_281, %parallel_loop3A_282] {strides = array<i32>} : memref<80x80xf32, #tpu.memory_space<vmem>>, vector<1x16xf32>,
        %parallel_loop3A_284 = vector.shape_cast %parallel_loop3A_283 : vector<1x16xf32> to vector<16xf32>
        %parallel_loop3A_285 = arith.mulf %parallel_loop3A_284, %parallel_loop3A_280 : vector<16xf32>
        %parallel_loop3A_286 = arith.index_cast %parallel_loop3A_225 : i32 to index
        %parallel_loop3A_287 = arith.constant 32 : index
        %parallel_loop3A_288 = tpu.vector_load %arg15[%parallel_loop3A_286, %parallel_loop3A_287] {strides = array<i32>} : memref<80x80xf32, #tpu.memory_space<vmem>>, vector<1x16xf32>,
        %parallel_loop3A_289 = vector.shape_cast %parallel_loop3A_288 : vector<1x16xf32> to vector<16xf32>
        %parallel_loop3A_290 = vector.shape_cast %parallel_loop3A_285 : vector<16xf32> to vector<1x16xf32>
        tpu.vector_store %arg15[%parallel_loop3A_286, %parallel_loop3A_287], %parallel_loop3A_290 {strides = array<i32>} : memref<80x80xf32, #tpu.memory_space<vmem>>, vector<1x16xf32>,
        %parallel_loop3A_291 = arith.constant 6 : i32
        %parallel_loop3A_292 = vector.broadcast %parallel_loop3A_291 : i32 to vector<16xi32>
        %parallel_loop3A_293 = arith.addi %select_n3A, %parallel_loop3A_292 : vector<16xi32>
        %parallel_loop3A_294 = vector.shape_cast %parallel_loop3A_293 : vector<16xi32> to vector<16x1xi32>
        %parallel_loop3A_295 = vector.shape_cast %parallel_loop3A_294 : vector<16x1xi32> to vector<16xi32>
        %parallel_loop3A_296 = tpu.dynamic_gather %parallel_loop3A_242[%parallel_loop3A_295] in [0] : vector<16xf32>, vector<16xi32> -> vector<16xf32>
        %parallel_loop3A_297 = arith.index_cast %parallel_loop3A_225 : i32 to index
        %parallel_loop3A_298 = arith.constant 48 : index
        %parallel_loop3A_299 = tpu.vector_load %arg13[%parallel_loop3A_297, %parallel_loop3A_298] {strides = array<i32>} : memref<80x80xf32, #tpu.memory_space<vmem>>, vector<1x16xf32>,
        %parallel_loop3A_300 = vector.shape_cast %parallel_loop3A_299 : vector<1x16xf32> to vector<16xf32>
        %parallel_loop3A_301 = arith.mulf %parallel_loop3A_300, %parallel_loop3A_296 : vector<16xf32>
        %parallel_loop3A_302 = arith.index_cast %parallel_loop3A_225 : i32 to index
        %parallel_loop3A_303 = arith.constant 48 : index
        %parallel_loop3A_304 = tpu.vector_load %arg15[%parallel_loop3A_302, %parallel_loop3A_303] {strides = array<i32>} : memref<80x80xf32, #tpu.memory_space<vmem>>, vector<1x16xf32>,
        %parallel_loop3A_305 = vector.shape_cast %parallel_loop3A_304 : vector<1x16xf32> to vector<16xf32>
        %parallel_loop3A_306 = vector.shape_cast %parallel_loop3A_301 : vector<16xf32> to vector<1x16xf32>
        tpu.vector_store %arg15[%parallel_loop3A_302, %parallel_loop3A_303], %parallel_loop3A_306 {strides = array<i32>} : memref<80x80xf32, #tpu.memory_space<vmem>>, vector<1x16xf32>,
        %parallel_loop3A_307 = arith.index_cast %parallel_loop3A_225 : i32 to index
        %parallel_loop3A_308 = arith.constant 64 : index
        %parallel_loop3A_309 = tpu.vector_load %arg15[%parallel_loop3A_307, %parallel_loop3A_308] {strides = array<i32>} : memref<80x80xf32, #tpu.memory_space<vmem>>, vector<1x16xf32>,
        %parallel_loop3A_310 = vector.shape_cast %parallel_loop3A_309 : vector<1x16xf32> to vector<16xf32>
        %parallel_loop3A_311 = vector.shape_cast %parallel_loop3A_242 : vector<16xf32> to vector<1x16xf32>
        tpu.vector_store %arg15[%parallel_loop3A_307, %parallel_loop3A_308], %parallel_loop3A_311 {strides = array<i32>} : memref<80x80xf32, #tpu.memory_space<vmem>>, vector<1x16xf32>,
      } {sc.loop_unroll_factor = 4 : i64, sc.parallel_access}
      %add3A_216 = arith.constant 1 : i32
      %add3A_217 = arith.addi %mul3A_133, %add3A_216 : i32
      %dma_start3A_218 = arith.constant 0 : i32
      %dma_start3A_219 = tpu.memref_slice %arg9[%add3A_217, %dma_start3A_218] : memref<125x80xi32, #tpu.memory_space<vmem>> -> memref<1x80xi32, #tpu.memory_space<vmem>>
      %dma_start3A_220 = tpu.memref_squeeze %dma_start3A_219 : memref<1x80xi32, #tpu.memory_space<vmem>> -> memref<80xi32, #tpu.memory_space<vmem>>
      %dma_start3A_221 = arith.constant 0 : i32
      %dma_start3A_222 = arith.constant 0 : i32
      %dma_start3A_223 = tpu.memref_slice %arg16[%dma_start3A_221, %dma_start3A_222] : memref<10240x80xf32, #tpu.memory_space<vmem_shared>> -> memref<10240x80xf32, #tpu.memory_space<vmem_shared>>
      tpu.enqueue_indirect_dma source(%arg15 : memref<80x80xf32, #tpu.memory_space<vmem>>) target(%dma_start3A_223 : memref<10240x80xf32, #tpu.memory_space<vmem_shared>>) offsets(%dma_start3A_220 : memref<80xi32, #tpu.memory_space<vmem>>) semaphore(%arg20 : memref<!tpu.dma_semaphore, #tpu.memory_space<semaphore_mem>>) {add = true}
      %scan3A_224 = arith.constant 0 : i32
      scf.yield %scan3A_224 : i32
    }
    %scan3A_76 = arith.constant 62 : i32
    %dma_wait3A = arith.constant 0 : i32
    %dma_wait3A_77 = arith.constant 0 : i32
    %dma_wait3A_78 = tpu.memref_slice %arg8[%dma_wait3A, %dma_wait3A_77] : memref<125x80xi32, #tpu.memory_space<vmem>> -> memref<1x80xi32, #tpu.memory_space<vmem>>
    %dma_wait3A_79 = tpu.memref_squeeze %dma_wait3A_78 : memref<1x80xi32, #tpu.memory_space<vmem>> -> memref<80xi32, #tpu.memory_space<vmem>>
    %dma_wait3A_80 = arith.constant 0 : i32
    %dma_wait3A_81 = arith.constant 0 : i32
    %dma_wait3A_82 = tpu.memref_slice %arg4[%dma_wait3A_80, %dma_wait3A_81] : memref<10240x80xf32, #tpu.memory_space<hbm>> -> memref<10240x80xf32, #tpu.memory_space<hbm>>
    tpu.wait_indirect_dma semaphore(%arg17 : memref<!tpu.dma_semaphore, #tpu.memory_space<semaphore_mem>>) src(%dma_wait3A_82 : memref<10240x80xf32, #tpu.memory_space<hbm>>) dst(%arg10 : memref<80x80xf32, #tpu.memory_space<vmem>>)
    %dma_wait3A_83 = arith.constant 0 : i32
    %dma_wait3A_84 = arith.constant 0 : i32
    %dma_wait3A_85 = tpu.memref_slice %arg9[%dma_wait3A_83, %dma_wait3A_84] : memref<125x80xi32, #tpu.memory_space<vmem>> -> memref<1x80xi32, #tpu.memory_space<vmem>>
    %dma_wait3A_86 = tpu.memref_squeeze %dma_wait3A_85 : memref<1x80xi32, #tpu.memory_space<vmem>> -> memref<80xi32, #tpu.memory_space<vmem>>
    %dma_wait3A_87 = arith.constant 0 : i32
    %dma_wait3A_88 = arith.constant 0 : i32
    %dma_wait3A_89 = tpu.memref_slice %arg5[%dma_wait3A_87, %dma_wait3A_88] : memref<10240x16xf32, #tpu.memory_space<hbm>> -> memref<10240x16xf32, #tpu.memory_space<hbm>>
    tpu.wait_indirect_dma semaphore(%arg17 : memref<!tpu.dma_semaphore, #tpu.memory_space<semaphore_mem>>) src(%dma_wait3A_89 : memref<10240x16xf32, #tpu.memory_space<hbm>>) dst(%arg11 : memref<80x16xf32, #tpu.memory_space<vmem>>)
    %dma_wait3A_90 = arith.constant 0 : i32
    %dma_wait3A_91 = arith.constant 0 : i32
    %dma_wait3A_92 = tpu.memref_slice %arg9[%dma_wait3A_90, %dma_wait3A_91] : memref<125x80xi32, #tpu.memory_space<vmem>> -> memref<1x80xi32, #tpu.memory_space<vmem>>
    %dma_wait3A_93 = tpu.memref_squeeze %dma_wait3A_92 : memref<1x80xi32, #tpu.memory_space<vmem>> -> memref<80xi32, #tpu.memory_space<vmem>>
    %dma_wait3A_94 = arith.constant 0 : i32
    %dma_wait3A_95 = arith.constant 0 : i32
    %dma_wait3A_96 = tpu.memref_slice %arg16[%dma_wait3A_94, %dma_wait3A_95] : memref<10240x80xf32, #tpu.memory_space<vmem_shared>> -> memref<10240x80xf32, #tpu.memory_space<vmem_shared>>
    tpu.wait_indirect_dma semaphore(%arg19 : memref<!tpu.dma_semaphore, #tpu.memory_space<semaphore_mem>>) src(%arg12 : memref<80x80xf32, #tpu.memory_space<vmem>>) dst(%dma_wait3A_96 : memref<10240x80xf32, #tpu.memory_space<vmem_shared>>)
    %parallel_loop3A = arith.constant 0 : i32
    %parallel_loop3A_97 = arith.constant 80 : i32
    %parallel_loop3A_98 = arith.constant 1 : i32
    scf.for %parallel_loop3A_130 = %parallel_loop3A to %parallel_loop3A_97 step %parallel_loop3A_98  : i32 {
      %parallel_loop3A_131 = arith.index_cast %parallel_loop3A_130 : i32 to index
      %parallel_loop3A_132 = arith.constant 64 : index
      %parallel_loop3A_133 = tpu.vector_load %arg10[%parallel_loop3A_131, %parallel_loop3A_132] {strides = array<i32>} : memref<80x80xf32, #tpu.memory_space<vmem>>, vector<1x16xf32>,
      %parallel_loop3A_134 = vector.shape_cast %parallel_loop3A_133 : vector<1x16xf32> to vector<16xf32>
      %parallel_loop3A_135 = arith.index_cast %parallel_loop3A_130 : i32 to index
      %parallel_loop3A_136 = arith.constant 0 : index
      %parallel_loop3A_137 = tpu.vector_load %arg11[%parallel_loop3A_135, %parallel_loop3A_136] {strides = array<i32>} : memref<80x16xf32, #tpu.memory_space<vmem>>, vector<1x16xf32>,
      %parallel_loop3A_138 = vector.shape_cast %parallel_loop3A_137 : vector<1x16xf32> to vector<16xf32>
      %parallel_loop3A_139 = arith.addf %parallel_loop3A_134, %parallel_loop3A_138 : vector<16xf32>
      %parallel_loop3A_140 = arith.constant 0.000000e+00 : f32
      %parallel_loop3A_141 = vector.broadcast %parallel_loop3A_140 : f32 to vector<16xf32>
      %parallel_loop3A_142 = arith.cmpf oge, %parallel_loop3A_139, %parallel_loop3A_141 : vector<16xf32>
      %parallel_loop3A_143 = arith.constant 2.000000e-01 : f32
      %parallel_loop3A_144 = vector.broadcast %parallel_loop3A_143 : f32 to vector<16xf32>
      %parallel_loop3A_145 = arith.mulf %parallel_loop3A_144, %parallel_loop3A_139 : vector<16xf32>
      %parallel_loop3A_146 = arith.select %parallel_loop3A_142, %parallel_loop3A_139, %parallel_loop3A_145 : vector<16xi1>, vector<16xf32>
      %parallel_loop3A_147 = math.exp %parallel_loop3A_146 : vector<16xf32>
      %parallel_loop3A_148 = arith.constant 0 : i32
      %parallel_loop3A_149 = vector.broadcast %parallel_loop3A_148 : i32 to vector<16xi32>
      %parallel_loop3A_150 = arith.addi %select_n3A, %parallel_loop3A_149 : vector<16xi32>
      %parallel_loop3A_151 = vector.shape_cast %parallel_loop3A_150 : vector<16xi32> to vector<16x1xi32>
      %parallel_loop3A_152 = vector.shape_cast %parallel_loop3A_151 : vector<16x1xi32> to vector<16xi32>
      %parallel_loop3A_153 = tpu.dynamic_gather %parallel_loop3A_147[%parallel_loop3A_152] in [0] : vector<16xf32>, vector<16xi32> -> vector<16xf32>
      %parallel_loop3A_154 = arith.index_cast %parallel_loop3A_130 : i32 to index
      %parallel_loop3A_155 = arith.constant 0 : index
      %parallel_loop3A_156 = tpu.vector_load %arg10[%parallel_loop3A_154, %parallel_loop3A_155] {strides = array<i32>} : memref<80x80xf32, #tpu.memory_space<vmem>>, vector<1x16xf32>,
      %parallel_loop3A_157 = vector.shape_cast %parallel_loop3A_156 : vector<1x16xf32> to vector<16xf32>
      %parallel_loop3A_158 = arith.mulf %parallel_loop3A_157, %parallel_loop3A_153 : vector<16xf32>
      %parallel_loop3A_159 = arith.index_cast %parallel_loop3A_130 : i32 to index
      %parallel_loop3A_160 = arith.constant 0 : index
      %parallel_loop3A_161 = tpu.vector_load %arg12[%parallel_loop3A_159, %parallel_loop3A_160] {strides = array<i32>} : memref<80x80xf32, #tpu.memory_space<vmem>>, vector<1x16xf32>,
      %parallel_loop3A_162 = vector.shape_cast %parallel_loop3A_161 : vector<1x16xf32> to vector<16xf32>
      %parallel_loop3A_163 = vector.shape_cast %parallel_loop3A_158 : vector<16xf32> to vector<1x16xf32>
      tpu.vector_store %arg12[%parallel_loop3A_159, %parallel_loop3A_160], %parallel_loop3A_163 {strides = array<i32>} : memref<80x80xf32, #tpu.memory_space<vmem>>, vector<1x16xf32>,
      %parallel_loop3A_164 = arith.constant 2 : i32
      %parallel_loop3A_165 = vector.broadcast %parallel_loop3A_164 : i32 to vector<16xi32>
      %parallel_loop3A_166 = arith.addi %select_n3A, %parallel_loop3A_165 : vector<16xi32>
      %parallel_loop3A_167 = vector.shape_cast %parallel_loop3A_166 : vector<16xi32> to vector<16x1xi32>
      %parallel_loop3A_168 = vector.shape_cast %parallel_loop3A_167 : vector<16x1xi32> to vector<16xi32>
      %parallel_loop3A_169 = tpu.dynamic_gather %parallel_loop3A_147[%parallel_loop3A_168] in [0] : vector<16xf32>, vector<16xi32> -> vector<16xf32>
      %parallel_loop3A_170 = arith.index_cast %parallel_loop3A_130 : i32 to index
      %parallel_loop3A_171 = arith.constant 16 : index
      %parallel_loop3A_172 = tpu.vector_load %arg10[%parallel_loop3A_170, %parallel_loop3A_171] {strides = array<i32>} : memref<80x80xf32, #tpu.memory_space<vmem>>, vector<1x16xf32>,
      %parallel_loop3A_173 = vector.shape_cast %parallel_loop3A_172 : vector<1x16xf32> to vector<16xf32>
      %parallel_loop3A_174 = arith.mulf %parallel_loop3A_173, %parallel_loop3A_169 : vector<16xf32>
      %parallel_loop3A_175 = arith.index_cast %parallel_loop3A_130 : i32 to index
      %parallel_loop3A_176 = arith.constant 16 : index
      %parallel_loop3A_177 = tpu.vector_load %arg12[%parallel_loop3A_175, %parallel_loop3A_176] {strides = array<i32>} : memref<80x80xf32, #tpu.memory_space<vmem>>, vector<1x16xf32>,
      %parallel_loop3A_178 = vector.shape_cast %parallel_loop3A_177 : vector<1x16xf32> to vector<16xf32>
      %parallel_loop3A_179 = vector.shape_cast %parallel_loop3A_174 : vector<16xf32> to vector<1x16xf32>
      tpu.vector_store %arg12[%parallel_loop3A_175, %parallel_loop3A_176], %parallel_loop3A_179 {strides = array<i32>} : memref<80x80xf32, #tpu.memory_space<vmem>>, vector<1x16xf32>,
      %parallel_loop3A_180 = arith.constant 4 : i32
      %parallel_loop3A_181 = vector.broadcast %parallel_loop3A_180 : i32 to vector<16xi32>
      %parallel_loop3A_182 = arith.addi %select_n3A, %parallel_loop3A_181 : vector<16xi32>
      %parallel_loop3A_183 = vector.shape_cast %parallel_loop3A_182 : vector<16xi32> to vector<16x1xi32>
      %parallel_loop3A_184 = vector.shape_cast %parallel_loop3A_183 : vector<16x1xi32> to vector<16xi32>
      %parallel_loop3A_185 = tpu.dynamic_gather %parallel_loop3A_147[%parallel_loop3A_184] in [0] : vector<16xf32>, vector<16xi32> -> vector<16xf32>
      %parallel_loop3A_186 = arith.index_cast %parallel_loop3A_130 : i32 to index
      %parallel_loop3A_187 = arith.constant 32 : index
      %parallel_loop3A_188 = tpu.vector_load %arg10[%parallel_loop3A_186, %parallel_loop3A_187] {strides = array<i32>} : memref<80x80xf32, #tpu.memory_space<vmem>>, vector<1x16xf32>,
      %parallel_loop3A_189 = vector.shape_cast %parallel_loop3A_188 : vector<1x16xf32> to vector<16xf32>
      %parallel_loop3A_190 = arith.mulf %parallel_loop3A_189, %parallel_loop3A_185 : vector<16xf32>
      %parallel_loop3A_191 = arith.index_cast %parallel_loop3A_130 : i32 to index
      %parallel_loop3A_192 = arith.constant 32 : index
      %parallel_loop3A_193 = tpu.vector_load %arg12[%parallel_loop3A_191, %parallel_loop3A_192] {strides = array<i32>} : memref<80x80xf32, #tpu.memory_space<vmem>>, vector<1x16xf32>,
      %parallel_loop3A_194 = vector.shape_cast %parallel_loop3A_193 : vector<1x16xf32> to vector<16xf32>
      %parallel_loop3A_195 = vector.shape_cast %parallel_loop3A_190 : vector<16xf32> to vector<1x16xf32>
      tpu.vector_store %arg12[%parallel_loop3A_191, %parallel_loop3A_192], %parallel_loop3A_195 {strides = array<i32>} : memref<80x80xf32, #tpu.memory_space<vmem>>, vector<1x16xf32>,
      %parallel_loop3A_196 = arith.constant 6 : i32
      %parallel_loop3A_197 = vector.broadcast %parallel_loop3A_196 : i32 to vector<16xi32>
      %parallel_loop3A_198 = arith.addi %select_n3A, %parallel_loop3A_197 : vector<16xi32>
      %parallel_loop3A_199 = vector.shape_cast %parallel_loop3A_198 : vector<16xi32> to vector<16x1xi32>
      %parallel_loop3A_200 = vector.shape_cast %parallel_loop3A_199 : vector<16x1xi32> to vector<16xi32>
      %parallel_loop3A_201 = tpu.dynamic_gather %parallel_loop3A_147[%parallel_loop3A_200] in [0] : vector<16xf32>, vector<16xi32> -> vector<16xf32>
      %parallel_loop3A_202 = arith.index_cast %parallel_loop3A_130 : i32 to index
      %parallel_loop3A_203 = arith.constant 48 : index
      %parallel_loop3A_204 = tpu.vector_load %arg10[%parallel_loop3A_202, %parallel_loop3A_203] {strides = array<i32>} : memref<80x80xf32, #tpu.memory_space<vmem>>, vector<1x16xf32>,
      %parallel_loop3A_205 = vector.shape_cast %parallel_loop3A_204 : vector<1x16xf32> to vector<16xf32>
      %parallel_loop3A_206 = arith.mulf %parallel_loop3A_205, %parallel_loop3A_201 : vector<16xf32>
      %parallel_loop3A_207 = arith.index_cast %parallel_loop3A_130 : i32 to index
      %parallel_loop3A_208 = arith.constant 48 : index
      %parallel_loop3A_209 = tpu.vector_load %arg12[%parallel_loop3A_207, %parallel_loop3A_208] {strides = array<i32>} : memref<80x80xf32, #tpu.memory_space<vmem>>, vector<1x16xf32>,
      %parallel_loop3A_210 = vector.shape_cast %parallel_loop3A_209 : vector<1x16xf32> to vector<16xf32>
      %parallel_loop3A_211 = vector.shape_cast %parallel_loop3A_206 : vector<16xf32> to vector<1x16xf32>
      tpu.vector_store %arg12[%parallel_loop3A_207, %parallel_loop3A_208], %parallel_loop3A_211 {strides = array<i32>} : memref<80x80xf32, #tpu.memory_space<vmem>>, vector<1x16xf32>,
      %parallel_loop3A_212 = arith.index_cast %parallel_loop3A_130 : i32 to index
      %parallel_loop3A_213 = arith.constant 64 : index
      %parallel_loop3A_214 = tpu.vector_load %arg12[%parallel_loop3A_212, %parallel_loop3A_213] {strides = array<i32>} : memref<80x80xf32, #tpu.memory_space<vmem>>, vector<1x16xf32>,
      %parallel_loop3A_215 = vector.shape_cast %parallel_loop3A_214 : vector<1x16xf32> to vector<16xf32>
      %parallel_loop3A_216 = vector.shape_cast %parallel_loop3A_147 : vector<16xf32> to vector<1x16xf32>
      tpu.vector_store %arg12[%parallel_loop3A_212, %parallel_loop3A_213], %parallel_loop3A_216 {strides = array<i32>} : memref<80x80xf32, #tpu.memory_space<vmem>>, vector<1x16xf32>,
    } {sc.loop_unroll_factor = 4 : i64, sc.parallel_access}
    %dma_start3A_99 = arith.constant 124 : i32
    %dma_start3A_100 = arith.constant 0 : i32
    %dma_start3A_101 = tpu.memref_slice %arg9[%dma_start3A_99, %dma_start3A_100] : memref<125x80xi32, #tpu.memory_space<vmem>> -> memref<1x80xi32, #tpu.memory_space<vmem>>
    %dma_start3A_102 = tpu.memref_squeeze %dma_start3A_101 : memref<1x80xi32, #tpu.memory_space<vmem>> -> memref<80xi32, #tpu.memory_space<vmem>>
    %dma_start3A_103 = arith.constant 0 : i32
    %dma_start3A_104 = arith.constant 0 : i32
    %dma_start3A_105 = tpu.memref_slice %arg16[%dma_start3A_103, %dma_start3A_104] : memref<10240x80xf32, #tpu.memory_space<vmem_shared>> -> memref<10240x80xf32, #tpu.memory_space<vmem_shared>>
    tpu.enqueue_indirect_dma source(%arg12 : memref<80x80xf32, #tpu.memory_space<vmem>>) target(%dma_start3A_105 : memref<10240x80xf32, #tpu.memory_space<vmem_shared>>) offsets(%dma_start3A_102 : memref<80xi32, #tpu.memory_space<vmem>>) semaphore(%arg19 : memref<!tpu.dma_semaphore, #tpu.memory_space<semaphore_mem>>) {add = true}
    %dma_wait3A_106 = arith.constant 0 : i32
    %dma_wait3A_107 = arith.constant 0 : i32
    %dma_wait3A_108 = tpu.memref_slice %arg9[%dma_wait3A_106, %dma_wait3A_107] : memref<125x80xi32, #tpu.memory_space<vmem>> -> memref<1x80xi32, #tpu.memory_space<vmem>>
    %dma_wait3A_109 = tpu.memref_squeeze %dma_wait3A_108 : memref<1x80xi32, #tpu.memory_space<vmem>> -> memref<80xi32, #tpu.memory_space<vmem>>
    %dma_wait3A_110 = arith.constant 0 : i32
    %dma_wait3A_111 = arith.constant 0 : i32
    %dma_wait3A_112 = tpu.memref_slice %arg16[%dma_wait3A_110, %dma_wait3A_111] : memref<10240x80xf32, #tpu.memory_space<vmem_shared>> -> memref<10240x80xf32, #tpu.memory_space<vmem_shared>>
    tpu.wait_indirect_dma semaphore(%arg19 : memref<!tpu.dma_semaphore, #tpu.memory_space<semaphore_mem>>) src(%arg12 : memref<80x80xf32, #tpu.memory_space<vmem>>) dst(%dma_wait3A_112 : memref<10240x80xf32, #tpu.memory_space<vmem_shared>>)
    %dma_wait3A_113 = arith.constant 0 : i32
    %dma_wait3A_114 = arith.constant 0 : i32
    %dma_wait3A_115 = tpu.memref_slice %arg9[%dma_wait3A_113, %dma_wait3A_114] : memref<125x80xi32, #tpu.memory_space<vmem>> -> memref<1x80xi32, #tpu.memory_space<vmem>>
    %dma_wait3A_116 = tpu.memref_squeeze %dma_wait3A_115 : memref<1x80xi32, #tpu.memory_space<vmem>> -> memref<80xi32, #tpu.memory_space<vmem>>
    %dma_wait3A_117 = arith.constant 0 : i32
    %dma_wait3A_118 = arith.constant 0 : i32
    %dma_wait3A_119 = tpu.memref_slice %arg16[%dma_wait3A_117, %dma_wait3A_118] : memref<10240x80xf32, #tpu.memory_space<vmem_shared>> -> memref<10240x80xf32, #tpu.memory_space<vmem_shared>>
    tpu.wait_indirect_dma semaphore(%arg20 : memref<!tpu.dma_semaphore, #tpu.memory_space<semaphore_mem>>) src(%arg15 : memref<80x80xf32, #tpu.memory_space<vmem>>) dst(%dma_wait3A_119 : memref<10240x80xf32, #tpu.memory_space<vmem_shared>>)
    %barrier3A_120 = arith.constant 0 : index
    tpu.barrier barrier_id(%barrier3A_120)
    %mul3A_121 = arith.constant 640 : i32
    %mul3A_122 = arith.muli %arg1, %mul3A_121 : i32
    %eq3A = arith.constant 0 : i32
    %eq3A_123 = arith.cmpi eq, %arg0, %eq3A : i32
    %convert_element_type3A = arith.extui %eq3A_123 : i1 to i32
    %cond3A = arith.constant 0 : i32
    %cond3A_124 = arith.cmpi ne, %convert_element_type3A, %cond3A : i32
    scf.if %cond3A_124 {
      %mul3A_130 = arith.constant 640 : i32
      %mul3A_131 = arith.muli %arg1, %mul3A_130 : i32
      "tpu.region"() ({
        %run_scoped3A = tpu.sem_alloc : memref<!tpu.dma_semaphore, #tpu.memory_space<semaphore_mem>>
        %dma_start3A_132 = arith.constant 0 : i32
        %dma_start3A_133 = tpu.memref_slice %arg6[%mul3A_131, %dma_start3A_132] : memref<10240x80xf32, #tpu.memory_space<hbm>> -> memref<640x80xf32, #tpu.memory_space<hbm>>
        %dma_start3A_134 = arith.constant 0 : i32
        %dma_start3A_135 = tpu.memref_slice %arg16[%mul3A_122, %dma_start3A_134] : memref<10240x80xf32, #tpu.memory_space<vmem_shared>> -> memref<640x80xf32, #tpu.memory_space<vmem_shared>>
        tpu.enqueue_dma source(%dma_start3A_135 : memref<640x80xf32, #tpu.memory_space<vmem_shared>>) target(%dma_start3A_133 : memref<640x80xf32, #tpu.memory_space<hbm>>) target_semaphore(%run_scoped3A : memref<!tpu.dma_semaphore, #tpu.memory_space<semaphore_mem>>)
        %dma_wait3A_136 = arith.constant 0 : i32
        %dma_wait3A_137 = tpu.memref_slice %arg6[%mul3A_131, %dma_wait3A_136] : memref<10240x80xf32, #tpu.memory_space<hbm>> -> memref<640x80xf32, #tpu.memory_space<hbm>>
        %dma_wait3A_138 = arith.constant 0 : i32
        %dma_wait3A_139 = tpu.memref_slice %arg16[%mul3A_122, %dma_wait3A_138] : memref<10240x80xf32, #tpu.memory_space<vmem_shared>> -> memref<640x80xf32, #tpu.memory_space<vmem_shared>>
        tpu.wait_dma2 semaphore(%run_scoped3A : memref<!tpu.dma_semaphore, #tpu.memory_space<semaphore_mem>>) src(%dma_wait3A_139 : memref<640x80xf32, #tpu.memory_space<vmem_shared>>) dst(%dma_wait3A_137 : memref<640x80xf32, #tpu.memory_space<hbm>>)
        tpu.yield
      }) : () -> ()
    } else {
    }
    %eq3A_125 = arith.constant 1 : i32
    %eq3A_126 = arith.cmpi eq, %arg0, %eq3A_125 : i32
    %convert_element_type3A_127 = arith.extui %eq3A_126 : i1 to i32
    %cond3A_128 = arith.constant 0 : i32
    %cond3A_129 = arith.cmpi ne, %convert_element_type3A_127, %cond3A_128 : i32
    scf.if %cond3A_129 {
      %mul3A_130 = arith.constant 640 : i32
      %mul3A_131 = arith.muli %arg1, %mul3A_130 : i32
      "tpu.region"() ({
        %run_scoped3A = tpu.sem_alloc : memref<!tpu.dma_semaphore, #tpu.memory_space<semaphore_mem>>
        %dma_start3A_132 = arith.constant 0 : i32
        %dma_start3A_133 = tpu.memref_slice %arg7[%mul3A_131, %dma_start3A_132] : memref<10240x80xf32, #tpu.memory_space<hbm>> -> memref<640x80xf32, #tpu.memory_space<hbm>>
        %dma_start3A_134 = arith.constant 0 : i32
        %dma_start3A_135 = tpu.memref_slice %arg16[%mul3A_122, %dma_start3A_134] : memref<10240x80xf32, #tpu.memory_space<vmem_shared>> -> memref<640x80xf32, #tpu.memory_space<vmem_shared>>
        tpu.enqueue_dma source(%dma_start3A_135 : memref<640x80xf32, #tpu.memory_space<vmem_shared>>) target(%dma_start3A_133 : memref<640x80xf32, #tpu.memory_space<hbm>>) target_semaphore(%run_scoped3A : memref<!tpu.dma_semaphore, #tpu.memory_space<semaphore_mem>>)
        %dma_wait3A_136 = arith.constant 0 : i32
        %dma_wait3A_137 = tpu.memref_slice %arg7[%mul3A_131, %dma_wait3A_136] : memref<10240x80xf32, #tpu.memory_space<hbm>> -> memref<640x80xf32, #tpu.memory_space<hbm>>
        %dma_wait3A_138 = arith.constant 0 : i32
        %dma_wait3A_139 = tpu.memref_slice %arg16[%mul3A_122, %dma_wait3A_138] : memref<10240x80xf32, #tpu.memory_space<vmem_shared>> -> memref<640x80xf32, #tpu.memory_space<vmem_shared>>
        tpu.wait_dma2 semaphore(%run_scoped3A : memref<!tpu.dma_semaphore, #tpu.memory_space<semaphore_mem>>) src(%dma_wait3A_139 : memref<640x80xf32, #tpu.memory_space<vmem_shared>>) dst(%dma_wait3A_137 : memref<640x80xf32, #tpu.memory_space<hbm>>)
        tpu.yield
      }) : () -> ()
    } else {
    }
    return
  }
}

#map = affine_map<(d0, d1) -> (0, 0, 0)>
#map1 = affine_map<(d0, d1) -> (0, 0)>
module attributes {stable_mosaic.version = 14 : i64} {
  func.func @_edge2_body(%arg0: i32, %arg1: i32, %arg2: memref<32x125x80xi32, #tpu.memory_space<hbm>>, %arg3: memref<32x125x80xi32, #tpu.memory_space<hbm>>, %arg4: memref<10240x16xf32, #tpu.memory_space<hbm>>, %arg5: memref<10240x16xf32, #tpu.memory_space<hbm>>, %arg6: memref<10240x16xf32, #tpu.memory_space<hbm>>, %arg7: memref<125x80xi32, #tpu.memory_space<vmem>>, %arg8: memref<125x80xi32, #tpu.memory_space<vmem>>, %arg9: memref<80x16xf32, #tpu.memory_space<vmem>>, %arg10: memref<80x16xf32, #tpu.memory_space<vmem>>, %arg11: memref<80x16xf32, #tpu.memory_space<vmem>>, %arg12: memref<80x16xf32, #tpu.memory_space<vmem>>, %arg13: memref<80x16xf32, #tpu.memory_space<vmem>>, %arg14: memref<80x16xf32, #tpu.memory_space<vmem>>, %arg15: memref<10240x16xf32, #tpu.memory_space<vmem_shared>>, %arg16: memref<!tpu.dma_semaphore, #tpu.memory_space<semaphore_mem>>, %arg17: memref<!tpu.dma_semaphore, #tpu.memory_space<semaphore_mem>>, %arg18: memref<!tpu.dma_semaphore, #tpu.memory_space<semaphore_mem>>, %arg19: memref<!tpu.dma_semaphore, #tpu.memory_space<semaphore_mem>>) attributes {dimension_semantics = [#tpu.dimension_semantics<core_parallel>, #tpu.dimension_semantics<subcore_parallel>], iteration_bounds = array<i64: 2, 16>, scalar_prefetch = 0 : i64, scratch_operands = 13 : i64, tpu.core_type = #tpu.core_type<sc_vector_subcore>, window_params = [{transform_indices = #map}, {transform_indices = #map}, {transform_indices = #map1}, {transform_indices = #map1}, {transform_indices = #map1}]} {
    %mul3A = arith.constant 2 : i32
    %mul3A_0 = arith.muli %arg1, %mul3A : i32
    %add3A = arith.addi %mul3A_0, %arg0 : i32
    "tpu.region"() ({
      %run_scoped3A = tpu.sem_alloc : memref<!tpu.dma_semaphore, #tpu.memory_space<semaphore_mem>>
      %dma_start3A_144 = arith.constant 0 : i32
      %dma_start3A_145 = arith.constant 0 : i32
      %dma_start3A_146 = tpu.memref_slice %arg2[%add3A, %dma_start3A_144, %dma_start3A_145] : memref<32x125x80xi32, #tpu.memory_space<hbm>> -> memref<1x125x80xi32, #tpu.memory_space<hbm>>
      %dma_start3A_147 = tpu.memref_squeeze %dma_start3A_146 : memref<1x125x80xi32, #tpu.memory_space<hbm>> -> memref<125x80xi32, #tpu.memory_space<hbm>>
      %dma_start3A_148 = arith.constant 0 : i32
      %dma_start3A_149 = arith.constant 0 : i32
      %dma_start3A_150 = tpu.memref_slice %arg2[%add3A, %dma_start3A_148, %dma_start3A_149] : memref<32x125x80xi32, #tpu.memory_space<hbm>> -> memref<1x125x80xi32, #tpu.memory_space<hbm>>
      %dma_start3A_151 = tpu.memref_squeeze %dma_start3A_150 : memref<1x125x80xi32, #tpu.memory_space<hbm>> -> memref<125x80xi32, #tpu.memory_space<hbm>>
      tpu.enqueue_dma source(%dma_start3A_151 : memref<125x80xi32, #tpu.memory_space<hbm>>) target(%arg7 : memref<125x80xi32, #tpu.memory_space<vmem>>) target_semaphore(%run_scoped3A : memref<!tpu.dma_semaphore, #tpu.memory_space<semaphore_mem>>)
      %dma_wait3A_152 = arith.constant 0 : i32
      %dma_wait3A_153 = arith.constant 0 : i32
      %dma_wait3A_154 = tpu.memref_slice %arg2[%add3A, %dma_wait3A_152, %dma_wait3A_153] : memref<32x125x80xi32, #tpu.memory_space<hbm>> -> memref<1x125x80xi32, #tpu.memory_space<hbm>>
      %dma_wait3A_155 = tpu.memref_squeeze %dma_wait3A_154 : memref<1x125x80xi32, #tpu.memory_space<hbm>> -> memref<125x80xi32, #tpu.memory_space<hbm>>
      %dma_wait3A_156 = arith.constant 0 : i32
      %dma_wait3A_157 = arith.constant 0 : i32
      %dma_wait3A_158 = tpu.memref_slice %arg2[%add3A, %dma_wait3A_156, %dma_wait3A_157] : memref<32x125x80xi32, #tpu.memory_space<hbm>> -> memref<1x125x80xi32, #tpu.memory_space<hbm>>
      %dma_wait3A_159 = tpu.memref_squeeze %dma_wait3A_158 : memref<1x125x80xi32, #tpu.memory_space<hbm>> -> memref<125x80xi32, #tpu.memory_space<hbm>>
      tpu.wait_dma2 semaphore(%run_scoped3A : memref<!tpu.dma_semaphore, #tpu.memory_space<semaphore_mem>>) src(%dma_wait3A_159 : memref<125x80xi32, #tpu.memory_space<hbm>>) dst(%arg7 : memref<125x80xi32, #tpu.memory_space<vmem>>)
      tpu.yield
    }) : () -> ()
    "tpu.region"() ({
      %run_scoped3A = tpu.sem_alloc : memref<!tpu.dma_semaphore, #tpu.memory_space<semaphore_mem>>
      %dma_start3A_144 = arith.constant 0 : i32
      %dma_start3A_145 = arith.constant 0 : i32
      %dma_start3A_146 = tpu.memref_slice %arg3[%add3A, %dma_start3A_144, %dma_start3A_145] : memref<32x125x80xi32, #tpu.memory_space<hbm>> -> memref<1x125x80xi32, #tpu.memory_space<hbm>>
      %dma_start3A_147 = tpu.memref_squeeze %dma_start3A_146 : memref<1x125x80xi32, #tpu.memory_space<hbm>> -> memref<125x80xi32, #tpu.memory_space<hbm>>
      %dma_start3A_148 = arith.constant 0 : i32
      %dma_start3A_149 = arith.constant 0 : i32
      %dma_start3A_150 = tpu.memref_slice %arg3[%add3A, %dma_start3A_148, %dma_start3A_149] : memref<32x125x80xi32, #tpu.memory_space<hbm>> -> memref<1x125x80xi32, #tpu.memory_space<hbm>>
      %dma_start3A_151 = tpu.memref_squeeze %dma_start3A_150 : memref<1x125x80xi32, #tpu.memory_space<hbm>> -> memref<125x80xi32, #tpu.memory_space<hbm>>
      tpu.enqueue_dma source(%dma_start3A_151 : memref<125x80xi32, #tpu.memory_space<hbm>>) target(%arg8 : memref<125x80xi32, #tpu.memory_space<vmem>>) target_semaphore(%run_scoped3A : memref<!tpu.dma_semaphore, #tpu.memory_space<semaphore_mem>>)
      %dma_wait3A_152 = arith.constant 0 : i32
      %dma_wait3A_153 = arith.constant 0 : i32
      %dma_wait3A_154 = tpu.memref_slice %arg3[%add3A, %dma_wait3A_152, %dma_wait3A_153] : memref<32x125x80xi32, #tpu.memory_space<hbm>> -> memref<1x125x80xi32, #tpu.memory_space<hbm>>
      %dma_wait3A_155 = tpu.memref_squeeze %dma_wait3A_154 : memref<1x125x80xi32, #tpu.memory_space<hbm>> -> memref<125x80xi32, #tpu.memory_space<hbm>>
      %dma_wait3A_156 = arith.constant 0 : i32
      %dma_wait3A_157 = arith.constant 0 : i32
      %dma_wait3A_158 = tpu.memref_slice %arg3[%add3A, %dma_wait3A_156, %dma_wait3A_157] : memref<32x125x80xi32, #tpu.memory_space<hbm>> -> memref<1x125x80xi32, #tpu.memory_space<hbm>>
      %dma_wait3A_159 = tpu.memref_squeeze %dma_wait3A_158 : memref<1x125x80xi32, #tpu.memory_space<hbm>> -> memref<125x80xi32, #tpu.memory_space<hbm>>
      tpu.wait_dma2 semaphore(%run_scoped3A : memref<!tpu.dma_semaphore, #tpu.memory_space<semaphore_mem>>) src(%dma_wait3A_159 : memref<125x80xi32, #tpu.memory_space<hbm>>) dst(%arg8 : memref<125x80xi32, #tpu.memory_space<vmem>>)
      tpu.yield
    }) : () -> ()
    %scan3A = arith.constant 0 : i32
    %scan3A_1 = arith.constant 0 : i32
    %scan3A_2 = arith.constant 80 : i32
    %scan3A_3 = arith.addi %scan3A_1, %scan3A_2 : i32
    %scan3A_4 = arith.constant 1 : i32
    %scan3A_5 = scf.for %scan3A_144 = %scan3A_1 to %scan3A_3 step %scan3A_4 iter_args(%scan3A_145 = %scan3A) -> (i32)  : i32 {
      %broadcast_in_dim3A_146 = arith.constant 0.000000e+00 : f32
      %broadcast_in_dim3A_147 = vector.broadcast %broadcast_in_dim3A_146 : f32 to vector<16xf32>
      %swap3A = arith.index_cast %scan3A_144 : i32 to index
      %swap3A_148 = arith.constant 0 : index
      %swap3A_149 = tpu.vector_load %arg11[%swap3A, %swap3A_148] {strides = array<i32>} : memref<80x16xf32, #tpu.memory_space<vmem>>, vector<1x16xf32>,
      %swap3A_150 = vector.shape_cast %swap3A_149 : vector<1x16xf32> to vector<16xf32>
      %swap3A_151 = vector.shape_cast %broadcast_in_dim3A_147 : vector<16xf32> to vector<1x16xf32>
      tpu.vector_store %arg11[%swap3A, %swap3A_148], %swap3A_151 {strides = array<i32>} : memref<80x16xf32, #tpu.memory_space<vmem>>, vector<1x16xf32>,
      %broadcast_in_dim3A_152 = arith.constant 0.000000e+00 : f32
      %broadcast_in_dim3A_153 = vector.broadcast %broadcast_in_dim3A_152 : f32 to vector<16xf32>
      %swap3A_154 = arith.index_cast %scan3A_144 : i32 to index
      %swap3A_155 = arith.constant 0 : index
      %swap3A_156 = tpu.vector_load %arg14[%swap3A_154, %swap3A_155] {strides = array<i32>} : memref<80x16xf32, #tpu.memory_space<vmem>>, vector<1x16xf32>,
      %swap3A_157 = vector.shape_cast %swap3A_156 : vector<1x16xf32> to vector<16xf32>
      %swap3A_158 = vector.shape_cast %broadcast_in_dim3A_153 : vector<16xf32> to vector<1x16xf32>
      tpu.vector_store %arg14[%swap3A_154, %swap3A_155], %swap3A_158 {strides = array<i32>} : memref<80x16xf32, #tpu.memory_space<vmem>>, vector<1x16xf32>,
      %scan3A_159 = arith.constant 0 : i32
      scf.yield %scan3A_159 : i32
    }
    %scan3A_6 = arith.constant 80 : i32
    %mul3A_7 = arith.constant 640 : i32
    %mul3A_8 = arith.muli %arg1, %mul3A_7 : i32
    %add3A_9 = arith.constant 0 : i32
    %add3A_10 = arith.addi %mul3A_8, %add3A_9 : i32
    "tpu.region"() ({
      %run_scoped3A = tpu.sem_alloc : memref<!tpu.dma_semaphore, #tpu.memory_space<semaphore_mem>>
      %dma_start3A_144 = arith.constant 0 : i32
      %dma_start3A_145 = tpu.memref_slice %arg15[%add3A_10, %dma_start3A_144] : memref<10240x16xf32, #tpu.memory_space<vmem_shared>> -> memref<80x16xf32, #tpu.memory_space<vmem_shared>>
      %dma_start3A_146 = arith.constant 0 : i32
      %dma_start3A_147 = tpu.memref_slice %arg15[%add3A_10, %dma_start3A_146] : memref<10240x16xf32, #tpu.memory_space<vmem_shared>> -> memref<80x16xf32, #tpu.memory_space<vmem_shared>>
      tpu.enqueue_dma source(%arg11 : memref<80x16xf32, #tpu.memory_space<vmem>>) target(%dma_start3A_147 : memref<80x16xf32, #tpu.memory_space<vmem_shared>>) target_semaphore(%run_scoped3A : memref<!tpu.dma_semaphore, #tpu.memory_space<semaphore_mem>>)
      %dma_wait3A_148 = arith.constant 0 : i32
      %dma_wait3A_149 = tpu.memref_slice %arg15[%add3A_10, %dma_wait3A_148] : memref<10240x16xf32, #tpu.memory_space<vmem_shared>> -> memref<80x16xf32, #tpu.memory_space<vmem_shared>>
      %dma_wait3A_150 = arith.constant 0 : i32
      %dma_wait3A_151 = tpu.memref_slice %arg15[%add3A_10, %dma_wait3A_150] : memref<10240x16xf32, #tpu.memory_space<vmem_shared>> -> memref<80x16xf32, #tpu.memory_space<vmem_shared>>
      tpu.wait_dma2 semaphore(%run_scoped3A : memref<!tpu.dma_semaphore, #tpu.memory_space<semaphore_mem>>) src(%arg11 : memref<80x16xf32, #tpu.memory_space<vmem>>) dst(%dma_wait3A_151 : memref<80x16xf32, #tpu.memory_space<vmem_shared>>)
      tpu.yield
    }) : () -> ()
    %mul3A_11 = arith.constant 640 : i32
    %mul3A_12 = arith.muli %arg1, %mul3A_11 : i32
    %add3A_13 = arith.constant 80 : i32
    %add3A_14 = arith.addi %mul3A_12, %add3A_13 : i32
    "tpu.region"() ({
      %run_scoped3A = tpu.sem_alloc : memref<!tpu.dma_semaphore, #tpu.memory_space<semaphore_mem>>
      %dma_start3A_144 = arith.constant 0 : i32
      %dma_start3A_145 = tpu.memref_slice %arg15[%add3A_14, %dma_start3A_144] : memref<10240x16xf32, #tpu.memory_space<vmem_shared>> -> memref<80x16xf32, #tpu.memory_space<vmem_shared>>
      %dma_start3A_146 = arith.constant 0 : i32
      %dma_start3A_147 = tpu.memref_slice %arg15[%add3A_14, %dma_start3A_146] : memref<10240x16xf32, #tpu.memory_space<vmem_shared>> -> memref<80x16xf32, #tpu.memory_space<vmem_shared>>
      tpu.enqueue_dma source(%arg11 : memref<80x16xf32, #tpu.memory_space<vmem>>) target(%dma_start3A_147 : memref<80x16xf32, #tpu.memory_space<vmem_shared>>) target_semaphore(%run_scoped3A : memref<!tpu.dma_semaphore, #tpu.memory_space<semaphore_mem>>)
      %dma_wait3A_148 = arith.constant 0 : i32
      %dma_wait3A_149 = tpu.memref_slice %arg15[%add3A_14, %dma_wait3A_148] : memref<10240x16xf32, #tpu.memory_space<vmem_shared>> -> memref<80x16xf32, #tpu.memory_space<vmem_shared>>
      %dma_wait3A_150 = arith.constant 0 : i32
      %dma_wait3A_151 = tpu.memref_slice %arg15[%add3A_14, %dma_wait3A_150] : memref<10240x16xf32, #tpu.memory_space<vmem_shared>> -> memref<80x16xf32, #tpu.memory_space<vmem_shared>>
      tpu.wait_dma2 semaphore(%run_scoped3A : memref<!tpu.dma_semaphore, #tpu.memory_space<semaphore_mem>>) src(%arg11 : memref<80x16xf32, #tpu.memory_space<vmem>>) dst(%dma_wait3A_151 : memref<80x16xf32, #tpu.memory_space<vmem_shared>>)
      tpu.yield
    }) : () -> ()
    %mul3A_15 = arith.constant 640 : i32
    %mul3A_16 = arith.muli %arg1, %mul3A_15 : i32
    %add3A_17 = arith.constant 160 : i32
    %add3A_18 = arith.addi %mul3A_16, %add3A_17 : i32
    "tpu.region"() ({
      %run_scoped3A = tpu.sem_alloc : memref<!tpu.dma_semaphore, #tpu.memory_space<semaphore_mem>>
      %dma_start3A_144 = arith.constant 0 : i32
      %dma_start3A_145 = tpu.memref_slice %arg15[%add3A_18, %dma_start3A_144] : memref<10240x16xf32, #tpu.memory_space<vmem_shared>> -> memref<80x16xf32, #tpu.memory_space<vmem_shared>>
      %dma_start3A_146 = arith.constant 0 : i32
      %dma_start3A_147 = tpu.memref_slice %arg15[%add3A_18, %dma_start3A_146] : memref<10240x16xf32, #tpu.memory_space<vmem_shared>> -> memref<80x16xf32, #tpu.memory_space<vmem_shared>>
      tpu.enqueue_dma source(%arg11 : memref<80x16xf32, #tpu.memory_space<vmem>>) target(%dma_start3A_147 : memref<80x16xf32, #tpu.memory_space<vmem_shared>>) target_semaphore(%run_scoped3A : memref<!tpu.dma_semaphore, #tpu.memory_space<semaphore_mem>>)
      %dma_wait3A_148 = arith.constant 0 : i32
      %dma_wait3A_149 = tpu.memref_slice %arg15[%add3A_18, %dma_wait3A_148] : memref<10240x16xf32, #tpu.memory_space<vmem_shared>> -> memref<80x16xf32, #tpu.memory_space<vmem_shared>>
      %dma_wait3A_150 = arith.constant 0 : i32
      %dma_wait3A_151 = tpu.memref_slice %arg15[%add3A_18, %dma_wait3A_150] : memref<10240x16xf32, #tpu.memory_space<vmem_shared>> -> memref<80x16xf32, #tpu.memory_space<vmem_shared>>
      tpu.wait_dma2 semaphore(%run_scoped3A : memref<!tpu.dma_semaphore, #tpu.memory_space<semaphore_mem>>) src(%arg11 : memref<80x16xf32, #tpu.memory_space<vmem>>) dst(%dma_wait3A_151 : memref<80x16xf32, #tpu.memory_space<vmem_shared>>)
      tpu.yield
    }) : () -> ()
    %mul3A_19 = arith.constant 640 : i32
    %mul3A_20 = arith.muli %arg1, %mul3A_19 : i32
    %add3A_21 = arith.constant 240 : i32
    %add3A_22 = arith.addi %mul3A_20, %add3A_21 : i32
    "tpu.region"() ({
      %run_scoped3A = tpu.sem_alloc : memref<!tpu.dma_semaphore, #tpu.memory_space<semaphore_mem>>
      %dma_start3A_144 = arith.constant 0 : i32
      %dma_start3A_145 = tpu.memref_slice %arg15[%add3A_22, %dma_start3A_144] : memref<10240x16xf32, #tpu.memory_space<vmem_shared>> -> memref<80x16xf32, #tpu.memory_space<vmem_shared>>
      %dma_start3A_146 = arith.constant 0 : i32
      %dma_start3A_147 = tpu.memref_slice %arg15[%add3A_22, %dma_start3A_146] : memref<10240x16xf32, #tpu.memory_space<vmem_shared>> -> memref<80x16xf32, #tpu.memory_space<vmem_shared>>
      tpu.enqueue_dma source(%arg11 : memref<80x16xf32, #tpu.memory_space<vmem>>) target(%dma_start3A_147 : memref<80x16xf32, #tpu.memory_space<vmem_shared>>) target_semaphore(%run_scoped3A : memref<!tpu.dma_semaphore, #tpu.memory_space<semaphore_mem>>)
      %dma_wait3A_148 = arith.constant 0 : i32
      %dma_wait3A_149 = tpu.memref_slice %arg15[%add3A_22, %dma_wait3A_148] : memref<10240x16xf32, #tpu.memory_space<vmem_shared>> -> memref<80x16xf32, #tpu.memory_space<vmem_shared>>
      %dma_wait3A_150 = arith.constant 0 : i32
      %dma_wait3A_151 = tpu.memref_slice %arg15[%add3A_22, %dma_wait3A_150] : memref<10240x16xf32, #tpu.memory_space<vmem_shared>> -> memref<80x16xf32, #tpu.memory_space<vmem_shared>>
      tpu.wait_dma2 semaphore(%run_scoped3A : memref<!tpu.dma_semaphore, #tpu.memory_space<semaphore_mem>>) src(%arg11 : memref<80x16xf32, #tpu.memory_space<vmem>>) dst(%dma_wait3A_151 : memref<80x16xf32, #tpu.memory_space<vmem_shared>>)
      tpu.yield
    }) : () -> ()
    %mul3A_23 = arith.constant 640 : i32
    %mul3A_24 = arith.muli %arg1, %mul3A_23 : i32
    %add3A_25 = arith.constant 320 : i32
    %add3A_26 = arith.addi %mul3A_24, %add3A_25 : i32
    "tpu.region"() ({
      %run_scoped3A = tpu.sem_alloc : memref<!tpu.dma_semaphore, #tpu.memory_space<semaphore_mem>>
      %dma_start3A_144 = arith.constant 0 : i32
      %dma_start3A_145 = tpu.memref_slice %arg15[%add3A_26, %dma_start3A_144] : memref<10240x16xf32, #tpu.memory_space<vmem_shared>> -> memref<80x16xf32, #tpu.memory_space<vmem_shared>>
      %dma_start3A_146 = arith.constant 0 : i32
      %dma_start3A_147 = tpu.memref_slice %arg15[%add3A_26, %dma_start3A_146] : memref<10240x16xf32, #tpu.memory_space<vmem_shared>> -> memref<80x16xf32, #tpu.memory_space<vmem_shared>>
      tpu.enqueue_dma source(%arg11 : memref<80x16xf32, #tpu.memory_space<vmem>>) target(%dma_start3A_147 : memref<80x16xf32, #tpu.memory_space<vmem_shared>>) target_semaphore(%run_scoped3A : memref<!tpu.dma_semaphore, #tpu.memory_space<semaphore_mem>>)
      %dma_wait3A_148 = arith.constant 0 : i32
      %dma_wait3A_149 = tpu.memref_slice %arg15[%add3A_26, %dma_wait3A_148] : memref<10240x16xf32, #tpu.memory_space<vmem_shared>> -> memref<80x16xf32, #tpu.memory_space<vmem_shared>>
      %dma_wait3A_150 = arith.constant 0 : i32
      %dma_wait3A_151 = tpu.memref_slice %arg15[%add3A_26, %dma_wait3A_150] : memref<10240x16xf32, #tpu.memory_space<vmem_shared>> -> memref<80x16xf32, #tpu.memory_space<vmem_shared>>
      tpu.wait_dma2 semaphore(%run_scoped3A : memref<!tpu.dma_semaphore, #tpu.memory_space<semaphore_mem>>) src(%arg11 : memref<80x16xf32, #tpu.memory_space<vmem>>) dst(%dma_wait3A_151 : memref<80x16xf32, #tpu.memory_space<vmem_shared>>)
      tpu.yield
    }) : () -> ()
    %mul3A_27 = arith.constant 640 : i32
    %mul3A_28 = arith.muli %arg1, %mul3A_27 : i32
    %add3A_29 = arith.constant 400 : i32
    %add3A_30 = arith.addi %mul3A_28, %add3A_29 : i32
    "tpu.region"() ({
      %run_scoped3A = tpu.sem_alloc : memref<!tpu.dma_semaphore, #tpu.memory_space<semaphore_mem>>
      %dma_start3A_144 = arith.constant 0 : i32
      %dma_start3A_145 = tpu.memref_slice %arg15[%add3A_30, %dma_start3A_144] : memref<10240x16xf32, #tpu.memory_space<vmem_shared>> -> memref<80x16xf32, #tpu.memory_space<vmem_shared>>
      %dma_start3A_146 = arith.constant 0 : i32
      %dma_start3A_147 = tpu.memref_slice %arg15[%add3A_30, %dma_start3A_146] : memref<10240x16xf32, #tpu.memory_space<vmem_shared>> -> memref<80x16xf32, #tpu.memory_space<vmem_shared>>
      tpu.enqueue_dma source(%arg11 : memref<80x16xf32, #tpu.memory_space<vmem>>) target(%dma_start3A_147 : memref<80x16xf32, #tpu.memory_space<vmem_shared>>) target_semaphore(%run_scoped3A : memref<!tpu.dma_semaphore, #tpu.memory_space<semaphore_mem>>)
      %dma_wait3A_148 = arith.constant 0 : i32
      %dma_wait3A_149 = tpu.memref_slice %arg15[%add3A_30, %dma_wait3A_148] : memref<10240x16xf32, #tpu.memory_space<vmem_shared>> -> memref<80x16xf32, #tpu.memory_space<vmem_shared>>
      %dma_wait3A_150 = arith.constant 0 : i32
      %dma_wait3A_151 = tpu.memref_slice %arg15[%add3A_30, %dma_wait3A_150] : memref<10240x16xf32, #tpu.memory_space<vmem_shared>> -> memref<80x16xf32, #tpu.memory_space<vmem_shared>>
      tpu.wait_dma2 semaphore(%run_scoped3A : memref<!tpu.dma_semaphore, #tpu.memory_space<semaphore_mem>>) src(%arg11 : memref<80x16xf32, #tpu.memory_space<vmem>>) dst(%dma_wait3A_151 : memref<80x16xf32, #tpu.memory_space<vmem_shared>>)
      tpu.yield
    }) : () -> ()
    %mul3A_31 = arith.constant 640 : i32
    %mul3A_32 = arith.muli %arg1, %mul3A_31 : i32
    %add3A_33 = arith.constant 480 : i32
    %add3A_34 = arith.addi %mul3A_32, %add3A_33 : i32
    "tpu.region"() ({
      %run_scoped3A = tpu.sem_alloc : memref<!tpu.dma_semaphore, #tpu.memory_space<semaphore_mem>>
      %dma_start3A_144 = arith.constant 0 : i32
      %dma_start3A_145 = tpu.memref_slice %arg15[%add3A_34, %dma_start3A_144] : memref<10240x16xf32, #tpu.memory_space<vmem_shared>> -> memref<80x16xf32, #tpu.memory_space<vmem_shared>>
      %dma_start3A_146 = arith.constant 0 : i32
      %dma_start3A_147 = tpu.memref_slice %arg15[%add3A_34, %dma_start3A_146] : memref<10240x16xf32, #tpu.memory_space<vmem_shared>> -> memref<80x16xf32, #tpu.memory_space<vmem_shared>>
      tpu.enqueue_dma source(%arg11 : memref<80x16xf32, #tpu.memory_space<vmem>>) target(%dma_start3A_147 : memref<80x16xf32, #tpu.memory_space<vmem_shared>>) target_semaphore(%run_scoped3A : memref<!tpu.dma_semaphore, #tpu.memory_space<semaphore_mem>>)
      %dma_wait3A_148 = arith.constant 0 : i32
      %dma_wait3A_149 = tpu.memref_slice %arg15[%add3A_34, %dma_wait3A_148] : memref<10240x16xf32, #tpu.memory_space<vmem_shared>> -> memref<80x16xf32, #tpu.memory_space<vmem_shared>>
      %dma_wait3A_150 = arith.constant 0 : i32
      %dma_wait3A_151 = tpu.memref_slice %arg15[%add3A_34, %dma_wait3A_150] : memref<10240x16xf32, #tpu.memory_space<vmem_shared>> -> memref<80x16xf32, #tpu.memory_space<vmem_shared>>
      tpu.wait_dma2 semaphore(%run_scoped3A : memref<!tpu.dma_semaphore, #tpu.memory_space<semaphore_mem>>) src(%arg11 : memref<80x16xf32, #tpu.memory_space<vmem>>) dst(%dma_wait3A_151 : memref<80x16xf32, #tpu.memory_space<vmem_shared>>)
      tpu.yield
    }) : () -> ()
    %mul3A_35 = arith.constant 640 : i32
    %mul3A_36 = arith.muli %arg1, %mul3A_35 : i32
    %add3A_37 = arith.constant 560 : i32
    %add3A_38 = arith.addi %mul3A_36, %add3A_37 : i32
    "tpu.region"() ({
      %run_scoped3A = tpu.sem_alloc : memref<!tpu.dma_semaphore, #tpu.memory_space<semaphore_mem>>
      %dma_start3A_144 = arith.constant 0 : i32
      %dma_start3A_145 = tpu.memref_slice %arg15[%add3A_38, %dma_start3A_144] : memref<10240x16xf32, #tpu.memory_space<vmem_shared>> -> memref<80x16xf32, #tpu.memory_space<vmem_shared>>
      %dma_start3A_146 = arith.constant 0 : i32
      %dma_start3A_147 = tpu.memref_slice %arg15[%add3A_38, %dma_start3A_146] : memref<10240x16xf32, #tpu.memory_space<vmem_shared>> -> memref<80x16xf32, #tpu.memory_space<vmem_shared>>
      tpu.enqueue_dma source(%arg11 : memref<80x16xf32, #tpu.memory_space<vmem>>) target(%dma_start3A_147 : memref<80x16xf32, #tpu.memory_space<vmem_shared>>) target_semaphore(%run_scoped3A : memref<!tpu.dma_semaphore, #tpu.memory_space<semaphore_mem>>)
      %dma_wait3A_148 = arith.constant 0 : i32
      %dma_wait3A_149 = tpu.memref_slice %arg15[%add3A_38, %dma_wait3A_148] : memref<10240x16xf32, #tpu.memory_space<vmem_shared>> -> memref<80x16xf32, #tpu.memory_space<vmem_shared>>
      %dma_wait3A_150 = arith.constant 0 : i32
      %dma_wait3A_151 = tpu.memref_slice %arg15[%add3A_38, %dma_wait3A_150] : memref<10240x16xf32, #tpu.memory_space<vmem_shared>> -> memref<80x16xf32, #tpu.memory_space<vmem_shared>>
      tpu.wait_dma2 semaphore(%run_scoped3A : memref<!tpu.dma_semaphore, #tpu.memory_space<semaphore_mem>>) src(%arg11 : memref<80x16xf32, #tpu.memory_space<vmem>>) dst(%dma_wait3A_151 : memref<80x16xf32, #tpu.memory_space<vmem_shared>>)
      tpu.yield
    }) : () -> ()
    %barrier3A = arith.constant 0 : index
    tpu.barrier barrier_id(%barrier3A)
    %dma_start3A = arith.constant 0 : i32
    %dma_start3A_39 = arith.constant 0 : i32
    %dma_start3A_40 = tpu.memref_slice %arg8[%dma_start3A, %dma_start3A_39] : memref<125x80xi32, #tpu.memory_space<vmem>> -> memref<1x80xi32, #tpu.memory_space<vmem>>
    %dma_start3A_41 = tpu.memref_squeeze %dma_start3A_40 : memref<1x80xi32, #tpu.memory_space<vmem>> -> memref<80xi32, #tpu.memory_space<vmem>>
    %dma_start3A_42 = arith.constant 0 : i32
    %dma_start3A_43 = arith.constant 0 : i32
    %dma_start3A_44 = tpu.memref_slice %arg15[%dma_start3A_42, %dma_start3A_43] : memref<10240x16xf32, #tpu.memory_space<vmem_shared>> -> memref<10240x16xf32, #tpu.memory_space<vmem_shared>>
    tpu.enqueue_indirect_dma source(%arg11 : memref<80x16xf32, #tpu.memory_space<vmem>>) target(%dma_start3A_44 : memref<10240x16xf32, #tpu.memory_space<vmem_shared>>) offsets(%dma_start3A_41 : memref<80xi32, #tpu.memory_space<vmem>>) semaphore(%arg18 : memref<!tpu.dma_semaphore, #tpu.memory_space<semaphore_mem>>) {add = true}
    %dma_start3A_45 = arith.constant 0 : i32
    %dma_start3A_46 = arith.constant 0 : i32
    %dma_start3A_47 = tpu.memref_slice %arg8[%dma_start3A_45, %dma_start3A_46] : memref<125x80xi32, #tpu.memory_space<vmem>> -> memref<1x80xi32, #tpu.memory_space<vmem>>
    %dma_start3A_48 = tpu.memref_squeeze %dma_start3A_47 : memref<1x80xi32, #tpu.memory_space<vmem>> -> memref<80xi32, #tpu.memory_space<vmem>>
    %dma_start3A_49 = arith.constant 0 : i32
    %dma_start3A_50 = arith.constant 0 : i32
    %dma_start3A_51 = tpu.memref_slice %arg15[%dma_start3A_49, %dma_start3A_50] : memref<10240x16xf32, #tpu.memory_space<vmem_shared>> -> memref<10240x16xf32, #tpu.memory_space<vmem_shared>>
    tpu.enqueue_indirect_dma source(%arg14 : memref<80x16xf32, #tpu.memory_space<vmem>>) target(%dma_start3A_51 : memref<10240x16xf32, #tpu.memory_space<vmem_shared>>) offsets(%dma_start3A_48 : memref<80xi32, #tpu.memory_space<vmem>>) semaphore(%arg19 : memref<!tpu.dma_semaphore, #tpu.memory_space<semaphore_mem>>) {add = true}
    %iota3A = tpu.iota {dimensions = array<i32: 0>} : vector<16xi32>
    %mul3A_52 = arith.constant 0 : i32
    %mul3A_53 = vector.broadcast %mul3A_52 : i32 to vector<16xi32>
    %mul3A_54 = arith.muli %iota3A, %mul3A_53 : vector<16xi32>
    %add3A_55 = arith.constant 3 : i32
    %add3A_56 = vector.broadcast %add3A_55 : i32 to vector<16xi32>
    %add3A_57 = arith.addi %mul3A_54, %add3A_56 : vector<16xi32>
    %mul3A_58 = arith.constant 0 : i32
    %mul3A_59 = vector.broadcast %mul3A_58 : i32 to vector<16xi32>
    %mul3A_60 = arith.muli %iota3A, %mul3A_59 : vector<16xi32>
    %add3A_61 = arith.constant 4 : i32
    %add3A_62 = vector.broadcast %add3A_61 : i32 to vector<16xi32>
    %add3A_63 = arith.addi %mul3A_60, %add3A_62 : vector<16xi32>
    %le3A = arith.constant 3 : i32
    %le3A_64 = vector.broadcast %le3A : i32 to vector<16xi32>
    %le3A_65 = arith.cmpi sle, %iota3A, %le3A_64 : vector<16xi32>
    %sub3A = arith.constant 1 : i32
    %sub3A_66 = vector.broadcast %sub3A : i32 to vector<16xi32>
    %sub3A_67 = arith.subi %iota3A, %sub3A_66 : vector<16xi32>
    %max3A = arith.constant 0 : i32
    %max3A_68 = vector.broadcast %max3A : i32 to vector<16xi32>
    %max3A_69 = arith.maxsi %sub3A_67, %max3A_68 : vector<16xi32>
    %jit3A = arith.constant 5 : i32
    %broadcast_in_dim3A = vector.broadcast %jit3A : i32 to vector<16xi32>
    %select_n3A = arith.select %le3A_65, %max3A_69, %broadcast_in_dim3A : vector<16xi1>, vector<16xi32>
    %dma_start3A_70 = arith.constant 0 : i32
    %dma_start3A_71 = arith.constant 0 : i32
    %dma_start3A_72 = tpu.memref_slice %arg7[%dma_start3A_70, %dma_start3A_71] : memref<125x80xi32, #tpu.memory_space<vmem>> -> memref<1x80xi32, #tpu.memory_space<vmem>>
    %dma_start3A_73 = tpu.memref_squeeze %dma_start3A_72 : memref<1x80xi32, #tpu.memory_space<vmem>> -> memref<80xi32, #tpu.memory_space<vmem>>
    %dma_start3A_74 = arith.constant 0 : i32
    %dma_start3A_75 = arith.constant 0 : i32
    %dma_start3A_76 = tpu.memref_slice %arg4[%dma_start3A_74, %dma_start3A_75] : memref<10240x16xf32, #tpu.memory_space<hbm>> -> memref<10240x16xf32, #tpu.memory_space<hbm>>
    tpu.enqueue_indirect_dma source(%dma_start3A_76 : memref<10240x16xf32, #tpu.memory_space<hbm>>) target(%arg9 : memref<80x16xf32, #tpu.memory_space<vmem>>) offsets(%dma_start3A_73 : memref<80xi32, #tpu.memory_space<vmem>>) semaphore(%arg16 : memref<!tpu.dma_semaphore, #tpu.memory_space<semaphore_mem>>)
    %dma_start3A_77 = arith.constant 0 : i32
    %dma_start3A_78 = arith.constant 0 : i32
    %dma_start3A_79 = tpu.memref_slice %arg8[%dma_start3A_77, %dma_start3A_78] : memref<125x80xi32, #tpu.memory_space<vmem>> -> memref<1x80xi32, #tpu.memory_space<vmem>>
    %dma_start3A_80 = tpu.memref_squeeze %dma_start3A_79 : memref<1x80xi32, #tpu.memory_space<vmem>> -> memref<80xi32, #tpu.memory_space<vmem>>
    %dma_start3A_81 = arith.constant 0 : i32
    %dma_start3A_82 = arith.constant 0 : i32
    %dma_start3A_83 = tpu.memref_slice %arg4[%dma_start3A_81, %dma_start3A_82] : memref<10240x16xf32, #tpu.memory_space<hbm>> -> memref<10240x16xf32, #tpu.memory_space<hbm>>
    tpu.enqueue_indirect_dma source(%dma_start3A_83 : memref<10240x16xf32, #tpu.memory_space<hbm>>) target(%arg10 : memref<80x16xf32, #tpu.memory_space<vmem>>) offsets(%dma_start3A_80 : memref<80xi32, #tpu.memory_space<vmem>>) semaphore(%arg16 : memref<!tpu.dma_semaphore, #tpu.memory_space<semaphore_mem>>)
    %scan3A_84 = arith.constant 0 : i32
    %scan3A_85 = arith.constant 0 : i32
    %scan3A_86 = arith.constant 62 : i32
    %scan3A_87 = arith.addi %scan3A_85, %scan3A_86 : i32
    %scan3A_88 = arith.constant 1 : i32
    %scan3A_89 = scf.for %scan3A_144 = %scan3A_85 to %scan3A_87 step %scan3A_88 iter_args(%scan3A_145 = %scan3A_84) -> (i32)  : i32 {
      %mul3A_146 = arith.constant 2 : i32
      %mul3A_147 = arith.muli %mul3A_146, %scan3A_144 : i32
      %add3A_148 = arith.constant 1 : i32
      %add3A_149 = arith.addi %mul3A_147, %add3A_148 : i32
      %dma_start3A_150 = arith.constant 0 : i32
      %dma_start3A_151 = tpu.memref_slice %arg7[%add3A_149, %dma_start3A_150] : memref<125x80xi32, #tpu.memory_space<vmem>> -> memref<1x80xi32, #tpu.memory_space<vmem>>
      %dma_start3A_152 = tpu.memref_squeeze %dma_start3A_151 : memref<1x80xi32, #tpu.memory_space<vmem>> -> memref<80xi32, #tpu.memory_space<vmem>>
      %dma_start3A_153 = arith.constant 0 : i32
      %dma_start3A_154 = arith.constant 0 : i32
      %dma_start3A_155 = tpu.memref_slice %arg4[%dma_start3A_153, %dma_start3A_154] : memref<10240x16xf32, #tpu.memory_space<hbm>> -> memref<10240x16xf32, #tpu.memory_space<hbm>>
      tpu.enqueue_indirect_dma source(%dma_start3A_155 : memref<10240x16xf32, #tpu.memory_space<hbm>>) target(%arg12 : memref<80x16xf32, #tpu.memory_space<vmem>>) offsets(%dma_start3A_152 : memref<80xi32, #tpu.memory_space<vmem>>) semaphore(%arg17 : memref<!tpu.dma_semaphore, #tpu.memory_space<semaphore_mem>>)
      %dma_start3A_156 = arith.constant 0 : i32
      %dma_start3A_157 = tpu.memref_slice %arg8[%add3A_149, %dma_start3A_156] : memref<125x80xi32, #tpu.memory_space<vmem>> -> memref<1x80xi32, #tpu.memory_space<vmem>>
      %dma_start3A_158 = tpu.memref_squeeze %dma_start3A_157 : memref<1x80xi32, #tpu.memory_space<vmem>> -> memref<80xi32, #tpu.memory_space<vmem>>
      %dma_start3A_159 = arith.constant 0 : i32
      %dma_start3A_160 = arith.constant 0 : i32
      %dma_start3A_161 = tpu.memref_slice %arg4[%dma_start3A_159, %dma_start3A_160] : memref<10240x16xf32, #tpu.memory_space<hbm>> -> memref<10240x16xf32, #tpu.memory_space<hbm>>
      tpu.enqueue_indirect_dma source(%dma_start3A_161 : memref<10240x16xf32, #tpu.memory_space<hbm>>) target(%arg13 : memref<80x16xf32, #tpu.memory_space<vmem>>) offsets(%dma_start3A_158 : memref<80xi32, #tpu.memory_space<vmem>>) semaphore(%arg17 : memref<!tpu.dma_semaphore, #tpu.memory_space<semaphore_mem>>)
      %dma_wait3A_162 = arith.constant 0 : i32
      %dma_wait3A_163 = arith.constant 0 : i32
      %dma_wait3A_164 = tpu.memref_slice %arg7[%dma_wait3A_162, %dma_wait3A_163] : memref<125x80xi32, #tpu.memory_space<vmem>> -> memref<1x80xi32, #tpu.memory_space<vmem>>
      %dma_wait3A_165 = tpu.memref_squeeze %dma_wait3A_164 : memref<1x80xi32, #tpu.memory_space<vmem>> -> memref<80xi32, #tpu.memory_space<vmem>>
      %dma_wait3A_166 = arith.constant 0 : i32
      %dma_wait3A_167 = arith.constant 0 : i32
      %dma_wait3A_168 = tpu.memref_slice %arg4[%dma_wait3A_166, %dma_wait3A_167] : memref<10240x16xf32, #tpu.memory_space<hbm>> -> memref<10240x16xf32, #tpu.memory_space<hbm>>
      tpu.wait_indirect_dma semaphore(%arg16 : memref<!tpu.dma_semaphore, #tpu.memory_space<semaphore_mem>>) src(%dma_wait3A_168 : memref<10240x16xf32, #tpu.memory_space<hbm>>) dst(%arg9 : memref<80x16xf32, #tpu.memory_space<vmem>>)
      %dma_wait3A_169 = arith.constant 0 : i32
      %dma_wait3A_170 = arith.constant 0 : i32
      %dma_wait3A_171 = tpu.memref_slice %arg8[%dma_wait3A_169, %dma_wait3A_170] : memref<125x80xi32, #tpu.memory_space<vmem>> -> memref<1x80xi32, #tpu.memory_space<vmem>>
      %dma_wait3A_172 = tpu.memref_squeeze %dma_wait3A_171 : memref<1x80xi32, #tpu.memory_space<vmem>> -> memref<80xi32, #tpu.memory_space<vmem>>
      %dma_wait3A_173 = arith.constant 0 : i32
      %dma_wait3A_174 = arith.constant 0 : i32
      %dma_wait3A_175 = tpu.memref_slice %arg4[%dma_wait3A_173, %dma_wait3A_174] : memref<10240x16xf32, #tpu.memory_space<hbm>> -> memref<10240x16xf32, #tpu.memory_space<hbm>>
      tpu.wait_indirect_dma semaphore(%arg16 : memref<!tpu.dma_semaphore, #tpu.memory_space<semaphore_mem>>) src(%dma_wait3A_175 : memref<10240x16xf32, #tpu.memory_space<hbm>>) dst(%arg10 : memref<80x16xf32, #tpu.memory_space<vmem>>)
      %dma_wait3A_176 = arith.constant 0 : i32
      %dma_wait3A_177 = arith.constant 0 : i32
      %dma_wait3A_178 = tpu.memref_slice %arg8[%dma_wait3A_176, %dma_wait3A_177] : memref<125x80xi32, #tpu.memory_space<vmem>> -> memref<1x80xi32, #tpu.memory_space<vmem>>
      %dma_wait3A_179 = tpu.memref_squeeze %dma_wait3A_178 : memref<1x80xi32, #tpu.memory_space<vmem>> -> memref<80xi32, #tpu.memory_space<vmem>>
      %dma_wait3A_180 = arith.constant 0 : i32
      %dma_wait3A_181 = arith.constant 0 : i32
      %dma_wait3A_182 = tpu.memref_slice %arg15[%dma_wait3A_180, %dma_wait3A_181] : memref<10240x16xf32, #tpu.memory_space<vmem_shared>> -> memref<10240x16xf32, #tpu.memory_space<vmem_shared>>
      tpu.wait_indirect_dma semaphore(%arg18 : memref<!tpu.dma_semaphore, #tpu.memory_space<semaphore_mem>>) src(%arg11 : memref<80x16xf32, #tpu.memory_space<vmem>>) dst(%dma_wait3A_182 : memref<10240x16xf32, #tpu.memory_space<vmem_shared>>)
      %parallel_loop3A_183 = arith.constant 0 : i32
      %parallel_loop3A_184 = arith.constant 80 : i32
      %parallel_loop3A_185 = arith.constant 1 : i32
      scf.for %parallel_loop3A_239 = %parallel_loop3A_183 to %parallel_loop3A_184 step %parallel_loop3A_185  : i32 {
        %parallel_loop3A_240 = arith.index_cast %parallel_loop3A_239 : i32 to index
        %parallel_loop3A_241 = arith.constant 0 : index
        %parallel_loop3A_242 = tpu.vector_load %arg9[%parallel_loop3A_240, %parallel_loop3A_241] {strides = array<i32>} : memref<80x16xf32, #tpu.memory_space<vmem>>, vector<1x16xf32>,
        %parallel_loop3A_243 = vector.shape_cast %parallel_loop3A_242 : vector<1x16xf32> to vector<16xf32>
        %parallel_loop3A_244 = arith.index_cast %parallel_loop3A_239 : i32 to index
        %parallel_loop3A_245 = arith.constant 0 : index
        %parallel_loop3A_246 = tpu.vector_load %arg10[%parallel_loop3A_244, %parallel_loop3A_245] {strides = array<i32>} : memref<80x16xf32, #tpu.memory_space<vmem>>, vector<1x16xf32>,
        %parallel_loop3A_247 = vector.shape_cast %parallel_loop3A_246 : vector<1x16xf32> to vector<16xf32>
        %parallel_loop3A_248 = vector.shape_cast %add3A_57 : vector<16xi32> to vector<16x1xi32>
        %parallel_loop3A_249 = vector.shape_cast %parallel_loop3A_248 : vector<16x1xi32> to vector<16xi32>
        %parallel_loop3A_250 = tpu.dynamic_gather %parallel_loop3A_243[%parallel_loop3A_249] in [0] : vector<16xf32>, vector<16xi32> -> vector<16xf32>
        %parallel_loop3A_251 = vector.shape_cast %add3A_63 : vector<16xi32> to vector<16x1xi32>
        %parallel_loop3A_252 = vector.shape_cast %parallel_loop3A_251 : vector<16x1xi32> to vector<16xi32>
        %parallel_loop3A_253 = tpu.dynamic_gather %parallel_loop3A_247[%parallel_loop3A_252] in [0] : vector<16xf32>, vector<16xi32> -> vector<16xf32>
        %parallel_loop3A_254 = arith.addf %parallel_loop3A_250, %parallel_loop3A_253 : vector<16xf32>
        %parallel_loop3A_255 = arith.constant 0.000000e+00 : f32
        %parallel_loop3A_256 = vector.broadcast %parallel_loop3A_255 : f32 to vector<16xf32>
        %parallel_loop3A_257 = arith.cmpf oge, %parallel_loop3A_254, %parallel_loop3A_256 : vector<16xf32>
        %parallel_loop3A_258 = arith.constant 2.000000e-01 : f32
        %parallel_loop3A_259 = vector.broadcast %parallel_loop3A_258 : f32 to vector<16xf32>
        %parallel_loop3A_260 = arith.mulf %parallel_loop3A_259, %parallel_loop3A_254 : vector<16xf32>
        %parallel_loop3A_261 = arith.select %parallel_loop3A_257, %parallel_loop3A_254, %parallel_loop3A_260 : vector<16xi1>, vector<16xf32>
        %parallel_loop3A_262 = math.exp %parallel_loop3A_261 : vector<16xf32>
        %parallel_loop3A_263 = vector.shape_cast %select_n3A : vector<16xi32> to vector<16x1xi32>
        %parallel_loop3A_264 = vector.shape_cast %parallel_loop3A_263 : vector<16x1xi32> to vector<16xi32>
        %parallel_loop3A_265 = tpu.dynamic_gather %parallel_loop3A_243[%parallel_loop3A_264] in [0] : vector<16xf32>, vector<16xi32> -> vector<16xf32>
        %parallel_loop3A_266 = arith.constant 0 : i32
        %parallel_loop3A_267 = vector.broadcast %parallel_loop3A_266 : i32 to vector<16xi32>
        %parallel_loop3A_268 = arith.cmpi eq, %iota3A, %parallel_loop3A_267 : vector<16xi32>
        %parallel_loop3A_269 = arith.constant 1.000000e+00 : f32
        %parallel_loop3A_270 = vector.broadcast %parallel_loop3A_269 : f32 to vector<16xf32>
        %parallel_loop3A_271 = arith.select %parallel_loop3A_268, %parallel_loop3A_270, %parallel_loop3A_265 : vector<16xi1>, vector<16xf32>
        %parallel_loop3A_272 = arith.mulf %parallel_loop3A_262, %parallel_loop3A_271 : vector<16xf32>
        %parallel_loop3A_273 = arith.index_cast %parallel_loop3A_239 : i32 to index
        %parallel_loop3A_274 = arith.constant 0 : index
        %parallel_loop3A_275 = tpu.vector_load %arg11[%parallel_loop3A_273, %parallel_loop3A_274] {strides = array<i32>} : memref<80x16xf32, #tpu.memory_space<vmem>>, vector<1x16xf32>,
        %parallel_loop3A_276 = vector.shape_cast %parallel_loop3A_275 : vector<1x16xf32> to vector<16xf32>
        %parallel_loop3A_277 = vector.shape_cast %parallel_loop3A_272 : vector<16xf32> to vector<1x16xf32>
        tpu.vector_store %arg11[%parallel_loop3A_273, %parallel_loop3A_274], %parallel_loop3A_277 {strides = array<i32>} : memref<80x16xf32, #tpu.memory_space<vmem>>, vector<1x16xf32>,
      } {sc.loop_unroll_factor = 4 : i64, sc.parallel_access}
      %dma_start3A_186 = arith.constant 0 : i32
      %dma_start3A_187 = tpu.memref_slice %arg8[%mul3A_147, %dma_start3A_186] : memref<125x80xi32, #tpu.memory_space<vmem>> -> memref<1x80xi32, #tpu.memory_space<vmem>>
      %dma_start3A_188 = tpu.memref_squeeze %dma_start3A_187 : memref<1x80xi32, #tpu.memory_space<vmem>> -> memref<80xi32, #tpu.memory_space<vmem>>
      %dma_start3A_189 = arith.constant 0 : i32
      %dma_start3A_190 = arith.constant 0 : i32
      %dma_start3A_191 = tpu.memref_slice %arg15[%dma_start3A_189, %dma_start3A_190] : memref<10240x16xf32, #tpu.memory_space<vmem_shared>> -> memref<10240x16xf32, #tpu.memory_space<vmem_shared>>
      tpu.enqueue_indirect_dma source(%arg11 : memref<80x16xf32, #tpu.memory_space<vmem>>) target(%dma_start3A_191 : memref<10240x16xf32, #tpu.memory_space<vmem_shared>>) offsets(%dma_start3A_188 : memref<80xi32, #tpu.memory_space<vmem>>) semaphore(%arg18 : memref<!tpu.dma_semaphore, #tpu.memory_space<semaphore_mem>>) {add = true}
      %add3A_192 = arith.constant 2 : i32
      %add3A_193 = arith.addi %mul3A_147, %add3A_192 : i32
      %dma_start3A_194 = arith.constant 0 : i32
      %dma_start3A_195 = tpu.memref_slice %arg7[%add3A_193, %dma_start3A_194] : memref<125x80xi32, #tpu.memory_space<vmem>> -> memref<1x80xi32, #tpu.memory_space<vmem>>
      %dma_start3A_196 = tpu.memref_squeeze %dma_start3A_195 : memref<1x80xi32, #tpu.memory_space<vmem>> -> memref<80xi32, #tpu.memory_space<vmem>>
      %dma_start3A_197 = arith.constant 0 : i32
      %dma_start3A_198 = arith.constant 0 : i32
      %dma_start3A_199 = tpu.memref_slice %arg4[%dma_start3A_197, %dma_start3A_198] : memref<10240x16xf32, #tpu.memory_space<hbm>> -> memref<10240x16xf32, #tpu.memory_space<hbm>>
      tpu.enqueue_indirect_dma source(%dma_start3A_199 : memref<10240x16xf32, #tpu.memory_space<hbm>>) target(%arg9 : memref<80x16xf32, #tpu.memory_space<vmem>>) offsets(%dma_start3A_196 : memref<80xi32, #tpu.memory_space<vmem>>) semaphore(%arg16 : memref<!tpu.dma_semaphore, #tpu.memory_space<semaphore_mem>>)
      %dma_start3A_200 = arith.constant 0 : i32
      %dma_start3A_201 = tpu.memref_slice %arg8[%add3A_193, %dma_start3A_200] : memref<125x80xi32, #tpu.memory_space<vmem>> -> memref<1x80xi32, #tpu.memory_space<vmem>>
      %dma_start3A_202 = tpu.memref_squeeze %dma_start3A_201 : memref<1x80xi32, #tpu.memory_space<vmem>> -> memref<80xi32, #tpu.memory_space<vmem>>
      %dma_start3A_203 = arith.constant 0 : i32
      %dma_start3A_204 = arith.constant 0 : i32
      %dma_start3A_205 = tpu.memref_slice %arg4[%dma_start3A_203, %dma_start3A_204] : memref<10240x16xf32, #tpu.memory_space<hbm>> -> memref<10240x16xf32, #tpu.memory_space<hbm>>
      tpu.enqueue_indirect_dma source(%dma_start3A_205 : memref<10240x16xf32, #tpu.memory_space<hbm>>) target(%arg10 : memref<80x16xf32, #tpu.memory_space<vmem>>) offsets(%dma_start3A_202 : memref<80xi32, #tpu.memory_space<vmem>>) semaphore(%arg16 : memref<!tpu.dma_semaphore, #tpu.memory_space<semaphore_mem>>)
      %dma_wait3A_206 = arith.constant 0 : i32
      %dma_wait3A_207 = arith.constant 0 : i32
      %dma_wait3A_208 = tpu.memref_slice %arg7[%dma_wait3A_206, %dma_wait3A_207] : memref<125x80xi32, #tpu.memory_space<vmem>> -> memref<1x80xi32, #tpu.memory_space<vmem>>
      %dma_wait3A_209 = tpu.memref_squeeze %dma_wait3A_208 : memref<1x80xi32, #tpu.memory_space<vmem>> -> memref<80xi32, #tpu.memory_space<vmem>>
      %dma_wait3A_210 = arith.constant 0 : i32
      %dma_wait3A_211 = arith.constant 0 : i32
      %dma_wait3A_212 = tpu.memref_slice %arg4[%dma_wait3A_210, %dma_wait3A_211] : memref<10240x16xf32, #tpu.memory_space<hbm>> -> memref<10240x16xf32, #tpu.memory_space<hbm>>
      tpu.wait_indirect_dma semaphore(%arg17 : memref<!tpu.dma_semaphore, #tpu.memory_space<semaphore_mem>>) src(%dma_wait3A_212 : memref<10240x16xf32, #tpu.memory_space<hbm>>) dst(%arg12 : memref<80x16xf32, #tpu.memory_space<vmem>>)
      %dma_wait3A_213 = arith.constant 0 : i32
      %dma_wait3A_214 = arith.constant 0 : i32
      %dma_wait3A_215 = tpu.memref_slice %arg8[%dma_wait3A_213, %dma_wait3A_214] : memref<125x80xi32, #tpu.memory_space<vmem>> -> memref<1x80xi32, #tpu.memory_space<vmem>>
      %dma_wait3A_216 = tpu.memref_squeeze %dma_wait3A_215 : memref<1x80xi32, #tpu.memory_space<vmem>> -> memref<80xi32, #tpu.memory_space<vmem>>
      %dma_wait3A_217 = arith.constant 0 : i32
      %dma_wait3A_218 = arith.constant 0 : i32
      %dma_wait3A_219 = tpu.memref_slice %arg4[%dma_wait3A_217, %dma_wait3A_218] : memref<10240x16xf32, #tpu.memory_space<hbm>> -> memref<10240x16xf32, #tpu.memory_space<hbm>>
      tpu.wait_indirect_dma semaphore(%arg17 : memref<!tpu.dma_semaphore, #tpu.memory_space<semaphore_mem>>) src(%dma_wait3A_219 : memref<10240x16xf32, #tpu.memory_space<hbm>>) dst(%arg13 : memref<80x16xf32, #tpu.memory_space<vmem>>)
      %dma_wait3A_220 = arith.constant 0 : i32
      %dma_wait3A_221 = arith.constant 0 : i32
      %dma_wait3A_222 = tpu.memref_slice %arg8[%dma_wait3A_220, %dma_wait3A_221] : memref<125x80xi32, #tpu.memory_space<vmem>> -> memref<1x80xi32, #tpu.memory_space<vmem>>
      %dma_wait3A_223 = tpu.memref_squeeze %dma_wait3A_222 : memref<1x80xi32, #tpu.memory_space<vmem>> -> memref<80xi32, #tpu.memory_space<vmem>>
      %dma_wait3A_224 = arith.constant 0 : i32
      %dma_wait3A_225 = arith.constant 0 : i32
      %dma_wait3A_226 = tpu.memref_slice %arg15[%dma_wait3A_224, %dma_wait3A_225] : memref<10240x16xf32, #tpu.memory_space<vmem_shared>> -> memref<10240x16xf32, #tpu.memory_space<vmem_shared>>
      tpu.wait_indirect_dma semaphore(%arg19 : memref<!tpu.dma_semaphore, #tpu.memory_space<semaphore_mem>>) src(%arg14 : memref<80x16xf32, #tpu.memory_space<vmem>>) dst(%dma_wait3A_226 : memref<10240x16xf32, #tpu.memory_space<vmem_shared>>)
      %parallel_loop3A_227 = arith.constant 0 : i32
      %parallel_loop3A_228 = arith.constant 80 : i32
      %parallel_loop3A_229 = arith.constant 1 : i32
      scf.for %parallel_loop3A_239 = %parallel_loop3A_227 to %parallel_loop3A_228 step %parallel_loop3A_229  : i32 {
        %parallel_loop3A_240 = arith.index_cast %parallel_loop3A_239 : i32 to index
        %parallel_loop3A_241 = arith.constant 0 : index
        %parallel_loop3A_242 = tpu.vector_load %arg12[%parallel_loop3A_240, %parallel_loop3A_241] {strides = array<i32>} : memref<80x16xf32, #tpu.memory_space<vmem>>, vector<1x16xf32>,
        %parallel_loop3A_243 = vector.shape_cast %parallel_loop3A_242 : vector<1x16xf32> to vector<16xf32>
        %parallel_loop3A_244 = arith.index_cast %parallel_loop3A_239 : i32 to index
        %parallel_loop3A_245 = arith.constant 0 : index
        %parallel_loop3A_246 = tpu.vector_load %arg13[%parallel_loop3A_244, %parallel_loop3A_245] {strides = array<i32>} : memref<80x16xf32, #tpu.memory_space<vmem>>, vector<1x16xf32>,
        %parallel_loop3A_247 = vector.shape_cast %parallel_loop3A_246 : vector<1x16xf32> to vector<16xf32>
        %parallel_loop3A_248 = vector.shape_cast %add3A_57 : vector<16xi32> to vector<16x1xi32>
        %parallel_loop3A_249 = vector.shape_cast %parallel_loop3A_248 : vector<16x1xi32> to vector<16xi32>
        %parallel_loop3A_250 = tpu.dynamic_gather %parallel_loop3A_243[%parallel_loop3A_249] in [0] : vector<16xf32>, vector<16xi32> -> vector<16xf32>
        %parallel_loop3A_251 = vector.shape_cast %add3A_63 : vector<16xi32> to vector<16x1xi32>
        %parallel_loop3A_252 = vector.shape_cast %parallel_loop3A_251 : vector<16x1xi32> to vector<16xi32>
        %parallel_loop3A_253 = tpu.dynamic_gather %parallel_loop3A_247[%parallel_loop3A_252] in [0] : vector<16xf32>, vector<16xi32> -> vector<16xf32>
        %parallel_loop3A_254 = arith.addf %parallel_loop3A_250, %parallel_loop3A_253 : vector<16xf32>
        %parallel_loop3A_255 = arith.constant 0.000000e+00 : f32
        %parallel_loop3A_256 = vector.broadcast %parallel_loop3A_255 : f32 to vector<16xf32>
        %parallel_loop3A_257 = arith.cmpf oge, %parallel_loop3A_254, %parallel_loop3A_256 : vector<16xf32>
        %parallel_loop3A_258 = arith.constant 2.000000e-01 : f32
        %parallel_loop3A_259 = vector.broadcast %parallel_loop3A_258 : f32 to vector<16xf32>
        %parallel_loop3A_260 = arith.mulf %parallel_loop3A_259, %parallel_loop3A_254 : vector<16xf32>
        %parallel_loop3A_261 = arith.select %parallel_loop3A_257, %parallel_loop3A_254, %parallel_loop3A_260 : vector<16xi1>, vector<16xf32>
        %parallel_loop3A_262 = math.exp %parallel_loop3A_261 : vector<16xf32>
        %parallel_loop3A_263 = vector.shape_cast %select_n3A : vector<16xi32> to vector<16x1xi32>
        %parallel_loop3A_264 = vector.shape_cast %parallel_loop3A_263 : vector<16x1xi32> to vector<16xi32>
        %parallel_loop3A_265 = tpu.dynamic_gather %parallel_loop3A_243[%parallel_loop3A_264] in [0] : vector<16xf32>, vector<16xi32> -> vector<16xf32>
        %parallel_loop3A_266 = arith.constant 0 : i32
        %parallel_loop3A_267 = vector.broadcast %parallel_loop3A_266 : i32 to vector<16xi32>
        %parallel_loop3A_268 = arith.cmpi eq, %iota3A, %parallel_loop3A_267 : vector<16xi32>
        %parallel_loop3A_269 = arith.constant 1.000000e+00 : f32
        %parallel_loop3A_270 = vector.broadcast %parallel_loop3A_269 : f32 to vector<16xf32>
        %parallel_loop3A_271 = arith.select %parallel_loop3A_268, %parallel_loop3A_270, %parallel_loop3A_265 : vector<16xi1>, vector<16xf32>
        %parallel_loop3A_272 = arith.mulf %parallel_loop3A_262, %parallel_loop3A_271 : vector<16xf32>
        %parallel_loop3A_273 = arith.index_cast %parallel_loop3A_239 : i32 to index
        %parallel_loop3A_274 = arith.constant 0 : index
        %parallel_loop3A_275 = tpu.vector_load %arg14[%parallel_loop3A_273, %parallel_loop3A_274] {strides = array<i32>} : memref<80x16xf32, #tpu.memory_space<vmem>>, vector<1x16xf32>,
        %parallel_loop3A_276 = vector.shape_cast %parallel_loop3A_275 : vector<1x16xf32> to vector<16xf32>
        %parallel_loop3A_277 = vector.shape_cast %parallel_loop3A_272 : vector<16xf32> to vector<1x16xf32>
        tpu.vector_store %arg14[%parallel_loop3A_273, %parallel_loop3A_274], %parallel_loop3A_277 {strides = array<i32>} : memref<80x16xf32, #tpu.memory_space<vmem>>, vector<1x16xf32>,
      } {sc.loop_unroll_factor = 4 : i64, sc.parallel_access}
      %add3A_230 = arith.constant 1 : i32
      %add3A_231 = arith.addi %mul3A_147, %add3A_230 : i32
      %dma_start3A_232 = arith.constant 0 : i32
      %dma_start3A_233 = tpu.memref_slice %arg8[%add3A_231, %dma_start3A_232] : memref<125x80xi32, #tpu.memory_space<vmem>> -> memref<1x80xi32, #tpu.memory_space<vmem>>
      %dma_start3A_234 = tpu.memref_squeeze %dma_start3A_233 : memref<1x80xi32, #tpu.memory_space<vmem>> -> memref<80xi32, #tpu.memory_space<vmem>>
      %dma_start3A_235 = arith.constant 0 : i32
      %dma_start3A_236 = arith.constant 0 : i32
      %dma_start3A_237 = tpu.memref_slice %arg15[%dma_start3A_235, %dma_start3A_236] : memref<10240x16xf32, #tpu.memory_space<vmem_shared>> -> memref<10240x16xf32, #tpu.memory_space<vmem_shared>>
      tpu.enqueue_indirect_dma source(%arg14 : memref<80x16xf32, #tpu.memory_space<vmem>>) target(%dma_start3A_237 : memref<10240x16xf32, #tpu.memory_space<vmem_shared>>) offsets(%dma_start3A_234 : memref<80xi32, #tpu.memory_space<vmem>>) semaphore(%arg19 : memref<!tpu.dma_semaphore, #tpu.memory_space<semaphore_mem>>) {add = true}
      %scan3A_238 = arith.constant 0 : i32
      scf.yield %scan3A_238 : i32
    }
    %scan3A_90 = arith.constant 62 : i32
    %dma_wait3A = arith.constant 0 : i32
    %dma_wait3A_91 = arith.constant 0 : i32
    %dma_wait3A_92 = tpu.memref_slice %arg7[%dma_wait3A, %dma_wait3A_91] : memref<125x80xi32, #tpu.memory_space<vmem>> -> memref<1x80xi32, #tpu.memory_space<vmem>>
    %dma_wait3A_93 = tpu.memref_squeeze %dma_wait3A_92 : memref<1x80xi32, #tpu.memory_space<vmem>> -> memref<80xi32, #tpu.memory_space<vmem>>
    %dma_wait3A_94 = arith.constant 0 : i32
    %dma_wait3A_95 = arith.constant 0 : i32
    %dma_wait3A_96 = tpu.memref_slice %arg4[%dma_wait3A_94, %dma_wait3A_95] : memref<10240x16xf32, #tpu.memory_space<hbm>> -> memref<10240x16xf32, #tpu.memory_space<hbm>>
    tpu.wait_indirect_dma semaphore(%arg16 : memref<!tpu.dma_semaphore, #tpu.memory_space<semaphore_mem>>) src(%dma_wait3A_96 : memref<10240x16xf32, #tpu.memory_space<hbm>>) dst(%arg9 : memref<80x16xf32, #tpu.memory_space<vmem>>)
    %dma_wait3A_97 = arith.constant 0 : i32
    %dma_wait3A_98 = arith.constant 0 : i32
    %dma_wait3A_99 = tpu.memref_slice %arg8[%dma_wait3A_97, %dma_wait3A_98] : memref<125x80xi32, #tpu.memory_space<vmem>> -> memref<1x80xi32, #tpu.memory_space<vmem>>
    %dma_wait3A_100 = tpu.memref_squeeze %dma_wait3A_99 : memref<1x80xi32, #tpu.memory_space<vmem>> -> memref<80xi32, #tpu.memory_space<vmem>>
    %dma_wait3A_101 = arith.constant 0 : i32
    %dma_wait3A_102 = arith.constant 0 : i32
    %dma_wait3A_103 = tpu.memref_slice %arg4[%dma_wait3A_101, %dma_wait3A_102] : memref<10240x16xf32, #tpu.memory_space<hbm>> -> memref<10240x16xf32, #tpu.memory_space<hbm>>
    tpu.wait_indirect_dma semaphore(%arg16 : memref<!tpu.dma_semaphore, #tpu.memory_space<semaphore_mem>>) src(%dma_wait3A_103 : memref<10240x16xf32, #tpu.memory_space<hbm>>) dst(%arg10 : memref<80x16xf32, #tpu.memory_space<vmem>>)
    %dma_wait3A_104 = arith.constant 0 : i32
    %dma_wait3A_105 = arith.constant 0 : i32
    %dma_wait3A_106 = tpu.memref_slice %arg8[%dma_wait3A_104, %dma_wait3A_105] : memref<125x80xi32, #tpu.memory_space<vmem>> -> memref<1x80xi32, #tpu.memory_space<vmem>>
    %dma_wait3A_107 = tpu.memref_squeeze %dma_wait3A_106 : memref<1x80xi32, #tpu.memory_space<vmem>> -> memref<80xi32, #tpu.memory_space<vmem>>
    %dma_wait3A_108 = arith.constant 0 : i32
    %dma_wait3A_109 = arith.constant 0 : i32
    %dma_wait3A_110 = tpu.memref_slice %arg15[%dma_wait3A_108, %dma_wait3A_109] : memref<10240x16xf32, #tpu.memory_space<vmem_shared>> -> memref<10240x16xf32, #tpu.memory_space<vmem_shared>>
    tpu.wait_indirect_dma semaphore(%arg18 : memref<!tpu.dma_semaphore, #tpu.memory_space<semaphore_mem>>) src(%arg11 : memref<80x16xf32, #tpu.memory_space<vmem>>) dst(%dma_wait3A_110 : memref<10240x16xf32, #tpu.memory_space<vmem_shared>>)
    %parallel_loop3A = arith.constant 0 : i32
    %parallel_loop3A_111 = arith.constant 80 : i32
    %parallel_loop3A_112 = arith.constant 1 : i32
    scf.for %parallel_loop3A_144 = %parallel_loop3A to %parallel_loop3A_111 step %parallel_loop3A_112  : i32 {
      %parallel_loop3A_145 = arith.index_cast %parallel_loop3A_144 : i32 to index
      %parallel_loop3A_146 = arith.constant 0 : index
      %parallel_loop3A_147 = tpu.vector_load %arg9[%parallel_loop3A_145, %parallel_loop3A_146] {strides = array<i32>} : memref<80x16xf32, #tpu.memory_space<vmem>>, vector<1x16xf32>,
      %parallel_loop3A_148 = vector.shape_cast %parallel_loop3A_147 : vector<1x16xf32> to vector<16xf32>
      %parallel_loop3A_149 = arith.index_cast %parallel_loop3A_144 : i32 to index
      %parallel_loop3A_150 = arith.constant 0 : index
      %parallel_loop3A_151 = tpu.vector_load %arg10[%parallel_loop3A_149, %parallel_loop3A_150] {strides = array<i32>} : memref<80x16xf32, #tpu.memory_space<vmem>>, vector<1x16xf32>,
      %parallel_loop3A_152 = vector.shape_cast %parallel_loop3A_151 : vector<1x16xf32> to vector<16xf32>
      %parallel_loop3A_153 = vector.shape_cast %add3A_57 : vector<16xi32> to vector<16x1xi32>
      %parallel_loop3A_154 = vector.shape_cast %parallel_loop3A_153 : vector<16x1xi32> to vector<16xi32>
      %parallel_loop3A_155 = tpu.dynamic_gather %parallel_loop3A_148[%parallel_loop3A_154] in [0] : vector<16xf32>, vector<16xi32> -> vector<16xf32>
      %parallel_loop3A_156 = vector.shape_cast %add3A_63 : vector<16xi32> to vector<16x1xi32>
      %parallel_loop3A_157 = vector.shape_cast %parallel_loop3A_156 : vector<16x1xi32> to vector<16xi32>
      %parallel_loop3A_158 = tpu.dynamic_gather %parallel_loop3A_152[%parallel_loop3A_157] in [0] : vector<16xf32>, vector<16xi32> -> vector<16xf32>
      %parallel_loop3A_159 = arith.addf %parallel_loop3A_155, %parallel_loop3A_158 : vector<16xf32>
      %parallel_loop3A_160 = arith.constant 0.000000e+00 : f32
      %parallel_loop3A_161 = vector.broadcast %parallel_loop3A_160 : f32 to vector<16xf32>
      %parallel_loop3A_162 = arith.cmpf oge, %parallel_loop3A_159, %parallel_loop3A_161 : vector<16xf32>
      %parallel_loop3A_163 = arith.constant 2.000000e-01 : f32
      %parallel_loop3A_164 = vector.broadcast %parallel_loop3A_163 : f32 to vector<16xf32>
      %parallel_loop3A_165 = arith.mulf %parallel_loop3A_164, %parallel_loop3A_159 : vector<16xf32>
      %parallel_loop3A_166 = arith.select %parallel_loop3A_162, %parallel_loop3A_159, %parallel_loop3A_165 : vector<16xi1>, vector<16xf32>
      %parallel_loop3A_167 = math.exp %parallel_loop3A_166 : vector<16xf32>
      %parallel_loop3A_168 = vector.shape_cast %select_n3A : vector<16xi32> to vector<16x1xi32>
      %parallel_loop3A_169 = vector.shape_cast %parallel_loop3A_168 : vector<16x1xi32> to vector<16xi32>
      %parallel_loop3A_170 = tpu.dynamic_gather %parallel_loop3A_148[%parallel_loop3A_169] in [0] : vector<16xf32>, vector<16xi32> -> vector<16xf32>
      %parallel_loop3A_171 = arith.constant 0 : i32
      %parallel_loop3A_172 = vector.broadcast %parallel_loop3A_171 : i32 to vector<16xi32>
      %parallel_loop3A_173 = arith.cmpi eq, %iota3A, %parallel_loop3A_172 : vector<16xi32>
      %parallel_loop3A_174 = arith.constant 1.000000e+00 : f32
      %parallel_loop3A_175 = vector.broadcast %parallel_loop3A_174 : f32 to vector<16xf32>
      %parallel_loop3A_176 = arith.select %parallel_loop3A_173, %parallel_loop3A_175, %parallel_loop3A_170 : vector<16xi1>, vector<16xf32>
      %parallel_loop3A_177 = arith.mulf %parallel_loop3A_167, %parallel_loop3A_176 : vector<16xf32>
      %parallel_loop3A_178 = arith.index_cast %parallel_loop3A_144 : i32 to index
      %parallel_loop3A_179 = arith.constant 0 : index
      %parallel_loop3A_180 = tpu.vector_load %arg11[%parallel_loop3A_178, %parallel_loop3A_179] {strides = array<i32>} : memref<80x16xf32, #tpu.memory_space<vmem>>, vector<1x16xf32>,
      %parallel_loop3A_181 = vector.shape_cast %parallel_loop3A_180 : vector<1x16xf32> to vector<16xf32>
      %parallel_loop3A_182 = vector.shape_cast %parallel_loop3A_177 : vector<16xf32> to vector<1x16xf32>
      tpu.vector_store %arg11[%parallel_loop3A_178, %parallel_loop3A_179], %parallel_loop3A_182 {strides = array<i32>} : memref<80x16xf32, #tpu.memory_space<vmem>>, vector<1x16xf32>,
    } {sc.loop_unroll_factor = 4 : i64, sc.parallel_access}
    %dma_start3A_113 = arith.constant 124 : i32
    %dma_start3A_114 = arith.constant 0 : i32
    %dma_start3A_115 = tpu.memref_slice %arg8[%dma_start3A_113, %dma_start3A_114] : memref<125x80xi32, #tpu.memory_space<vmem>> -> memref<1x80xi32, #tpu.memory_space<vmem>>
    %dma_start3A_116 = tpu.memref_squeeze %dma_start3A_115 : memref<1x80xi32, #tpu.memory_space<vmem>> -> memref<80xi32, #tpu.memory_space<vmem>>
    %dma_start3A_117 = arith.constant 0 : i32
    %dma_start3A_118 = arith.constant 0 : i32
    %dma_start3A_119 = tpu.memref_slice %arg15[%dma_start3A_117, %dma_start3A_118] : memref<10240x16xf32, #tpu.memory_space<vmem_shared>> -> memref<10240x16xf32, #tpu.memory_space<vmem_shared>>
    tpu.enqueue_indirect_dma source(%arg11 : memref<80x16xf32, #tpu.memory_space<vmem>>) target(%dma_start3A_119 : memref<10240x16xf32, #tpu.memory_space<vmem_shared>>) offsets(%dma_start3A_116 : memref<80xi32, #tpu.memory_space<vmem>>) semaphore(%arg18 : memref<!tpu.dma_semaphore, #tpu.memory_space<semaphore_mem>>) {add = true}
    %dma_wait3A_120 = arith.constant 0 : i32
    %dma_wait3A_121 = arith.constant 0 : i32
    %dma_wait3A_122 = tpu.memref_slice %arg8[%dma_wait3A_120, %dma_wait3A_121] : memref<125x80xi32, #tpu.memory_space<vmem>> -> memref<1x80xi32, #tpu.memory_space<vmem>>
    %dma_wait3A_123 = tpu.memref_squeeze %dma_wait3A_122 : memref<1x80xi32, #tpu.memory_space<vmem>> -> memref<80xi32, #tpu.memory_space<vmem>>
    %dma_wait3A_124 = arith.constant 0 : i32
    %dma_wait3A_125 = arith.constant 0 : i32
    %dma_wait3A_126 = tpu.memref_slice %arg15[%dma_wait3A_124, %dma_wait3A_125] : memref<10240x16xf32, #tpu.memory_space<vmem_shared>> -> memref<10240x16xf32, #tpu.memory_space<vmem_shared>>
    tpu.wait_indirect_dma semaphore(%arg18 : memref<!tpu.dma_semaphore, #tpu.memory_space<semaphore_mem>>) src(%arg11 : memref<80x16xf32, #tpu.memory_space<vmem>>) dst(%dma_wait3A_126 : memref<10240x16xf32, #tpu.memory_space<vmem_shared>>)
    %dma_wait3A_127 = arith.constant 0 : i32
    %dma_wait3A_128 = arith.constant 0 : i32
    %dma_wait3A_129 = tpu.memref_slice %arg8[%dma_wait3A_127, %dma_wait3A_128] : memref<125x80xi32, #tpu.memory_space<vmem>> -> memref<1x80xi32, #tpu.memory_space<vmem>>
    %dma_wait3A_130 = tpu.memref_squeeze %dma_wait3A_129 : memref<1x80xi32, #tpu.memory_space<vmem>> -> memref<80xi32, #tpu.memory_space<vmem>>
    %dma_wait3A_131 = arith.constant 0 : i32
    %dma_wait3A_132 = arith.constant 0 : i32
    %dma_wait3A_133 = tpu.memref_slice %arg15[%dma_wait3A_131, %dma_wait3A_132] : memref<10240x16xf32, #tpu.memory_space<vmem_shared>> -> memref<10240x16xf32, #tpu.memory_space<vmem_shared>>
    tpu.wait_indirect_dma semaphore(%arg19 : memref<!tpu.dma_semaphore, #tpu.memory_space<semaphore_mem>>) src(%arg14 : memref<80x16xf32, #tpu.memory_space<vmem>>) dst(%dma_wait3A_133 : memref<10240x16xf32, #tpu.memory_space<vmem_shared>>)
    %barrier3A_134 = arith.constant 0 : index
    tpu.barrier barrier_id(%barrier3A_134)
    %mul3A_135 = arith.constant 640 : i32
    %mul3A_136 = arith.muli %arg1, %mul3A_135 : i32
    %eq3A = arith.constant 0 : i32
    %eq3A_137 = arith.cmpi eq, %arg0, %eq3A : i32
    %convert_element_type3A = arith.extui %eq3A_137 : i1 to i32
    %cond3A = arith.constant 0 : i32
    %cond3A_138 = arith.cmpi ne, %convert_element_type3A, %cond3A : i32
    scf.if %cond3A_138 {
      %mul3A_144 = arith.constant 640 : i32
      %mul3A_145 = arith.muli %arg1, %mul3A_144 : i32
      "tpu.region"() ({
        %run_scoped3A = tpu.sem_alloc : memref<!tpu.dma_semaphore, #tpu.memory_space<semaphore_mem>>
        %dma_start3A_146 = arith.constant 0 : i32
        %dma_start3A_147 = tpu.memref_slice %arg5[%mul3A_145, %dma_start3A_146] : memref<10240x16xf32, #tpu.memory_space<hbm>> -> memref<640x16xf32, #tpu.memory_space<hbm>>
        %dma_start3A_148 = arith.constant 0 : i32
        %dma_start3A_149 = tpu.memref_slice %arg15[%mul3A_136, %dma_start3A_148] : memref<10240x16xf32, #tpu.memory_space<vmem_shared>> -> memref<640x16xf32, #tpu.memory_space<vmem_shared>>
        tpu.enqueue_dma source(%dma_start3A_149 : memref<640x16xf32, #tpu.memory_space<vmem_shared>>) target(%dma_start3A_147 : memref<640x16xf32, #tpu.memory_space<hbm>>) target_semaphore(%run_scoped3A : memref<!tpu.dma_semaphore, #tpu.memory_space<semaphore_mem>>)
        %dma_wait3A_150 = arith.constant 0 : i32
        %dma_wait3A_151 = tpu.memref_slice %arg5[%mul3A_145, %dma_wait3A_150] : memref<10240x16xf32, #tpu.memory_space<hbm>> -> memref<640x16xf32, #tpu.memory_space<hbm>>
        %dma_wait3A_152 = arith.constant 0 : i32
        %dma_wait3A_153 = tpu.memref_slice %arg15[%mul3A_136, %dma_wait3A_152] : memref<10240x16xf32, #tpu.memory_space<vmem_shared>> -> memref<640x16xf32, #tpu.memory_space<vmem_shared>>
        tpu.wait_dma2 semaphore(%run_scoped3A : memref<!tpu.dma_semaphore, #tpu.memory_space<semaphore_mem>>) src(%dma_wait3A_153 : memref<640x16xf32, #tpu.memory_space<vmem_shared>>) dst(%dma_wait3A_151 : memref<640x16xf32, #tpu.memory_space<hbm>>)
        tpu.yield
      }) : () -> ()
    } else {
    }
    %eq3A_139 = arith.constant 1 : i32
    %eq3A_140 = arith.cmpi eq, %arg0, %eq3A_139 : i32
    %convert_element_type3A_141 = arith.extui %eq3A_140 : i1 to i32
    %cond3A_142 = arith.constant 0 : i32
    %cond3A_143 = arith.cmpi ne, %convert_element_type3A_141, %cond3A_142 : i32
    scf.if %cond3A_143 {
      %mul3A_144 = arith.constant 640 : i32
      %mul3A_145 = arith.muli %arg1, %mul3A_144 : i32
      "tpu.region"() ({
        %run_scoped3A = tpu.sem_alloc : memref<!tpu.dma_semaphore, #tpu.memory_space<semaphore_mem>>
        %dma_start3A_146 = arith.constant 0 : i32
        %dma_start3A_147 = tpu.memref_slice %arg6[%mul3A_145, %dma_start3A_146] : memref<10240x16xf32, #tpu.memory_space<hbm>> -> memref<640x16xf32, #tpu.memory_space<hbm>>
        %dma_start3A_148 = arith.constant 0 : i32
        %dma_start3A_149 = tpu.memref_slice %arg15[%mul3A_136, %dma_start3A_148] : memref<10240x16xf32, #tpu.memory_space<vmem_shared>> -> memref<640x16xf32, #tpu.memory_space<vmem_shared>>
        tpu.enqueue_dma source(%dma_start3A_149 : memref<640x16xf32, #tpu.memory_space<vmem_shared>>) target(%dma_start3A_147 : memref<640x16xf32, #tpu.memory_space<hbm>>) target_semaphore(%run_scoped3A : memref<!tpu.dma_semaphore, #tpu.memory_space<semaphore_mem>>)
        %dma_wait3A_150 = arith.constant 0 : i32
        %dma_wait3A_151 = tpu.memref_slice %arg6[%mul3A_145, %dma_wait3A_150] : memref<10240x16xf32, #tpu.memory_space<hbm>> -> memref<640x16xf32, #tpu.memory_space<hbm>>
        %dma_wait3A_152 = arith.constant 0 : i32
        %dma_wait3A_153 = tpu.memref_slice %arg15[%mul3A_136, %dma_wait3A_152] : memref<10240x16xf32, #tpu.memory_space<vmem_shared>> -> memref<640x16xf32, #tpu.memory_space<vmem_shared>>
        tpu.wait_dma2 semaphore(%run_scoped3A : memref<!tpu.dma_semaphore, #tpu.memory_space<semaphore_mem>>) src(%dma_wait3A_153 : memref<640x16xf32, #tpu.memory_space<vmem_shared>>) dst(%dma_wait3A_151 : memref<640x16xf32, #tpu.memory_space<hbm>>)
        tpu.yield
      }) : () -> ()
    } else {
    }
    return
  }
}

module attributes {stable_mosaic.version = 14 : i64} {
  func.func @_node1_body(%arg0: i32, %arg1: memref<512x128xf32, #tpu.memory_space<vmem>>, %arg2: memref<128x64xf32, #tpu.memory_space<vmem>>, %arg3: memref<64x8xf32, #tpu.memory_space<vmem>>, %arg4: memref<64x8xf32, #tpu.memory_space<vmem>>, %arg5: memref<512x80xf32, #tpu.memory_space<vmem>>, %arg6: memref<512x16xf32, #tpu.memory_space<vmem>>) attributes {dimension_semantics = [#tpu.dimension_semantics<arbitrary>], iteration_bounds = array<i64: 20>, scalar_prefetch = 0 : i64, scratch_operands = 0 : i64, tpu.core_type = #tpu.core_type<tc>, window_params = [{transform_indices = @transform_0, window_bounds = array<i64: 512, 128>}, {pipeline_mode = #tpu.pipeline_mode<synchronous>, transform_indices = @transform_1, window_bounds = array<i64: 128, 64>}, {pipeline_mode = #tpu.pipeline_mode<synchronous>, transform_indices = @transform_2, window_bounds = array<i64: 64, 8>}, {pipeline_mode = #tpu.pipeline_mode<synchronous>, transform_indices = @transform_3, window_bounds = array<i64: 64, 8>}, {transform_indices = @transform_4, window_bounds = array<i64: 512, 80>}, {transform_indices = @transform_5, window_bounds = array<i64: 512, 16>}]} {
    %get3A = arith.constant 0 : index
    %get3A_0 = arith.constant 0 : index
    %get3A_1 = vector.load %arg1[%get3A, %get3A_0] : memref<512x128xf32, #tpu.memory_space<vmem>>, vector<512x128xf32>
    %get3A_2 = arith.constant 0 : index
    %get3A_3 = arith.constant 0 : index
    %get3A_4 = vector.load %arg2[%get3A_2, %get3A_3] : memref<128x64xf32, #tpu.memory_space<vmem>>, vector<128x64xf32>
    %dot_general3A = arith.constant dense<0.000000e+00> : vector<512x64xf32>
    %dot_general3A_5 = tpu.matmul %get3A_1, %get3A_4, %dot_general3A {dimension_numbers = #tpu.dot_dimension_numbers<[1], [0], [0], [1], [0, 0, 1, 1], [], []>, transpose_lhs_hint = false} : vector<512x128xf32>, vector<128x64xf32>, vector<512x64xf32> -> vector<512x64xf32>
    %get3A_6 = arith.constant 0 : index
    %get3A_7 = arith.constant 0 : index
    %get3A_8 = vector.load %arg3[%get3A_6, %get3A_7] : memref<64x8xf32, #tpu.memory_space<vmem>>, vector<64x8xf32>
    %dot_general3A_9 = arith.constant dense<0.000000e+00> : vector<512x8xf32>
    %dot_general3A_10 = tpu.matmul %dot_general3A_5, %get3A_8, %dot_general3A_9 {dimension_numbers = #tpu.dot_dimension_numbers<[1], [0], [0], [1], [0, 0, 1, 1], [], []>, precision = #tpu.contract_precision<fp32>, transpose_lhs_hint = false} : vector<512x64xf32>, vector<64x8xf32>, vector<512x8xf32> -> vector<512x8xf32>
    %get3A_11 = arith.constant 0 : index
    %get3A_12 = arith.constant 0 : index
    %get3A_13 = vector.load %arg4[%get3A_11, %get3A_12] : memref<64x8xf32, #tpu.memory_space<vmem>>, vector<64x8xf32>
    %dot_general3A_14 = arith.constant dense<0.000000e+00> : vector<512x8xf32>
    %dot_general3A_15 = tpu.matmul %dot_general3A_5, %get3A_13, %dot_general3A_14 {dimension_numbers = #tpu.dot_dimension_numbers<[1], [0], [0], [1], [0, 0, 1, 1], [], []>, precision = #tpu.contract_precision<fp32>, transpose_lhs_hint = false} : vector<512x64xf32>, vector<64x8xf32>, vector<512x8xf32> -> vector<512x8xf32>
    %broadcast_in_dim3A = arith.constant 0.000000e+00 : f32
    %broadcast_in_dim3A_16 = vector.broadcast %broadcast_in_dim3A : f32 to vector<512x8xf32>
    %concatenate3A = tpu.concatenate %dot_general3A_5, %dot_general3A_10, %broadcast_in_dim3A_16 in 1 : vector<512x64xf32>, vector<512x8xf32>, vector<512x8xf32> -> vector<512x80xf32>
    %swap3A = arith.constant 0 : index
    %swap3A_17 = arith.constant 0 : index
    %swap3A_18 = vector.load %arg5[%swap3A, %swap3A_17] : memref<512x80xf32, #tpu.memory_space<vmem>>, vector<512x80xf32>
    tpu.vector_store %arg5[%swap3A, %swap3A_17], %concatenate3A {strides = array<i32>} : memref<512x80xf32, #tpu.memory_space<vmem>>, vector<512x80xf32>,
    %concatenate3A_19 = tpu.concatenate %dot_general3A_15, %broadcast_in_dim3A_16 in 1 : vector<512x8xf32>, vector<512x8xf32> -> vector<512x16xf32>
    %swap3A_20 = arith.constant 0 : index
    %swap3A_21 = arith.constant 0 : index
    %swap3A_22 = vector.load %arg6[%swap3A_20, %swap3A_21] : memref<512x16xf32, #tpu.memory_space<vmem>>, vector<512x16xf32>
    tpu.vector_store %arg6[%swap3A_20, %swap3A_21], %concatenate3A_19 {strides = array<i32>} : memref<512x16xf32, #tpu.memory_space<vmem>>, vector<512x16xf32>,
    return
  }
  func.func @transform_0(%arg0: i32) -> (i32, i32) {
    %c0_i32 = arith.constant 0 : i32
    %c0_i32_0 = arith.constant 0 : i32
    return %arg0, %c0_i32 : i32, i32
  }
  func.func @transform_1(%arg0: i32) -> (i32, i32) {
    %c0_i32 = arith.constant 0 : i32
    %c0_i32_0 = arith.constant 0 : i32
    %c0_i32_1 = arith.constant 0 : i32
    return %c0_i32, %c0_i32_0 : i32, i32
  }
  func.func @transform_2(%arg0: i32) -> (i32, i32) {
    %c0_i32 = arith.constant 0 : i32
    %c0_i32_0 = arith.constant 0 : i32
    %c0_i32_1 = arith.constant 0 : i32
    return %c0_i32, %c0_i32_0 : i32, i32
  }
  func.func @transform_3(%arg0: i32) -> (i32, i32) {
    %c0_i32 = arith.constant 0 : i32
    %c0_i32_0 = arith.constant 0 : i32
    %c0_i32_1 = arith.constant 0 : i32
    return %c0_i32, %c0_i32_0 : i32, i32
  }
  func.func @transform_4(%arg0: i32) -> (i32, i32) {
    %c0_i32 = arith.constant 0 : i32
    %c0_i32_0 = arith.constant 0 : i32
    return %arg0, %c0_i32 : i32, i32
  }
  func.func @transform_5(%arg0: i32) -> (i32, i32) {
    %c0_i32 = arith.constant 0 : i32
    %c0_i32_0 = arith.constant 0 : i32
    return %arg0, %c0_i32 : i32, i32
  }
}

module attributes {stable_mosaic.version = 14 : i64} {
  func.func @_norm1_body(%arg0: i32, %arg1: memref<512x80xf32, #tpu.memory_space<vmem>>, %arg2: memref<512x80xf32, #tpu.memory_space<vmem>>, %arg3: memref<512x80xf32, #tpu.memory_space<vmem>>, %arg4: memref<512x16xf32, #tpu.memory_space<vmem>>, %arg5: memref<8x64xf32, #tpu.memory_space<vmem>>, %arg6: memref<8x64xf32, #tpu.memory_space<vmem>>, %arg7: memref<64x8xf32, #tpu.memory_space<vmem>>, %arg8: memref<8x16xf32, #tpu.memory_space<vmem>>, %arg9: memref<512x16xf32, #tpu.memory_space<vmem>>) attributes {dimension_semantics = [#tpu.dimension_semantics<arbitrary>], iteration_bounds = array<i64: 20>, scalar_prefetch = 0 : i64, scratch_operands = 0 : i64, tpu.core_type = #tpu.core_type<tc>, window_params = [{transform_indices = @transform_0, window_bounds = array<i64: 512, 80>}, {transform_indices = @transform_1, window_bounds = array<i64: 512, 80>}, {transform_indices = @transform_2, window_bounds = array<i64: 512, 80>}, {transform_indices = @transform_3, window_bounds = array<i64: 512, 16>}, {pipeline_mode = #tpu.pipeline_mode<synchronous>, transform_indices = @transform_4, window_bounds = array<i64: 8, 64>}, {pipeline_mode = #tpu.pipeline_mode<synchronous>, transform_indices = @transform_5, window_bounds = array<i64: 8, 64>}, {pipeline_mode = #tpu.pipeline_mode<synchronous>, transform_indices = @transform_6, window_bounds = array<i64: 64, 8>}, {pipeline_mode = #tpu.pipeline_mode<synchronous>, transform_indices = @transform_7, window_bounds = array<i64: 8, 16>}, {transform_indices = @transform_8, window_bounds = array<i64: 512, 16>}]} {
    %get3A = arith.constant 0 : index
    %get3A_0 = arith.constant 0 : index
    %get3A_1 = vector.load %arg1[%get3A, %get3A_0] : memref<512x80xf32, #tpu.memory_space<vmem>>, vector<512x80xf32>
    %get3A_2 = arith.constant 0 : index
    %get3A_3 = arith.constant 0 : index
    %get3A_4 = vector.load %arg2[%get3A_2, %get3A_3] : memref<512x80xf32, #tpu.memory_space<vmem>>, vector<512x80xf32>
    %add3A = arith.addf %get3A_1, %get3A_4 : vector<512x80xf32>
    %get3A_5 = arith.constant 0 : index
    %get3A_6 = arith.constant 0 : index
    %get3A_7 = vector.load %arg3[%get3A_5, %get3A_6] : memref<512x80xf32, #tpu.memory_space<vmem>>, vector<512x80xf32>
    %slice3A = vector.extract_strided_slice %get3A_7 {offsets = [0, 0], sizes = [512, 64], strides = [1, 1]} : vector<512x80xf32> to vector<512x64xf32>
    %slice3A_8 = vector.extract_strided_slice %get3A_7 {offsets = [0, 64], sizes = [512, 8], strides = [1, 1]} : vector<512x80xf32> to vector<512x8xf32>
    %get3A_9 = arith.constant 0 : index
    %get3A_10 = arith.constant 0 : index
    %get3A_11 = vector.load %arg4[%get3A_9, %get3A_10] : memref<512x16xf32, #tpu.memory_space<vmem>>, vector<512x8xf32>
    %add3A_12 = arith.addf %slice3A_8, %get3A_11 : vector<512x8xf32>
    %ge3A = arith.constant 0.000000e+00 : f32
    %ge3A_13 = vector.broadcast %ge3A : f32 to vector<512x8xf32>
    %ge3A_14 = arith.cmpf oge, %add3A_12, %ge3A_13 : vector<512x8xf32>
    %mul3A = arith.constant 2.000000e-01 : f32
    %mul3A_15 = vector.broadcast %mul3A : f32 to vector<512x8xf32>
    %mul3A_16 = arith.mulf %mul3A_15, %add3A_12 : vector<512x8xf32>
    %select_n3A = arith.select %ge3A_14, %add3A_12, %mul3A_16 : vector<512x8xi1>, vector<512x8xf32>
    %exp3A = math.exp %select_n3A : vector<512x8xf32>
    %slice3A_17 = vector.extract_strided_slice %add3A {offsets = [0, 64], sizes = [512, 8], strides = [1, 1]} : vector<512x80xf32> to vector<512x8xf32>
    %add3A_18 = arith.addf %slice3A_17, %exp3A : vector<512x8xf32>
    %get3A_19 = arith.constant 0 : index
    %get3A_20 = arith.constant 0 : index
    %get3A_21 = vector.load %arg5[%get3A_19, %get3A_20] : memref<8x64xf32, #tpu.memory_space<vmem>>, vector<8x64xf32>
    %dot_general3A = arith.constant dense<0.000000e+00> : vector<512x64xf32>
    %dot_general3A_22 = tpu.matmul %exp3A, %get3A_21, %dot_general3A {dimension_numbers = #tpu.dot_dimension_numbers<[1], [0], [0], [1], [0, 0, 1, 1], [], []>, precision = #tpu.contract_precision<fp32>, transpose_lhs_hint = false} : vector<512x8xf32>, vector<8x64xf32>, vector<512x64xf32> -> vector<512x64xf32>
    %slice3A_23 = vector.extract_strided_slice %add3A {offsets = [0, 0], sizes = [512, 64], strides = [1, 1]} : vector<512x80xf32> to vector<512x64xf32>
    %mul3A_24 = arith.mulf %dot_general3A_22, %slice3A : vector<512x64xf32>
    %add3A_25 = arith.addf %slice3A_23, %mul3A_24 : vector<512x64xf32>
    %get3A_26 = arith.constant 0 : index
    %get3A_27 = arith.constant 0 : index
    %get3A_28 = vector.load %arg5[%get3A_26, %get3A_27] : memref<8x64xf32, #tpu.memory_space<vmem>>, vector<8x64xf32>
    %dot_general3A_29 = arith.constant dense<0.000000e+00> : vector<512x64xf32>
    %dot_general3A_30 = tpu.matmul %add3A_18, %get3A_28, %dot_general3A_29 {dimension_numbers = #tpu.dot_dimension_numbers<[1], [0], [0], [1], [0, 0, 1, 1], [], []>, precision = #tpu.contract_precision<fp32>, transpose_lhs_hint = false} : vector<512x8xf32>, vector<8x64xf32>, vector<512x64xf32> -> vector<512x64xf32>
    %div3A = arith.divf %add3A_25, %dot_general3A_30 : vector<512x64xf32>
    %get3A_31 = arith.constant 0 : index
    %get3A_32 = arith.constant 0 : index
    %get3A_33 = vector.load %arg6[%get3A_31, %get3A_32] : memref<8x64xf32, #tpu.memory_space<vmem>>, vector<1x64xf32>
    %add3A_34 = vector.broadcast %get3A_33 : vector<1x64xf32> to vector<512x64xf32>
    %add3A_35 = arith.addf %div3A, %add3A_34 : vector<512x64xf32>
    %gt3A = arith.constant 0.000000e+00 : f32
    %gt3A_36 = vector.broadcast %gt3A : f32 to vector<512x64xf32>
    %gt3A_37 = arith.cmpf ogt, %add3A_35, %gt3A_36 : vector<512x64xf32>
    %exp3A_38 = math.exp %add3A_35 : vector<512x64xf32>
    %sub3A = arith.constant 1.000000e+00 : f32
    %sub3A_39 = vector.broadcast %sub3A : f32 to vector<512x64xf32>
    %sub3A_40 = arith.subf %exp3A_38, %sub3A_39 : vector<512x64xf32>
    %select_n3A_41 = arith.select %gt3A_37, %add3A_35, %sub3A_40 : vector<512x64xi1>, vector<512x64xf32>
    %get3A_42 = arith.constant 0 : index
    %get3A_43 = arith.constant 0 : index
    %get3A_44 = vector.load %arg7[%get3A_42, %get3A_43] : memref<64x8xf32, #tpu.memory_space<vmem>>, vector<64x8xf32>
    %dot_general3A_45 = arith.constant dense<0.000000e+00> : vector<512x8xf32>
    %dot_general3A_46 = tpu.matmul %select_n3A_41, %get3A_44, %dot_general3A_45 {dimension_numbers = #tpu.dot_dimension_numbers<[1], [0], [0], [1], [0, 0, 1, 1], [], []>, transpose_lhs_hint = false} : vector<512x64xf32>, vector<64x8xf32>, vector<512x8xf32> -> vector<512x8xf32>
    %get3A_47 = arith.constant 0 : index
    %get3A_48 = arith.constant 0 : index
    %get3A_49 = vector.load %arg8[%get3A_47, %get3A_48] : memref<8x16xf32, #tpu.memory_space<vmem>>, vector<8x16xf32>
    %dot_general3A_50 = arith.constant dense<0.000000e+00> : vector<512x16xf32>
    %dot_general3A_51 = tpu.matmul %dot_general3A_46, %get3A_49, %dot_general3A_50 {dimension_numbers = #tpu.dot_dimension_numbers<[1], [0], [0], [1], [0, 0, 1, 1], [], []>, precision = #tpu.contract_precision<fp32>, transpose_lhs_hint = false} : vector<512x8xf32>, vector<8x16xf32>, vector<512x16xf32> -> vector<512x16xf32>
    %swap3A = arith.constant 0 : index
    %swap3A_52 = arith.constant 0 : index
    %swap3A_53 = vector.load %arg9[%swap3A, %swap3A_52] : memref<512x16xf32, #tpu.memory_space<vmem>>, vector<512x16xf32>
    tpu.vector_store %arg9[%swap3A, %swap3A_52], %dot_general3A_51 {strides = array<i32>} : memref<512x16xf32, #tpu.memory_space<vmem>>, vector<512x16xf32>,
    return
  }
  func.func @transform_0(%arg0: i32) -> (i32, i32) {
    %c0_i32 = arith.constant 0 : i32
    %c0_i32_0 = arith.constant 0 : i32
    return %arg0, %c0_i32 : i32, i32
  }
  func.func @transform_1(%arg0: i32) -> (i32, i32) {
    %c0_i32 = arith.constant 0 : i32
    %c0_i32_0 = arith.constant 0 : i32
    return %arg0, %c0_i32 : i32, i32
  }
  func.func @transform_2(%arg0: i32) -> (i32, i32) {
    %c0_i32 = arith.constant 0 : i32
    %c0_i32_0 = arith.constant 0 : i32
    return %arg0, %c0_i32 : i32, i32
  }
  func.func @transform_3(%arg0: i32) -> (i32, i32) {
    %c0_i32 = arith.constant 0 : i32
    %c0_i32_0 = arith.constant 0 : i32
    return %arg0, %c0_i32 : i32, i32
  }
  func.func @transform_4(%arg0: i32) -> (i32, i32) {
    %c0_i32 = arith.constant 0 : i32
    %c0_i32_0 = arith.constant 0 : i32
    %c0_i32_1 = arith.constant 0 : i32
    return %c0_i32, %c0_i32_0 : i32, i32
  }
  func.func @transform_5(%arg0: i32) -> (i32, i32) {
    %c0_i32 = arith.constant 0 : i32
    %c0_i32_0 = arith.constant 0 : i32
    %c0_i32_1 = arith.constant 0 : i32
    return %c0_i32, %c0_i32_0 : i32, i32
  }
  func.func @transform_6(%arg0: i32) -> (i32, i32) {
    %c0_i32 = arith.constant 0 : i32
    %c0_i32_0 = arith.constant 0 : i32
    %c0_i32_1 = arith.constant 0 : i32
    return %c0_i32, %c0_i32_0 : i32, i32
  }
  func.func @transform_7(%arg0: i32) -> (i32, i32) {
    %c0_i32 = arith.constant 0 : i32
    %c0_i32_0 = arith.constant 0 : i32
    %c0_i32_1 = arith.constant 0 : i32
    return %c0_i32, %c0_i32_0 : i32, i32
  }
  func.func @transform_8(%arg0: i32) -> (i32, i32) {
    %c0_i32 = arith.constant 0 : i32
    %c0_i32_0 = arith.constant 0 : i32
    return %arg0, %c0_i32 : i32, i32
  }
}

module attributes {stable_mosaic.version = 14 : i64} {
  func.func @_final_body(%arg0: i32, %arg1: memref<512x16xf32, #tpu.memory_space<vmem>>, %arg2: memref<512x16xf32, #tpu.memory_space<vmem>>, %arg3: memref<512x16xf32, #tpu.memory_space<vmem>>, %arg4: memref<16x16xf32, #tpu.memory_space<vmem>>, %arg5: memref<16x16xf32, #tpu.memory_space<vmem>>, %arg6: memref<8x16xf32, #tpu.memory_space<vmem>>, %arg7: memref<16x8xf32, #tpu.memory_space<vmem>>, %arg8: memref<8x8xf32, #tpu.memory_space<vmem>>, %arg9: memref<512x8xf32, #tpu.memory_space<vmem>>) attributes {dimension_semantics = [#tpu.dimension_semantics<arbitrary>], iteration_bounds = array<i64: 20>, scalar_prefetch = 0 : i64, scratch_operands = 0 : i64, tpu.core_type = #tpu.core_type<tc>, window_params = [{transform_indices = @transform_0, window_bounds = array<i64: 512, 16>}, {transform_indices = @transform_1, window_bounds = array<i64: 512, 16>}, {transform_indices = @transform_2, window_bounds = array<i64: 512, 16>}, {pipeline_mode = #tpu.pipeline_mode<synchronous>, transform_indices = @transform_3, window_bounds = array<i64: 16, 16>}, {pipeline_mode = #tpu.pipeline_mode<synchronous>, transform_indices = @transform_4, window_bounds = array<i64: 16, 16>}, {pipeline_mode = #tpu.pipeline_mode<synchronous>, transform_indices = @transform_5, window_bounds = array<i64: 8, 16>}, {pipeline_mode = #tpu.pipeline_mode<synchronous>, transform_indices = @transform_6, window_bounds = array<i64: 16, 8>}, {pipeline_mode = #tpu.pipeline_mode<synchronous>, transform_indices = @transform_7, window_bounds = array<i64: 8, 8>}, {transform_indices = @transform_8, window_bounds = array<i64: 512, 8>}]} {
    %get3A = arith.constant 0 : index
    %get3A_0 = arith.constant 0 : index
    %get3A_1 = vector.load %arg1[%get3A, %get3A_0] : memref<512x16xf32, #tpu.memory_space<vmem>>, vector<512x16xf32>
    %get3A_2 = arith.constant 0 : index
    %get3A_3 = arith.constant 0 : index
    %get3A_4 = vector.load %arg2[%get3A_2, %get3A_3] : memref<512x16xf32, #tpu.memory_space<vmem>>, vector<512x16xf32>
    %add3A = arith.addf %get3A_1, %get3A_4 : vector<512x16xf32>
    %get3A_5 = arith.constant 0 : index
    %get3A_6 = arith.constant 0 : index
    %get3A_7 = vector.load %arg3[%get3A_5, %get3A_6] : memref<512x16xf32, #tpu.memory_space<vmem>>, vector<512x16xf32>
    %slice3A = vector.extract_strided_slice %get3A_7 {offsets = [0, 3], sizes = [512, 1], strides = [1, 1]} : vector<512x16xf32> to vector<512x1xf32>
    %slice3A_8 = vector.extract_strided_slice %get3A_7 {offsets = [0, 4], sizes = [512, 1], strides = [1, 1]} : vector<512x16xf32> to vector<512x1xf32>
    %add3A_9 = arith.addf %slice3A, %slice3A_8 : vector<512x1xf32>
    %ge3A = arith.constant 0.000000e+00 : f32
    %ge3A_10 = vector.broadcast %ge3A : f32 to vector<512x1xf32>
    %ge3A_11 = arith.cmpf oge, %add3A_9, %ge3A_10 : vector<512x1xf32>
    %mul3A = arith.constant 2.000000e-01 : f32
    %mul3A_12 = vector.broadcast %mul3A : f32 to vector<512x1xf32>
    %mul3A_13 = arith.mulf %mul3A_12, %add3A_9 : vector<512x1xf32>
    %select_n3A = arith.select %ge3A_11, %add3A_9, %mul3A_13 : vector<512x1xi1>, vector<512x1xf32>
    %exp3A = math.exp %select_n3A : vector<512x1xf32>
    %slice3A_14 = vector.extract_strided_slice %add3A {offsets = [0, 0], sizes = [512, 1], strides = [1, 1]} : vector<512x16xf32> to vector<512x1xf32>
    %add3A_15 = arith.addf %slice3A_14, %exp3A : vector<512x1xf32>
    %get3A_16 = arith.constant 0 : index
    %get3A_17 = arith.constant 0 : index
    %get3A_18 = vector.load %arg4[%get3A_16, %get3A_17] : memref<16x16xf32, #tpu.memory_space<vmem>>, vector<16x16xf32>
    %dot_general3A = arith.constant dense<0.000000e+00> : vector<512x16xf32>
    %dot_general3A_19 = tpu.matmul %add3A, %get3A_18, %dot_general3A {dimension_numbers = #tpu.dot_dimension_numbers<[1], [0], [0], [1], [0, 0, 1, 1], [], []>, precision = #tpu.contract_precision<fp32>, transpose_lhs_hint = false} : vector<512x16xf32>, vector<16x16xf32>, vector<512x16xf32> -> vector<512x16xf32>
    %get3A_20 = arith.constant 0 : index
    %get3A_21 = arith.constant 0 : index
    %get3A_22 = vector.load %arg5[%get3A_20, %get3A_21] : memref<16x16xf32, #tpu.memory_space<vmem>>, vector<16x16xf32>
    %dot_general3A_23 = arith.constant dense<0.000000e+00> : vector<512x16xf32>
    %dot_general3A_24 = tpu.matmul %get3A_7, %get3A_22, %dot_general3A_23 {dimension_numbers = #tpu.dot_dimension_numbers<[1], [0], [0], [1], [0, 0, 1, 1], [], []>, precision = #tpu.contract_precision<fp32>, transpose_lhs_hint = false} : vector<512x16xf32>, vector<16x16xf32>, vector<512x16xf32> -> vector<512x16xf32>
    %mul3A_25 = vector.broadcast %exp3A : vector<512x1xf32> to vector<512x16xf32>
    %mul3A_26 = arith.mulf %mul3A_25, %dot_general3A_24 : vector<512x16xf32>
    %add3A_27 = arith.addf %dot_general3A_19, %mul3A_26 : vector<512x16xf32>
    %div3A = vector.broadcast %add3A_15 : vector<512x1xf32> to vector<512x16xf32>
    %div3A_28 = arith.divf %add3A_27, %div3A : vector<512x16xf32>
    %get3A_29 = arith.constant 0 : index
    %get3A_30 = arith.constant 0 : index
    %get3A_31 = vector.load %arg6[%get3A_29, %get3A_30] : memref<8x16xf32, #tpu.memory_space<vmem>>, vector<1x16xf32>
    %add3A_32 = vector.broadcast %get3A_31 : vector<1x16xf32> to vector<512x16xf32>
    %add3A_33 = arith.addf %div3A_28, %add3A_32 : vector<512x16xf32>
    %get3A_34 = arith.constant 0 : index
    %get3A_35 = arith.constant 0 : index
    %get3A_36 = vector.load %arg7[%get3A_34, %get3A_35] : memref<16x8xf32, #tpu.memory_space<vmem>>, vector<16x8xf32>
    %dot_general3A_37 = arith.constant dense<0.000000e+00> : vector<512x8xf32>
    %dot_general3A_38 = tpu.matmul %add3A_33, %get3A_36, %dot_general3A_37 {dimension_numbers = #tpu.dot_dimension_numbers<[1], [0], [0], [1], [0, 0, 1, 1], [], []>, transpose_lhs_hint = false} : vector<512x16xf32>, vector<16x8xf32>, vector<512x8xf32> -> vector<512x8xf32>
    %get3A_39 = arith.constant 0 : index
    %get3A_40 = arith.constant 0 : index
    %get3A_41 = vector.load %arg8[%get3A_39, %get3A_40] : memref<8x8xf32, #tpu.memory_space<vmem>>, vector<1x8xf32>
    %add3A_42 = vector.broadcast %get3A_41 : vector<1x8xf32> to vector<512x8xf32>
    %add3A_43 = arith.addf %dot_general3A_38, %add3A_42 : vector<512x8xf32>
    %swap3A = arith.constant 0 : index
    %swap3A_44 = arith.constant 0 : index
    %swap3A_45 = vector.load %arg9[%swap3A, %swap3A_44] : memref<512x8xf32, #tpu.memory_space<vmem>>, vector<512x8xf32>
    tpu.vector_store %arg9[%swap3A, %swap3A_44], %add3A_43 {strides = array<i32>} : memref<512x8xf32, #tpu.memory_space<vmem>>, vector<512x8xf32>,
    return
  }
  func.func @transform_0(%arg0: i32) -> (i32, i32) {
    %c0_i32 = arith.constant 0 : i32
    %c0_i32_0 = arith.constant 0 : i32
    return %arg0, %c0_i32 : i32, i32
  }
  func.func @transform_1(%arg0: i32) -> (i32, i32) {
    %c0_i32 = arith.constant 0 : i32
    %c0_i32_0 = arith.constant 0 : i32
    return %arg0, %c0_i32 : i32, i32
  }
  func.func @transform_2(%arg0: i32) -> (i32, i32) {
    %c0_i32 = arith.constant 0 : i32
    %c0_i32_0 = arith.constant 0 : i32
    return %arg0, %c0_i32 : i32, i32
  }
  func.func @transform_3(%arg0: i32) -> (i32, i32) {
    %c0_i32 = arith.constant 0 : i32
    %c0_i32_0 = arith.constant 0 : i32
    %c0_i32_1 = arith.constant 0 : i32
    return %c0_i32, %c0_i32_0 : i32, i32
  }
  func.func @transform_4(%arg0: i32) -> (i32, i32) {
    %c0_i32 = arith.constant 0 : i32
    %c0_i32_0 = arith.constant 0 : i32
    %c0_i32_1 = arith.constant 0 : i32
    return %c0_i32, %c0_i32_0 : i32, i32
  }
  func.func @transform_5(%arg0: i32) -> (i32, i32) {
    %c0_i32 = arith.constant 0 : i32
    %c0_i32_0 = arith.constant 0 : i32
    %c0_i32_1 = arith.constant 0 : i32
    return %c0_i32, %c0_i32_0 : i32, i32
  }
  func.func @transform_6(%arg0: i32) -> (i32, i32) {
    %c0_i32 = arith.constant 0 : i32
    %c0_i32_0 = arith.constant 0 : i32
    %c0_i32_1 = arith.constant 0 : i32
    return %c0_i32, %c0_i32_0 : i32, i32
  }
  func.func @transform_7(%arg0: i32) -> (i32, i32) {
    %c0_i32 = arith.constant 0 : i32
    %c0_i32_0 = arith.constant 0 : i32
    %c0_i32_1 = arith.constant 0 : i32
    return %c0_i32, %c0_i32_0 : i32, i32
  }
  func.func @transform_8(%arg0: i32) -> (i32, i32) {
    %c0_i32 = arith.constant 0 : i32
    %c0_i32_0 = arith.constant 0 : i32
    return %arg0, %c0_i32 : i32, i32
  }
}

</mosaic_0001>

<sc_bundles>
// kernel: kernel.10.cloned.1.call-start
scs
__scs_entry_jumppad:
0x0: {  	(pc) =	sbr.rel $0x88, $3  }
0x1: {  	(tag) =	ssettag $0x0;
	lr =	simm.s32 $0x1  }
0x2: {  	[smem:$0x3F95] =	sst lr;
	_ =	strace $0xD0000000  }
0x3: {  	_ = 	snop  }
0x4: {  	_ = 	snop  }
0x5: {  	_ = 	snop  }
0x6: {  	_ = 	snop  }
0x7: {  	_ = 	snop  }
__scs_overlays_trampoline_lowered:
0x8: {  	[smem:$0x3FA4] =	sst s0  }
0x9: {  	[smem:$0x3FA5] =	sst s1  }
0xa: {  	[smem:$0x3FA6] =	sst s2  }
0xb: {  	[smem:$0x3FA7] =	sst s3  }
0xc: {  	[smem:$0x3FA8] =	sst s4  }
0xd: {  	[smem:$0x3FA9] =	sst s5  }
0xe: {  	[smem:$0x3FAA] =	sst s6  }
0xf: {  	[smem:$0x3FAB] =	sst s7  }
0x10: {  	[smem:$0x3FAC] =	sst s8  }
0x11: {  	[smem:$0x3FAD] =	sst s9;
	s0 =	simm.s32 @!p0 $0x0  }
0x12: {  	s1 =	sld [smem:$0x3F93];
	s0 =	simm.s32 @p0 $0x1  }
0x13: {  	[smem:$0x3FAE] =	sst s0;
	s0 =	simm.s32 @!p1 $0x0  }
0x14: {  	s2 =	sld [smem:$0x3F92];
	s0 =	simm.s32 @p1 $0x1  }
0x15: {  	[smem:$0x3FAF] =	sst s0;
	s0 =	simm.s32 @!p2 $0x0  }
0x16: {  	s3 =	sld [smem:$0x3FDB];
	s0 =	simm.s32 @p2 $0x1  }
0x17: {  	s4 =	simm.s32 $0x1BF5;
	[smem:$0x3FB1] =	sst s0  }
0x18: {  	s0 =	sld [smem:$0x3F94];
	_ =	swait.ge [sflag:s4], $0x0  }
0x19: {  	s7 =	sld [smem:$0x3F95]  }
0x1a: {  	s8 =	sadd.s32 $0xFFFFE003, lr  }
0x1b: {  	s9 =	sadd.s32 $0xFFFFFEF7, lr;
	s5 =	simm.s32 $0xFFFFFFFF;
	p2 =	slt.u32 s8, $0xFFFFF086  }
0x1c: {  	p1 =	slt.u32 s9, $0xF7A;
	s5 =	simm.s32 @!p2 $0x0  }
0x1d: {  	s5 =	simm.s32 @p1 $0x1;
	p0 =	seq.s32 s7, s2  }
0x1e: {  	s7 =	smul.u32 @!p0 $0xF7A, s2;
	p2 =	seq.s32 @!p0 s5, $0x0  }
0x1f: {  	s9 =	smul.u32 $0xF7A, s1;
	s8 =	simm.s32 @!p0 $0x1BF5;
	p2 =	por !p2, p0  }
0x20: {  	[sflag:s8] =	ssyncset.s32 @!p0 $0xFFFFF086;
	s6 =	sadd.s32 @!p0 s3, s7;
	s7 =	simm.s32 @!p0 $0x108  }
0x21: {  	s3 =	sadd.s32 s3, s9;
	s6 =	sadd.s32 @!p0 $0x88, s6;
	s7 =	simm.s32 @p2 $0x1082  }
0x22: {  	[simem:s7], [sflag:s8] =	dma.local @!p0 [hbm:s6], $0xF7A  }
0x23: {  	s9 =	sor.u32 $0xD0000000, s2;
	s6 =	simm.s32 $0x108;
	_ =	swait.ge @!p0 [sflag:s8], $0x0  }
0x24: {  	s3 =	sadd.s32 $0x88, s3;
	s6 =	simm.s32 @!p1 $0x1082;
	[sflag:s4] =	ssyncset.s32 $0xFFFFF086  }
0x25: {  	[simem:s6], [sflag:s4] =	dma.local [hbm:s3], $0xF7A  }
0x26: {  	[smem:$0x3F95] =	sst s1;
	(tag) =	ssettag s2;
	_ =	strace s9  }
0x27: {  	s1 =	sld [smem:$0x3FA5]  }
0x28: {  	s2 =	sld [smem:$0x3FA6]  }
0x29: {  	s4 =	sld [smem:$0x3FA8]  }
0x2a: {  	p0 =	seq.s32 s5, $0x0;
	s5 =	sld [smem:$0x3FA9]  }
0x2b: {  	s6 =	sld [smem:$0x3FAA]  }
0x2c: {  	s7 =	sld [smem:$0x3FAB]  }
0x2d: {  	s3 =	simm.s32 $0x108;
	s8 =	sld [smem:$0x3FAC]  }
0x2e: {  	s3 =	simm.s32 @!p0 $0x1082;
	s9 =	sld [smem:$0x3FAD]  }
0x2f: {  	lr =	sadd.s32 s0, s3;
	s0 =	sld [smem:$0x3FA4]  }
0x30: {  	s3 =	sld [smem:$0x3FA7]  }
0x31: {  	[smem:$0x3FB0] =	sst s10  }
0x32: {  	s10 =	sld [smem:$0x3FAE];
	_ =	sdelay $0x3  }
0x33: {  	p0 =	seq.s32 s10, $0x1;
	s10 =	sld [smem:$0x3FB0];
	_ =	sdelay $0x3  }
0x34: {  	[smem:$0x3FB0] =	sst s10  }
0x35: {  	s10 =	sld [smem:$0x3FAF];
	_ =	sdelay $0x3  }
0x36: {  	p1 =	seq.s32 s10, $0x1;
	s10 =	sld [smem:$0x3FB0];
	_ =	sdelay $0x3  }
0x37: {  	[smem:$0x3FB0] =	sst s10  }
0x38: {  	s10 =	sld [smem:$0x3FB1]  }
0x39: {  	_ = 	snop;
	(pc) =	sbr.ind lr, $3  }
0x3a: {  	_ = 	snop  }
0x3b: {  	_ = 	snop  }
0x3c: {  	p2 =	seq.s32 s10, $0x1;
	s10 =	sld [smem:$0x3FB0]  }
0x3d: {  	_ =	shalt  }
0x3e: {  	_ =	shalt  }
0x3f: {  	_ =	shalt  }
0x40: {  	_ =	shalt  }
0x41: {  	_ =	shalt  }
0x42: {  	_ =	shalt  }
0x43: {  	_ =	shalt  }
0x44: {  	_ =	shalt  }
0x45: {  	_ =	shalt  }
0x46: {  	_ =	shalt  }
0x47: {  	_ =	shalt  }
0x48: {  	_ =	shalt  }
0x49: {  	_ =	shalt  }
0x4a: {  	_ =	shalt  }
0x4b: {  	_ =	shalt  }
0x4c: {  	_ =	shalt  }
0x4d: {  	_ =	shalt  }
0x4e: {  	_ =	shalt  }
0x4f: {  	_ =	shalt  }
0x50: {  	_ =	shalt  }
0x51: {  	_ =	shalt  }
0x52: {  	_ =	shalt  }
0x53: {  	_ =	shalt  }
0x54: {  	_ =	shalt  }
0x55: {  	_ =	shalt  }
0x56: {  	_ =	shalt  }
0x57: {  	_ =	shalt  }
0x58: {  	_ =	shalt  }
0x59: {  	_ =	shalt  }
0x5a: {  	_ =	shalt  }
0x5b: {  	_ =	shalt  }
0x5c: {  	_ =	shalt  }
0x5d: {  	_ =	shalt  }
0x5e: {  	_ =	shalt  }
0x5f: {  	_ =	shalt  }
0x60: {  	_ =	shalt  }
0x61: {  	_ =	shalt  }
0x62: {  	_ =	shalt  }
0x63: {  	_ =	shalt  }
0x64: {  	_ =	shalt  }
0x65: {  	_ =	shalt  }
0x66: {  	_ =	shalt  }
0x67: {  	_ =	shalt  }
0x68: {  	_ =	shalt  }
0x69: {  	_ =	shalt  }
0x6a: {  	_ =	shalt  }
0x6b: {  	_ =	shalt  }
0x6c: {  	_ =	shalt  }
0x6d: {  	_ =	shalt  }
0x6e: {  	_ =	shalt  }
0x6f: {  	_ =	shalt  }
0x70: {  	_ =	shalt  }
0x71: {  	_ =	shalt  }
0x72: {  	_ =	shalt  }
0x73: {  	_ =	shalt  }
0x74: {  	_ =	shalt  }
0x75: {  	_ =	shalt  }
0x76: {  	_ =	shalt  }
0x77: {  	_ =	shalt  }
0x78: {  	_ =	shalt  }
0x79: {  	_ =	shalt  }
0x7a: {  	_ =	shalt  }
0x7b: {  	_ =	shalt  }
0x7c: {  	_ =	shalt  }
0x7d: {  	_ =	shalt  }
0x7e: {  	_ =	shalt  }
0x7f: {  	_ =	shalt  }
0x80: {  	_ =	shalt  }
0x81: {  	_ =	shalt  }
0x82: {  	_ =	shalt  }
0x83: {  	_ =	shalt  }
0x84: {  	_ =	shalt  }
0x85: {  	_ =	shalt  }
0x86: {  	_ =	shalt  }
0x87: {  	_ =	shalt  }
.Lfunc_end0:
.L_simem_size_0:
called_computation.1_lowered:
.L_overlay_start_0:
0x88: {  	s2 =	sld [smem:$0x3FD9]  }
0x89: {  	s3 =	sld [smem:$0x3FFE];
	_ =	sdelay $0x1  }
0x8a: {  	s1 =	srdreg.scid  }
0x8b: {  	s0 =	sand.u32 $0x1, s1  }
0x8c: {  	s16 =	sshll.u32 s0, $0xA;
	s2 =	sadd.s32 s3, s2  }
0x8d: {  	s2 =	sadd.s32 s2, s16  }
0x8e: {  	[smem:$0x3FBC] =	sst s2  }
0x8f: {  	_ = 	snop  }
0x90: {  	(tm) =	ssettm $0x1  }
0x91: {  	s17 =	sld [smem:$0x3FFB];
	_ =	sdelay $0x3  }
0x92: {  	_ =	strace s17  }
0x93: {  	s2 =	sld [smem:$0x3FFC];
	_ =	sdelay $0x3  }
0x94: {  	_ =	strace s2  }
0x95: {  	s2 =	sld [smem:$0x3FFD];
	_ =	sdelay $0x3  }
0x96: {  	_ =	strace s2  }
0x97: {  	_ =	strace $0x8FFFFFFF  }
0x98: {  	s18 =	sld [smem:$0x3FDB];
	_ =	sdelay $0x1  }
0x99: {  	s19 =	simm.s32 $_scs_section_size  }
0x9a: {  	s4 =	simm.s32 $_size__tile_overlayer_lowered;
	s5 =	simm.s32 $_tile_overlayer_lowered  }
0x9b: {  	s22 =	simm.s32 $0x1BFF;
	s21 =	sshll.u32 s5, $0x1;
	s2 =	sadd.s32 s19, s18  }
0x9c: {  	s6 =	simm.s32 $0x0;
	s20 =	sshll.u32 s4, $0x1;
	s4 =	sadd.s32 s21, s2  }
0x9d: {  	[timem:s6], [sflag:s22] =	dma.local [hbm:s4], s20  }
0x9e: {  	_ =	swait.ge [sflag:s22], s20  }
0x9f: {  	s3 =	ssub.s32 $0x0, s20;
	[sflag:s22] =	ssyncset.done $0x0  }
0xa0: {  	[sflag:s22] =	ssyncadd.s32 s3;
	_ =	sdelay $0x1  }
0xa1: {  	s23 =	simm.s32 $0x1B8B  }
0xa2: {  	_ =	swait.ge [sflag:s23], $0x1  }
0xa3: {  	[sflag:s23] =	ssyncset.done $0x0  }
0xa4: {  	s25 =	simm.s32 $0x1B8E;
	s24 =	sld [smem:$0x3FFE];
	[sflag:s23] =	ssyncadd.s32 $0xFFFFFFFF  }
0xa5: {  	s26 =	simm.s32 $execute0_lowered;
	[smem:$0x3FD2] =	sst s25  }
0xa6: {  	s4 =	sshll.u32 s26, $0x1;
	_ =	strace $0x80000049;
	[dreg:$0x1] =	wrdreg $0xFFFFFFFF  }
0xa7: {  	s28 =	simm.s32 $_size_execute0_lowered;
	s2 =	sadd.s32 s2, s4;
	[dreg:$0x0] =	wrdreg $0x0  }
0xa8: {  	s4 =	sshll.u32 s28, $0x1;
	[dreg:$0x2] =	wrdreg s2  }
0xa9: {  	[dreg:$0x3] =	wrdreg s4  }
0xaa: {  	[dreg:$0x4] =	wrdreg $0xC0  }
0xab: {  	_ =	task [dreg:s6], $0x5FFFF  }
0xac: {  	[dreg:$0x1] =	wrdreg $0xFFFFFFFF  }
0xad: {  	[dreg:$0x0] =	wrdreg $0x60  }
0xae: {  	[dreg:$0x2] =	wrdreg s24  }
0xaf: {  	[dreg:$0x3] =	wrdreg $0x6C200  }
0xb0: {  	[dreg:$0x4] =	wrdreg $0x9  }
0xb1: {  	_ =	task.clear_ibuf [dreg:s6], $0x5FFFF;
	_ =	strace $0x90000049  }
0xb2: {  	s29 =	simm.s32 $0x9;
	_ =	strace $0x8000004B  }
0xb3: {  	_ =	swait.ge [sflag:s29], $0x1  }
0xb4: {  	[sflag:s29] =	ssyncadd.s32 $0xFFFFFFFF  }
0xb5: {  	_ =	strace $0x9000004B  }
0xb6: {  	_ =	sfence  }
0xb7: {  	s30 =	sld [smem:$0x0];
	_ =	sdelay $0x2  }
0xb8: {  	s31 =	sshll.u32 s1, $0xD;
	s1 =	sshrl.u32 s1, $0x2  }
0xb9: {  	s3 =	sand.u32 $0x4000, s31;
	s1 =	sadd.s32 s1, s30  }
0xba: {  	s0 =	sor.u32 s3, s0;
	s1 =	sshll.u32 s1, $0x11  }
0xbb: {  	s0 =	sor.u32 s1, s0  }
0xbc: {  	s0 =	sadd.s32 $0x8F2B, s0  }
0xbd: {  	[sflag:s0] =	ssyncadd.remote.s32 $0x1  }
0xbe: {  	_ =	sfence.sel $0xFFFF  }
0xbf: {  	[dreg:$0x0] =	wrdreg $0xFFFFFFFF;
	(pc) =	sbr.abs _section_cstart, $3  }
0xc0: {  	[dreg:$0x1] =	wrdreg $0xFFFFFFFF  }
0xc1: {  	_ =	task.clear_ibuf [dreg:s6], $0x2FFFF;
	_ =	strace $0x9FFFFFFF  }
0xc2: {  	(tm) =	ssettm $0x7FFFFFFF  }
0xc3: {  	_ =	shalt  }
tec
execute0_lowered:
.L_overlay_start_1:
0x0: {  	(tag) =	ssettag $0x1  }
0x1: {  	s0 =	rddreg [dreg:$0x0]  }
0x2: {  	s1 =	srdreg.scid;
	s8 =	stileid.u32  }
0x3: {  	s2 =	rddreg [dreg:$0x1];
	s4 =	simm.s32 $0x0;
	s17 =	simm.s32 $0x5  }
0x4: {  	s18 =	simm.s32 $0x2710;
	s19 =	simm.s32 $0x5820;
	s20 =	simm.s32 $0x50  }
0x5: {  	s21 =	simm.s32 $0x6720;
	s28 =	simm.s32 $0x3;
	s29 =	simm.s32 $0x2  }
0x6: {  	s30 =	simm.s32 $0x4;
	s1 =	sand.u32 $0x1, s1;
	s3 =	sshll.u32 s8, $0x1  }
0x7: {  	[smem:$0x7FF] =	sst s4;
	s6 =	smul.u32 $0xA000, s8;
	s4 =	sadd.s32 $0xA00, s0  }
0x8: {  	s8 =	smul.u32 $0x2800, s8;
	s3 =	sor.u32 s1, s3;
	_ =	strace $0x8000004A  }
0x9: {  	s5 =	ssub.s32 $0x2, s1;
	p0 =	seq.s32 s1, $0x1;
	s1 =	simm.s32 $0x5A00  }
0xa: {  	s3 =	smul.u32 $0x4E2, s3;
	s7 =	sshrl.u32 s5, $0x1;
	s6 =	sshrl.u32 s6, $0x2  }
0xb: {  	s1 =	simm.s32 @!p0 $0xAA00;
	s31 =	sshrl.u32 s8, $0x3;
	s5 =	ssub.s32 s5, s7  }
0xc: {  	s23 =	sadd.s32 s6, s2;
	s7 =	sadd.s32 s8, s2;
	s3 =	sadd.s32 s3, s0  }
0xd: {  	s6 =	sadd.s32 $0x500, s23;
	s24 =	sadd.s32 $0xA00, s23;
	s25 =	sadd.s32 $0xF00, s23  }
0xe: {  	s26 =	sadd.s32 $0x1400, s23;
	s12 =	sadd.s32 $0x1900, s23;
	s13 =	sadd.s32 $0x1E00, s23  }
0xf: {  	s0 =	sadd.s32 s1, s0;
	s14 =	sadd.s32 $0x2300, s23;
	[dreg:$0x5] =	wrdreg s6  }
0x10: {  	s15 =	smax.u32 s5, $0x1;
	s23 =	simm.s32 $0x5320;
	[dreg:$0x6] =	wrdreg s24  }
0x11: {  	v0 =	vimm.s32 $0x2010000;
	s1 =	simm.s32 $0x0;
	s22 =	sadd.s32 $0x50800, s3;
	[dreg:$0x7] =	wrdreg s25  }
0x12: {  	v3 =	vunpack.c.0.s8.s32 v0;
	s3 =	sadd.s32 $0x46A00, s3;
	[dreg:$0x8] =	wrdreg s26;
	s16 =	sadd.s32 s0, s31  }
0x13: {  	v1 =	vimm.s32 $0x3;
	vm0 =	vcmask $0xF00;
	v2 =	vimm.s32 $0x4;
	s24 =	simm.s32 $0x5D20;
	s25 =	simm.s32 $0x6220;
	[dreg:$0x3] =	wrdreg s22  }
0x14: {  	v4 =	vlaneseq.u32;
	v0 =	vimm.f32 $0.0e+00;
	v3 =	vnsel vm0, $0x5, v3;
	s26 =	simm.s32 $0x1;
	[dreg:$0x4] =	wrdreg s3;
	s22 =	simm.s32 $0x4E20  }
.LBB2_1:
0x15: {  	s0 =	simm.s32 $0x0;
	s3 =	rddreg [dreg:$0x3]  }
0x16: {  	[tilespmem:s0], [sflag:$0x5] =	stream.linear.gather [hbm4b:s3+s0], $0x2710, $0x38;
	[tilespmem:$0x9420] =	vst v63  }
0x17: {  	_ =	swait.ge [sflag:s17], $0x2710  }
0x18: {  	[sflag:s17] =	ssyncset.done $0x0  }
0x19: {  	s31 =	rddreg [dreg:$0x4];
	[sflag:s17] =	ssyncadd.s32 $0xFFFFD8F0  }
0x1a: {  	[tilespmem:s18], [sflag:$0x5] =	stream.linear.gather [hbm4b:s31+s0], $0x2710, $0x38;
	[tilespmem:$0x9420] =	vst v63  }
0x1b: {  	_ =	swait.ge [sflag:s17], $0x2710  }
0x1c: {  	[sflag:s17] =	ssyncset.done $0x0  }
0x1d: {  	s3 =	simm.s32 $0x0;
	s0 =	simm.s32 $0x40;
	[sflag:s17] =	ssyncadd.s32 $0xFFFFD8F0  }
.LBB2_2:
0x1e: {  	p0 =	sne.s32 s0, $0x13C0;
	[tilespmem:s3+$0x5820] =	vst v0;
	s5 =	smov.u32 s0;
	s0 =	sadd.s32 $0x40, s0  }
.Ltmp0:
0x1f: {  	[tilespmem:s3+$0x6720] =	vst v0;
	(pc) =	sbr.rel @p0 .LBB2_2-.Ltmp0, $2  }
0x20: {  	_ =	sdelay $0x2  }
0x21: {  	s3 =	sshra.s32 s5, $0x2  }
0x22: {  	[tilespmem:s3+$0x5820] =	vst v0  }
0x23: {  	[tilespmem:s3+$0x6720] =	vst v0  }
0x24: {  	[spmem:s7] =	stream.linear.scatter [tilespmem:s19], [sflag:$0x5], $0x500, $0x38;
	[tilespmem:$0x9420] =	vst v63  }
0x25: {  	_ =	swait.ge [sflag:s17], $0x500  }
0x26: {  	[sflag:s17] =	ssyncset.done $0x0  }
0x27: {  	s0 =	rddreg [dreg:$0x5];
	[sflag:s17] =	ssyncadd.s32 $0xFFFFFB00  }
0x28: {  	[spmem:s0] =	stream.linear.scatter [tilespmem:s19], [sflag:$0x5], $0x500, $0x38;
	[tilespmem:$0x9420] =	vst v63  }
0x29: {  	_ =	swait.ge [sflag:s17], $0x500  }
0x2a: {  	[sflag:s17] =	ssyncset.done $0x0  }
0x2b: {  	s9 =	rddreg [dreg:$0x6];
	[sflag:s17] =	ssyncadd.s32 $0xFFFFFB00  }
0x2c: {  	[spmem:s9] =	stream.linear.scatter [tilespmem:s19], [sflag:$0x5], $0x500, $0x38;
	[tilespmem:$0x9420] =	vst v63  }
0x2d: {  	_ =	swait.ge [sflag:s17], $0x500  }
0x2e: {  	[sflag:s17] =	ssyncset.done $0x0  }
0x2f: {  	s10 =	rddreg [dreg:$0x7];
	[sflag:s17] =	ssyncadd.s32 $0xFFFFFB00  }
0x30: {  	[spmem:s10] =	stream.linear.scatter [tilespmem:s19], [sflag:$0x5], $0x500, $0x38;
	[tilespmem:$0x9420] =	vst v63  }
0x31: {  	_ =	swait.ge [sflag:s17], $0x500  }
0x32: {  	[sflag:s17] =	ssyncset.done $0x0  }
0x33: {  	s11 =	rddreg [dreg:$0x8];
	[sflag:s17] =	ssyncadd.s32 $0xFFFFFB00  }
0x34: {  	[spmem:s11] =	stream.linear.scatter [tilespmem:s19], [sflag:$0x5], $0x500, $0x38;
	[tilespmem:$0x9420] =	vst v63  }
0x35: {  	_ =	swait.ge [sflag:s17], $0x500  }
0x36: {  	[sflag:s17] =	ssyncset.done $0x0  }
0x37: {  	[sflag:s17] =	ssyncadd.s32 $0xFFFFFB00  }
0x38: {  	[spmem:s12] =	stream.linear.scatter [tilespmem:s19], [sflag:$0x5], $0x500, $0x38;
	[tilespmem:$0x9420] =	vst v63  }
0x39: {  	_ =	swait.ge [sflag:s17], $0x500  }
0x3a: {  	[sflag:s17] =	ssyncset.done $0x0  }
0x3b: {  	[sflag:s17] =	ssyncadd.s32 $0xFFFFFB00  }
0x3c: {  	[spmem:s13] =	stream.linear.scatter [tilespmem:s19], [sflag:$0x5], $0x500, $0x38;
	[tilespmem:$0x9420] =	vst v63  }
0x3d: {  	_ =	swait.ge [sflag:s17], $0x500  }
0x3e: {  	[sflag:s17] =	ssyncset.done $0x0  }
0x3f: {  	[sflag:s17] =	ssyncadd.s32 $0xFFFFFB00  }
0x40: {  	[spmem:s14] =	stream.linear.scatter [tilespmem:s19], [sflag:$0x5], $0x500, $0x38;
	[tilespmem:$0x9420] =	vst v63  }
0x41: {  	_ =	swait.ge [sflag:s17], $0x500  }
0x42: {  	[sflag:s17] =	ssyncset.done $0x0  }
0x43: {  	[sflag:s17] =	ssyncadd.s32 $0xFFFFFB00  }
0x44: {  	[bflag:$0x0] =	sbarrier.arrive $0xFFFF  }
0x45: {  	[spmem:s2] =	stream.indirect.scatter.add.f32 [tilespmem:s19], [sflag:$0x3], $0x10, s18, s20, $0xb8;
	[tilespmem:$0x9420] =	vst v63  }
0x46: {  	_ = 	snop  }
0x47: {  	[spmem:s2] =	stream.indirect.scatter.add.f32 [tilespmem:s21], [sflag:$0x4], $0x10, s18, s20, $0xb8;
	[tilespmem:$0x9420] =	vst v63  }
0x48: {  	s31 =	simm.s32 $0x0  }
0x49: {  	[tilespmem:s22], [sflag:$0x1] =	stream.indirect.gather [hbm4b:s4+s20], $0x10, s31, s20, $0xb8;
	[tilespmem:$0x9420] =	vst v63  }
0x4a: {  	_ = 	snop  }
0x4b: {  	[tilespmem:s23], [sflag:$0x1] =	stream.indirect.gather [hbm4b:s4+s20], $0x10, s18, s20, $0xb8;
	[tilespmem:$0x9420] =	vst v63  }
.LBB2_4:
0x4c: {  	s3 =	smul.u32 $0xA0, s31;
	_ =	sdelay $0x1  }
0x4d: {  	s0 =	sadd.s32 $0x50, s3  }
0x4e: {  	[tilespmem:s24], [sflag:$0x2] =	stream.indirect.gather [hbm4b:s4+s20], $0x10, s0, s20, $0xb8;
	[tilespmem:$0x9420] =	vst v63  }
0x4f: {  	s0 =	sadd.s32 $0x2760, s3  }
0x50: {  	[tilespmem:s25], [sflag:$0x2] =	stream.indirect.gather [hbm4b:s4+s20], $0x10, s0, s20, $0xb8;
	[tilespmem:$0x9420] =	vst v63  }
0x51: {  	_ =	swait.ge [sflag:s26], $0x500  }
0x52: {  	[sflag:s26] =	ssyncset.done $0x0  }
0x53: {  	[sflag:s26] =	ssyncadd.s32 $0xFFFFFB00  }
0x54: {  	_ =	swait.ge [sflag:s26], $0x500  }
0x55: {  	[sflag:s26] =	ssyncset.done $0x0  }
0x56: {  	[sflag:s26] =	ssyncadd.s32 $0xFFFFFB00  }
0x57: {  	_ =	swait.ge [sflag:s28], $0x500  }
0x58: {  	[sflag:s28] =	ssyncset.done $0x0  }
0x59: {  	s5 =	simm.s32 $0x4E40;
	[sflag:s28] =	ssyncadd.s32 $0xFFFFFB00  }
0x5a: {  	v5 =	vld [tilespmem:s5+$0xFFFFFFE0]  }
0x5b: {  	s6 =	simm.s32 $0x5340;
	v6 =	vld [tilespmem:s5+$0x10]  }
0x5c: {  	v7 =	vld [tilespmem:s6+$0x10]  }
0x5d: {  	v8 =	vld [tilespmem:s5+$0xFFFFFFF0]  }
0x5e: {  	v9 =	vld [tilespmem:s6+$0xFFFFFFF0]  }
0x5f: {  	v10 =	vld [tilespmem:s6+$0xFFFFFFE0]  }
0x60: {  	v11 =	vld [tilespmem:s6+$0x0]  }
0x61: {  	v13 =	vld [tilespmem:s5+$0x0]  }
0x62: {  	v12 =	vperm.xlane v6, v1;
	v7 =	vperm.xlane v7, v2  }
0x63: {  	v14 =	vperm.xlane v8, v1;
	v9 =	vperm.xlane v9, v2  }
0x64: {  	s9 =	simm.s32 $0x5380;
	v15 =	vperm.xlane v5, v1;
	v10 =	vperm.xlane v10, v2  }
0x65: {  	s8 =	simm.s32 $0x4E80;
	v21 =	vld [tilespmem:s9+$0xFFFFFFF0];
	v11 =	vperm.xlane v11, v2;
	v16 =	vperm.xlane v6, v3  }
0x66: {  	v19 =	vperm.xlane v13, v3;
	v13 =	vperm.xlane v13, v1;
	v7 =	vadd.f32 v7, v12;
	v12 =	vld [tilespmem:s8+$0xFFFFFFE0]  }
0x67: {  	v17 =	vperm.xlane v8, v3;
	v6 =	vadd.f32 v9, v14;
	v9 =	vld [tilespmem:s8+$0x10];
	v8 =	vadd.f32 v10, v15  }
0x68: {  	v18 =	vperm.xlane v5, v3;
	v14 =	vld [tilespmem:s9+$0x0];
	v11 =	vadd.f32 v11, v13;
	v10 =	vmul.f32 $2.000000030e-01, v7  }
0x69: {  	v15 =	vld [tilespmem:s9+$0x10];
	vm0 =	vge.f32 v7, $0.0e+00;
	v5 =	vmul.f32 $2.000000030e-01, v6;
	v20 =	vmul.f32 $2.000000030e-01, v8  }
0x6a: {  	v25 =	vmul.f32 $2.000000030e-01, v11;
	v7 =	vsel vm0, v7, v10;
	vm0 =	vge.f32 v6, $0.0e+00;
	v10 =	vld [tilespmem:s9+$0xFFFFFFE0]  }
0x6b: {  	s10 =	simm.s32 $0x4EC0;
	v5 =	vsel vm0, v6, v5;
	v6 =	vld [tilespmem:s8+$0xFFFFFFF0];
	v7 =	vmul.f32 $1.442695020e+00, v7;
	v22 =	vperm.xlane v12, v1  }
0x6c: {  	v13 =	vld [tilespmem:s10+$0xFFFFFFE0];
	v23 =	vperm.xlane v9, v1;
	vm0 =	vge.f32 v8, $0.0e+00;
	v5 =	vmul.f32 $1.442695020e+00, v5  }
0x6d: {  	v24 =	vperm.xlane v14, v2;
	v8 =	vsel vm0, v8, v20;
	v20 =	vperm.xlane v21, v2  }
0x6e: {  	(erf) = vpow2.f32 v5;
	v5 =	vperm.xlane v9, v3  }
0x6f: {  	v14 =	vld [tilespmem:s8+$0x0];
	v9 =	vperm.xlane v15, v2;
	v15 =	vmul.f32 $1.442695020e+00, v8  }
0x70: {  	v8 =	vperm.xlane v10, v2;
	v10 =	vperm.xlane v6, v1  }
0x71: {  	v29 =	vperm.xlane v13, v1;
	(erf) = vpow2.f32 v7;
	v9 =	vadd.f32 v9, v23  }
0x72: {  	v7 =	vperm.xlane v6, v3;
	v6 =	vperm.xlane v12, v3;
	v10 =	vadd.f32 v20, v10  }
0x73: {  	(erf) = vpow2.f32 v15;
	v21 =	vadd.f32 v8, v22;
	v12 =	vmul.f32 $2.000000030e-01, v9;
	v20 =	vld [tilespmem:s10+$0x10]  }
0x74: {  	s11 =	simm.s32 $0x53C0;
	v8 =	vperm.xlane v14, v3;
	vm1 =	vge.f32 v9, $0.0e+00;
	v22 =	vmul.f32 $2.000000030e-01, v10  }
0x75: {  	v26 =	vld [tilespmem:s11+$0x10];
	vm0 =	vge.f32 v21, $0.0e+00;
	v9 =	vsel vm1, v9, v12;
	vm1 =	vge.f32 v10, $0.0e+00  }
0x76: {  	v28 =	vld [tilespmem:s11+$0xFFFFFFE0];
	v23 =	vmul.f32 $2.000000030e-01, v21;
	v27 =	vmul.f32 $1.442695020e+00, v9;
	v10 =	vsel vm1, v10, v22  }
0x77: {  	v12 =	vld [tilespmem:s11+$0x0];
	v22 =	vperm.xlane v14, v1;
	vm1 =	vge.f32 v11, $0.0e+00;
	v10 =	vmul.f32 $1.442695020e+00, v10  }
0x78: {  	v9 =	vsel vm1, v11, v25;
	v11 =	vsel vm0, v21, v23;
	v23 =	vperm.xlane v20, v1  }
0x79: {  	v30 =	vld [tilespmem:s11+$0xFFFFFFF0];
	v25 =	vmul.f32 $1.442695020e+00, v9;
	v9 =	vperm.xlane v20, v3  }
0x7a: {  	v21 =	vld [tilespmem:s10+$0xFFFFFFF0];
	vm0 =	veq.s32 v4, $0x0;
	v20 =	vperm.xlane v26, v2;
	(erf) = vpow2.f32 v10  }
0x7b: {  	v15 =	vld [tilespmem:s10+$0x0];
	v31 =	vpop (erf);
	v14 =	vsel vm0, $0x3F800000, v19;
	v26 =	vperm.xlane v28, v2;
	(erf) = vpow2.f32 v25  }
0x7c: {  	v19 =	vpop (erf);
	v12 =	vperm.xlane v12, v2;
	v10 =	vsel vm0, $0x3F800000, v16;
	v16 =	vmul.f32 $1.442695020e+00, v11  }
0x7d: {  	v25 =	vsel vm0, $0x3F800000, v17;
	v17 =	vadd.f32 v24, v22;
	v22 =	vmul.f32 v19, v10  }
0x7e: {  	v18 =	vsel vm0, $0x3F800000, v18;
	(erf) = vpow2.f32 v27;
	v27 =	vperm.xlane v30, v2  }
0x7f: {  	v24 =	vperm.xlane v21, v1;
	v11 =	vperm.xlane v21, v3;
	v21 =	vadd.f32 v20, v23  }
0x80: {  	s5 =	simm.s32 $0x5880;
	s6 =	simm.s32 $0x5880;
	s8 =	simm.s32 $0x5840;
	v19 =	vadd.f32 v26, v29;
	v10 =	vperm.xlane v13, v3;
	v13 =	vperm.xlane v15, v3  }
0x81: {  	s9 =	simm.s32 $0x8;
	s11 =	simm.s32 $0x4F00;
	s10 =	simm.s32 $0x5400;
	[tilespmem:s8+$0x10] =	vst v22;
	v20 =	vmul.f32 v31, v25;
	v23 =	vadd.f32 v27, v24;
	v24 =	vmul.f32 $2.000000030e-01, v21;
	v22 =	vpop (erf)  }
.LBB2_5:
0x82: {  	v25 =	vld [tilespmem:s11+$0xFFFFFFE0];
	s9 =	sadd.s32 $0x4, s9;
	vm1 =	vge.f32 v19, $0.0e+00;
	vm2 =	vge.f32 v21, $0.0e+00;
	vm3 =	vge.f32 v17, $0.0e+00;
	s5 =	sadd.s32 $0x40, s5  }
0x83: {  	v18 =	vmul.f32 v22, v18;
	v26 =	vld [tilespmem:s11+$0x10];
	p0 =	slt.u32 s9, $0x4C;
	v27 =	vmul.f32 $2.000000030e-01, v23;
	v21 =	vsel vm2, v21, v24;
	v28 =	vpop (erf);
	[tilespmem:s8+$0xFFFFFFF0] =	vst v20  }
0x84: {  	v22 =	vmul.f32 $2.000000030e-01, v19;
	v31 =	vmul.f32 $2.000000030e-01, v17;
	vm2 =	vge.f32 v23, $0.0e+00;
	v20 =	vld [tilespmem:s10+$0x0];
	v29 =	vpop (erf)  }
0x85: {  	v30 =	vld [tilespmem:s10+$0x10];
	v23 =	vsel vm2, v23, v27;
	v27 =	vperm.xlane v15, v1;
	[tilespmem:s8+$0xFFFFFFE0] =	vst v18;
	v14 =	vmul.f32 v29, v14  }
0x86: {  	v19 =	vsel vm1, v19, v22;
	v21 =	vmul.f32 $1.442695020e+00, v21;
	v18 =	vld [tilespmem:s10+$0xFFFFFFE0];
	v22 =	vmul.f32 $1.442695020e+00, v23  }
0x87: {  	v17 =	vsel vm3, v17, v31;
	v23 =	vperm.xlane v25, v1;
	v29 =	vld [tilespmem:s11+$0xFFFFFFF0];
	(erf) = vpow2.f32 v16;
	v24 =	vpop (erf);
	[tilespmem:s8+$0x0] =	vst v14;
	s8 =	smov.u32 s6;
	s6 =	smov.u32 s5  }
0x88: {  	v16 =	vmul.f32 $1.442695020e+00, v17;
	v15 =	vld [tilespmem:s11+$0x0];
	v31 =	vperm.xlane v26, v1  }
0x89: {  	v32 =	vld [tilespmem:s10+$0xFFFFFFF0];
	v20 =	vperm.xlane v20, v2;
	(erf) = vpow2.f32 v22;
	v22 =	vsel vm0, $0x3F800000, v5;
	v5 =	vmovc v9  }
0x8a: {  	v14 =	vsel vm0, $0x3F800000, v8;
	v8 =	vmovc v13;
	v9 =	vperm.xlane v26, v3;
	(erf) = vpow2.f32 v16  }
0x8b: {  	v26 =	vsel vm0, $0x3F800000, v7;
	v7 =	vmovc v11;
	v13 =	vperm.xlane v30, v2;
	v16 =	vmul.f32 $1.442695020e+00, v19  }
.Ltmp1:
0x8c: {  	v17 =	vadd.f32 v12, v27;
	v22 =	vmul.f32 v24, v22;
	v19 =	vperm.xlane v18, v2;
	v12 =	vmovc v20;
	(pc) =	sbr.rel @p0 .LBB2_5-.Ltmp1, $4  }
0x8d: {  	v18 =	vsel vm0, $0x3F800000, v6;
	v6 =	vmovc v10;
	v20 =	vperm.xlane v29, v1;
	(erf) = vpow2.f32 v21  }
0x8e: {  	v11 =	vperm.xlane v29, v3;
	v21 =	vadd.f32 v13, v31;
	v24 =	vperm.xlane v32, v2;
	[tilespmem:s8+$0x10] =	vst v22  }
0x8f: {  	v10 =	vperm.xlane v25, v3;
	v19 =	vadd.f32 v19, v23;
	v13 =	vperm.xlane v15, v3  }
0x90: {  	s11 =	sadd.s32 $0x40, s11;
	s10 =	sadd.s32 $0x40, s10;
	v23 =	vadd.f32 v24, v20;
	v24 =	vmul.f32 $2.000000030e-01, v21;
	v20 =	vmul.f32 v28, v26;
	v22 =	vpop (erf)  }
0x91: {  	vm0 =	vge.f32 v21, $0.0e+00;
	v26 =	vmul.f32 $2.000000030e-01, v17  }
0x92: {  	vm1 =	vge.f32 v17, $0.0e+00;
	v15 =	vperm.xlane v15, v1;
	v25 =	vmul.f32 $2.000000030e-01, v23  }
0x93: {  	(erf) = vpow2.f32 v16;
	vm2 =	vge.f32 v23, $0.0e+00;
	v21 =	vsel vm0, v21, v24  }
0x94: {  	v24 =	vmul.f32 $2.000000030e-01, v19;
	v12 =	vadd.f32 v12, v15;
	v23 =	vsel vm2, v23, v25  }
0x95: {  	v21 =	vmul.f32 $1.442695020e+00, v21;
	v17 =	vsel vm1, v17, v26;
	v23 =	vmul.f32 $1.442695020e+00, v23  }
0x96: {  	vm0 =	vge.f32 v19, $0.0e+00;
	v15 =	vmul.f32 $1.442695020e+00, v17;
	v16 =	vmul.f32 $2.000000030e-01, v12  }
0x97: {  	v17 =	vsel vm0, v19, v24;
	vm0 =	vge.f32 v12, $0.0e+00;
	(erf) = vpow2.f32 v23  }
0x98: {  	v12 =	vsel vm0, v12, v16;
	(erf) = vpow2.f32 v15;
	v15 =	vmul.f32 $1.442695020e+00, v17  }
0x99: {  	v12 =	vmul.f32 $1.442695020e+00, v12;
	(erf) = vpow2.f32 v21;
	_ =	sdelay $0x2  }
0x9a: {  	v16 =	vmul.f32 v22, v18;
	vm0 =	veq.s32 v4, $0x0;
	(erf) = vpow2.f32 v15;
	v15 =	vpop (erf)  }
0x9b: {  	v7 =	vsel vm0, $0x3F800000, v7;
	(erf) = vpow2.f32 v12;
	v12 =	vpop (erf)  }
0x9c: {  	v5 =	vsel vm0, $0x3F800000, v5;
	v6 =	vsel vm0, $0x3F800000, v6;
	v7 =	vmul.f32 v15, v7;
	v17 =	vpop (erf)  }
0x9d: {  	v12 =	vmul.f32 v12, v14;
	v14 =	vpop (erf);
	v5 =	vmul.f32 v17, v5  }
0x9e: {  	[tilespmem:s8+$0xFFFFFFE0] =	vst v16;
	v16 =	vpop (erf)  }
0x9f: {  	v8 =	vsel vm0, $0x3F800000, v8;
	[tilespmem:s6+$0x10] =	vst v5;
	v5 =	vmul.f32 v14, v6;
	v6 =	vpop (erf)  }
0xa0: {  	[tilespmem:s6+$0xFFFFFFF0] =	vst v7;
	v6 =	vmul.f32 v6, v8;
	v7 =	vpop (erf);
	v8 =	vsel vm0, $0x3F800000, v9  }
0xa1: {  	[tilespmem:s8+$0xFFFFFFF0] =	vst v20;
	v7 =	vmul.f32 v7, v8  }
0xa2: {  	[tilespmem:s8+$0x0] =	vst v12  }
0xa3: {  	[tilespmem:s6+$0xFFFFFFE0] =	vst v5;
	v5 =	vsel vm0, $0x3F800000, v11  }
0xa4: {  	s5 =	sadd.s32 $0x40, s5;
	[tilespmem:s6+$0x0] =	vst v6;
	v6 =	vsel vm0, $0x3F800000, v10;
	v5 =	vmul.f32 v16, v5;
	v8 =	vpop (erf)  }
0xa5: {  	s11 =	smul.u32 $0x280, s31;
	v9 =	vsel vm0, $0x3F800000, v13;
	[tilespmem:s5+$0x10] =	vst v7;
	v6 =	vmul.f32 v8, v6;
	v7 =	vpop (erf)  }
0xa6: {  	[tilespmem:s5+$0xFFFFFFF0] =	vst v5;
	v5 =	vmul.f32 v7, v9  }
0xa7: {  	s6 =	sshra.s32 s11, $0x2;
	[tilespmem:s5+$0xFFFFFFE0] =	vst v6  }
0xa8: {  	s8 =	sadd.s32 $0x2710, s6;
	[tilespmem:s5+$0x0] =	vst v5  }
0xa9: {  	[spmem:s2] =	stream.indirect.scatter.add.f32 [tilespmem:s19], [sflag:$0x3], $0x10, s8, s20, $0xb8;
	[tilespmem:$0x9420] =	vst v63  }
0xaa: {  	s9 =	sadd.s32 $0xA0, s3  }
0xab: {  	[tilespmem:s22], [sflag:$0x1] =	stream.indirect.gather [hbm4b:s4+s20], $0x10, s9, s20, $0xb8;
	[tilespmem:$0x9420] =	vst v63  }
0xac: {  	s10 =	sadd.s32 $0x27B0, s3  }
0xad: {  	[tilespmem:s23], [sflag:$0x1] =	stream.indirect.gather [hbm4b:s4+s20], $0x10, s10, s20, $0xb8;
	[tilespmem:$0x9420] =	vst v63  }
0xae: {  	_ =	swait.ge [sflag:s29], $0x500  }
0xaf: {  	[sflag:s29] =	ssyncset.done $0x0  }
0xb0: {  	[sflag:s29] =	ssyncadd.s32 $0xFFFFFB00  }
0xb1: {  	_ =	swait.ge [sflag:s29], $0x500  }
0xb2: {  	[sflag:s29] =	ssyncset.done $0x0  }
0xb3: {  	[sflag:s29] =	ssyncadd.s32 $0xFFFFFB00  }
0xb4: {  	_ =	swait.ge [sflag:s30], $0x500  }
0xb5: {  	[sflag:s30] =	ssyncset.done $0x0  }
0xb6: {  	s11 =	simm.s32 $0x5D40;
	[sflag:s30] =	ssyncadd.s32 $0xFFFFFB00  }
0xb7: {  	v5 =	vld [tilespmem:s11+$0xFFFFFFE0]  }
0xb8: {  	s6 =	simm.s32 $0x6240;
	v6 =	vld [tilespmem:s11+$0x10]  }
0xb9: {  	v7 =	vld [tilespmem:s6+$0x10]  }
0xba: {  	v8 =	vld [tilespmem:s11+$0xFFFFFFF0]  }
0xbb: {  	v9 =	vld [tilespmem:s6+$0xFFFFFFF0]  }
0xbc: {  	v10 =	vld [tilespmem:s6+$0xFFFFFFE0]  }
0xbd: {  	v11 =	vld [tilespmem:s6+$0x0]  }
0xbe: {  	v13 =	vld [tilespmem:s11+$0x0]  }
0xbf: {  	v12 =	vperm.xlane v6, v1;
	v7 =	vperm.xlane v7, v2  }
0xc0: {  	v14 =	vperm.xlane v8, v1;
	v9 =	vperm.xlane v9, v2  }
0xc1: {  	s9 =	simm.s32 $0x6280;
	v15 =	vperm.xlane v5, v1;
	v10 =	vperm.xlane v10, v2  }
0xc2: {  	s8 =	simm.s32 $0x5D80;
	v21 =	vld [tilespmem:s9+$0xFFFFFFF0];
	v11 =	vperm.xlane v11, v2;
	v16 =	vperm.xlane v6, v3  }
0xc3: {  	v19 =	vperm.xlane v13, v3;
	v13 =	vperm.xlane v13, v1;
	v7 =	vadd.f32 v7, v12;
	v12 =	vld [tilespmem:s8+$0xFFFFFFE0]  }
0xc4: {  	v17 =	vperm.xlane v8, v3;
	v6 =	vadd.f32 v9, v14;
	v9 =	vld [tilespmem:s8+$0x10];
	v8 =	vadd.f32 v10, v15  }
0xc5: {  	v18 =	vperm.xlane v5, v3;
	v14 =	vld [tilespmem:s9+$0x0];
	v11 =	vadd.f32 v11, v13;
	v10 =	vmul.f32 $2.000000030e-01, v7  }
0xc6: {  	v15 =	vld [tilespmem:s9+$0x10];
	vm1 =	vge.f32 v7, $0.0e+00;
	v5 =	vmul.f32 $2.000000030e-01, v6;
	v20 =	vmul.f32 $2.000000030e-01, v8  }
0xc7: {  	v25 =	vmul.f32 $2.000000030e-01, v11;
	v7 =	vsel vm1, v7, v10;
	vm1 =	vge.f32 v6, $0.0e+00;
	v10 =	vld [tilespmem:s9+$0xFFFFFFE0]  }
0xc8: {  	s10 =	simm.s32 $0x5DC0;
	v5 =	vsel vm1, v6, v5;
	v6 =	vld [tilespmem:s8+$0xFFFFFFF0];
	v7 =	vmul.f32 $1.442695020e+00, v7;
	v22 =	vperm.xlane v12, v1  }
0xc9: {  	v13 =	vld [tilespmem:s10+$0xFFFFFFE0];
	v23 =	vperm.xlane v9, v1;
	vm1 =	vge.f32 v8, $0.0e+00;
	v5 =	vmul.f32 $1.442695020e+00, v5  }
0xca: {  	v24 =	vperm.xlane v14, v2;
	v8 =	vsel vm1, v8, v20;
	v20 =	vperm.xlane v21, v2  }
0xcb: {  	(erf) = vpow2.f32 v5;
	v5 =	vperm.xlane v9, v3  }
0xcc: {  	v14 =	vld [tilespmem:s8+$0x0];
	v9 =	vperm.xlane v15, v2;
	v15 =	vmul.f32 $1.442695020e+00, v8  }
0xcd: {  	v8 =	vperm.xlane v10, v2;
	v10 =	vperm.xlane v6, v1  }
0xce: {  	v29 =	vperm.xlane v13, v1;
	(erf) = vpow2.f32 v7;
	v9 =	vadd.f32 v9, v23  }
0xcf: {  	v7 =	vperm.xlane v6, v3;
	v6 =	vperm.xlane v12, v3;
	v10 =	vadd.f32 v20, v10  }
0xd0: {  	(erf) = vpow2.f32 v15;
	v21 =	vadd.f32 v8, v22;
	v12 =	vmul.f32 $2.000000030e-01, v9;
	v20 =	vld [tilespmem:s10+$0x10]  }
0xd1: {  	s11 =	simm.s32 $0x62C0;
	v8 =	vperm.xlane v14, v3;
	vm2 =	vge.f32 v9, $0.0e+00;
	v22 =	vmul.f32 $2.000000030e-01, v10  }
0xd2: {  	v26 =	vld [tilespmem:s11+$0x10];
	vm1 =	vge.f32 v21, $0.0e+00;
	v9 =	vsel vm2, v9, v12;
	vm2 =	vge.f32 v10, $0.0e+00  }
0xd3: {  	v28 =	vld [tilespmem:s11+$0xFFFFFFE0];
	v23 =	vmul.f32 $2.000000030e-01, v21;
	v27 =	vmul.f32 $1.442695020e+00, v9;
	v10 =	vsel vm2, v10, v22  }
0xd4: {  	v12 =	vld [tilespmem:s11+$0x0];
	v22 =	vperm.xlane v14, v1;
	vm2 =	vge.f32 v11, $0.0e+00;
	v10 =	vmul.f32 $1.442695020e+00, v10  }
0xd5: {  	v9 =	vsel vm2, v11, v25;
	v11 =	vsel vm1, v21, v23;
	v23 =	vperm.xlane v20, v1  }
0xd6: {  	v30 =	vld [tilespmem:s11+$0xFFFFFFF0];
	v25 =	vmul.f32 $1.442695020e+00, v9;
	v9 =	vperm.xlane v20, v3  }
0xd7: {  	v21 =	vld [tilespmem:s10+$0xFFFFFFF0];
	v20 =	vperm.xlane v26, v2;
	(erf) = vpow2.f32 v10  }
0xd8: {  	v15 =	vld [tilespmem:s10+$0x0];
	v14 =	vsel vm0, $0x3F800000, v19;
	v31 =	vpop (erf);
	v26 =	vperm.xlane v28, v2;
	(erf) = vpow2.f32 v25  }
0xd9: {  	v19 =	vpop (erf);
	v12 =	vperm.xlane v12, v2;
	v10 =	vsel vm0, $0x3F800000, v16;
	v16 =	vmul.f32 $1.442695020e+00, v11  }
0xda: {  	v25 =	vsel vm0, $0x3F800000, v17;
	v17 =	vadd.f32 v24, v22;
	v22 =	vmul.f32 v19, v10  }
0xdb: {  	v18 =	vsel vm0, $0x3F800000, v18;
	(erf) = vpow2.f32 v27;
	v27 =	vperm.xlane v30, v2  }
0xdc: {  	v24 =	vperm.xlane v21, v1;
	v11 =	vperm.xlane v21, v3;
	v21 =	vadd.f32 v20, v23  }
0xdd: {  	s3 =	simm.s32 $0x6780;
	s5 =	simm.s32 $0x6780;
	s6 =	simm.s32 $0x6740;
	v19 =	vadd.f32 v26, v29;
	v10 =	vperm.xlane v13, v3;
	v13 =	vperm.xlane v15, v3  }
0xde: {  	s9 =	simm.s32 $0x6300;
	s8 =	simm.s32 $0x8;
	s10 =	simm.s32 $0x5E00;
	[tilespmem:s6+$0x10] =	vst v22;
	v20 =	vmul.f32 v31, v25;
	v23 =	vadd.f32 v27, v24;
	v24 =	vmul.f32 $2.000000030e-01, v21;
	v22 =	vpop (erf)  }
.LBB2_7:
0xdf: {  	v25 =	vld [tilespmem:s10+$0xFFFFFFE0];
	s8 =	sadd.s32 $0x4, s8;
	vm1 =	vge.f32 v19, $0.0e+00;
	vm2 =	vge.f32 v21, $0.0e+00;
	vm3 =	vge.f32 v17, $0.0e+00;
	s3 =	sadd.s32 $0x40, s3  }
0xe0: {  	v18 =	vmul.f32 v22, v18;
	v26 =	vld [tilespmem:s10+$0x10];
	p0 =	slt.u32 s8, $0x4C;
	v27 =	vmul.f32 $2.000000030e-01, v23;
	v21 =	vsel vm2, v21, v24;
	v28 =	vpop (erf);
	[tilespmem:s6+$0xFFFFFFF0] =	vst v20  }
0xe1: {  	v22 =	vmul.f32 $2.000000030e-01, v19;
	v31 =	vmul.f32 $2.000000030e-01, v17;
	vm2 =	vge.f32 v23, $0.0e+00;
	v20 =	vld [tilespmem:s9+$0x0];
	v29 =	vpop (erf)  }
0xe2: {  	v30 =	vld [tilespmem:s9+$0x10];
	v23 =	vsel vm2, v23, v27;
	v27 =	vperm.xlane v15, v1;
	[tilespmem:s6+$0xFFFFFFE0] =	vst v18;
	v14 =	vmul.f32 v29, v14  }
0xe3: {  	v19 =	vsel vm1, v19, v22;
	v21 =	vmul.f32 $1.442695020e+00, v21;
	v18 =	vld [tilespmem:s9+$0xFFFFFFE0];
	v22 =	vmul.f32 $1.442695020e+00, v23  }
0xe4: {  	v17 =	vsel vm3, v17, v31;
	v23 =	vperm.xlane v25, v1;
	v29 =	vld [tilespmem:s10+$0xFFFFFFF0];
	(erf) = vpow2.f32 v16;
	v24 =	vpop (erf);
	[tilespmem:s6+$0x0] =	vst v14;
	s6 =	smov.u32 s5;
	s5 =	smov.u32 s3  }
0xe5: {  	v16 =	vmul.f32 $1.442695020e+00, v17;
	v15 =	vld [tilespmem:s10+$0x0];
	v31 =	vperm.xlane v26, v1  }
0xe6: {  	v32 =	vld [tilespmem:s9+$0xFFFFFFF0];
	v20 =	vperm.xlane v20, v2;
	(erf) = vpow2.f32 v22;
	v22 =	vsel vm0, $0x3F800000, v5;
	v5 =	vmovc v9  }
0xe7: {  	v14 =	vsel vm0, $0x3F800000, v8;
	v8 =	vmovc v13;
	v9 =	vperm.xlane v26, v3;
	(erf) = vpow2.f32 v16  }
0xe8: {  	v26 =	vsel vm0, $0x3F800000, v7;
	v7 =	vmovc v11;
	v13 =	vperm.xlane v30, v2;
	v16 =	vmul.f32 $1.442695020e+00, v19  }
.Ltmp2:
0xe9: {  	v17 =	vadd.f32 v12, v27;
	v22 =	vmul.f32 v24, v22;
	v19 =	vperm.xlane v18, v2;
	v12 =	vmovc v20;
	(pc) =	sbr.rel @p0 .LBB2_7-.Ltmp2, $4  }
0xea: {  	v18 =	vsel vm0, $0x3F800000, v6;
	v6 =	vmovc v10;
	v20 =	vperm.xlane v29, v1;
	(erf) = vpow2.f32 v21  }
0xeb: {  	v11 =	vperm.xlane v29, v3;
	v21 =	vadd.f32 v13, v31;
	v24 =	vperm.xlane v32, v2;
	[tilespmem:s6+$0x10] =	vst v22  }
0xec: {  	v10 =	vperm.xlane v25, v3;
	v19 =	vadd.f32 v19, v23;
	v13 =	vperm.xlane v15, v3  }
0xed: {  	s10 =	sadd.s32 $0x40, s10;
	s9 =	sadd.s32 $0x40, s9;
	v23 =	vadd.f32 v24, v20;
	v24 =	vmul.f32 $2.000000030e-01, v21;
	v20 =	vmul.f32 v28, v26;
	v22 =	vpop (erf)  }
0xee: {  	_ = 	snop  }
0xef: {  	v25 =	vmul.f32 $2.000000030e-01, v23  }
0xf0: {  	v26 =	vmul.f32 $2.000000030e-01, v17;
	vm2 =	vge.f32 v23, $0.0e+00  }
0xf1: {  	vm0 =	vge.f32 v21, $0.0e+00;
	vm1 =	vge.f32 v17, $0.0e+00;
	v23 =	vsel vm2, v23, v25  }
0xf2: {  	v15 =	vperm.xlane v15, v1;
	v17 =	vsel vm1, v17, v26;
	v23 =	vmul.f32 $1.442695020e+00, v23  }
0xf3: {  	(erf) = vpow2.f32 v16;
	v21 =	vsel vm0, v21, v24;
	v51 =	vmul.f32 $1.442695020e+00, v17  }
0xf4: {  	v21 =	vmul.f32 $1.442695020e+00, v21;
	v12 =	vadd.f32 v12, v15;
	(erf) = vpow2.f32 v23  }
0xf5: {  	v50 =	vmul.f32 $2.000000030e-01, v19;
	(erf) = vpow2.f32 v51  }
0xf6: {  	vm0 =	vge.f32 v19, $0.0e+00;
	v52 =	vmul.f32 $2.000000030e-01, v12;
	(erf) = vpow2.f32 v21  }
0xf7: {  	v53 =	vsel vm0, v19, v50;
	vm0 =	vge.f32 v12, $0.0e+00  }
0xf8: {  	v54 =	vmul.f32 $1.442695020e+00, v53;
	v12 =	vsel vm0, v12, v52  }
0xf9: {  	v55 =	vpop (erf);
	vm0 =	veq.s32 v4, $0x0;
	v12 =	vmul.f32 $1.442695020e+00, v12  }
0xfa: {  	v56 =	vpop (erf);
	v5 =	vsel vm0, $0x3F800000, v5;
	v7 =	vsel vm0, $0x3F800000, v7;
	(erf) = vpow2.f32 v54  }
0xfb: {  	v58 =	vpop (erf);
	v6 =	vsel vm0, $0x3F800000, v6;
	v7 =	vmul.f32 v55, v7;
	(erf) = vpow2.f32 v12  }
0xfc: {  	v5 =	vmul.f32 v58, v5;
	v59 =	vpop (erf)  }
0xfd: {  	[tilespmem:s6+$0xFFFFFFF0] =	vst v20;
	v60 =	vpop (erf)  }
0xfe: {  	v57 =	vmul.f32 v22, v18;
	[tilespmem:s5+$0x10] =	vst v5;
	v5 =	vmul.f32 v59, v6;
	v6 =	vpop (erf)  }
0xff: {  	v61 =	vsel vm0, $0x3F800000, v9;
	v12 =	vmul.f32 v56, v14;
	[tilespmem:s5+$0xFFFFFFF0] =	vst v7;
	v7 =	vpop (erf)  }
0x100: {  	[tilespmem:s6+$0xFFFFFFE0] =	vst v57;
	v8 =	vsel vm0, $0x3F800000, v8;
	v7 =	vmul.f32 v7, v61  }
0x101: {  	[tilespmem:s6+$0x0] =	vst v12;
	v6 =	vmul.f32 v6, v8  }
0x102: {  	s31 =	sadd.s32 $0x1, s31;
	[tilespmem:s5+$0xFFFFFFE0] =	vst v5;
	v5 =	vsel vm0, $0x3F800000, v11  }
0x103: {  	s3 =	sadd.s32 $0x40, s3;
	p0 =	sne.s32 s31, $0x3E;
	v5 =	vmul.f32 v60, v5;
	v62 =	vpop (erf);
	[tilespmem:s5+$0x0] =	vst v6;
	v6 =	vsel vm0, $0x3F800000, v10  }
.Ltmp3:
0x104: {  	v63 =	vsel vm0, $0x3F800000, v13;
	[tilespmem:s3+$0x10] =	vst v7;
	v6 =	vmul.f32 v62, v6;
	v7 =	vpop (erf);
	(pc) =	sbr.rel @p0 .LBB2_4-.Ltmp3, $4  }
0x105: {  	[tilespmem:s3+$0xFFFFFFF0] =	vst v5;
	v5 =	vmul.f32 v7, v63  }
0x106: {  	[tilespmem:s3+$0xFFFFFFE0] =	vst v6  }
0x107: {  	[tilespmem:s3+$0x0] =	vst v5  }
0x108: {  	[spmem:s2] =	stream.indirect.scatter.add.f32 [tilespmem:s21], [sflag:$0x4], $0x10, s0, s20, $0xb8;
	[tilespmem:$0x9420] =	vst v63  }
0x109: {  	_ =	swait.ge [sflag:s26], $0x500  }
0x10a: {  	[sflag:s26] =	ssyncset.done $0x0  }
0x10b: {  	[sflag:s26] =	ssyncadd.s32 $0xFFFFFB00  }
0x10c: {  	_ =	swait.ge [sflag:s26], $0x500  }
0x10d: {  	[sflag:s26] =	ssyncset.done $0x0  }
0x10e: {  	[sflag:s26] =	ssyncadd.s32 $0xFFFFFB00  }
0x10f: {  	_ =	swait.ge [sflag:s28], $0x500  }
0x110: {  	[sflag:s28] =	ssyncset.done $0x0  }
0x111: {  	s0 =	simm.s32 $0x4E40;
	[sflag:s28] =	ssyncadd.s32 $0xFFFFFB00  }
0x112: {  	v5 =	vld [tilespmem:s0+$0xFFFFFFE0]  }
0x113: {  	s3 =	simm.s32 $0x5340;
	v6 =	vld [tilespmem:s0+$0x10]  }
0x114: {  	v7 =	vld [tilespmem:s3+$0x10]  }
0x115: {  	v8 =	vld [tilespmem:s0+$0xFFFFFFF0]  }
0x116: {  	v9 =	vld [tilespmem:s3+$0xFFFFFFF0]  }
0x117: {  	v10 =	vld [tilespmem:s3+$0xFFFFFFE0]  }
0x118: {  	v11 =	vld [tilespmem:s3+$0x0];
	_ =	sdelay $0x1  }
0x119: {  	v13 =	vld [tilespmem:s0+$0x0];
	v12 =	vperm.xlane v6, v1  }
0x11a: {  	v7 =	vperm.xlane v7, v2;
	v14 =	vperm.xlane v8, v1  }
0x11b: {  	v9 =	vperm.xlane v9, v2;
	v15 =	vperm.xlane v5, v1  }
0x11c: {  	s10 =	simm.s32 $0x5380;
	v10 =	vperm.xlane v10, v2;
	v11 =	vperm.xlane v11, v2  }
0x11d: {  	s9 =	simm.s32 $0x4E80;
	v21 =	vld [tilespmem:s10+$0xFFFFFFF0];
	v16 =	vperm.xlane v6, v3;
	v17 =	vperm.xlane v8, v3  }
0x11e: {  	v19 =	vperm.xlane v13, v3;
	v13 =	vperm.xlane v13, v1;
	v7 =	vadd.f32 v7, v12;
	v12 =	vld [tilespmem:s9+$0xFFFFFFE0]  }
0x11f: {  	v18 =	vperm.xlane v5, v3;
	v6 =	vadd.f32 v9, v14;
	v9 =	vld [tilespmem:s9+$0x10];
	v8 =	vadd.f32 v10, v15  }
0x120: {  	v14 =	vld [tilespmem:s10+$0x0];
	v11 =	vadd.f32 v11, v13;
	v10 =	vmul.f32 $2.000000030e-01, v7;
	vm1 =	vge.f32 v7, $0.0e+00  }
0x121: {  	s11 =	simm.s32 $0x4EC0;
	v15 =	vld [tilespmem:s10+$0x10];
	v5 =	vmul.f32 $2.000000030e-01, v6;
	vm11 =	vge.f32 v6, $0.0e+00;
	v20 =	vmul.f32 $2.000000030e-01, v8  }
0x122: {  	v13 =	vld [tilespmem:s11+$0xFFFFFFE0];
	vm12 =	vge.f32 v8, $0.0e+00;
	v25 =	vmul.f32 $2.000000030e-01, v11;
	v7 =	vsel vm1, v7, v10  }
0x123: {  	v10 =	vld [tilespmem:s10+$0xFFFFFFE0];
	v5 =	vsel vm11, v6, v5;
	v8 =	vsel vm12, v8, v20;
	v20 =	vperm.xlane v21, v2  }
0x124: {  	v6 =	vld [tilespmem:s9+$0xFFFFFFF0];
	v5 =	vmul.f32 $1.442695020e+00, v5;
	v7 =	vmul.f32 $1.442695020e+00, v7  }
0x125: {  	v22 =	vperm.xlane v12, v1;
	v23 =	vperm.xlane v9, v1  }
0x126: {  	v24 =	vperm.xlane v14, v2;
	(erf) = vpow2.f32 v5  }
0x127: {  	v5 =	vperm.xlane v9, v3;
	v9 =	vperm.xlane v15, v2  }
0x128: {  	v14 =	vld [tilespmem:s9+$0x0];
	v29 =	vperm.xlane v13, v1;
	v15 =	vmul.f32 $1.442695020e+00, v8  }
0x129: {  	v8 =	vperm.xlane v10, v2;
	v10 =	vperm.xlane v6, v1;
	v9 =	vadd.f32 v9, v23  }
0x12a: {  	vm15 =	vge.f32 v11, $0.0e+00;
	(erf) = vpow2.f32 v7;
	v7 =	vperm.xlane v6, v3  }
0x12b: {  	v6 =	vperm.xlane v12, v3;
	v10 =	vadd.f32 v20, v10;
	v12 =	vmul.f32 $2.000000030e-01, v9  }
0x12c: {  	s31 =	simm.s32 $0x53C0;
	(erf) = vpow2.f32 v15;
	v21 =	vadd.f32 v8, v22;
	vm2 =	vge.f32 v9, $0.0e+00;
	v20 =	vld [tilespmem:s11+$0x10]  }
0x12d: {  	v26 =	vld [tilespmem:s31+$0x10];
	v8 =	vperm.xlane v14, v3;
	v22 =	vmul.f32 $2.000000030e-01, v10;
	v9 =	vsel vm2, v9, v12  }
0x12e: {  	v28 =	vld [tilespmem:s31+$0xFFFFFFE0];
	v23 =	vmul.f32 $2.000000030e-01, v21;
	vm14 =	vge.f32 v10, $0.0e+00;
	v27 =	vmul.f32 $1.442695020e+00, v9  }
0x12f: {  	v12 =	vld [tilespmem:s31+$0x0];
	v9 =	vsel vm15, v11, v25;
	v10 =	vsel vm14, v10, v22;
	v22 =	vperm.xlane v14, v1  }
0x130: {  	vm13 =	vge.f32 v21, $0.0e+00;
	v25 =	vmul.f32 $1.442695020e+00, v9;
	v10 =	vmul.f32 $1.442695020e+00, v10  }
0x131: {  	v11 =	vsel vm13, v21, v23;
	v21 =	vld [tilespmem:s11+$0xFFFFFFF0];
	v23 =	vperm.xlane v20, v1;
	v9 =	vperm.xlane v20, v3  }
0x132: {  	v30 =	vld [tilespmem:s31+$0xFFFFFFF0];
	v20 =	vperm.xlane v26, v2;
	(erf) = vpow2.f32 v10  }
0x133: {  	v15 =	vld [tilespmem:s11+$0x0];
	v14 =	vsel vm0, $0x3F800000, v19;
	v31 =	vpop (erf);
	v26 =	vperm.xlane v28, v2;
	(erf) = vpow2.f32 v25  }
0x134: {  	v19 =	vpop (erf);
	v12 =	vperm.xlane v12, v2;
	v10 =	vsel vm0, $0x3F800000, v16;
	v16 =	vmul.f32 $1.442695020e+00, v11  }
0x135: {  	v25 =	vsel vm0, $0x3F800000, v17;
	v17 =	vadd.f32 v24, v22;
	v22 =	vmul.f32 v19, v10  }
0x136: {  	v18 =	vsel vm0, $0x3F800000, v18;
	v24 =	vperm.xlane v21, v1;
	(erf) = vpow2.f32 v27  }
0x137: {  	v27 =	vperm.xlane v30, v2;
	v11 =	vperm.xlane v21, v3;
	v21 =	vadd.f32 v20, v23  }
0x138: {  	s5 =	simm.s32 $0x5840;
	s6 =	simm.s32 $0x8;
	s8 =	simm.s32 $0x5400;
	v19 =	vadd.f32 v26, v29;
	v10 =	vperm.xlane v13, v3;
	v13 =	vperm.xlane v15, v3  }
0x139: {  	s0 =	simm.s32 $0x5880;
	s3 =	simm.s32 $0x5880;
	s9 =	simm.s32 $0x4F00;
	v20 =	vmul.f32 v31, v25;
	[tilespmem:s5+$0x10] =	vst v22;
	v23 =	vadd.f32 v27, v24;
	v24 =	vmul.f32 $2.000000030e-01, v21;
	v22 =	vpop (erf)  }
.LBB2_10:
0x13a: {  	v25 =	vld [tilespmem:s9+$0xFFFFFFE0];
	s6 =	sadd.s32 $0x4, s6;
	vm0 =	vge.f32 v19, $0.0e+00;
	vm1 =	vge.f32 v21, $0.0e+00;
	vm2 =	vge.f32 v17, $0.0e+00;
	s0 =	sadd.s32 $0x40, s0  }
0x13b: {  	v18 =	vmul.f32 v22, v18;
	v26 =	vld [tilespmem:s9+$0x10];
	p0 =	slt.u32 s6, $0x4C;
	v27 =	vmul.f32 $2.000000030e-01, v23;
	v21 =	vsel vm1, v21, v24;
	v28 =	vpop (erf);
	[tilespmem:s5+$0xFFFFFFF0] =	vst v20  }
0x13c: {  	v22 =	vmul.f32 $2.000000030e-01, v19;
	v31 =	vmul.f32 $2.000000030e-01, v17;
	vm1 =	vge.f32 v23, $0.0e+00;
	v20 =	vld [tilespmem:s8+$0x0];
	v29 =	vpop (erf)  }
0x13d: {  	v30 =	vld [tilespmem:s8+$0x10];
	v23 =	vsel vm1, v23, v27;
	v27 =	vperm.xlane v15, v1;
	[tilespmem:s5+$0xFFFFFFE0] =	vst v18;
	v14 =	vmul.f32 v29, v14  }
0x13e: {  	v19 =	vsel vm0, v19, v22;
	v21 =	vmul.f32 $1.442695020e+00, v21;
	v18 =	vld [tilespmem:s8+$0xFFFFFFE0];
	v22 =	vmul.f32 $1.442695020e+00, v23  }
0x13f: {  	v17 =	vsel vm2, v17, v31;
	v23 =	vperm.xlane v25, v1;
	v29 =	vld [tilespmem:s9+$0xFFFFFFF0];
	(erf) = vpow2.f32 v16;
	v24 =	vpop (erf);
	[tilespmem:s5+$0x0] =	vst v14;
	s5 =	smov.u32 s3;
	s3 =	smov.u32 s0  }
0x140: {  	vm0 =	veq.s32 v4, $0x0;
	v16 =	vmul.f32 $1.442695020e+00, v17;
	v15 =	vld [tilespmem:s9+$0x0];
	v31 =	vperm.xlane v26, v1  }
0x141: {  	v32 =	vld [tilespmem:s8+$0xFFFFFFF0];
	v20 =	vperm.xlane v20, v2;
	(erf) = vpow2.f32 v22;
	v22 =	vsel vm0, $0x3F800000, v5;
	v5 =	vmovc v9  }
0x142: {  	v14 =	vsel vm0, $0x3F800000, v8;
	v8 =	vmovc v13;
	v9 =	vperm.xlane v26, v3;
	(erf) = vpow2.f32 v16  }
0x143: {  	v26 =	vsel vm0, $0x3F800000, v7;
	v7 =	vmovc v11;
	v13 =	vperm.xlane v30, v2;
	v16 =	vmul.f32 $1.442695020e+00, v19  }
.Ltmp4:
0x144: {  	v17 =	vadd.f32 v12, v27;
	v22 =	vmul.f32 v24, v22;
	v19 =	vperm.xlane v18, v2;
	v12 =	vmovc v20;
	(pc) =	sbr.rel @p0 .LBB2_10-.Ltmp4, $4  }
0x145: {  	v18 =	vsel vm0, $0x3F800000, v6;
	v6 =	vmovc v10;
	v20 =	vperm.xlane v29, v1;
	(erf) = vpow2.f32 v21  }
0x146: {  	v11 =	vperm.xlane v29, v3;
	v21 =	vadd.f32 v13, v31;
	v24 =	vperm.xlane v32, v2;
	[tilespmem:s5+$0x10] =	vst v22  }
0x147: {  	v10 =	vperm.xlane v25, v3;
	v19 =	vadd.f32 v19, v23;
	v13 =	vperm.xlane v15, v3  }
0x148: {  	s9 =	sadd.s32 $0x40, s9;
	s8 =	sadd.s32 $0x40, s8;
	v23 =	vadd.f32 v24, v20;
	v24 =	vmul.f32 $2.000000030e-01, v21;
	v20 =	vmul.f32 v28, v26;
	v22 =	vpop (erf)  }
0x149: {  	_ = 	snop  }
0x14a: {  	v25 =	vmul.f32 $2.000000030e-01, v23  }
0x14b: {  	v26 =	vmul.f32 $2.000000030e-01, v17;
	vm3 =	vge.f32 v23, $0.0e+00  }
0x14c: {  	vm1 =	vge.f32 v21, $0.0e+00;
	vm2 =	vge.f32 v17, $0.0e+00;
	v23 =	vsel vm3, v23, v25  }
0x14d: {  	v15 =	vperm.xlane v15, v1;
	v17 =	vsel vm2, v17, v26;
	v23 =	vmul.f32 $1.442695020e+00, v23  }
0x14e: {  	(erf) = vpow2.f32 v16;
	v21 =	vsel vm1, v21, v24;
	v51 =	vmul.f32 $1.442695020e+00, v17  }
0x14f: {  	v21 =	vmul.f32 $1.442695020e+00, v21;
	v12 =	vadd.f32 v12, v15;
	(erf) = vpow2.f32 v23  }
0x150: {  	v50 =	vmul.f32 $2.000000030e-01, v19;
	(erf) = vpow2.f32 v51  }
0x151: {  	vm14 =	vge.f32 v19, $0.0e+00;
	v52 =	vmul.f32 $2.000000030e-01, v12;
	(erf) = vpow2.f32 v21  }
0x152: {  	v53 =	vsel vm14, v19, v50;
	vm15 =	vge.f32 v12, $0.0e+00  }
0x153: {  	v54 =	vmul.f32 $1.442695020e+00, v53;
	v12 =	vsel vm15, v12, v52  }
0x154: {  	v55 =	vpop (erf);
	v12 =	vmul.f32 $1.442695020e+00, v12  }
0x155: {  	v5 =	vsel vm0, $0x3F800000, v5;
	v7 =	vsel vm0, $0x3F800000, v7;
	v56 =	vpop (erf);
	(erf) = vpow2.f32 v54  }
0x156: {  	v6 =	vsel vm0, $0x3F800000, v6;
	v7 =	vmul.f32 v55, v7;
	v58 =	vpop (erf);
	(erf) = vpow2.f32 v12  }
0x157: {  	v5 =	vmul.f32 v58, v5;
	v59 =	vpop (erf)  }
0x158: {  	[tilespmem:s5+$0xFFFFFFF0] =	vst v20;
	v60 =	vpop (erf)  }
0x159: {  	v57 =	vmul.f32 v22, v18;
	[tilespmem:s3+$0x10] =	vst v5;
	v5 =	vmul.f32 v59, v6;
	v6 =	vpop (erf)  }
0x15a: {  	v61 =	vsel vm0, $0x3F800000, v9;
	[tilespmem:s3+$0xFFFFFFF0] =	vst v7;
	v12 =	vmul.f32 v56, v14;
	v7 =	vpop (erf)  }
0x15b: {  	v8 =	vsel vm0, $0x3F800000, v8;
	[tilespmem:s5+$0xFFFFFFE0] =	vst v57;
	v7 =	vmul.f32 v7, v61  }
0x15c: {  	[tilespmem:s5+$0x0] =	vst v12;
	v6 =	vmul.f32 v6, v8  }
0x15d: {  	[tilespmem:s3+$0xFFFFFFE0] =	vst v5;
	v5 =	vsel vm0, $0x3F800000, v11  }
0x15e: {  	s0 =	sadd.s32 $0x40, s0;
	v5 =	vmul.f32 v60, v5;
	v62 =	vpop (erf);
	[tilespmem:s3+$0x0] =	vst v6;
	v6 =	vsel vm0, $0x3F800000, v10  }
0x15f: {  	v63 =	vsel vm0, $0x3F800000, v13;
	[tilespmem:s0+$0x10] =	vst v7;
	v6 =	vmul.f32 v62, v6;
	v7 =	vpop (erf)  }
0x160: {  	[tilespmem:s0+$0xFFFFFFF0] =	vst v5;
	v5 =	vmul.f32 v7, v63  }
0x161: {  	[tilespmem:s0+$0xFFFFFFE0] =	vst v6  }
0x162: {  	s10 =	simm.s32 $0x4DD0;
	[tilespmem:s0+$0x0] =	vst v5  }
0x163: {  	[spmem:s2] =	stream.indirect.scatter.add.f32 [tilespmem:s19], [sflag:$0x3], $0x10, s10, s20, $0xb8;
	[tilespmem:$0x9420] =	vst v63  }
0x164: {  	_ =	swait.ge [sflag:s28], $0x500  }
0x165: {  	[sflag:s28] =	ssyncset.done $0x0  }
0x166: {  	[sflag:s28] =	ssyncadd.s32 $0xFFFFFB00  }
0x167: {  	s11 =	stileid.u32;
	_ =	swait.ge [sflag:s30], $0x500  }
0x168: {  	s31 =	sshrl.u32 s7, $0x3;
	s1 =	sadd.s32 $0x1, s1;
	[sflag:s30] =	ssyncset.done $0x0  }
0x169: {  	p0 =	sne.s32 s1, s15;
	s0 =	sshll.u32 s11, $0x6;
	[sflag:s30] =	ssyncadd.s32 $0xFFFFFB00  }
.Ltmp5:
0x16a: {  	s0 =	sor.u32 $0x1C05, s0;
	[bflag:$0x0] =	sbarrier.arrive $0xFFFF;
	(pc) =	sbr.rel @p0 .LBB2_1-.Ltmp5, $4  }
0x16b: {  	[hbm:s16], [sflag:s0] =	dma.local [spmem:s31], $0x500  }
0x16c: {  	_ =	swait.ge [sflag:s17], $0x500  }
0x16d: {  	[sflag:s17] =	ssyncset.done $0x0  }
0x16e: {  	[sflag:s17] =	ssyncadd.s32 $0xFFFFFB00  }
0x16f: {  	_ =	sfence.sel $0x180000  }
0x170: {  	[bflag:$0x0] =	sbarrier.arrive $0xFFFF  }
0x171: {  	_ =	strace $0x9000004A  }
0x172: {  	s0 =	stileid.u32;
	[bflag:$0x2] =	sbarrier.arrive $0xFFFF  }
0x173: {  	p0 =	sne.s32 s0, $0x0;
	s0 =	rddreg [dreg:$0x2]  }
0x174: {  	s0 =	sadd.s32 @!p0 $0x100000, s0  }
0x175: {  	[sflag:s0] =	ssyncadd.tile.s32 @!p0 $0x1;
	_ =	shalt  }
.Lfunc_end2:
_tile_overlayer_lowered:
.L_overlay_start_2:
0x176: {  	(tag) =	ssettag $0x2  }
0x177: {  	s0 =	rddreg [dreg:$0x0];
	s2 =	stileid.u32  }
0x178: {  	s1 =	rddreg [dreg:$0x1];
	p0 =	sne.s32 s2, $0x0  }
0x179: {  	s3 =	rddreg [dreg:$0x2];
	[bflag:$0x3] =	sbarrier.arrive $0xFFFF;
	s2 =	simm.s32 @!p0 $0x1C05  }
0x17a: {  	[timem:s3], [sflag:s2] =	dma.local @!p0 [hbm:s0], s1  }
0x17b: {  	s0 =	simm.s32 @!p0 $0x5  }
0x17c: {  	_ =	swait.ge @!p0 [sflag:s0], s1  }
0x17d: {  	s1 =	ssub.s32 @!p0 $0x0, s1;
	[sflag:s0] =	ssyncset.done @!p0 $0x0  }
0x17e: {  	[sflag:s0] =	ssyncadd.s32 @!p0 s1  }
0x17f: {  	[bflag:$0x3] =	sbarrier.arrive $0xFFFF  }
0x180: {  	_ =	shalt  }

// kernel: kernel.7.cloned.1.call-start
scs
__scs_entry_jumppad:
0x0: {  	(pc) =	sbr.rel $0x88, $3  }
0x1: {  	(tag) =	ssettag $0x0;
	lr =	simm.s32 $0x1  }
0x2: {  	[smem:$0x3F95] =	sst lr;
	_ =	strace $0xD0000000  }
0x3: {  	_ = 	snop  }
0x4: {  	_ = 	snop  }
0x5: {  	_ = 	snop  }
0x6: {  	_ = 	snop  }
0x7: {  	_ = 	snop  }
__scs_overlays_trampoline_lowered:
0x8: {  	[smem:$0x3FA4] =	sst s0  }
0x9: {  	[smem:$0x3FA5] =	sst s1  }
0xa: {  	[smem:$0x3FA6] =	sst s2  }
0xb: {  	[smem:$0x3FA7] =	sst s3  }
0xc: {  	[smem:$0x3FA8] =	sst s4  }
0xd: {  	[smem:$0x3FA9] =	sst s5  }
0xe: {  	[smem:$0x3FAA] =	sst s6  }
0xf: {  	[smem:$0x3FAB] =	sst s7  }
0x10: {  	[smem:$0x3FAC] =	sst s8  }
0x11: {  	[smem:$0x3FAD] =	sst s9;
	s0 =	simm.s32 @!p0 $0x0  }
0x12: {  	s1 =	sld [smem:$0x3F93];
	s0 =	simm.s32 @p0 $0x1  }
0x13: {  	[smem:$0x3FAE] =	sst s0;
	s0 =	simm.s32 @!p1 $0x0  }
0x14: {  	s2 =	sld [smem:$0x3F92];
	s0 =	simm.s32 @p1 $0x1  }
0x15: {  	[smem:$0x3FAF] =	sst s0;
	s0 =	simm.s32 @!p2 $0x0  }
0x16: {  	s3 =	sld [smem:$0x3FDB];
	s0 =	simm.s32 @p2 $0x1  }
0x17: {  	s4 =	simm.s32 $0x1BF5;
	[smem:$0x3FB1] =	sst s0  }
0x18: {  	s0 =	sld [smem:$0x3F94];
	_ =	swait.ge [sflag:s4], $0x0  }
0x19: {  	s7 =	sld [smem:$0x3F95]  }
0x1a: {  	s8 =	sadd.s32 $0xFFFFE003, lr  }
0x1b: {  	s9 =	sadd.s32 $0xFFFFFEF7, lr;
	s5 =	simm.s32 $0xFFFFFFFF;
	p2 =	slt.u32 s8, $0xFFFFF086  }
0x1c: {  	p1 =	slt.u32 s9, $0xF7A;
	s5 =	simm.s32 @!p2 $0x0  }
0x1d: {  	s5 =	simm.s32 @p1 $0x1;
	p0 =	seq.s32 s7, s2  }
0x1e: {  	s7 =	smul.u32 @!p0 $0xF7A, s2;
	p2 =	seq.s32 @!p0 s5, $0x0  }
0x1f: {  	s9 =	smul.u32 $0xF7A, s1;
	s8 =	simm.s32 @!p0 $0x1BF5;
	p2 =	por !p2, p0  }
0x20: {  	[sflag:s8] =	ssyncset.s32 @!p0 $0xFFFFF086;
	s6 =	sadd.s32 @!p0 s3, s7;
	s7 =	simm.s32 @!p0 $0x108  }
0x21: {  	s3 =	sadd.s32 s3, s9;
	s6 =	sadd.s32 @!p0 $0x88, s6;
	s7 =	simm.s32 @p2 $0x1082  }
0x22: {  	[simem:s7], [sflag:s8] =	dma.local @!p0 [hbm:s6], $0xF7A  }
0x23: {  	s9 =	sor.u32 $0xD0000000, s2;
	s6 =	simm.s32 $0x108;
	_ =	swait.ge @!p0 [sflag:s8], $0x0  }
0x24: {  	s3 =	sadd.s32 $0x88, s3;
	s6 =	simm.s32 @!p1 $0x1082;
	[sflag:s4] =	ssyncset.s32 $0xFFFFF086  }
0x25: {  	[simem:s6], [sflag:s4] =	dma.local [hbm:s3], $0xF7A  }
0x26: {  	[smem:$0x3F95] =	sst s1;
	(tag) =	ssettag s2;
	_ =	strace s9  }
0x27: {  	s1 =	sld [smem:$0x3FA5]  }
0x28: {  	s2 =	sld [smem:$0x3FA6]  }
0x29: {  	s4 =	sld [smem:$0x3FA8]  }
0x2a: {  	p0 =	seq.s32 s5, $0x0;
	s5 =	sld [smem:$0x3FA9]  }
0x2b: {  	s6 =	sld [smem:$0x3FAA]  }
0x2c: {  	s7 =	sld [smem:$0x3FAB]  }
0x2d: {  	s3 =	simm.s32 $0x108;
	s8 =	sld [smem:$0x3FAC]  }
0x2e: {  	s3 =	simm.s32 @!p0 $0x1082;
	s9 =	sld [smem:$0x3FAD]  }
0x2f: {  	lr =	sadd.s32 s0, s3;
	s0 =	sld [smem:$0x3FA4]  }
0x30: {  	s3 =	sld [smem:$0x3FA7]  }
0x31: {  	[smem:$0x3FB0] =	sst s10  }
0x32: {  	s10 =	sld [smem:$0x3FAE];
	_ =	sdelay $0x3  }
0x33: {  	p0 =	seq.s32 s10, $0x1;
	s10 =	sld [smem:$0x3FB0];
	_ =	sdelay $0x3  }
0x34: {  	[smem:$0x3FB0] =	sst s10  }
0x35: {  	s10 =	sld [smem:$0x3FAF];
	_ =	sdelay $0x3  }
0x36: {  	p1 =	seq.s32 s10, $0x1;
	s10 =	sld [smem:$0x3FB0];
	_ =	sdelay $0x3  }
0x37: {  	[smem:$0x3FB0] =	sst s10  }
0x38: {  	s10 =	sld [smem:$0x3FB1]  }
0x39: {  	_ = 	snop;
	(pc) =	sbr.ind lr, $3  }
0x3a: {  	_ = 	snop  }
0x3b: {  	_ = 	snop  }
0x3c: {  	p2 =	seq.s32 s10, $0x1;
	s10 =	sld [smem:$0x3FB0]  }
0x3d: {  	_ =	shalt  }
0x3e: {  	_ =	shalt  }
0x3f: {  	_ =	shalt  }
0x40: {  	_ =	shalt  }
0x41: {  	_ =	shalt  }
0x42: {  	_ =	shalt  }
0x43: {  	_ =	shalt  }
0x44: {  	_ =	shalt  }
0x45: {  	_ =	shalt  }
0x46: {  	_ =	shalt  }
0x47: {  	_ =	shalt  }
0x48: {  	_ =	shalt  }
0x49: {  	_ =	shalt  }
0x4a: {  	_ =	shalt  }
0x4b: {  	_ =	shalt  }
0x4c: {  	_ =	shalt  }
0x4d: {  	_ =	shalt  }
0x4e: {  	_ =	shalt  }
0x4f: {  	_ =	shalt  }
0x50: {  	_ =	shalt  }
0x51: {  	_ =	shalt  }
0x52: {  	_ =	shalt  }
0x53: {  	_ =	shalt  }
0x54: {  	_ =	shalt  }
0x55: {  	_ =	shalt  }
0x56: {  	_ =	shalt  }
0x57: {  	_ =	shalt  }
0x58: {  	_ =	shalt  }
0x59: {  	_ =	shalt  }
0x5a: {  	_ =	shalt  }
0x5b: {  	_ =	shalt  }
0x5c: {  	_ =	shalt  }
0x5d: {  	_ =	shalt  }
0x5e: {  	_ =	shalt  }
0x5f: {  	_ =	shalt  }
0x60: {  	_ =	shalt  }
0x61: {  	_ =	shalt  }
0x62: {  	_ =	shalt  }
0x63: {  	_ =	shalt  }
0x64: {  	_ =	shalt  }
0x65: {  	_ =	shalt  }
0x66: {  	_ =	shalt  }
0x67: {  	_ =	shalt  }
0x68: {  	_ =	shalt  }
0x69: {  	_ =	shalt  }
0x6a: {  	_ =	shalt  }
0x6b: {  	_ =	shalt  }
0x6c: {  	_ =	shalt  }
0x6d: {  	_ =	shalt  }
0x6e: {  	_ =	shalt  }
0x6f: {  	_ =	shalt  }
0x70: {  	_ =	shalt  }
0x71: {  	_ =	shalt  }
0x72: {  	_ =	shalt  }
0x73: {  	_ =	shalt  }
0x74: {  	_ =	shalt  }
0x75: {  	_ =	shalt  }
0x76: {  	_ =	shalt  }
0x77: {  	_ =	shalt  }
0x78: {  	_ =	shalt  }
0x79: {  	_ =	shalt  }
0x7a: {  	_ =	shalt  }
0x7b: {  	_ =	shalt  }
0x7c: {  	_ =	shalt  }
0x7d: {  	_ =	shalt  }
0x7e: {  	_ =	shalt  }
0x7f: {  	_ =	shalt  }
0x80: {  	_ =	shalt  }
0x81: {  	_ =	shalt  }
0x82: {  	_ =	shalt  }
0x83: {  	_ =	shalt  }
0x84: {  	_ =	shalt  }
0x85: {  	_ =	shalt  }
0x86: {  	_ =	shalt  }
0x87: {  	_ =	shalt  }
.Lfunc_end0:
.L_simem_size_0:
called_computation_lowered:
.L_overlay_start_0:
0x88: {  	s2 =	sld [smem:$0x3FD9]  }
0x89: {  	s3 =	sld [smem:$0x3FFE];
	_ =	sdelay $0x1  }
0x8a: {  	s1 =	srdreg.scid  }
0x8b: {  	s0 =	sand.u32 $0x1, s1  }
0x8c: {  	s16 =	sshll.u32 s0, $0xA;
	s2 =	sadd.s32 s3, s2  }
0x8d: {  	s2 =	sadd.s32 s2, s16  }
0x8e: {  	[smem:$0x3FBC] =	sst s2  }
0x8f: {  	_ = 	snop  }
0x90: {  	(tm) =	ssettm $0x1  }
0x91: {  	s17 =	sld [smem:$0x3FFB];
	_ =	sdelay $0x3  }
0x92: {  	_ =	strace s17  }
0x93: {  	s2 =	sld [smem:$0x3FFC];
	_ =	sdelay $0x3  }
0x94: {  	_ =	strace s2  }
0x95: {  	s2 =	sld [smem:$0x3FFD];
	_ =	sdelay $0x3  }
0x96: {  	_ =	strace s2  }
0x97: {  	_ =	strace $0x8FFFFFFF  }
0x98: {  	s18 =	sld [smem:$0x3FDB];
	_ =	sdelay $0x1  }
0x99: {  	s19 =	simm.s32 $_scs_section_size  }
0x9a: {  	s4 =	simm.s32 $_size__tile_overlayer_lowered;
	s5 =	simm.s32 $_tile_overlayer_lowered  }
0x9b: {  	s22 =	simm.s32 $0x1BFF;
	s21 =	sshll.u32 s5, $0x1;
	s2 =	sadd.s32 s19, s18  }
0x9c: {  	s6 =	simm.s32 $0x0;
	s20 =	sshll.u32 s4, $0x1;
	s4 =	sadd.s32 s21, s2  }
0x9d: {  	[timem:s6], [sflag:s22] =	dma.local [hbm:s4], s20  }
0x9e: {  	_ =	swait.ge [sflag:s22], s20  }
0x9f: {  	s3 =	ssub.s32 $0x0, s20;
	[sflag:s22] =	ssyncset.done $0x0  }
0xa0: {  	[sflag:s22] =	ssyncadd.s32 s3;
	_ =	sdelay $0x1  }
0xa1: {  	s23 =	simm.s32 $0x1B8B  }
0xa2: {  	_ =	swait.ge [sflag:s23], $0x1  }
0xa3: {  	[sflag:s23] =	ssyncset.done $0x0  }
0xa4: {  	s25 =	simm.s32 $0x1B8E;
	s24 =	sld [smem:$0x3FFE];
	[sflag:s23] =	ssyncadd.s32 $0xFFFFFFFF  }
0xa5: {  	s26 =	simm.s32 $execute0_lowered;
	[smem:$0x3FD2] =	sst s25  }
0xa6: {  	s4 =	sshll.u32 s26, $0x1;
	_ =	strace $0x80000046;
	[dreg:$0x1] =	wrdreg $0xFFFFFFFF  }
0xa7: {  	s28 =	simm.s32 $_size_execute0_lowered;
	s2 =	sadd.s32 s2, s4;
	[dreg:$0x0] =	wrdreg $0x0  }
0xa8: {  	s4 =	sshll.u32 s28, $0x1;
	[dreg:$0x2] =	wrdreg s2  }
0xa9: {  	[dreg:$0x3] =	wrdreg s4  }
0xaa: {  	[dreg:$0x4] =	wrdreg $0xC0  }
0xab: {  	_ =	task [dreg:s6], $0x5FFFF  }
0xac: {  	[dreg:$0x1] =	wrdreg $0xFFFFFFFF  }
0xad: {  	[dreg:$0x0] =	wrdreg $0x60  }
0xae: {  	[dreg:$0x2] =	wrdreg s24  }
0xaf: {  	[dreg:$0x3] =	wrdreg $0xBC200  }
0xb0: {  	[dreg:$0x4] =	wrdreg $0x9  }
0xb1: {  	_ =	task.clear_ibuf [dreg:s6], $0x5FFFF;
	_ =	strace $0x90000046  }
0xb2: {  	s29 =	simm.s32 $0x9;
	_ =	strace $0x80000048  }
0xb3: {  	_ =	swait.ge [sflag:s29], $0x1  }
0xb4: {  	[sflag:s29] =	ssyncadd.s32 $0xFFFFFFFF  }
0xb5: {  	_ =	strace $0x90000048  }
0xb6: {  	_ =	sfence  }
0xb7: {  	s30 =	sld [smem:$0x0];
	_ =	sdelay $0x2  }
0xb8: {  	s31 =	sshll.u32 s1, $0xD;
	s1 =	sshrl.u32 s1, $0x2  }
0xb9: {  	s3 =	sand.u32 $0x4000, s31;
	s1 =	sadd.s32 s1, s30  }
0xba: {  	s0 =	sor.u32 s3, s0;
	s1 =	sshll.u32 s1, $0x11  }
0xbb: {  	s0 =	sor.u32 s1, s0  }
0xbc: {  	s0 =	sadd.s32 $0x8F2B, s0  }
0xbd: {  	[sflag:s0] =	ssyncadd.remote.s32 $0x1  }
0xbe: {  	_ =	sfence.sel $0xFFFF  }
0xbf: {  	[dreg:$0x0] =	wrdreg $0xFFFFFFFF;
	(pc) =	sbr.abs _section_cstart, $3  }
0xc0: {  	[dreg:$0x1] =	wrdreg $0xFFFFFFFF  }
0xc1: {  	_ =	task.clear_ibuf [dreg:s6], $0x2FFFF;
	_ =	strace $0x9FFFFFFF  }
0xc2: {  	(tm) =	ssettm $0x7FFFFFFF  }
0xc3: {  	_ =	shalt  }
tec
execute0_lowered:
.L_overlay_start_1:
0x0: {  	(tag) =	ssettag $0x1  }
0x1: {  	s0 =	rddreg [dreg:$0x0]  }
0x2: {  	s1 =	srdreg.scid;
	s9 =	stileid.u32  }
0x3: {  	s2 =	rddreg [dreg:$0x1];
	s4 =	simm.s32 $0x0;
	s28 =	simm.s32 $0x1  }
0x4: {  	s29 =	simm.s32 $0x3;
	s30 =	simm.s32 $0x2;
	s31 =	simm.s32 $0x4  }
0x5: {  	s1 =	sand.u32 $0x1, s1;
	s3 =	sshll.u32 s9, $0x1;
	[smem:$0x7FF] =	sst s4  }
0x6: {  	s7 =	smul.u32 $0x32000, s9;
	s4 =	sadd.s32 $0x28A00, s0;
	s5 =	sadd.s32 $0x41A00, s0  }
0x7: {  	s9 =	smul.u32 $0xC800, s9;
	s3 =	sor.u32 s1, s3;
	_ =	strace $0x80000047  }
0x8: {  	s6 =	ssub.s32 $0x2, s1;
	p0 =	seq.s32 s1, $0x1;
	s7 =	sshrl.u32 s7, $0x2  }
0x9: {  	s1 =	simm.s32 $0x5A600;
	s3 =	smul.u32 $0x4E2, s3;
	s18 =	sadd.s32 s7, s2  }
0xa: {  	s8 =	sshrl.u32 s6, $0x1;
	s1 =	simm.s32 @!p0 $0x73600;
	s7 =	sadd.s32 $0x1900, s18  }
0xb: {  	s24 =	sshrl.u32 s9, $0x3;
	s19 =	sadd.s32 $0x3200, s18;
	[dreg:$0x5] =	wrdreg s7  }
0xc: {  	s6 =	ssub.s32 s6, s8;
	s20 =	sadd.s32 $0x4B00, s18;
	[dreg:$0x6] =	wrdreg s19  }
0xd: {  	s8 =	sadd.s32 s9, s2;
	s21 =	sadd.s32 $0x6400, s18;
	[dreg:$0x7] =	wrdreg s20  }
0xe: {  	s3 =	sadd.s32 s3, s0;
	s22 =	sadd.s32 $0x7D00, s18;
	[dreg:$0x8] =	wrdreg s21  }
0xf: {  	s23 =	sadd.s32 $0x9600, s18;
	s0 =	sadd.s32 s1, s0;
	[dreg:$0x9] =	wrdreg s22  }
0x10: {  	s25 =	sadd.s32 $0xAF00, s18;
	s26 =	smax.u32 s6, $0x1;
	[dreg:$0xa] =	wrdreg s23  }
0x11: {  	s18 =	simm.s32 $0x5;
	s1 =	simm.s32 $0x0;
	[dreg:$0xb] =	wrdreg s25  }
0x12: {  	s17 =	sadd.s32 $0x50800, s3;
	s3 =	sadd.s32 $0x46A00, s3;
	[dreg:$0xc] =	wrdreg s26  }
0x13: {  	s0 =	sadd.s32 s0, s24;
	s19 =	simm.s32 $0x2710;
	s20 =	simm.s32 $0x6C20  }
0x14: {  	v1 =	vlaneseq.u32;
	s21 =	simm.s32 $0x50;
	s22 =	simm.s32 $0xA320;
	[dreg:$0x3] =	wrdreg s17  }
0x15: {  	v0 =	vimm.f32 $0.0e+00;
	v1 =	vshrl.u32 v1, $0x3;
	s23 =	simm.s32 $0x4E20;
	s24 =	simm.s32 $0x6720;
	[dreg:$0x4] =	wrdreg s3  }
0x16: {  	v2 =	vor.u32 $0x2, v1;
	v3 =	vor.u32 $0x4, v1;
	v4 =	vor.u32 $0x6, v1;
	s25 =	simm.s32 $0x8520;
	s26 =	simm.s32 $0x9E20;
	[dreg:$0xd] =	wrdreg s0  }
.LBB2_1:
0x17: {  	s0 =	simm.s32 $0x0;
	s3 =	rddreg [dreg:$0x3]  }
0x18: {  	[tilespmem:s0], [sflag:$0x5] =	stream.linear.gather [hbm4b:s3+s0], $0x2710, $0x38;
	[tilespmem:$0x18420] =	vst v63  }
0x19: {  	_ =	swait.ge [sflag:s18], $0x2710  }
0x1a: {  	[sflag:s18] =	ssyncset.done $0x0  }
0x1b: {  	s17 =	rddreg [dreg:$0x4];
	[sflag:s18] =	ssyncadd.s32 $0xFFFFD8F0  }
0x1c: {  	[tilespmem:s19], [sflag:$0x5] =	stream.linear.gather [hbm4b:s17+s0], $0x2710, $0x38;
	[tilespmem:$0x18420] =	vst v63  }
0x1d: {  	_ =	swait.ge [sflag:s18], $0x2710  }
0x1e: {  	[sflag:s18] =	ssyncset.done $0x0  }
0x1f: {  	s3 =	simm.s32 $0x140;
	s0 =	simm.s32 $0x0;
	[sflag:s18] =	ssyncadd.s32 $0xFFFFD8F0  }
.LBB2_2:
0x20: {  	p0 =	sne.s32 s3, $0x62C0;
	[tilespmem:s0+$0xA360] =	vst v0  }
0x21: {  	[tilespmem:s0+$0x6C20] =	vst v0  }
0x22: {  	[tilespmem:s0+$0xA320] =	vst v0  }
0x23: {  	[tilespmem:s0+$0x6C30] =	vst v0  }
0x24: {  	[tilespmem:s0+$0xA330] =	vst v0  }
.Ltmp0:
0x25: {  	[tilespmem:s0+$0x6C40] =	vst v0;
	(pc) =	sbr.rel @p0 .LBB2_2-.Ltmp0, $4  }
0x26: {  	[tilespmem:s0+$0xA340] =	vst v0  }
0x27: {  	[tilespmem:s0+$0x6C50] =	vst v0  }
0x28: {  	[tilespmem:s0+$0xA350] =	vst v0  }
0x29: {  	[tilespmem:s0+$0x6C60] =	vst v0;
	s0 =	sshra.s32 s3, $0x2;
	s3 =	sadd.s32 $0x140, s3  }
0x2a: {  	[tilespmem:s0+$0xA360] =	vst v0  }
0x2b: {  	[tilespmem:s0+$0x6C20] =	vst v0  }
0x2c: {  	[tilespmem:s0+$0xA320] =	vst v0  }
0x2d: {  	[tilespmem:s0+$0x6C30] =	vst v0  }
0x2e: {  	[tilespmem:s0+$0xA330] =	vst v0  }
0x2f: {  	[tilespmem:s0+$0x6C40] =	vst v0  }
0x30: {  	[tilespmem:s0+$0xA340] =	vst v0  }
0x31: {  	[tilespmem:s0+$0x6C50] =	vst v0  }
0x32: {  	[tilespmem:s0+$0xA350] =	vst v0  }
0x33: {  	[tilespmem:s0+$0x6C60] =	vst v0  }
0x34: {  	[spmem:s8] =	stream.linear.scatter [tilespmem:s20], [sflag:$0x5], $0x1900, $0x38;
	[tilespmem:$0x18420] =	vst v63  }
0x35: {  	_ =	swait.ge [sflag:s18], $0x1900  }
0x36: {  	[sflag:s18] =	ssyncset.done $0x0  }
0x37: {  	s11 =	rddreg [dreg:$0x5];
	[sflag:s18] =	ssyncadd.s32 $0xFFFFE700  }
0x38: {  	[spmem:s11] =	stream.linear.scatter [tilespmem:s20], [sflag:$0x5], $0x1900, $0x38;
	[tilespmem:$0x18420] =	vst v63  }
0x39: {  	_ =	swait.ge [sflag:s18], $0x1900  }
0x3a: {  	[sflag:s18] =	ssyncset.done $0x0  }
0x3b: {  	s12 =	rddreg [dreg:$0x6];
	[sflag:s18] =	ssyncadd.s32 $0xFFFFE700  }
0x3c: {  	[spmem:s12] =	stream.linear.scatter [tilespmem:s20], [sflag:$0x5], $0x1900, $0x38;
	[tilespmem:$0x18420] =	vst v63  }
0x3d: {  	_ =	swait.ge [sflag:s18], $0x1900  }
0x3e: {  	[sflag:s18] =	ssyncset.done $0x0  }
0x3f: {  	s13 =	rddreg [dreg:$0x7];
	[sflag:s18] =	ssyncadd.s32 $0xFFFFE700  }
0x40: {  	[spmem:s13] =	stream.linear.scatter [tilespmem:s20], [sflag:$0x5], $0x1900, $0x38;
	[tilespmem:$0x18420] =	vst v63  }
0x41: {  	_ =	swait.ge [sflag:s18], $0x1900  }
0x42: {  	[sflag:s18] =	ssyncset.done $0x0  }
0x43: {  	s14 =	rddreg [dreg:$0x8];
	[sflag:s18] =	ssyncadd.s32 $0xFFFFE700  }
0x44: {  	[spmem:s14] =	stream.linear.scatter [tilespmem:s20], [sflag:$0x5], $0x1900, $0x38;
	[tilespmem:$0x18420] =	vst v63  }
0x45: {  	_ =	swait.ge [sflag:s18], $0x1900  }
0x46: {  	[sflag:s18] =	ssyncset.done $0x0  }
0x47: {  	s15 =	rddreg [dreg:$0x9];
	[sflag:s18] =	ssyncadd.s32 $0xFFFFE700  }
0x48: {  	[spmem:s15] =	stream.linear.scatter [tilespmem:s20], [sflag:$0x5], $0x1900, $0x38;
	[tilespmem:$0x18420] =	vst v63  }
0x49: {  	_ =	swait.ge [sflag:s18], $0x1900  }
0x4a: {  	[sflag:s18] =	ssyncset.done $0x0  }
0x4b: {  	s16 =	rddreg [dreg:$0xa];
	[sflag:s18] =	ssyncadd.s32 $0xFFFFE700  }
0x4c: {  	[spmem:s16] =	stream.linear.scatter [tilespmem:s20], [sflag:$0x5], $0x1900, $0x38;
	[tilespmem:$0x18420] =	vst v63  }
0x4d: {  	_ =	swait.ge [sflag:s18], $0x1900  }
0x4e: {  	[sflag:s18] =	ssyncset.done $0x0  }
0x4f: {  	s17 =	rddreg [dreg:$0xb];
	[sflag:s18] =	ssyncadd.s32 $0xFFFFE700  }
0x50: {  	[spmem:s17] =	stream.linear.scatter [tilespmem:s20], [sflag:$0x5], $0x1900, $0x38;
	[tilespmem:$0x18420] =	vst v63  }
0x51: {  	_ =	swait.ge [sflag:s18], $0x1900  }
0x52: {  	[sflag:s18] =	ssyncset.done $0x0  }
0x53: {  	[sflag:s18] =	ssyncadd.s32 $0xFFFFE700  }
0x54: {  	[bflag:$0x0] =	sbarrier.arrive $0xFFFF  }
0x55: {  	[spmem:s2] =	stream.indirect.scatter.add.f32 [tilespmem:s20], [sflag:$0x3], $0x50, s19, s21, $0xb8;
	[tilespmem:$0x18420] =	vst v63  }
0x56: {  	_ = 	snop  }
0x57: {  	[spmem:s2] =	stream.indirect.scatter.add.f32 [tilespmem:s22], [sflag:$0x4], $0x50, s19, s21, $0xb8;
	[tilespmem:$0x18420] =	vst v63  }
0x58: {  	s0 =	simm.s32 $0x0  }
0x59: {  	[tilespmem:s23], [sflag:$0x1] =	stream.indirect.gather [hbm4b:s4+s21], $0x50, s0, s21, $0xb8;
	[tilespmem:$0x18420] =	vst v63  }
0x5a: {  	_ = 	snop  }
0x5b: {  	[tilespmem:s24], [sflag:$0x1] =	stream.indirect.gather [hbm4b:s5+s21], $0x10, s19, s21, $0xb8;
	[tilespmem:$0x18420] =	vst v63  }
.LBB2_4:
0x5c: {  	s6 =	smul.u32 $0xA0, s0;
	_ =	sdelay $0x1  }
0x5d: {  	s3 =	sadd.s32 $0x50, s6  }
0x5e: {  	[tilespmem:s25], [sflag:$0x2] =	stream.indirect.gather [hbm4b:s4+s21], $0x50, s3, s21, $0xb8;
	[tilespmem:$0x18420] =	vst v63  }
0x5f: {  	s3 =	sadd.s32 $0x2760, s6  }
0x60: {  	[tilespmem:s26], [sflag:$0x2] =	stream.indirect.gather [hbm4b:s5+s21], $0x10, s3, s21, $0xb8;
	[tilespmem:$0x18420] =	vst v63  }
0x61: {  	_ =	swait.ge [sflag:s28], $0x1900  }
0x62: {  	[sflag:s28] =	ssyncset.done $0x0  }
0x63: {  	[sflag:s28] =	ssyncadd.s32 $0xFFFFE700  }
0x64: {  	_ =	swait.ge [sflag:s28], $0x500  }
0x65: {  	[sflag:s28] =	ssyncset.done $0x0  }
0x66: {  	[sflag:s28] =	ssyncadd.s32 $0xFFFFFB00  }
0x67: {  	_ =	swait.ge [sflag:s29], $0x1900  }
0x68: {  	[sflag:s29] =	ssyncset.done $0x0  }
0x69: {  	s13 =	simm.s32 $0x4EC0;
	[sflag:s29] =	ssyncadd.s32 $0xFFFFE700  }
0x6a: {  	s7 =	simm.s32 $0x6740;
	v5 =	vld [tilespmem:s13+$0x90]  }
0x6b: {  	v6 =	vld [tilespmem:s7+$0x10];
	_ =	sdelay $0x2  }
0x6c: {  	v7 =	vld [tilespmem:s7+$0xFFFFFFE0]  }
0x6d: {  	v8 =	vld [tilespmem:s13+$0xFFFFFFF0]  }
0x6e: {  	v9 =	vld [tilespmem:s7+$0xFFFFFFF0];
	v5 =	vadd.f32 v6, v5  }
0x6f: {  	v10 =	vld [tilespmem:s13+$0x40]  }
0x70: {  	v6 =	vld [tilespmem:s7+$0x0];
	v12 =	vmul.f32 $2.000000030e-01, v5  }
0x71: {  	v11 =	vld [tilespmem:s13+$0xFFFFFFA0];
	vm0 =	vge.f32 v5, $0.0e+00  }
0x72: {  	v5 =	vsel vm0, v5, v12  }
0x73: {  	v5 =	vmul.f32 $1.442695020e+00, v5  }
0x74: {  	v8 =	vadd.f32 v9, v8  }
0x75: {  	v6 =	vadd.f32 v6, v10;
	(erf) = vpow2.f32 v5  }
0x76: {  	v7 =	vadd.f32 v7, v11;
	v9 =	vmul.f32 $2.000000030e-01, v8  }
0x77: {  	vm14 =	vge.f32 v8, $0.0e+00;
	v5 =	vmul.f32 $2.000000030e-01, v6  }
0x78: {  	v8 =	vsel vm14, v8, v9;
	v9 =	vmul.f32 $2.000000030e-01, v7;
	vm15 =	vge.f32 v6, $0.0e+00  }
0x79: {  	vm1 =	vge.f32 v7, $0.0e+00;
	v8 =	vmul.f32 $1.442695020e+00, v8;
	v5 =	vsel vm15, v6, v5  }
0x7a: {  	v6 =	vsel vm1, v7, v9;
	v5 =	vmul.f32 $1.442695020e+00, v5  }
0x7b: {  	(erf) = vpow2.f32 v8;
	v6 =	vmul.f32 $1.442695020e+00, v6  }
0x7c: {  	s10 =	simm.s32 $0x6780;
	(erf) = vpow2.f32 v5;
	v5 =	vld [tilespmem:s13+$0x50]  }
0x7d: {  	s7 =	simm.s32 $0x5000;
	v10 =	vld [tilespmem:s10+$0x10];
	(erf) = vpow2.f32 v6  }
0x7e: {  	v9 =	vld [tilespmem:s7+$0x90];
	v11 =	vpop (erf)  }
0x7f: {  	v8 =	vperm.xlane v11, v1  }
0x80: {  	v15 =	vld [tilespmem:s10+$0xFFFFFFF0]  }
0x81: {  	v19 =	vld [tilespmem:s10+$0x0];
	v5 =	vmul.f32 v5, v8  }
0x82: {  	v14 =	vld [tilespmem:s7+$0xFFFFFFF0]  }
0x83: {  	v17 =	vld [tilespmem:s7+$0x40];
	v9 =	vadd.f32 v10, v9  }
0x84: {  	s9 =	simm.s32 $0x6CC0;
	v6 =	vld [tilespmem:s13+$0xFFFFFF60];
	v8 =	vpop (erf)  }
0x85: {  	v7 =	vld [tilespmem:s13+$0xFFFFFFB0];
	v23 =	vmul.f32 $2.000000030e-01, v9;
	[tilespmem:s9+$0x50] =	vst v5;
	v5 =	vpop (erf)  }
0x86: {  	vm4 =	vge.f32 v9, $0.0e+00;
	v16 =	vld [tilespmem:s13+$0x60];
	v12 =	vpop (erf)  }
0x87: {  	v13 =	vld [tilespmem:s10+$0xFFFFFFE0];
	v9 =	vsel vm4, v9, v23;
	v10 =	vperm.xlane v12, v1  }
0x88: {  	v21 =	vld [tilespmem:s7+$0xFFFFFFA0];
	v22 =	vperm.xlane v11, v2;
	v9 =	vmul.f32 $1.442695020e+00, v9  }
0x89: {  	s12 =	simm.s32 $0x67C0;
	v18 =	vperm.xlane v8, v1;
	v6 =	vmul.f32 v6, v10;
	v10 =	vld [tilespmem:s13+$0x0]  }
0x8a: {  	v29 =	vld [tilespmem:s12+$0x10];
	v14 =	vadd.f32 v15, v14;
	(erf) = vpow2.f32 v9  }
0x8b: {  	v33 =	vld [tilespmem:s12+$0xFFFFFFF0];
	s10 =	simm.s32 $0x5140;
	v17 =	vadd.f32 v19, v17;
	v7 =	vmul.f32 v7, v18;
	v15 =	vmul.f32 v16, v22  }
0x8c: {  	v28 =	vld [tilespmem:s10+$0x90];
	v16 =	vperm.xlane v5, v1;
	[tilespmem:s9+$0xFFFFFF60] =	vst v6;
	v6 =	vmul.f32 $2.000000030e-01, v14  }
0x8d: {  	v13 =	vadd.f32 v13, v21;
	v31 =	vld [tilespmem:s10+$0xFFFFFFF0];
	vm5 =	vge.f32 v14, $0.0e+00;
	vm6 =	vge.f32 v17, $0.0e+00;
	[tilespmem:s9+$0xFFFFFFB0] =	vst v7  }
0x8e: {  	v7 =	vmul.f32 $2.000000030e-01, v17;
	v6 =	vsel vm5, v14, v6;
	v9 =	vmul.f32 v10, v16;
	v10 =	vld [tilespmem:s13+$0xFFFFFFC0]  }
0x8f: {  	vm7 =	vge.f32 v13, $0.0e+00;
	[tilespmem:s9+$0x60] =	vst v15;
	v18 =	vld [tilespmem:s13+$0xFFFFFF70];
	v6 =	vmul.f32 $1.442695020e+00, v6;
	v16 =	vmul.f32 $2.000000030e-01, v13  }
0x90: {  	v20 =	vperm.xlane v8, v2;
	v7 =	vsel vm6, v17, v7;
	v17 =	vperm.xlane v11, v3;
	v19 =	vld [tilespmem:s13+$0x70]  }
0x91: {  	(erf) = vpow2.f32 v6;
	v6 =	vmul.f32 $1.442695020e+00, v7;
	v7 =	vsel vm7, v13, v16  }
0x92: {  	v28 =	vadd.f32 v29, v28;
	v15 =	vperm.xlane v12, v2;
	v7 =	vmul.f32 $1.442695020e+00, v7  }
0x93: {  	(erf) = vpow2.f32 v6;
	v6 =	vmul.f32 v10, v20;
	v10 =	vld [tilespmem:s7+$0x50]  }
0x94: {  	v36 =	vld [tilespmem:s12+$0x0];
	v37 =	vmul.f32 $2.000000030e-01, v28;
	v13 =	vmul.f32 v18, v15  }
0x95: {  	v35 =	vld [tilespmem:s10+$0x40];
	v31 =	vadd.f32 v33, v31;
	[tilespmem:s9+$0x0] =	vst v9;
	v15 =	vmul.f32 v19, v17;
	v16 =	vpop (erf);
	(erf) = vpow2.f32 v7  }
0x96: {  	vm8 =	vge.f32 v28, $0.0e+00;
	v23 =	vld [tilespmem:s7+$0xFFFFFFB0];
	[tilespmem:s9+$0xFFFFFFC0] =	vst v6;
	v6 =	vperm.xlane v16, v1  }
0x97: {  	v52 =	vmul.f32 $2.000000030e-01, v31;
	v28 =	vsel vm8, v28, v37;
	v17 =	vld [tilespmem:s13+$0x10];
	[tilespmem:s9+$0x70] =	vst v15  }
0x98: {  	v28 =	vmul.f32 $1.442695020e+00, v28;
	[tilespmem:s9+$0xFFFFFF70] =	vst v13;
	v13 =	vld [tilespmem:s13+$0x80];
	v6 =	vmul.f32 v10, v6  }
0x99: {  	v27 =	vperm.xlane v8, v4;
	v24 =	vperm.xlane v5, v3;
	v19 =	vld [tilespmem:s13+$0xFFFFFF80]  }
0x9a: {  	v9 =	vld [tilespmem:s7+$0x0];
	v7 =	vperm.xlane v5, v2;
	v20 =	vperm.xlane v11, v4;
	v21 =	vpop (erf)  }
0x9b: {  	s11 =	simm.s32 $0x6E00;
	v25 =	vperm.xlane v12, v4;
	v30 =	vperm.xlane v21, v1  }
0x9c: {  	v14 =	vld [tilespmem:s7+$0xFFFFFF60];
	v18 =	vperm.xlane v12, v3;
	v17 =	vmul.f32 v17, v7;
	[tilespmem:s11+$0x50] =	vst v6;
	v6 =	vpop (erf)  }
0x9d: {  	v10 =	vld [tilespmem:s12+$0xFFFFFFE0];
	v23 =	vmul.f32 v23, v30;
	v30 =	vperm.xlane v6, v1  }
0x9e: {  	v13 =	vmul.f32 v13, v20;
	v18 =	vmul.f32 v19, v18;
	v34 =	vld [tilespmem:s7+$0x60];
	v20 =	vpop (erf)  }
0x9f: {  	v35 =	vadd.f32 v36, v35;
	v29 =	vperm.xlane v20, v1;
	v9 =	vmul.f32 v9, v30;
	v30 =	vld [tilespmem:s10+$0xFFFFFFA0]  }
0xa0: {  	s14 =	simm.s32 $0x6800;
	v38 =	vperm.xlane v16, v2;
	(erf) = vpow2.f32 v28;
	v26 =	vld [tilespmem:s13+$0xFFFFFFD0];
	[tilespmem:s9+$0x10] =	vst v17  }
0xa1: {  	v59 =	vld [tilespmem:s14+$0xFFFFFFF0];
	vm9 =	vge.f32 v31, $0.0e+00;
	v28 =	vmul.f32 $2.000000030e-01, v35;
	[tilespmem:s9+$0xFFFFFF80] =	vst v18;
	v14 =	vmul.f32 v14, v29  }
0xa2: {  	v51 =	vld [tilespmem:s10+$0xFFFFFFB0];
	vm10 =	vge.f32 v35, $0.0e+00;
	v15 =	vperm.xlane v8, v3;
	v7 =	vperm.xlane v5, v4;
	[tilespmem:s11+$0xFFFFFFB0] =	vst v23  }
0xa3: {  	v28 =	vsel vm10, v35, v28;
	v18 =	vld [tilespmem:s13+$0x20];
	v34 =	vmul.f32 v34, v38;
	[tilespmem:s11+$0xFFFFFF60] =	vst v14;
	v14 =	vsel vm9, v31, v52  }
0xa4: {  	v53 =	vld [tilespmem:s10+$0x0];
	v28 =	vmul.f32 $1.442695020e+00, v28;
	[tilespmem:s11+$0x0] =	vst v9;
	v14 =	vmul.f32 $1.442695020e+00, v14;
	v10 =	vadd.f32 v10, v30  }
0xa5: {  	v32 =	vperm.xlane v21, v2;
	v15 =	vmul.f32 v26, v15;
	v9 =	vld [tilespmem:s7+$0xFFFFFFC0];
	[tilespmem:s11+$0x60] =	vst v34  }
0xa6: {  	v26 =	vld [tilespmem:s7+$0x70];
	(erf) = vpow2.f32 v14;
	v30 =	vmul.f32 $2.000000030e-01, v10  }
0xa7: {  	v22 =	vperm.xlane v21, v3;
	v55 =	vperm.xlane v21, v4;
	[tilespmem:s9+$0xFFFFFFD0] =	vst v15;
	v15 =	vld [tilespmem:s13+$0xFFFFFF90];
	vm11 =	vge.f32 v10, $0.0e+00  }
0xa8: {  	s12 =	simm.s32 $0x5280;
	v50 =	vperm.xlane v20, v2;
	v18 =	vmul.f32 v18, v24;
	v23 =	vld [tilespmem:s7+$0xFFFFFF70];
	v10 =	vsel vm11, v10, v30  }
0xa9: {  	[tilespmem:s9+$0x90] =	vst v11;
	v24 =	vld [tilespmem:s12+$0x90];
	v14 =	vperm.xlane v16, v3;
	v10 =	vmul.f32 $1.442695020e+00, v10  }
0xaa: {  	[tilespmem:s9+$0x80] =	vst v13;
	v17 =	vld [tilespmem:s7+$0x10];
	(erf) = vpow2.f32 v28;
	v9 =	vmul.f32 v9, v32  }
0xab: {  	[tilespmem:s9+$0xFFFFFFA0] =	vst v12;
	v28 =	vld [tilespmem:s10+$0x50];
	v14 =	vmul.f32 v26, v14;
	(erf) = vpow2.f32 v10  }
0xac: {  	v13 =	vperm.xlane v16, v4;
	v19 =	vperm.xlane v6, v2;
	v26 =	vld [tilespmem:s13+$0xFFFFFFE0];
	[tilespmem:s11+$0xFFFFFFC0] =	vst v9  }
0xad: {  	v54 =	vperm.xlane v20, v4;
	v23 =	vmul.f32 v23, v50;
	v56 =	vld [tilespmem:s7+$0xFFFFFFD0];
	[tilespmem:s11+$0x70] =	vst v14  }
0xae: {  	v31 =	vperm.xlane v20, v3;
	v15 =	vmul.f32 v15, v25;
	[tilespmem:s9+$0x20] =	vst v18;
	v14 =	vld [tilespmem:s7+$0x80];
	v10 =	vpop (erf)  }
0xaf: {  	v25 =	vld [tilespmem:s14+$0x10];
	v17 =	vmul.f32 v17, v19;
	[tilespmem:s11+$0xFFFFFF70] =	vst v23;
	v23 =	vperm.xlane v10, v1;
	v11 =	vpop (erf)  }
0xb0: {  	[tilespmem:s9+$0xFFFFFF90] =	vst v15;
	v30 =	vperm.xlane v6, v3;
	v19 =	vld [tilespmem:s7+$0xFFFFFF80];
	v12 =	vperm.xlane v11, v1  }
0xb1: {  	v9 =	vperm.xlane v6, v4;
	[tilespmem:s9+$0xFFFFFFF0] =	vst v8;
	v23 =	vmul.f32 v28, v23;
	v28 =	vld [tilespmem:s12+$0xFFFFFFF0]  }
0xb2: {  	s15 =	simm.s32 $0x6F40;
	v29 =	vld [tilespmem:s10+$0xFFFFFF60];
	[tilespmem:s11+$0x10] =	vst v17;
	v26 =	vmul.f32 v26, v27;
	v22 =	vmul.f32 v56, v22  }
0xb3: {  	v40 =	vld [tilespmem:s12+$0x40];
	v57 =	vperm.xlane v11, v2;
	v8 =	vpop (erf);
	v14 =	vmul.f32 v14, v13;
	[tilespmem:s15+$0x50] =	vst v23  }
0xb4: {  	[tilespmem:s11+$0x90] =	vst v16;
	v17 =	vperm.xlane v8, v1;
	v23 =	vmul.f32 v51, v12;
	v58 =	vld [tilespmem:s10+$0x60];
	v12 =	vpop (erf)  }
0xb5: {  	v15 =	vld [tilespmem:s14+$0x0];
	[tilespmem:s9+$0xFFFFFFE0] =	vst v26;
	v31 =	vmul.f32 v19, v31;
	v19 =	vadd.f32 v25, v24;
	v18 =	vperm.xlane v12, v1  }
0xb6: {  	v27 =	vld [tilespmem:s14+$0xFFFFFFE0];
	v24 =	vmul.f32 v53, v17;
	v17 =	vperm.xlane v10, v2;
	[tilespmem:s11+$0x80] =	vst v14;
	v28 =	vadd.f32 v59, v28  }
0xb7: {  	v25 =	vld [tilespmem:s12+$0xFFFFFFA0];
	[tilespmem:s11+$0xFFFFFF80] =	vst v31;
	v26 =	vmul.f32 v29, v18;
	v29 =	vmul.f32 $2.000000030e-01, v19  }
0xb8: {  	v16 =	vperm.xlane v11, v4;
	vm12 =	vge.f32 v19, $0.0e+00;
	v31 =	vld [tilespmem:s7+$0x20];
	[tilespmem:s15+$0xFFFFFFB0] =	vst v23;
	v23 =	vmul.f32 $2.000000030e-01, v28  }
0xb9: {  	v63 =	vld [tilespmem:s7+$0xFFFFFF90];
	[tilespmem:s15+$0x0] =	vst v24;
	vm13 =	vge.f32 v28, $0.0e+00;
	v37 =	vmul.f32 v58, v17;
	v29 =	vsel vm12, v19, v29  }
0xba: {  	v13 =	vperm.xlane v11, v3;
	[tilespmem:s15+$0xFFFFFF60] =	vst v26;
	v23 =	vsel vm13, v28, v23;
	v28 =	vld [tilespmem:s10+$0x10];
	v26 =	vmul.f32 $1.442695020e+00, v29  }
0xbb: {  	v61 =	vadd.f32 v15, v40;
	v39 =	vperm.xlane v8, v2;
	v14 =	vperm.xlane v8, v3;
	[tilespmem:s15+$0x60] =	vst v37;
	v29 =	vld [tilespmem:s10+$0xFFFFFF70]  }
0xbc: {  	v24 =	vadd.f32 v27, v25;
	v23 =	vmul.f32 $1.442695020e+00, v23;
	v62 =	vld [tilespmem:s10+$0x70];
	(erf) = vpow2.f32 v26  }
0xbd: {  	vm14 =	vge.f32 v61, $0.0e+00;
	v60 =	vperm.xlane v12, v2;
	v25 =	vld [tilespmem:s10+$0xFFFFFFC0];
	v26 =	vmul.f32 $2.000000030e-01, v61  }
0xbe: {  	[tilespmem:s11+$0xFFFFFFA0] =	vst v20;
	v20 =	vld [tilespmem:s12+$0x0];
	v27 =	vmul.f32 $2.000000030e-01, v24;
	vm15 =	vge.f32 v24, $0.0e+00;
	(erf) = vpow2.f32 v23  }
0xbf: {  	[tilespmem:s11+$0xFFFFFFD0] =	vst v22;
	v17 =	vld [tilespmem:s12+$0xFFFFFF60];
	v22 =	vsel vm14, v61, v26;
	v26 =	vperm.xlane v10, v3;
	v28 =	vmul.f32 v28, v39  }
0xc0: {  	v19 =	vld [tilespmem:s12+$0xFFFFFFB0];
	v24 =	vsel vm15, v24, v27;
	v23 =	vmul.f32 v29, v60;
	v22 =	vmul.f32 $1.442695020e+00, v22  }
0xc1: {  	v29 =	vld [tilespmem:s7+$0xFFFFFFE0];
	[tilespmem:s11+$0xFFFFFFF0] =	vst v21;
	v21 =	vmul.f32 $1.442695020e+00, v24;
	v26 =	vmul.f32 v62, v26  }
0xc2: {  	[tilespmem:s15+$0xFFFFFF70] =	vst v23;
	v23 =	vmul.f32 v25, v57;
	v25 =	vld [tilespmem:s13+$0x30];
	(erf) = vpow2.f32 v22  }
0xc3: {  	v15 =	vperm.xlane v12, v4;
	v27 =	vld [tilespmem:s12+$0x50];
	[tilespmem:s15+$0x70] =	vst v26;
	(erf) = vpow2.f32 v21  }
0xc4: {  	v18 =	vperm.xlane v12, v3;
	v31 =	vmul.f32 v31, v30;
	[tilespmem:s15+$0x10] =	vst v28;
	v26 =	vld [tilespmem:s10+$0x80]  }
0xc5: {  	v28 =	vmul.f32 v63, v54;
	v22 =	vperm.xlane v8, v4;
	v24 =	vld [tilespmem:s10+$0xFFFFFF80];
	[tilespmem:s15+$0xFFFFFFC0] =	vst v23;
	v21 =	vpop (erf)  }
0xc6: {  	s16 =	simm.s32 $0xC;
	s17 =	simm.s32 $0x53C0;
	[tilespmem:s11+$0x20] =	vst v31;
	s13 =	simm.s32 $0x6F40;
	v23 =	vld [tilespmem:s10+$0xFFFFFFD0];
	v29 =	vmul.f32 v29, v55;
	v30 =	vperm.xlane v21, v1  }
.LBB2_5:
0xc7: {  	v31 =	vld [tilespmem:s17+$0x90];
	s14 =	sadd.s32 $0x40, s14;
	v32 =	vperm.xlane v10, v4;
	[tilespmem:s11+$0xFFFFFF90] =	vst v28;
	v25 =	vmul.f32 v25, v7;
	v7 =	vmovc v9;
	v9 =	vmov v22  }
0xc8: {  	v22 =	vld [tilespmem:s14+$0x10];
	v27 =	vmul.f32 v27, v30;
	v28 =	vpop (erf);
	[tilespmem:s11+$0xFFFFFFE0] =	vst v29  }
0xc9: {  	s16 =	sadd.s32 $0x4, s16;
	s15 =	sadd.s32 $0x140, s15;
	v29 =	vld [tilespmem:s14+$0xFFFFFFE0];
	v34 =	vperm.xlane v28, v1;
	v26 =	vmul.f32 v26, v32;
	[tilespmem:s9+$0x30] =	vst v25  }
0xca: {  	p0 =	slt.u32 s16, $0x4C;
	v32 =	vperm.xlane v28, v2;
	v33 =	vperm.xlane v28, v3;
	v25 =	vld [tilespmem:s17+$0xFFFFFFF0];
	[tilespmem:s15+$0x50] =	vst v27  }
0xcb: {  	v24 =	vmul.f32 v24, v18;
	v27 =	vld [tilespmem:s14+$0xFFFFFFF0];
	v19 =	vmul.f32 v19, v34;
	v30 =	vpop (erf);
	[tilespmem:s13+$0x80] =	vst v26  }
0xcc: {  	v26 =	vperm.xlane v30, v1;
	v34 =	vperm.xlane v30, v2;
	v35 =	vld [tilespmem:s12+$0x60];
	v36 =	vpop (erf);
	[tilespmem:s9+$0x40] =	vst v5;
	v5 =	vmov v6;
	s9 =	smov.u32 s11;
	s11 =	smov.u32 s13;
	s13 =	smov.u32 s15  }
0xcd: {  	v37 =	vld [tilespmem:s17+$0x40];
	v22 =	vadd.f32 v22, v31;
	v31 =	vperm.xlane v36, v1;
	v38 =	vperm.xlane v36, v2;
	[tilespmem:s15+$0xFFFFFFB0] =	vst v19  }
0xce: {  	v6 =	vmovc v8;
	v8 =	vmov v30;
	v18 =	vperm.xlane v36, v3;
	v39 =	vld [tilespmem:s14+$0x0];
	v19 =	vmul.f32 v20, v26;
	[tilespmem:s11+$0xFFFFFF80] =	vst v24  }
0xcf: {  	v26 =	vperm.xlane v21, v2;
	v24 =	vld [tilespmem:s17+$0xFFFFFFA0];
	v20 =	vmul.f32 $2.000000030e-01, v22;
	[tilespmem:s11+$0x90] =	vst v10;
	v10 =	vmov v21  }
0xd0: {  	vm0 =	vge.f32 v22, $0.0e+00;
	v21 =	vadd.f32 v27, v25;
	v25 =	vmul.f32 v17, v31;
	v17 =	vld [tilespmem:s17+$0xFFFFFF60];
	[tilespmem:s15+$0x0] =	vst v19  }
0xd1: {  	v30 =	vperm.xlane v8, v3;
	v19 =	vld [tilespmem:s17+$0xFFFFFFB0];
	v22 =	vsel vm0, v22, v20;
	v26 =	vmul.f32 v35, v26  }
0xd2: {  	vm0 =	vge.f32 v21, $0.0e+00;
	v27 =	vmul.f32 $2.000000030e-01, v21;
	v20 =	vld [tilespmem:s17+$0x0];
	v22 =	vmul.f32 $1.442695020e+00, v22;
	[tilespmem:s15+$0xFFFFFF60] =	vst v25  }
0xd3: {  	v23 =	vmul.f32 v23, v13;
	v35 =	vperm.xlane v36, v4;
	v25 =	vadd.f32 v39, v37;
	v31 =	vld [tilespmem:s12+$0xFFFFFF70];
	[tilespmem:s15+$0x60] =	vst v26  }
0xd4: {  	v13 =	vmovc v33;
	v24 =	vadd.f32 v29, v24;
	v21 =	vsel vm0, v21, v27;
	(erf) = vpow2.f32 v22;
	v22 =	vld [tilespmem:s12+$0x70]  }
0xd5: {  	v21 =	vmul.f32 $1.442695020e+00, v21;
	vm0 =	vge.f32 v25, $0.0e+00;
	v26 =	vmul.f32 $2.000000030e-01, v25;
	v27 =	vld [tilespmem:s12+$0xFFFFFFC0];
	[tilespmem:s11+$0xFFFFFFD0] =	vst v23  }
0xd6: {  	v33 =	vperm.xlane v28, v4;
	vm1 =	vge.f32 v24, $0.0e+00;
	v23 =	vmul.f32 $2.000000030e-01, v24;
	v29 =	vld [tilespmem:s12+$0x10]  }
0xd7: {  	v25 =	vsel vm0, v25, v26;
	(erf) = vpow2.f32 v21;
	v21 =	vperm.xlane v10, v3;
	v37 =	vld [tilespmem:s10+$0x20]  }
0xd8: {  	v23 =	vsel vm1, v24, v23;
	v24 =	vmul.f32 $1.442695020e+00, v25;
	v25 =	vmul.f32 v31, v38;
	v31 =	vld [tilespmem:s10+$0xFFFFFF90];
	[tilespmem:s11+$0xFFFFFFA0] =	vst v12;
	v12 =	vmovc v36  }
0xd9: {  	v23 =	vmul.f32 $1.442695020e+00, v23;
	v21 =	vmul.f32 v22, v21;
	v36 =	vld [tilespmem:s10+$0xFFFFFFE0];
	[tilespmem:s11+$0xFFFFFFF0] =	vst v11;
	v11 =	vmov v28  }
.Ltmp1:
0xda: {  	(erf) = vpow2.f32 v24;
	[tilespmem:s15+$0xFFFFFF70] =	vst v25;
	v22 =	vmul.f32 v27, v32;
	v25 =	vld [tilespmem:s7+$0x30];
	s7 =	smov.u32 s10;
	s10 =	smov.u32 s12;
	(pc) =	sbr.rel @p0 .LBB2_5-.Ltmp1, $4  }
0xdb: {  	s12 =	smov.u32 s17;
	v27 =	vld [tilespmem:s17+$0x50];
	(erf) = vpow2.f32 v23;
	v23 =	vmul.f32 v29, v34;
	[tilespmem:s15+$0x70] =	vst v21  }
0xdc: {  	[tilespmem:s15+$0xFFFFFFC0] =	vst v22;
	v22 =	vperm.xlane v8, v4;
	v26 =	vld [tilespmem:s10+$0x80];
	v32 =	vmul.f32 v37, v14;
	v14 =	vmov v30  }
0xdd: {  	v21 =	vpop (erf);
	v24 =	vld [tilespmem:s10+$0xFFFFFF80];
	[tilespmem:s15+$0x10] =	vst v23;
	v28 =	vmul.f32 v31, v15;
	v15 =	vmov v35  }
0xde: {  	s17 =	sadd.s32 $0x140, s17;
	v30 =	vperm.xlane v21, v1;
	v23 =	vld [tilespmem:s10+$0xFFFFFFD0];
	v29 =	vmul.f32 v36, v16;
	[tilespmem:s11+$0x20] =	vst v32;
	v16 =	vmov v33  }
0xdf: {  	_ = 	snop  }
0xe0: {  	v27 =	vmul.f32 v27, v30  }
0xe1: {  	s14 =	sadd.s32 $0x140, s15  }
0xe2: {  	v30 =	vpop (erf);
	[tilespmem:s14+$0x50] =	vst v27  }
0xe3: {  	v27 =	vperm.xlane v10, v4;
	v31 =	vpop (erf);
	v32 =	vld [tilespmem:s12+$0x60]  }
0xe4: {  	[tilespmem:s11+$0xFFFFFF90] =	vst v28;
	v7 =	vmul.f32 v25, v7;
	v25 =	vpop (erf)  }
0xe5: {  	[tilespmem:s9+$0x40] =	vst v5;
	v26 =	vmul.f32 v26, v27;
	v27 =	vperm.xlane v25, v1  }
0xe6: {  	[tilespmem:s9+$0x30] =	vst v7;
	v7 =	vperm.xlane v21, v2  }
0xe7: {  	[tilespmem:s13+$0x90] =	vst v10;
	v28 =	vperm.xlane v30, v1;
	v17 =	vmul.f32 v17, v27  }
0xe8: {  	[tilespmem:s13+$0x80] =	vst v26;
	v26 =	vperm.xlane v31, v1;
	v5 =	vmul.f32 v32, v7  }
0xe9: {  	v7 =	vmul.f32 v19, v28;
	[tilespmem:s14+$0xFFFFFF60] =	vst v17  }
0xea: {  	v17 =	vmul.f32 v20, v26;
	[tilespmem:s14+$0x60] =	vst v5  }
0xeb: {  	v10 =	vld [tilespmem:s10+$0x20];
	v5 =	vmul.f32 v24, v18;
	[tilespmem:s14+$0xFFFFFFB0] =	vst v7  }
0xec: {  	v19 =	vld [tilespmem:s12+$0xFFFFFF70];
	[tilespmem:s14+$0x0] =	vst v17  }
0xed: {  	v17 =	vld [tilespmem:s12+$0xFFFFFFC0];
	[tilespmem:s13+$0xFFFFFF80] =	vst v5;
	v5 =	vmul.f32 v23, v13  }
0xee: {  	[tilespmem:s11+$0xFFFFFFE0] =	vst v29;
	v7 =	vld [tilespmem:s12+$0x70]  }
0xef: {  	v18 =	vperm.xlane v25, v2;
	v13 =	vld [tilespmem:s12+$0x10];
	[tilespmem:s13+$0xFFFFFFD0] =	vst v5  }
0xf0: {  	v20 =	vperm.xlane v30, v2;
	v5 =	vld [tilespmem:s10+$0xFFFFFF90];
	[tilespmem:s13+$0xFFFFFFA0] =	vst v12  }
0xf1: {  	v23 =	vperm.xlane v21, v3;
	v18 =	vmul.f32 v19, v18;
	v12 =	vld [tilespmem:s10+$0xFFFFFFE0];
	[tilespmem:s13+$0xFFFFFFF0] =	vst v11  }
0xf2: {  	v19 =	vperm.xlane v31, v2;
	v11 =	vmul.f32 v17, v20;
	v17 =	vld [tilespmem:s7+$0x30];
	[tilespmem:s11+$0x40] =	vst v6  }
0xf3: {  	v7 =	vmul.f32 v7, v23;
	[tilespmem:s14+$0xFFFFFF70] =	vst v18  }
0xf4: {  	v13 =	vmul.f32 v13, v19;
	[tilespmem:s14+$0xFFFFFFC0] =	vst v11;
	v11 =	vld [tilespmem:s12+$0xFFFFFF80]  }
0xf5: {  	[tilespmem:s14+$0x70] =	vst v7;
	v7 =	vmul.f32 v10, v14;
	v10 =	vld [tilespmem:s12+$0xFFFFFFD0]  }
0xf6: {  	[tilespmem:s14+$0x10] =	vst v13;
	v5 =	vmul.f32 v5, v15  }
0xf7: {  	v14 =	vld [tilespmem:s12+$0x80];
	v13 =	vperm.xlane v25, v3;
	[tilespmem:s13+$0x20] =	vst v7  }
0xf8: {  	v7 =	vperm.xlane v30, v3;
	[tilespmem:s13+$0xFFFFFF90] =	vst v5;
	v5 =	vmul.f32 v17, v9;
	v9 =	vld [tilespmem:s12+$0x20]  }
0xf9: {  	[tilespmem:s14+$0x90] =	vst v21;
	v11 =	vmul.f32 v11, v13  }
0xfa: {  	v15 =	vperm.xlane v21, v4;
	[tilespmem:s11+$0x30] =	vst v5;
	v5 =	vmul.f32 v10, v7  }
0xfb: {  	v7 =	vperm.xlane v31, v3;
	[tilespmem:s14+$0xFFFFFF80] =	vst v11  }
0xfc: {  	v10 =	vmul.f32 v14, v15;
	[tilespmem:s14+$0xFFFFFFD0] =	vst v5;
	v5 =	vld [tilespmem:s12+$0xFFFFFF90]  }
0xfd: {  	v6 =	vld [tilespmem:s10+$0x30];
	[tilespmem:s13+$0x40] =	vst v8;
	v7 =	vmul.f32 v9, v7  }
0xfe: {  	v12 =	vmul.f32 v12, v16;
	[tilespmem:s14+$0x80] =	vst v10  }
0xff: {  	v9 =	vperm.xlane v25, v4;
	v10 =	vld [tilespmem:s12+$0xFFFFFFE0];
	[tilespmem:s14+$0x20] =	vst v7  }
0x100: {  	[tilespmem:s13+$0xFFFFFFE0] =	vst v12;
	v11 =	vld [tilespmem:s12+$0x30]  }
0x101: {  	[tilespmem:s14+$0xFFFFFFA0] =	vst v25;
	v5 =	vmul.f32 v5, v9  }
0x102: {  	[tilespmem:s14+$0xFFFFFFF0] =	vst v30;
	v7 =	vperm.xlane v30, v4  }
0x103: {  	v9 =	vperm.xlane v31, v4;
	[tilespmem:s14+$0xFFFFFF90] =	vst v5;
	v5 =	vmul.f32 v6, v22  }
0x104: {  	s12 =	smul.u32 $0x280, s0;
	[tilespmem:s14+$0x40] =	vst v31;
	v7 =	vmul.f32 v10, v7  }
0x105: {  	[tilespmem:s13+$0x30] =	vst v5;
	v5 =	vmul.f32 v11, v9  }
0x106: {  	s7 =	sshra.s32 s12, $0x2;
	[tilespmem:s14+$0xFFFFFFE0] =	vst v7  }
0x107: {  	s7 =	sadd.s32 $0x2710, s7;
	[tilespmem:s14+$0x30] =	vst v5  }
0x108: {  	[spmem:s2] =	stream.indirect.scatter.add.f32 [tilespmem:s20], [sflag:$0x3], $0x50, s7, s21, $0xb8;
	[tilespmem:$0x18420] =	vst v63  }
0x109: {  	s13 =	sadd.s32 $0xA0, s6  }
0x10a: {  	[tilespmem:s23], [sflag:$0x1] =	stream.indirect.gather [hbm4b:s4+s21], $0x50, s13, s21, $0xb8;
	[tilespmem:$0x18420] =	vst v63  }
0x10b: {  	s14 =	sadd.s32 $0x27B0, s6  }
0x10c: {  	[tilespmem:s24], [sflag:$0x1] =	stream.indirect.gather [hbm4b:s5+s21], $0x10, s14, s21, $0xb8;
	[tilespmem:$0x18420] =	vst v63  }
0x10d: {  	_ =	swait.ge [sflag:s30], $0x1900  }
0x10e: {  	[sflag:s30] =	ssyncset.done $0x0  }
0x10f: {  	[sflag:s30] =	ssyncadd.s32 $0xFFFFE700  }
0x110: {  	_ =	swait.ge [sflag:s30], $0x500  }
0x111: {  	[sflag:s30] =	ssyncset.done $0x0  }
0x112: {  	[sflag:s30] =	ssyncadd.s32 $0xFFFFFB00  }
0x113: {  	_ =	swait.ge [sflag:s31], $0x1900  }
0x114: {  	[sflag:s31] =	ssyncset.done $0x0  }
0x115: {  	s12 =	simm.s32 $0x85C0;
	[sflag:s31] =	ssyncadd.s32 $0xFFFFE700  }
0x116: {  	s15 =	simm.s32 $0x9E40;
	v5 =	vld [tilespmem:s12+$0x90]  }
0x117: {  	v6 =	vld [tilespmem:s15+$0x10];
	_ =	sdelay $0x2  }
0x118: {  	v7 =	vld [tilespmem:s15+$0xFFFFFFE0]  }
0x119: {  	v8 =	vld [tilespmem:s12+$0xFFFFFFF0]  }
0x11a: {  	v9 =	vld [tilespmem:s15+$0xFFFFFFF0];
	v5 =	vadd.f32 v6, v5  }
0x11b: {  	v10 =	vld [tilespmem:s12+$0x40]  }
0x11c: {  	v6 =	vld [tilespmem:s15+$0x0];
	v12 =	vmul.f32 $2.000000030e-01, v5  }
0x11d: {  	v11 =	vld [tilespmem:s12+$0xFFFFFFA0];
	vm0 =	vge.f32 v5, $0.0e+00  }
0x11e: {  	v5 =	vsel vm0, v5, v12  }
0x11f: {  	v5 =	vmul.f32 $1.442695020e+00, v5  }
0x120: {  	v8 =	vadd.f32 v9, v8  }
0x121: {  	v6 =	vadd.f32 v6, v10;
	(erf) = vpow2.f32 v5  }
0x122: {  	v7 =	vadd.f32 v7, v11;
	v9 =	vmul.f32 $2.000000030e-01, v8  }
0x123: {  	vm14 =	vge.f32 v8, $0.0e+00;
	v5 =	vmul.f32 $2.000000030e-01, v6  }
0x124: {  	v8 =	vsel vm14, v8, v9;
	v9 =	vmul.f32 $2.000000030e-01, v7;
	vm15 =	vge.f32 v6, $0.0e+00  }
0x125: {  	vm1 =	vge.f32 v7, $0.0e+00;
	v8 =	vmul.f32 $1.442695020e+00, v8;
	v5 =	vsel vm15, v6, v5  }
0x126: {  	v6 =	vsel vm1, v7, v9;
	v5 =	vmul.f32 $1.442695020e+00, v5  }
0x127: {  	(erf) = vpow2.f32 v8;
	v6 =	vmul.f32 $1.442695020e+00, v6  }
0x128: {  	s16 =	simm.s32 $0x9E80;
	(erf) = vpow2.f32 v5;
	v5 =	vld [tilespmem:s12+$0x50]  }
0x129: {  	s6 =	simm.s32 $0x8700;
	v10 =	vld [tilespmem:s16+$0x10];
	(erf) = vpow2.f32 v6  }
0x12a: {  	v9 =	vld [tilespmem:s6+$0x90];
	v11 =	vpop (erf)  }
0x12b: {  	v8 =	vperm.xlane v11, v1  }
0x12c: {  	v14 =	vld [tilespmem:s6+$0xFFFFFFF0]  }
0x12d: {  	v15 =	vld [tilespmem:s16+$0xFFFFFFF0];
	v5 =	vmul.f32 v5, v8  }
0x12e: {  	v17 =	vld [tilespmem:s6+$0x40]  }
0x12f: {  	v19 =	vld [tilespmem:s16+$0x0];
	v9 =	vadd.f32 v10, v9  }
0x130: {  	s7 =	simm.s32 $0xA3C0;
	v6 =	vld [tilespmem:s12+$0xFFFFFF60];
	v8 =	vpop (erf)  }
0x131: {  	v7 =	vld [tilespmem:s12+$0xFFFFFFB0];
	v23 =	vmul.f32 $2.000000030e-01, v9;
	[tilespmem:s7+$0x50] =	vst v5;
	v5 =	vpop (erf)  }
0x132: {  	vm4 =	vge.f32 v9, $0.0e+00;
	v16 =	vld [tilespmem:s12+$0x60];
	v12 =	vpop (erf)  }
0x133: {  	v13 =	vld [tilespmem:s16+$0xFFFFFFE0];
	v9 =	vsel vm4, v9, v23;
	v10 =	vperm.xlane v12, v1  }
0x134: {  	v21 =	vld [tilespmem:s6+$0xFFFFFFA0];
	v22 =	vperm.xlane v11, v2;
	v9 =	vmul.f32 $1.442695020e+00, v9  }
0x135: {  	s9 =	simm.s32 $0x8840;
	v18 =	vperm.xlane v8, v1;
	v6 =	vmul.f32 v6, v10;
	v10 =	vld [tilespmem:s12+$0x0]  }
0x136: {  	s17 =	simm.s32 $0x9EC0;
	v28 =	vld [tilespmem:s9+$0x90];
	v14 =	vadd.f32 v15, v14;
	(erf) = vpow2.f32 v9  }
0x137: {  	v29 =	vld [tilespmem:s17+$0x10];
	v17 =	vadd.f32 v19, v17;
	v7 =	vmul.f32 v7, v18;
	v15 =	vmul.f32 v16, v22  }
0x138: {  	v31 =	vld [tilespmem:s9+$0xFFFFFFF0];
	v16 =	vperm.xlane v5, v1;
	[tilespmem:s7+$0xFFFFFF60] =	vst v6;
	v6 =	vmul.f32 $2.000000030e-01, v14  }
0x139: {  	v33 =	vld [tilespmem:s17+$0xFFFFFFF0];
	v13 =	vadd.f32 v13, v21;
	vm5 =	vge.f32 v14, $0.0e+00;
	vm6 =	vge.f32 v17, $0.0e+00;
	[tilespmem:s7+$0xFFFFFFB0] =	vst v7  }
0x13a: {  	v7 =	vmul.f32 $2.000000030e-01, v17;
	v6 =	vsel vm5, v14, v6;
	v9 =	vmul.f32 v10, v16;
	v10 =	vld [tilespmem:s12+$0xFFFFFFC0]  }
0x13b: {  	vm7 =	vge.f32 v13, $0.0e+00;
	[tilespmem:s7+$0x60] =	vst v15;
	v18 =	vld [tilespmem:s12+$0xFFFFFF70];
	v6 =	vmul.f32 $1.442695020e+00, v6;
	v16 =	vmul.f32 $2.000000030e-01, v13  }
0x13c: {  	v20 =	vperm.xlane v8, v2;
	v7 =	vsel vm6, v17, v7;
	v17 =	vperm.xlane v11, v3;
	v19 =	vld [tilespmem:s12+$0x70]  }
0x13d: {  	(erf) = vpow2.f32 v6;
	v6 =	vmul.f32 $1.442695020e+00, v7;
	v7 =	vsel vm7, v13, v16  }
0x13e: {  	v28 =	vadd.f32 v29, v28;
	v15 =	vperm.xlane v12, v2;
	v7 =	vmul.f32 $1.442695020e+00, v7  }
0x13f: {  	(erf) = vpow2.f32 v6;
	v6 =	vmul.f32 v10, v20;
	v10 =	vld [tilespmem:s6+$0x50]  }
0x140: {  	v35 =	vld [tilespmem:s9+$0x40];
	v37 =	vmul.f32 $2.000000030e-01, v28;
	v13 =	vmul.f32 v18, v15  }
0x141: {  	v36 =	vld [tilespmem:s17+$0x0];
	v31 =	vadd.f32 v33, v31;
	[tilespmem:s7+$0x0] =	vst v9;
	v15 =	vmul.f32 v19, v17;
	v16 =	vpop (erf);
	(erf) = vpow2.f32 v7  }
0x142: {  	vm8 =	vge.f32 v28, $0.0e+00;
	v23 =	vld [tilespmem:s6+$0xFFFFFFB0];
	[tilespmem:s7+$0xFFFFFFC0] =	vst v6;
	v6 =	vperm.xlane v16, v1  }
0x143: {  	v52 =	vmul.f32 $2.000000030e-01, v31;
	v28 =	vsel vm8, v28, v37;
	v17 =	vld [tilespmem:s12+$0x10];
	[tilespmem:s7+$0x70] =	vst v15  }
0x144: {  	v28 =	vmul.f32 $1.442695020e+00, v28;
	[tilespmem:s7+$0xFFFFFF70] =	vst v13;
	v13 =	vld [tilespmem:s12+$0x80];
	v6 =	vmul.f32 v10, v6  }
0x145: {  	v27 =	vperm.xlane v8, v4;
	v24 =	vperm.xlane v5, v3;
	v19 =	vld [tilespmem:s12+$0xFFFFFF80]  }
0x146: {  	v9 =	vld [tilespmem:s6+$0x0];
	v7 =	vperm.xlane v5, v2;
	v20 =	vperm.xlane v11, v4;
	v21 =	vpop (erf)  }
0x147: {  	s10 =	simm.s32 $0xA500;
	v25 =	vperm.xlane v12, v4;
	v30 =	vperm.xlane v21, v1  }
0x148: {  	v14 =	vld [tilespmem:s6+$0xFFFFFF60];
	v18 =	vperm.xlane v12, v3;
	v17 =	vmul.f32 v17, v7;
	[tilespmem:s10+$0x50] =	vst v6;
	v6 =	vpop (erf)  }
0x149: {  	v10 =	vld [tilespmem:s17+$0xFFFFFFE0];
	v23 =	vmul.f32 v23, v30;
	v30 =	vperm.xlane v6, v1  }
0x14a: {  	v13 =	vmul.f32 v13, v20;
	v18 =	vmul.f32 v19, v18;
	v34 =	vld [tilespmem:s6+$0x60];
	v20 =	vpop (erf)  }
0x14b: {  	v35 =	vadd.f32 v36, v35;
	v29 =	vperm.xlane v20, v1;
	v9 =	vmul.f32 v9, v30;
	v30 =	vld [tilespmem:s9+$0xFFFFFFA0]  }
0x14c: {  	v38 =	vperm.xlane v16, v2;
	(erf) = vpow2.f32 v28;
	v26 =	vld [tilespmem:s12+$0xFFFFFFD0];
	[tilespmem:s7+$0x10] =	vst v17  }
0x14d: {  	v51 =	vld [tilespmem:s9+$0xFFFFFFB0];
	vm9 =	vge.f32 v31, $0.0e+00;
	v28 =	vmul.f32 $2.000000030e-01, v35;
	[tilespmem:s7+$0xFFFFFF80] =	vst v18;
	v14 =	vmul.f32 v14, v29  }
0x14e: {  	v53 =	vld [tilespmem:s9+$0x0];
	vm10 =	vge.f32 v35, $0.0e+00;
	v15 =	vperm.xlane v8, v3;
	v7 =	vperm.xlane v5, v4;
	[tilespmem:s10+$0xFFFFFFB0] =	vst v23  }
0x14f: {  	s13 =	simm.s32 $0x9F00;
	v28 =	vsel vm10, v35, v28;
	v18 =	vld [tilespmem:s12+$0x20];
	v34 =	vmul.f32 v34, v38;
	[tilespmem:s10+$0xFFFFFF60] =	vst v14;
	v14 =	vsel vm9, v31, v52  }
0x150: {  	v59 =	vld [tilespmem:s13+$0xFFFFFFF0];
	v28 =	vmul.f32 $1.442695020e+00, v28;
	[tilespmem:s10+$0x0] =	vst v9;
	v14 =	vmul.f32 $1.442695020e+00, v14;
	v10 =	vadd.f32 v10, v30  }
0x151: {  	v49 =	vperm.xlane v21, v2;
	v15 =	vmul.f32 v26, v15;
	v9 =	vld [tilespmem:s6+$0xFFFFFFC0];
	[tilespmem:s10+$0x60] =	vst v34  }
0x152: {  	v26 =	vld [tilespmem:s6+$0x70];
	(erf) = vpow2.f32 v14;
	v30 =	vmul.f32 $2.000000030e-01, v10  }
0x153: {  	v22 =	vperm.xlane v21, v3;
	v55 =	vperm.xlane v21, v4;
	[tilespmem:s7+$0xFFFFFFD0] =	vst v15;
	v15 =	vld [tilespmem:s12+$0xFFFFFF90];
	vm11 =	vge.f32 v10, $0.0e+00  }
0x154: {  	s11 =	simm.s32 $0x8980;
	v50 =	vperm.xlane v20, v2;
	v18 =	vmul.f32 v18, v24;
	v23 =	vld [tilespmem:s6+$0xFFFFFF70];
	v10 =	vsel vm11, v10, v30  }
0x155: {  	[tilespmem:s7+$0x90] =	vst v11;
	v24 =	vld [tilespmem:s11+$0x90];
	v14 =	vperm.xlane v16, v3;
	v10 =	vmul.f32 $1.442695020e+00, v10  }
0x156: {  	[tilespmem:s7+$0x80] =	vst v13;
	v17 =	vld [tilespmem:s6+$0x10];
	(erf) = vpow2.f32 v28;
	v9 =	vmul.f32 v9, v49  }
0x157: {  	[tilespmem:s7+$0xFFFFFFA0] =	vst v12;
	v28 =	vld [tilespmem:s9+$0x50];
	v14 =	vmul.f32 v26, v14;
	(erf) = vpow2.f32 v10  }
0x158: {  	v13 =	vperm.xlane v16, v4;
	v19 =	vperm.xlane v6, v2;
	v26 =	vld [tilespmem:s12+$0xFFFFFFE0];
	[tilespmem:s10+$0xFFFFFFC0] =	vst v9  }
0x159: {  	v54 =	vperm.xlane v20, v4;
	v23 =	vmul.f32 v23, v50;
	v56 =	vld [tilespmem:s6+$0xFFFFFFD0];
	[tilespmem:s10+$0x70] =	vst v14  }
0x15a: {  	v31 =	vperm.xlane v20, v3;
	v15 =	vmul.f32 v15, v25;
	[tilespmem:s7+$0x20] =	vst v18;
	v14 =	vld [tilespmem:s6+$0x80];
	v10 =	vpop (erf)  }
0x15b: {  	v25 =	vld [tilespmem:s13+$0x10];
	v17 =	vmul.f32 v17, v19;
	[tilespmem:s10+$0xFFFFFF70] =	vst v23;
	v23 =	vperm.xlane v10, v1;
	v11 =	vpop (erf)  }
0x15c: {  	[tilespmem:s7+$0xFFFFFF90] =	vst v15;
	v30 =	vperm.xlane v6, v3;
	v19 =	vld [tilespmem:s6+$0xFFFFFF80];
	v12 =	vperm.xlane v11, v1  }
0x15d: {  	v9 =	vperm.xlane v6, v4;
	[tilespmem:s7+$0xFFFFFFF0] =	vst v8;
	v23 =	vmul.f32 v28, v23;
	v28 =	vld [tilespmem:s11+$0xFFFFFFF0]  }
0x15e: {  	s14 =	simm.s32 $0xA640;
	v29 =	vld [tilespmem:s9+$0xFFFFFF60];
	[tilespmem:s10+$0x10] =	vst v17;
	v26 =	vmul.f32 v26, v27;
	v22 =	vmul.f32 v56, v22  }
0x15f: {  	v40 =	vld [tilespmem:s11+$0x40];
	v57 =	vperm.xlane v11, v2;
	v8 =	vpop (erf);
	v14 =	vmul.f32 v14, v13;
	[tilespmem:s14+$0x50] =	vst v23  }
0x160: {  	[tilespmem:s10+$0x90] =	vst v16;
	v17 =	vperm.xlane v8, v1;
	v23 =	vmul.f32 v51, v12;
	v58 =	vld [tilespmem:s9+$0x60];
	v12 =	vpop (erf)  }
0x161: {  	v15 =	vld [tilespmem:s13+$0x0];
	[tilespmem:s7+$0xFFFFFFE0] =	vst v26;
	v31 =	vmul.f32 v19, v31;
	v19 =	vadd.f32 v25, v24;
	v18 =	vperm.xlane v12, v1  }
0x162: {  	v27 =	vld [tilespmem:s13+$0xFFFFFFE0];
	v24 =	vmul.f32 v53, v17;
	v17 =	vperm.xlane v10, v2;
	[tilespmem:s10+$0x80] =	vst v14;
	v28 =	vadd.f32 v59, v28  }
0x163: {  	v25 =	vld [tilespmem:s11+$0xFFFFFFA0];
	[tilespmem:s10+$0xFFFFFF80] =	vst v31;
	v26 =	vmul.f32 v29, v18;
	v29 =	vmul.f32 $2.000000030e-01, v19  }
0x164: {  	v16 =	vperm.xlane v11, v4;
	vm12 =	vge.f32 v19, $0.0e+00;
	v31 =	vld [tilespmem:s6+$0x20];
	[tilespmem:s14+$0xFFFFFFB0] =	vst v23;
	v23 =	vmul.f32 $2.000000030e-01, v28  }
0x165: {  	v63 =	vld [tilespmem:s6+$0xFFFFFF90];
	[tilespmem:s14+$0x0] =	vst v24;
	vm13 =	vge.f32 v28, $0.0e+00;
	v37 =	vmul.f32 v58, v17;
	v29 =	vsel vm12, v19, v29  }
0x166: {  	v13 =	vperm.xlane v11, v3;
	[tilespmem:s14+$0xFFFFFF60] =	vst v26;
	v23 =	vsel vm13, v28, v23;
	v28 =	vld [tilespmem:s9+$0x10];
	v26 =	vmul.f32 $1.442695020e+00, v29  }
0x167: {  	v61 =	vadd.f32 v15, v40;
	v39 =	vperm.xlane v8, v2;
	v14 =	vperm.xlane v8, v3;
	[tilespmem:s14+$0x60] =	vst v37;
	v29 =	vld [tilespmem:s9+$0xFFFFFF70]  }
0x168: {  	v24 =	vadd.f32 v27, v25;
	v23 =	vmul.f32 $1.442695020e+00, v23;
	v62 =	vld [tilespmem:s9+$0x70];
	(erf) = vpow2.f32 v26  }
0x169: {  	vm14 =	vge.f32 v61, $0.0e+00;
	v60 =	vperm.xlane v12, v2;
	v25 =	vld [tilespmem:s9+$0xFFFFFFC0];
	v26 =	vmul.f32 $2.000000030e-01, v61  }
0x16a: {  	[tilespmem:s10+$0xFFFFFFA0] =	vst v20;
	v20 =	vld [tilespmem:s11+$0x0];
	v27 =	vmul.f32 $2.000000030e-01, v24;
	vm15 =	vge.f32 v24, $0.0e+00;
	(erf) = vpow2.f32 v23  }
0x16b: {  	[tilespmem:s10+$0xFFFFFFD0] =	vst v22;
	v17 =	vld [tilespmem:s11+$0xFFFFFF60];
	v22 =	vsel vm14, v61, v26;
	v26 =	vperm.xlane v10, v3;
	v28 =	vmul.f32 v28, v39  }
0x16c: {  	v19 =	vld [tilespmem:s11+$0xFFFFFFB0];
	v24 =	vsel vm15, v24, v27;
	v23 =	vmul.f32 v29, v60;
	v22 =	vmul.f32 $1.442695020e+00, v22  }
0x16d: {  	v29 =	vld [tilespmem:s6+$0xFFFFFFE0];
	[tilespmem:s10+$0xFFFFFFF0] =	vst v21;
	v21 =	vmul.f32 $1.442695020e+00, v24;
	v26 =	vmul.f32 v62, v26  }
0x16e: {  	[tilespmem:s14+$0xFFFFFF70] =	vst v23;
	v23 =	vmul.f32 v25, v57;
	v25 =	vld [tilespmem:s12+$0x30];
	(erf) = vpow2.f32 v22  }
0x16f: {  	v15 =	vperm.xlane v12, v4;
	v27 =	vld [tilespmem:s11+$0x50];
	[tilespmem:s14+$0x70] =	vst v26;
	(erf) = vpow2.f32 v21  }
0x170: {  	v18 =	vperm.xlane v12, v3;
	v31 =	vmul.f32 v31, v30;
	[tilespmem:s14+$0x10] =	vst v28;
	v26 =	vld [tilespmem:s9+$0x80]  }
0x171: {  	v28 =	vmul.f32 v63, v54;
	v22 =	vperm.xlane v8, v4;
	v24 =	vld [tilespmem:s9+$0xFFFFFF80];
	[tilespmem:s14+$0xFFFFFFC0] =	vst v23;
	v21 =	vpop (erf)  }
0x172: {  	s15 =	simm.s32 $0xC;
	s16 =	simm.s32 $0x8AC0;
	[tilespmem:s10+$0x20] =	vst v31;
	s12 =	simm.s32 $0xA640;
	v23 =	vld [tilespmem:s9+$0xFFFFFFD0];
	v29 =	vmul.f32 v29, v55;
	v30 =	vperm.xlane v21, v1  }
.LBB2_7:
0x173: {  	v31 =	vld [tilespmem:s16+$0x90];
	s13 =	sadd.s32 $0x40, s13;
	v32 =	vperm.xlane v10, v4;
	[tilespmem:s10+$0xFFFFFF90] =	vst v28;
	v25 =	vmul.f32 v25, v7;
	v7 =	vmovc v9;
	v9 =	vmov v22  }
0x174: {  	v22 =	vld [tilespmem:s13+$0x10];
	v27 =	vmul.f32 v27, v30;
	v28 =	vpop (erf);
	[tilespmem:s10+$0xFFFFFFE0] =	vst v29  }
0x175: {  	s15 =	sadd.s32 $0x4, s15;
	s14 =	sadd.s32 $0x140, s14;
	v29 =	vld [tilespmem:s13+$0xFFFFFFE0];
	v34 =	vperm.xlane v28, v1;
	v26 =	vmul.f32 v26, v32;
	[tilespmem:s7+$0x30] =	vst v25  }
0x176: {  	p0 =	slt.u32 s15, $0x4C;
	v32 =	vperm.xlane v28, v2;
	v33 =	vperm.xlane v28, v3;
	v25 =	vld [tilespmem:s16+$0xFFFFFFF0];
	[tilespmem:s14+$0x50] =	vst v27  }
0x177: {  	v24 =	vmul.f32 v24, v18;
	v27 =	vld [tilespmem:s13+$0xFFFFFFF0];
	v19 =	vmul.f32 v19, v34;
	v30 =	vpop (erf);
	[tilespmem:s12+$0x80] =	vst v26  }
0x178: {  	v26 =	vperm.xlane v30, v1;
	v34 =	vperm.xlane v30, v2;
	v35 =	vld [tilespmem:s11+$0x60];
	v36 =	vpop (erf);
	[tilespmem:s7+$0x40] =	vst v5;
	v5 =	vmov v6;
	s7 =	smov.u32 s10;
	s10 =	smov.u32 s12;
	s12 =	smov.u32 s14  }
0x179: {  	v37 =	vld [tilespmem:s16+$0x40];
	v22 =	vadd.f32 v22, v31;
	v31 =	vperm.xlane v36, v1;
	v38 =	vperm.xlane v36, v2;
	[tilespmem:s14+$0xFFFFFFB0] =	vst v19  }
0x17a: {  	v6 =	vmovc v8;
	v8 =	vmov v30;
	v18 =	vperm.xlane v36, v3;
	v39 =	vld [tilespmem:s13+$0x0];
	v19 =	vmul.f32 v20, v26;
	[tilespmem:s10+$0xFFFFFF80] =	vst v24  }
0x17b: {  	v26 =	vperm.xlane v21, v2;
	v24 =	vld [tilespmem:s16+$0xFFFFFFA0];
	v20 =	vmul.f32 $2.000000030e-01, v22;
	[tilespmem:s10+$0x90] =	vst v10;
	v10 =	vmov v21  }
0x17c: {  	vm0 =	vge.f32 v22, $0.0e+00;
	v21 =	vadd.f32 v27, v25;
	v25 =	vmul.f32 v17, v31;
	v17 =	vld [tilespmem:s16+$0xFFFFFF60];
	[tilespmem:s14+$0x0] =	vst v19  }
0x17d: {  	v30 =	vperm.xlane v8, v3;
	v19 =	vld [tilespmem:s16+$0xFFFFFFB0];
	v22 =	vsel vm0, v22, v20;
	v26 =	vmul.f32 v35, v26  }
0x17e: {  	vm0 =	vge.f32 v21, $0.0e+00;
	v27 =	vmul.f32 $2.000000030e-01, v21;
	v20 =	vld [tilespmem:s16+$0x0];
	v22 =	vmul.f32 $1.442695020e+00, v22;
	[tilespmem:s14+$0xFFFFFF60] =	vst v25  }
0x17f: {  	v23 =	vmul.f32 v23, v13;
	v35 =	vperm.xlane v36, v4;
	v25 =	vadd.f32 v39, v37;
	v31 =	vld [tilespmem:s11+$0xFFFFFF70];
	[tilespmem:s14+$0x60] =	vst v26  }
0x180: {  	v13 =	vmovc v33;
	v24 =	vadd.f32 v29, v24;
	v21 =	vsel vm0, v21, v27;
	(erf) = vpow2.f32 v22;
	v22 =	vld [tilespmem:s11+$0x70]  }
0x181: {  	v21 =	vmul.f32 $1.442695020e+00, v21;
	vm0 =	vge.f32 v25, $0.0e+00;
	v26 =	vmul.f32 $2.000000030e-01, v25;
	v27 =	vld [tilespmem:s11+$0xFFFFFFC0];
	[tilespmem:s10+$0xFFFFFFD0] =	vst v23  }
0x182: {  	v33 =	vperm.xlane v28, v4;
	vm1 =	vge.f32 v24, $0.0e+00;
	v23 =	vmul.f32 $2.000000030e-01, v24;
	v29 =	vld [tilespmem:s11+$0x10]  }
0x183: {  	v25 =	vsel vm0, v25, v26;
	(erf) = vpow2.f32 v21;
	v21 =	vperm.xlane v10, v3;
	v37 =	vld [tilespmem:s9+$0x20]  }
0x184: {  	v23 =	vsel vm1, v24, v23;
	v24 =	vmul.f32 $1.442695020e+00, v25;
	v25 =	vmul.f32 v31, v38;
	v31 =	vld [tilespmem:s9+$0xFFFFFF90];
	[tilespmem:s10+$0xFFFFFFA0] =	vst v12;
	v12 =	vmovc v36  }
0x185: {  	v23 =	vmul.f32 $1.442695020e+00, v23;
	v21 =	vmul.f32 v22, v21;
	v36 =	vld [tilespmem:s9+$0xFFFFFFE0];
	[tilespmem:s10+$0xFFFFFFF0] =	vst v11;
	v11 =	vmov v28  }
.Ltmp2:
0x186: {  	(erf) = vpow2.f32 v24;
	[tilespmem:s14+$0xFFFFFF70] =	vst v25;
	v22 =	vmul.f32 v27, v32;
	v25 =	vld [tilespmem:s6+$0x30];
	s6 =	smov.u32 s9;
	s9 =	smov.u32 s11;
	(pc) =	sbr.rel @p0 .LBB2_7-.Ltmp2, $4  }
0x187: {  	s11 =	smov.u32 s16;
	v27 =	vld [tilespmem:s16+$0x50];
	(erf) = vpow2.f32 v23;
	v23 =	vmul.f32 v29, v34;
	[tilespmem:s14+$0x70] =	vst v21  }
0x188: {  	[tilespmem:s14+$0xFFFFFFC0] =	vst v22;
	v22 =	vperm.xlane v8, v4;
	v26 =	vld [tilespmem:s9+$0x80];
	v32 =	vmul.f32 v37, v14;
	v14 =	vmov v30  }
0x189: {  	v21 =	vpop (erf);
	v24 =	vld [tilespmem:s9+$0xFFFFFF80];
	[tilespmem:s14+$0x10] =	vst v23;
	v28 =	vmul.f32 v31, v15;
	v15 =	vmov v35  }
0x18a: {  	s16 =	sadd.s32 $0x140, s16;
	v30 =	vperm.xlane v21, v1;
	v23 =	vld [tilespmem:s9+$0xFFFFFFD0];
	v29 =	vmul.f32 v36, v16;
	[tilespmem:s10+$0x20] =	vst v32;
	v16 =	vmov v33  }
0x18b: {  	_ = 	snop  }
0x18c: {  	v27 =	vmul.f32 v27, v30  }
0x18d: {  	s13 =	sadd.s32 $0x140, s14  }
0x18e: {  	v63 =	vpop (erf);
	[tilespmem:s13+$0x50] =	vst v27  }
0x18f: {  	[tilespmem:s10+$0xFFFFFF90] =	vst v28;
	v31 =	vpop (erf);
	v32 =	vld [tilespmem:s11+$0x60]  }
0x190: {  	v7 =	vmul.f32 v25, v7;
	[tilespmem:s7+$0x40] =	vst v5;
	v37 =	vpop (erf)  }
0x191: {  	[tilespmem:s12+$0x90] =	vst v10;
	v38 =	vperm.xlane v37, v1  }
0x192: {  	[tilespmem:s7+$0x30] =	vst v7;
	v7 =	vperm.xlane v21, v2  }
0x193: {  	v52 =	vld [tilespmem:s6+$0x30];
	[tilespmem:s10+$0x40] =	vst v6;
	v39 =	vperm.xlane v63, v1;
	v17 =	vmul.f32 v17, v38  }
0x194: {  	[tilespmem:s10+$0xFFFFFFE0] =	vst v29;
	v40 =	vperm.xlane v31, v1;
	v5 =	vmul.f32 v32, v7  }
0x195: {  	v7 =	vmul.f32 v19, v39;
	[tilespmem:s13+$0xFFFFFF60] =	vst v17  }
0x196: {  	v36 =	vperm.xlane v10, v4;
	v41 =	vmul.f32 v20, v40;
	[tilespmem:s13+$0x60] =	vst v5  }
0x197: {  	v42 =	vld [tilespmem:s11+$0xFFFFFF70];
	v5 =	vmul.f32 v24, v18;
	[tilespmem:s13+$0xFFFFFFB0] =	vst v7  }
0x198: {  	v26 =	vmul.f32 v26, v36;
	[tilespmem:s13+$0x0] =	vst v41;
	v43 =	vld [tilespmem:s11+$0xFFFFFFC0]  }
0x199: {  	v7 =	vld [tilespmem:s11+$0x70];
	[tilespmem:s12+$0xFFFFFF80] =	vst v5;
	v5 =	vmul.f32 v23, v13  }
0x19a: {  	[tilespmem:s12+$0x80] =	vst v26;
	v45 =	vperm.xlane v37, v2;
	v44 =	vld [tilespmem:s11+$0x10]  }
0x19b: {  	v46 =	vld [tilespmem:s9+$0x20];
	v47 =	vperm.xlane v63, v2;
	[tilespmem:s12+$0xFFFFFFD0] =	vst v5  }
0x19c: {  	v48 =	vperm.xlane v21, v3;
	v5 =	vld [tilespmem:s9+$0xFFFFFF90];
	[tilespmem:s12+$0xFFFFFFA0] =	vst v12;
	v18 =	vmul.f32 v42, v45  }
0x19d: {  	v50 =	vperm.xlane v31, v2;
	v49 =	vld [tilespmem:s9+$0xFFFFFFE0];
	[tilespmem:s12+$0xFFFFFFF0] =	vst v11;
	v51 =	vmul.f32 v43, v47  }
0x19e: {  	v7 =	vmul.f32 v7, v48;
	[tilespmem:s13+$0xFFFFFF70] =	vst v18  }
0x19f: {  	v13 =	vmul.f32 v44, v50;
	[tilespmem:s13+$0xFFFFFFC0] =	vst v51;
	v53 =	vld [tilespmem:s11+$0xFFFFFF80]  }
0x1a0: {  	[tilespmem:s13+$0x70] =	vst v7;
	v7 =	vmul.f32 v46, v14;
	v54 =	vld [tilespmem:s11+$0xFFFFFFD0]  }
0x1a1: {  	[tilespmem:s13+$0x10] =	vst v13;
	v5 =	vmul.f32 v5, v15  }
0x1a2: {  	v56 =	vperm.xlane v37, v3;
	[tilespmem:s12+$0x20] =	vst v7  }
0x1a3: {  	v57 =	vld [tilespmem:s11+$0x20];
	v7 =	vperm.xlane v63, v3;
	[tilespmem:s12+$0xFFFFFF90] =	vst v5;
	v5 =	vmul.f32 v52, v9  }
0x1a4: {  	v55 =	vld [tilespmem:s11+$0x80];
	[tilespmem:s13+$0x90] =	vst v21;
	v11 =	vmul.f32 v53, v56  }
0x1a5: {  	[tilespmem:s10+$0x30] =	vst v5;
	v5 =	vmul.f32 v54, v7  }
0x1a6: {  	v7 =	vperm.xlane v31, v3;
	[tilespmem:s13+$0xFFFFFF80] =	vst v11  }
0x1a7: {  	v58 =	vperm.xlane v21, v4;
	v12 =	vmul.f32 v49, v16;
	[tilespmem:s13+$0xFFFFFFD0] =	vst v5;
	v5 =	vld [tilespmem:s11+$0xFFFFFF90]  }
0x1a8: {  	v6 =	vld [tilespmem:s9+$0x30];
	[tilespmem:s12+$0x40] =	vst v8;
	v7 =	vmul.f32 v57, v7  }
0x1a9: {  	[tilespmem:s12+$0xFFFFFFE0] =	vst v12;
	v59 =	vmul.f32 v55, v58  }
0x1aa: {  	v61 =	vperm.xlane v37, v4;
	v60 =	vld [tilespmem:s11+$0xFFFFFFE0];
	[tilespmem:s13+$0x20] =	vst v7  }
0x1ab: {  	[tilespmem:s13+$0x80] =	vst v59;
	v62 =	vld [tilespmem:s11+$0x30]  }
0x1ac: {  	[tilespmem:s13+$0xFFFFFFA0] =	vst v37;
	v5 =	vmul.f32 v5, v61  }
0x1ad: {  	s0 =	sadd.s32 $0x1, s0;
	[tilespmem:s13+$0xFFFFFFF0] =	vst v63;
	v7 =	vperm.xlane v63, v4  }
0x1ae: {  	p0 =	sne.s32 s0, $0x3E;
	v63 =	vperm.xlane v31, v4;
	[tilespmem:s13+$0xFFFFFF90] =	vst v5;
	v5 =	vmul.f32 v6, v22  }
.Ltmp3:
0x1af: {  	[tilespmem:s13+$0x40] =	vst v31;
	v7 =	vmul.f32 v60, v7;
	(pc) =	sbr.rel @p0 .LBB2_4-.Ltmp3, $4  }
0x1b0: {  	[tilespmem:s12+$0x30] =	vst v5;
	v5 =	vmul.f32 v62, v63  }
0x1b1: {  	[tilespmem:s13+$0xFFFFFFE0] =	vst v7  }
0x1b2: {  	[tilespmem:s13+$0x30] =	vst v5  }
0x1b3: {  	[spmem:s2] =	stream.indirect.scatter.add.f32 [tilespmem:s22], [sflag:$0x4], $0x50, s3, s21, $0xb8;
	[tilespmem:$0x18420] =	vst v63  }
0x1b4: {  	_ =	swait.ge [sflag:s28], $0x1900  }
0x1b5: {  	[sflag:s28] =	ssyncset.done $0x0  }
0x1b6: {  	[sflag:s28] =	ssyncadd.s32 $0xFFFFE700  }
0x1b7: {  	_ =	swait.ge [sflag:s28], $0x500  }
0x1b8: {  	[sflag:s28] =	ssyncset.done $0x0  }
0x1b9: {  	[sflag:s28] =	ssyncadd.s32 $0xFFFFFB00  }
0x1ba: {  	_ =	swait.ge [sflag:s29], $0x1900  }
0x1bb: {  	[sflag:s29] =	ssyncset.done $0x0  }
0x1bc: {  	s10 =	simm.s32 $0x4EC0;
	[sflag:s29] =	ssyncadd.s32 $0xFFFFE700  }
0x1bd: {  	s0 =	simm.s32 $0x6740;
	v5 =	vld [tilespmem:s10+$0x90]  }
0x1be: {  	v6 =	vld [tilespmem:s0+$0x10];
	_ =	sdelay $0x2  }
0x1bf: {  	v7 =	vld [tilespmem:s0+$0xFFFFFFE0]  }
0x1c0: {  	v8 =	vld [tilespmem:s10+$0xFFFFFFF0]  }
0x1c1: {  	v9 =	vld [tilespmem:s0+$0xFFFFFFF0];
	v5 =	vadd.f32 v6, v5  }
0x1c2: {  	v10 =	vld [tilespmem:s10+$0x40]  }
0x1c3: {  	v6 =	vld [tilespmem:s0+$0x0];
	v12 =	vmul.f32 $2.000000030e-01, v5  }
0x1c4: {  	v11 =	vld [tilespmem:s10+$0xFFFFFFA0];
	vm0 =	vge.f32 v5, $0.0e+00  }
0x1c5: {  	v5 =	vsel vm0, v5, v12  }
0x1c6: {  	v5 =	vmul.f32 $1.442695020e+00, v5  }
0x1c7: {  	v8 =	vadd.f32 v9, v8  }
0x1c8: {  	v6 =	vadd.f32 v6, v10;
	(erf) = vpow2.f32 v5  }
0x1c9: {  	v7 =	vadd.f32 v7, v11;
	v9 =	vmul.f32 $2.000000030e-01, v8  }
0x1ca: {  	vm14 =	vge.f32 v8, $0.0e+00;
	v5 =	vmul.f32 $2.000000030e-01, v6  }
0x1cb: {  	v8 =	vsel vm14, v8, v9;
	v9 =	vmul.f32 $2.000000030e-01, v7;
	vm15 =	vge.f32 v6, $0.0e+00  }
0x1cc: {  	vm1 =	vge.f32 v7, $0.0e+00;
	v8 =	vmul.f32 $1.442695020e+00, v8;
	v5 =	vsel vm15, v6, v5  }
0x1cd: {  	v6 =	vsel vm1, v7, v9;
	v5 =	vmul.f32 $1.442695020e+00, v5  }
0x1ce: {  	(erf) = vpow2.f32 v8;
	v6 =	vmul.f32 $1.442695020e+00, v6  }
0x1cf: {  	s6 =	simm.s32 $0x6780;
	(erf) = vpow2.f32 v5;
	v5 =	vld [tilespmem:s10+$0x50]  }
0x1d0: {  	s0 =	simm.s32 $0x5000;
	v10 =	vld [tilespmem:s6+$0x10];
	(erf) = vpow2.f32 v6  }
0x1d1: {  	v9 =	vld [tilespmem:s0+$0x90];
	v11 =	vpop (erf)  }
0x1d2: {  	v8 =	vperm.xlane v11, v1  }
0x1d3: {  	v15 =	vld [tilespmem:s6+$0xFFFFFFF0]  }
0x1d4: {  	v19 =	vld [tilespmem:s6+$0x0];
	v5 =	vmul.f32 v5, v8  }
0x1d5: {  	v14 =	vld [tilespmem:s0+$0xFFFFFFF0]  }
0x1d6: {  	v17 =	vld [tilespmem:s0+$0x40];
	v9 =	vadd.f32 v10, v9  }
0x1d7: {  	s3 =	simm.s32 $0x6CC0;
	v6 =	vld [tilespmem:s10+$0xFFFFFF60];
	v8 =	vpop (erf)  }
0x1d8: {  	v7 =	vld [tilespmem:s10+$0xFFFFFFB0];
	v23 =	vmul.f32 $2.000000030e-01, v9;
	[tilespmem:s3+$0x50] =	vst v5;
	v5 =	vpop (erf)  }
0x1d9: {  	vm4 =	vge.f32 v9, $0.0e+00;
	v16 =	vld [tilespmem:s10+$0x60];
	v12 =	vpop (erf)  }
0x1da: {  	v13 =	vld [tilespmem:s6+$0xFFFFFFE0];
	v9 =	vsel vm4, v9, v23;
	v10 =	vperm.xlane v12, v1  }
0x1db: {  	v21 =	vld [tilespmem:s0+$0xFFFFFFA0];
	v22 =	vperm.xlane v11, v2;
	v9 =	vmul.f32 $1.442695020e+00, v9  }
0x1dc: {  	s9 =	simm.s32 $0x67C0;
	v18 =	vperm.xlane v8, v1;
	v6 =	vmul.f32 v6, v10;
	v10 =	vld [tilespmem:s10+$0x0]  }
0x1dd: {  	v29 =	vld [tilespmem:s9+$0x10];
	v14 =	vadd.f32 v15, v14;
	(erf) = vpow2.f32 v9  }
0x1de: {  	v33 =	vld [tilespmem:s9+$0xFFFFFFF0];
	s6 =	simm.s32 $0x5140;
	v17 =	vadd.f32 v19, v17;
	v7 =	vmul.f32 v7, v18;
	v15 =	vmul.f32 v16, v22  }
0x1df: {  	v28 =	vld [tilespmem:s6+$0x90];
	v16 =	vperm.xlane v5, v1;
	[tilespmem:s3+$0xFFFFFF60] =	vst v6;
	v6 =	vmul.f32 $2.000000030e-01, v14  }
0x1e0: {  	v13 =	vadd.f32 v13, v21;
	v31 =	vld [tilespmem:s6+$0xFFFFFFF0];
	vm5 =	vge.f32 v14, $0.0e+00;
	vm6 =	vge.f32 v17, $0.0e+00;
	[tilespmem:s3+$0xFFFFFFB0] =	vst v7  }
0x1e1: {  	v7 =	vmul.f32 $2.000000030e-01, v17;
	v6 =	vsel vm5, v14, v6;
	v9 =	vmul.f32 v10, v16;
	v10 =	vld [tilespmem:s10+$0xFFFFFFC0]  }
0x1e2: {  	vm7 =	vge.f32 v13, $0.0e+00;
	[tilespmem:s3+$0x60] =	vst v15;
	v18 =	vld [tilespmem:s10+$0xFFFFFF70];
	v6 =	vmul.f32 $1.442695020e+00, v6;
	v16 =	vmul.f32 $2.000000030e-01, v13  }
0x1e3: {  	v20 =	vperm.xlane v8, v2;
	v7 =	vsel vm6, v17, v7;
	v17 =	vperm.xlane v11, v3;
	v19 =	vld [tilespmem:s10+$0x70]  }
0x1e4: {  	(erf) = vpow2.f32 v6;
	v6 =	vmul.f32 $1.442695020e+00, v7;
	v7 =	vsel vm7, v13, v16  }
0x1e5: {  	v28 =	vadd.f32 v29, v28;
	v15 =	vperm.xlane v12, v2;
	v7 =	vmul.f32 $1.442695020e+00, v7  }
0x1e6: {  	(erf) = vpow2.f32 v6;
	v6 =	vmul.f32 v10, v20;
	v10 =	vld [tilespmem:s0+$0x50]  }
0x1e7: {  	v36 =	vld [tilespmem:s9+$0x0];
	v37 =	vmul.f32 $2.000000030e-01, v28;
	v13 =	vmul.f32 v18, v15  }
0x1e8: {  	v35 =	vld [tilespmem:s6+$0x40];
	v31 =	vadd.f32 v33, v31;
	[tilespmem:s3+$0x0] =	vst v9;
	v15 =	vmul.f32 v19, v17;
	v16 =	vpop (erf);
	(erf) = vpow2.f32 v7  }
0x1e9: {  	vm8 =	vge.f32 v28, $0.0e+00;
	v23 =	vld [tilespmem:s0+$0xFFFFFFB0];
	[tilespmem:s3+$0xFFFFFFC0] =	vst v6;
	v6 =	vperm.xlane v16, v1  }
0x1ea: {  	v52 =	vmul.f32 $2.000000030e-01, v31;
	v28 =	vsel vm8, v28, v37;
	v17 =	vld [tilespmem:s10+$0x10];
	[tilespmem:s3+$0x70] =	vst v15  }
0x1eb: {  	v28 =	vmul.f32 $1.442695020e+00, v28;
	[tilespmem:s3+$0xFFFFFF70] =	vst v13;
	v13 =	vld [tilespmem:s10+$0x80];
	v6 =	vmul.f32 v10, v6  }
0x1ec: {  	v27 =	vperm.xlane v8, v4;
	v24 =	vperm.xlane v5, v3;
	v19 =	vld [tilespmem:s10+$0xFFFFFF80]  }
0x1ed: {  	v9 =	vld [tilespmem:s0+$0x0];
	v7 =	vperm.xlane v5, v2;
	v20 =	vperm.xlane v11, v4;
	v21 =	vpop (erf)  }
0x1ee: {  	s7 =	simm.s32 $0x6E00;
	v25 =	vperm.xlane v12, v4;
	v30 =	vperm.xlane v21, v1  }
0x1ef: {  	v14 =	vld [tilespmem:s0+$0xFFFFFF60];
	v18 =	vperm.xlane v12, v3;
	v17 =	vmul.f32 v17, v7;
	[tilespmem:s7+$0x50] =	vst v6;
	v6 =	vpop (erf)  }
0x1f0: {  	v10 =	vld [tilespmem:s9+$0xFFFFFFE0];
	v23 =	vmul.f32 v23, v30;
	v30 =	vperm.xlane v6, v1  }
0x1f1: {  	v13 =	vmul.f32 v13, v20;
	v18 =	vmul.f32 v19, v18;
	v34 =	vld [tilespmem:s0+$0x60];
	v20 =	vpop (erf)  }
0x1f2: {  	v35 =	vadd.f32 v36, v35;
	v29 =	vperm.xlane v20, v1;
	v9 =	vmul.f32 v9, v30;
	v30 =	vld [tilespmem:s6+$0xFFFFFFA0]  }
0x1f3: {  	s11 =	simm.s32 $0x6800;
	v38 =	vperm.xlane v16, v2;
	(erf) = vpow2.f32 v28;
	v26 =	vld [tilespmem:s10+$0xFFFFFFD0];
	[tilespmem:s3+$0x10] =	vst v17  }
0x1f4: {  	v59 =	vld [tilespmem:s11+$0xFFFFFFF0];
	vm9 =	vge.f32 v31, $0.0e+00;
	v28 =	vmul.f32 $2.000000030e-01, v35;
	[tilespmem:s3+$0xFFFFFF80] =	vst v18;
	v14 =	vmul.f32 v14, v29  }
0x1f5: {  	v51 =	vld [tilespmem:s6+$0xFFFFFFB0];
	vm10 =	vge.f32 v35, $0.0e+00;
	v15 =	vperm.xlane v8, v3;
	v7 =	vperm.xlane v5, v4;
	[tilespmem:s7+$0xFFFFFFB0] =	vst v23  }
0x1f6: {  	v28 =	vsel vm10, v35, v28;
	v18 =	vld [tilespmem:s10+$0x20];
	v34 =	vmul.f32 v34, v38;
	[tilespmem:s7+$0xFFFFFF60] =	vst v14;
	v14 =	vsel vm9, v31, v52  }
0x1f7: {  	v53 =	vld [tilespmem:s6+$0x0];
	v28 =	vmul.f32 $1.442695020e+00, v28;
	[tilespmem:s7+$0x0] =	vst v9;
	v14 =	vmul.f32 $1.442695020e+00, v14;
	v10 =	vadd.f32 v10, v30  }
0x1f8: {  	v32 =	vperm.xlane v21, v2;
	v15 =	vmul.f32 v26, v15;
	v9 =	vld [tilespmem:s0+$0xFFFFFFC0];
	[tilespmem:s7+$0x60] =	vst v34  }
0x1f9: {  	v26 =	vld [tilespmem:s0+$0x70];
	(erf) = vpow2.f32 v14;
	v30 =	vmul.f32 $2.000000030e-01, v10  }
0x1fa: {  	v22 =	vperm.xlane v21, v3;
	v55 =	vperm.xlane v21, v4;
	[tilespmem:s3+$0xFFFFFFD0] =	vst v15;
	v15 =	vld [tilespmem:s10+$0xFFFFFF90];
	vm11 =	vge.f32 v10, $0.0e+00  }
0x1fb: {  	s9 =	simm.s32 $0x5280;
	v50 =	vperm.xlane v20, v2;
	v18 =	vmul.f32 v18, v24;
	v23 =	vld [tilespmem:s0+$0xFFFFFF70];
	v10 =	vsel vm11, v10, v30  }
0x1fc: {  	[tilespmem:s3+$0x90] =	vst v11;
	v24 =	vld [tilespmem:s9+$0x90];
	v14 =	vperm.xlane v16, v3;
	v10 =	vmul.f32 $1.442695020e+00, v10  }
0x1fd: {  	[tilespmem:s3+$0x80] =	vst v13;
	v17 =	vld [tilespmem:s0+$0x10];
	(erf) = vpow2.f32 v28;
	v9 =	vmul.f32 v9, v32  }
0x1fe: {  	[tilespmem:s3+$0xFFFFFFA0] =	vst v12;
	v28 =	vld [tilespmem:s6+$0x50];
	v14 =	vmul.f32 v26, v14;
	(erf) = vpow2.f32 v10  }
0x1ff: {  	v13 =	vperm.xlane v16, v4;
	v19 =	vperm.xlane v6, v2;
	v26 =	vld [tilespmem:s10+$0xFFFFFFE0];
	[tilespmem:s7+$0xFFFFFFC0] =	vst v9  }
0x200: {  	v54 =	vperm.xlane v20, v4;
	v23 =	vmul.f32 v23, v50;
	v56 =	vld [tilespmem:s0+$0xFFFFFFD0];
	[tilespmem:s7+$0x70] =	vst v14  }
0x201: {  	v31 =	vperm.xlane v20, v3;
	v15 =	vmul.f32 v15, v25;
	[tilespmem:s3+$0x20] =	vst v18;
	v14 =	vld [tilespmem:s0+$0x80];
	v10 =	vpop (erf)  }
0x202: {  	v25 =	vld [tilespmem:s11+$0x10];
	v17 =	vmul.f32 v17, v19;
	[tilespmem:s7+$0xFFFFFF70] =	vst v23;
	v23 =	vperm.xlane v10, v1;
	v11 =	vpop (erf)  }
0x203: {  	[tilespmem:s3+$0xFFFFFF90] =	vst v15;
	v30 =	vperm.xlane v6, v3;
	v19 =	vld [tilespmem:s0+$0xFFFFFF80];
	v12 =	vperm.xlane v11, v1  }
0x204: {  	v9 =	vperm.xlane v6, v4;
	[tilespmem:s3+$0xFFFFFFF0] =	vst v8;
	v23 =	vmul.f32 v28, v23;
	v28 =	vld [tilespmem:s9+$0xFFFFFFF0]  }
0x205: {  	s12 =	simm.s32 $0x6F40;
	v29 =	vld [tilespmem:s6+$0xFFFFFF60];
	[tilespmem:s7+$0x10] =	vst v17;
	v26 =	vmul.f32 v26, v27;
	v22 =	vmul.f32 v56, v22  }
0x206: {  	v40 =	vld [tilespmem:s9+$0x40];
	v57 =	vperm.xlane v11, v2;
	v8 =	vpop (erf);
	v14 =	vmul.f32 v14, v13;
	[tilespmem:s12+$0x50] =	vst v23  }
0x207: {  	[tilespmem:s7+$0x90] =	vst v16;
	v17 =	vperm.xlane v8, v1;
	v23 =	vmul.f32 v51, v12;
	v58 =	vld [tilespmem:s6+$0x60];
	v12 =	vpop (erf)  }
0x208: {  	v15 =	vld [tilespmem:s11+$0x0];
	[tilespmem:s3+$0xFFFFFFE0] =	vst v26;
	v31 =	vmul.f32 v19, v31;
	v19 =	vadd.f32 v25, v24;
	v18 =	vperm.xlane v12, v1  }
0x209: {  	v27 =	vld [tilespmem:s11+$0xFFFFFFE0];
	v24 =	vmul.f32 v53, v17;
	v17 =	vperm.xlane v10, v2;
	[tilespmem:s7+$0x80] =	vst v14;
	v28 =	vadd.f32 v59, v28  }
0x20a: {  	v25 =	vld [tilespmem:s9+$0xFFFFFFA0];
	[tilespmem:s7+$0xFFFFFF80] =	vst v31;
	v26 =	vmul.f32 v29, v18;
	v29 =	vmul.f32 $2.000000030e-01, v19  }
0x20b: {  	v16 =	vperm.xlane v11, v4;
	vm12 =	vge.f32 v19, $0.0e+00;
	v31 =	vld [tilespmem:s0+$0x20];
	[tilespmem:s12+$0xFFFFFFB0] =	vst v23;
	v23 =	vmul.f32 $2.000000030e-01, v28  }
0x20c: {  	v63 =	vld [tilespmem:s0+$0xFFFFFF90];
	[tilespmem:s12+$0x0] =	vst v24;
	vm13 =	vge.f32 v28, $0.0e+00;
	v37 =	vmul.f32 v58, v17;
	v29 =	vsel vm12, v19, v29  }
0x20d: {  	v13 =	vperm.xlane v11, v3;
	[tilespmem:s12+$0xFFFFFF60] =	vst v26;
	v23 =	vsel vm13, v28, v23;
	v28 =	vld [tilespmem:s6+$0x10];
	v26 =	vmul.f32 $1.442695020e+00, v29  }
0x20e: {  	v61 =	vadd.f32 v15, v40;
	v39 =	vperm.xlane v8, v2;
	v14 =	vperm.xlane v8, v3;
	[tilespmem:s12+$0x60] =	vst v37;
	v29 =	vld [tilespmem:s6+$0xFFFFFF70]  }
0x20f: {  	v24 =	vadd.f32 v27, v25;
	v23 =	vmul.f32 $1.442695020e+00, v23;
	v62 =	vld [tilespmem:s6+$0x70];
	(erf) = vpow2.f32 v26  }
0x210: {  	vm14 =	vge.f32 v61, $0.0e+00;
	v60 =	vperm.xlane v12, v2;
	v25 =	vld [tilespmem:s6+$0xFFFFFFC0];
	v26 =	vmul.f32 $2.000000030e-01, v61  }
0x211: {  	[tilespmem:s7+$0xFFFFFFA0] =	vst v20;
	v20 =	vld [tilespmem:s9+$0x0];
	v27 =	vmul.f32 $2.000000030e-01, v24;
	vm15 =	vge.f32 v24, $0.0e+00;
	(erf) = vpow2.f32 v23  }
0x212: {  	[tilespmem:s7+$0xFFFFFFD0] =	vst v22;
	v17 =	vld [tilespmem:s9+$0xFFFFFF60];
	v22 =	vsel vm14, v61, v26;
	v26 =	vperm.xlane v10, v3;
	v28 =	vmul.f32 v28, v39  }
0x213: {  	v19 =	vld [tilespmem:s9+$0xFFFFFFB0];
	v24 =	vsel vm15, v24, v27;
	v23 =	vmul.f32 v29, v60;
	v22 =	vmul.f32 $1.442695020e+00, v22  }
0x214: {  	v29 =	vld [tilespmem:s0+$0xFFFFFFE0];
	[tilespmem:s7+$0xFFFFFFF0] =	vst v21;
	v21 =	vmul.f32 $1.442695020e+00, v24;
	v26 =	vmul.f32 v62, v26  }
0x215: {  	[tilespmem:s12+$0xFFFFFF70] =	vst v23;
	v23 =	vmul.f32 v25, v57;
	v25 =	vld [tilespmem:s10+$0x30];
	(erf) = vpow2.f32 v22  }
0x216: {  	v15 =	vperm.xlane v12, v4;
	v27 =	vld [tilespmem:s9+$0x50];
	[tilespmem:s12+$0x70] =	vst v26;
	(erf) = vpow2.f32 v21  }
0x217: {  	v18 =	vperm.xlane v12, v3;
	v31 =	vmul.f32 v31, v30;
	[tilespmem:s12+$0x10] =	vst v28;
	v26 =	vld [tilespmem:s6+$0x80]  }
0x218: {  	v28 =	vmul.f32 v63, v54;
	v22 =	vperm.xlane v8, v4;
	v24 =	vld [tilespmem:s6+$0xFFFFFF80];
	[tilespmem:s12+$0xFFFFFFC0] =	vst v23;
	v21 =	vpop (erf)  }
0x219: {  	s13 =	simm.s32 $0xC;
	s14 =	simm.s32 $0x53C0;
	[tilespmem:s7+$0x20] =	vst v31;
	s10 =	simm.s32 $0x6F40;
	v23 =	vld [tilespmem:s6+$0xFFFFFFD0];
	v29 =	vmul.f32 v29, v55;
	v30 =	vperm.xlane v21, v1  }
.LBB2_10:
0x21a: {  	v31 =	vld [tilespmem:s14+$0x90];
	s11 =	sadd.s32 $0x40, s11;
	v32 =	vperm.xlane v10, v4;
	[tilespmem:s7+$0xFFFFFF90] =	vst v28;
	v25 =	vmul.f32 v25, v7;
	v7 =	vmovc v9;
	v9 =	vmov v22  }
0x21b: {  	v22 =	vld [tilespmem:s11+$0x10];
	v27 =	vmul.f32 v27, v30;
	v28 =	vpop (erf);
	[tilespmem:s7+$0xFFFFFFE0] =	vst v29  }
0x21c: {  	s13 =	sadd.s32 $0x4, s13;
	s12 =	sadd.s32 $0x140, s12;
	v29 =	vld [tilespmem:s11+$0xFFFFFFE0];
	v34 =	vperm.xlane v28, v1;
	v26 =	vmul.f32 v26, v32;
	[tilespmem:s3+$0x30] =	vst v25  }
0x21d: {  	p0 =	slt.u32 s13, $0x4C;
	v32 =	vperm.xlane v28, v2;
	v33 =	vperm.xlane v28, v3;
	v25 =	vld [tilespmem:s14+$0xFFFFFFF0];
	[tilespmem:s12+$0x50] =	vst v27  }
0x21e: {  	v24 =	vmul.f32 v24, v18;
	v27 =	vld [tilespmem:s11+$0xFFFFFFF0];
	v19 =	vmul.f32 v19, v34;
	v30 =	vpop (erf);
	[tilespmem:s10+$0x80] =	vst v26  }
0x21f: {  	v26 =	vperm.xlane v30, v1;
	v34 =	vperm.xlane v30, v2;
	v35 =	vld [tilespmem:s9+$0x60];
	v36 =	vpop (erf);
	[tilespmem:s3+$0x40] =	vst v5;
	v5 =	vmov v6;
	s3 =	smov.u32 s7;
	s7 =	smov.u32 s10;
	s10 =	smov.u32 s12  }
0x220: {  	v37 =	vld [tilespmem:s14+$0x40];
	v22 =	vadd.f32 v22, v31;
	v31 =	vperm.xlane v36, v1;
	v38 =	vperm.xlane v36, v2;
	[tilespmem:s12+$0xFFFFFFB0] =	vst v19  }
0x221: {  	v6 =	vmovc v8;
	v8 =	vmov v30;
	v18 =	vperm.xlane v36, v3;
	v39 =	vld [tilespmem:s11+$0x0];
	v19 =	vmul.f32 v20, v26;
	[tilespmem:s7+$0xFFFFFF80] =	vst v24  }
0x222: {  	v26 =	vperm.xlane v21, v2;
	v24 =	vld [tilespmem:s14+$0xFFFFFFA0];
	v20 =	vmul.f32 $2.000000030e-01, v22;
	[tilespmem:s7+$0x90] =	vst v10;
	v10 =	vmov v21  }
0x223: {  	vm0 =	vge.f32 v22, $0.0e+00;
	v21 =	vadd.f32 v27, v25;
	v25 =	vmul.f32 v17, v31;
	v17 =	vld [tilespmem:s14+$0xFFFFFF60];
	[tilespmem:s12+$0x0] =	vst v19  }
0x224: {  	v30 =	vperm.xlane v8, v3;
	v19 =	vld [tilespmem:s14+$0xFFFFFFB0];
	v22 =	vsel vm0, v22, v20;
	v26 =	vmul.f32 v35, v26  }
0x225: {  	vm0 =	vge.f32 v21, $0.0e+00;
	v27 =	vmul.f32 $2.000000030e-01, v21;
	v20 =	vld [tilespmem:s14+$0x0];
	v22 =	vmul.f32 $1.442695020e+00, v22;
	[tilespmem:s12+$0xFFFFFF60] =	vst v25  }
0x226: {  	v23 =	vmul.f32 v23, v13;
	v35 =	vperm.xlane v36, v4;
	v25 =	vadd.f32 v39, v37;
	v31 =	vld [tilespmem:s9+$0xFFFFFF70];
	[tilespmem:s12+$0x60] =	vst v26  }
0x227: {  	v13 =	vmovc v33;
	v24 =	vadd.f32 v29, v24;
	v21 =	vsel vm0, v21, v27;
	(erf) = vpow2.f32 v22;
	v22 =	vld [tilespmem:s9+$0x70]  }
0x228: {  	v21 =	vmul.f32 $1.442695020e+00, v21;
	vm0 =	vge.f32 v25, $0.0e+00;
	v26 =	vmul.f32 $2.000000030e-01, v25;
	v27 =	vld [tilespmem:s9+$0xFFFFFFC0];
	[tilespmem:s7+$0xFFFFFFD0] =	vst v23  }
0x229: {  	v33 =	vperm.xlane v28, v4;
	vm1 =	vge.f32 v24, $0.0e+00;
	v23 =	vmul.f32 $2.000000030e-01, v24;
	v29 =	vld [tilespmem:s9+$0x10]  }
0x22a: {  	v25 =	vsel vm0, v25, v26;
	(erf) = vpow2.f32 v21;
	v21 =	vperm.xlane v10, v3;
	v37 =	vld [tilespmem:s6+$0x20]  }
0x22b: {  	v23 =	vsel vm1, v24, v23;
	v24 =	vmul.f32 $1.442695020e+00, v25;
	v25 =	vmul.f32 v31, v38;
	v31 =	vld [tilespmem:s6+$0xFFFFFF90];
	[tilespmem:s7+$0xFFFFFFA0] =	vst v12;
	v12 =	vmovc v36  }
0x22c: {  	v23 =	vmul.f32 $1.442695020e+00, v23;
	v21 =	vmul.f32 v22, v21;
	v36 =	vld [tilespmem:s6+$0xFFFFFFE0];
	[tilespmem:s7+$0xFFFFFFF0] =	vst v11;
	v11 =	vmov v28  }
.Ltmp4:
0x22d: {  	(erf) = vpow2.f32 v24;
	[tilespmem:s12+$0xFFFFFF70] =	vst v25;
	v22 =	vmul.f32 v27, v32;
	v25 =	vld [tilespmem:s0+$0x30];
	s0 =	smov.u32 s6;
	s6 =	smov.u32 s9;
	(pc) =	sbr.rel @p0 .LBB2_10-.Ltmp4, $4  }
0x22e: {  	s9 =	smov.u32 s14;
	v27 =	vld [tilespmem:s14+$0x50];
	(erf) = vpow2.f32 v23;
	v23 =	vmul.f32 v29, v34;
	[tilespmem:s12+$0x70] =	vst v21  }
0x22f: {  	[tilespmem:s12+$0xFFFFFFC0] =	vst v22;
	v22 =	vperm.xlane v8, v4;
	v26 =	vld [tilespmem:s6+$0x80];
	v32 =	vmul.f32 v37, v14;
	v14 =	vmov v30  }
0x230: {  	v21 =	vpop (erf);
	v24 =	vld [tilespmem:s6+$0xFFFFFF80];
	[tilespmem:s12+$0x10] =	vst v23;
	v28 =	vmul.f32 v31, v15;
	v15 =	vmov v35  }
0x231: {  	s14 =	sadd.s32 $0x140, s14;
	v30 =	vperm.xlane v21, v1;
	v23 =	vld [tilespmem:s6+$0xFFFFFFD0];
	v29 =	vmul.f32 v36, v16;
	[tilespmem:s7+$0x20] =	vst v32;
	v16 =	vmov v33  }
0x232: {  	_ = 	snop  }
0x233: {  	v27 =	vmul.f32 v27, v30  }
0x234: {  	s11 =	sadd.s32 $0x140, s12  }
0x235: {  	v63 =	vpop (erf);
	[tilespmem:s11+$0x50] =	vst v27  }
0x236: {  	[tilespmem:s7+$0xFFFFFF90] =	vst v28;
	v31 =	vpop (erf);
	v32 =	vld [tilespmem:s9+$0x60]  }
0x237: {  	v7 =	vmul.f32 v25, v7;
	[tilespmem:s3+$0x40] =	vst v5;
	v37 =	vpop (erf)  }
0x238: {  	[tilespmem:s10+$0x90] =	vst v10;
	v38 =	vperm.xlane v37, v1  }
0x239: {  	[tilespmem:s3+$0x30] =	vst v7;
	v7 =	vperm.xlane v21, v2  }
0x23a: {  	v52 =	vld [tilespmem:s0+$0x30];
	[tilespmem:s7+$0x40] =	vst v6;
	v39 =	vperm.xlane v63, v1;
	v17 =	vmul.f32 v17, v38  }
0x23b: {  	[tilespmem:s7+$0xFFFFFFE0] =	vst v29;
	v40 =	vperm.xlane v31, v1;
	v5 =	vmul.f32 v32, v7  }
0x23c: {  	v7 =	vmul.f32 v19, v39;
	[tilespmem:s11+$0xFFFFFF60] =	vst v17  }
0x23d: {  	v36 =	vperm.xlane v10, v4;
	v41 =	vmul.f32 v20, v40;
	[tilespmem:s11+$0x60] =	vst v5  }
0x23e: {  	v42 =	vld [tilespmem:s9+$0xFFFFFF70];
	v5 =	vmul.f32 v24, v18;
	[tilespmem:s11+$0xFFFFFFB0] =	vst v7  }
0x23f: {  	v26 =	vmul.f32 v26, v36;
	[tilespmem:s11+$0x0] =	vst v41;
	v43 =	vld [tilespmem:s9+$0xFFFFFFC0]  }
0x240: {  	v7 =	vld [tilespmem:s9+$0x70];
	[tilespmem:s10+$0xFFFFFF80] =	vst v5;
	v5 =	vmul.f32 v23, v13  }
0x241: {  	[tilespmem:s10+$0x80] =	vst v26;
	v45 =	vperm.xlane v37, v2;
	v44 =	vld [tilespmem:s9+$0x10]  }
0x242: {  	v46 =	vld [tilespmem:s6+$0x20];
	v47 =	vperm.xlane v63, v2;
	[tilespmem:s10+$0xFFFFFFD0] =	vst v5  }
0x243: {  	v48 =	vperm.xlane v21, v3;
	v5 =	vld [tilespmem:s6+$0xFFFFFF90];
	[tilespmem:s10+$0xFFFFFFA0] =	vst v12;
	v18 =	vmul.f32 v42, v45  }
0x244: {  	v50 =	vperm.xlane v31, v2;
	v49 =	vld [tilespmem:s6+$0xFFFFFFE0];
	[tilespmem:s10+$0xFFFFFFF0] =	vst v11;
	v51 =	vmul.f32 v43, v47  }
0x245: {  	v7 =	vmul.f32 v7, v48;
	[tilespmem:s11+$0xFFFFFF70] =	vst v18  }
0x246: {  	v13 =	vmul.f32 v44, v50;
	[tilespmem:s11+$0xFFFFFFC0] =	vst v51;
	v53 =	vld [tilespmem:s9+$0xFFFFFF80]  }
0x247: {  	[tilespmem:s11+$0x70] =	vst v7;
	v7 =	vmul.f32 v46, v14;
	v54 =	vld [tilespmem:s9+$0xFFFFFFD0]  }
0x248: {  	[tilespmem:s11+$0x10] =	vst v13;
	v5 =	vmul.f32 v5, v15  }
0x249: {  	v56 =	vperm.xlane v37, v3;
	[tilespmem:s10+$0x20] =	vst v7  }
0x24a: {  	v57 =	vld [tilespmem:s9+$0x20];
	v7 =	vperm.xlane v63, v3;
	[tilespmem:s10+$0xFFFFFF90] =	vst v5;
	v5 =	vmul.f32 v52, v9  }
0x24b: {  	v55 =	vld [tilespmem:s9+$0x80];
	[tilespmem:s11+$0x90] =	vst v21;
	v11 =	vmul.f32 v53, v56  }
0x24c: {  	[tilespmem:s7+$0x30] =	vst v5;
	v5 =	vmul.f32 v54, v7  }
0x24d: {  	v7 =	vperm.xlane v31, v3;
	[tilespmem:s11+$0xFFFFFF80] =	vst v11  }
0x24e: {  	v58 =	vperm.xlane v21, v4;
	v12 =	vmul.f32 v49, v16;
	[tilespmem:s11+$0xFFFFFFD0] =	vst v5;
	v5 =	vld [tilespmem:s9+$0xFFFFFF90]  }
0x24f: {  	v6 =	vld [tilespmem:s6+$0x30];
	[tilespmem:s10+$0x40] =	vst v8;
	v7 =	vmul.f32 v57, v7  }
0x250: {  	[tilespmem:s10+$0xFFFFFFE0] =	vst v12;
	v59 =	vmul.f32 v55, v58  }
0x251: {  	v61 =	vperm.xlane v37, v4;
	v60 =	vld [tilespmem:s9+$0xFFFFFFE0];
	[tilespmem:s11+$0x20] =	vst v7  }
0x252: {  	[tilespmem:s11+$0x80] =	vst v59;
	v62 =	vld [tilespmem:s9+$0x30]  }
0x253: {  	[tilespmem:s11+$0xFFFFFFA0] =	vst v37;
	v5 =	vmul.f32 v5, v61  }
0x254: {  	[tilespmem:s11+$0xFFFFFFF0] =	vst v63;
	v7 =	vperm.xlane v63, v4  }
0x255: {  	v63 =	vperm.xlane v31, v4;
	[tilespmem:s11+$0xFFFFFF90] =	vst v5;
	v5 =	vmul.f32 v6, v22  }
0x256: {  	[tilespmem:s11+$0x40] =	vst v31;
	v7 =	vmul.f32 v60, v7  }
0x257: {  	[tilespmem:s10+$0x30] =	vst v5;
	v5 =	vmul.f32 v62, v63  }
0x258: {  	[tilespmem:s11+$0xFFFFFFE0] =	vst v7  }
0x259: {  	s13 =	simm.s32 $0x4DD0;
	[tilespmem:s11+$0x30] =	vst v5  }
0x25a: {  	[spmem:s2] =	stream.indirect.scatter.add.f32 [tilespmem:s20], [sflag:$0x3], $0x50, s13, s21, $0xb8;
	[tilespmem:$0x18420] =	vst v63  }
0x25b: {  	_ =	swait.ge [sflag:s29], $0x1900  }
0x25c: {  	[sflag:s29] =	ssyncset.done $0x0  }
0x25d: {  	[sflag:s29] =	ssyncadd.s32 $0xFFFFE700  }
0x25e: {  	_ =	swait.ge [sflag:s31], $0x1900  }
0x25f: {  	[sflag:s31] =	ssyncset.done $0x0  }
0x260: {  	s14 =	stileid.u32;
	[sflag:s31] =	ssyncadd.s32 $0xFFFFE700  }
0x261: {  	s0 =	sshll.u32 s14, $0x6;
	[bflag:$0x0] =	sbarrier.arrive $0xFFFF  }
0x262: {  	s15 =	sshrl.u32 s8, $0x3;
	s0 =	sor.u32 $0x1C05, s0;
	s16 =	rddreg [dreg:$0xd]  }
0x263: {  	[hbm:s16], [sflag:s0] =	dma.local [spmem:s15], $0x1900  }
0x264: {  	_ =	swait.ge [sflag:s18], $0x1900  }
0x265: {  	s1 =	sadd.s32 $0x1, s1;
	s17 =	rddreg [dreg:$0xc]  }
0x266: {  	p0 =	sne.s32 s1, s17  }
.Ltmp5:
0x267: {  	_ = 	snop;
	(pc) =	sbr.rel @p0 .LBB2_1-.Ltmp5, $3  }
0x268: {  	_ =	sdelay $0x1  }
0x269: {  	[sflag:s18] =	ssyncset.done $0x0  }
0x26a: {  	[sflag:s18] =	ssyncadd.s32 $0xFFFFE700  }
0x26b: {  	_ =	sfence.sel $0x180000  }
0x26c: {  	[bflag:$0x0] =	sbarrier.arrive $0xFFFF  }
0x26d: {  	_ =	strace $0x90000047  }
0x26e: {  	s0 =	stileid.u32;
	[bflag:$0x2] =	sbarrier.arrive $0xFFFF  }
0x26f: {  	p0 =	sne.s32 s0, $0x0;
	s0 =	rddreg [dreg:$0x2]  }
0x270: {  	s0 =	sadd.s32 @!p0 $0x100000, s0  }
0x271: {  	[sflag:s0] =	ssyncadd.tile.s32 @!p0 $0x1;
	_ =	shalt  }
.Lfunc_end2:
_tile_overlayer_lowered:
.L_overlay_start_2:
0x272: {  	(tag) =	ssettag $0x2  }
0x273: {  	s0 =	rddreg [dreg:$0x0];
	s2 =	stileid.u32  }
0x274: {  	s1 =	rddreg [dreg:$0x1];
	p0 =	sne.s32 s2, $0x0  }
0x275: {  	s3 =	rddreg [dreg:$0x2];
	[bflag:$0x3] =	sbarrier.arrive $0xFFFF;
	s2 =	simm.s32 @!p0 $0x1C05  }
0x276: {  	[timem:s3], [sflag:s2] =	dma.local @!p0 [hbm:s0], s1  }
0x277: {  	s0 =	simm.s32 @!p0 $0x5  }
0x278: {  	_ =	swait.ge @!p0 [sflag:s0], s1  }
0x279: {  	s1 =	ssub.s32 @!p0 $0x0, s1;
	[sflag:s0] =	ssyncset.done @!p0 $0x0  }
0x27a: {  	[sflag:s0] =	ssyncadd.s32 @!p0 s1  }
0x27b: {  	[bflag:$0x3] =	sbarrier.arrive $0xFFFF  }
0x27c: {  	_ =	shalt  }

</sc_bundles>
